<compile_context>
chip_gen: v7x
topology: tpu7x:2x2x1
jax: 0.10.2.dev20260603
libtpu: 0.0.44.dev20260713+nightly
codegen_flags: <defaults>
</compile_context>

<pallas_src>
import jax
import jax.numpy as jnp
from jax import lax
from jax.experimental import pallas as pl
from jax.experimental.pallas import tpu as pltpu
from jax.experimental.pallas import tpu_sc as plsc

NUM_EMB = 400
EMB_DIM = 32
C_IN = 16
C_OUT = 78
BATCH = 16384
HIST = 200

NC = 2
NS = 16
NW = NC * NS

BB = BATCH // NW
BC = 256
NREP = 4
WSTR = 33


N_CHUNK = 2 * HIST


def _sc_body(x_hbm, w_hbm, out_hbm, wv, xvs, ovs, isems, osems):
    wid = lax.axis_index("s") * NC + lax.axis_index("c")
    b0 = wid * BB

    pltpu.sync_copy(w_hbm, wv)

    lane = lax.iota(jnp.int32, 16)
    loff = (lane % NREP) * WSTR

    def in_dma(ci, p):
        h, half = ci // 2, ci % 2
        return pltpu.make_async_copy(
            x_hbm.at[pl.ds(h * C_IN, C_IN), pl.ds(b0 + half * BC, BC)],
            xvs[p], isems[p])

    def out_dma(ci, p):
        h, half = ci // 2, ci % 2
        return pltpu.make_async_copy(
            ovs[p],
            out_hbm.at[pl.ds(0, C_OUT), pl.ds(h, 1),
                       pl.ds(b0 + half * BC, BC)],
            osems[p])

    def compute(xv, ov):
        @plsc.parallel_loop(0, BC, step=16, unroll=8)
        def _group(k):
            sl = pl.ds(k, 16)
            ia = jnp.clip(xv[0, sl].astype(jnp.int32), 0, NUM_EMB - 1)
            io = jnp.clip(xv[8, sl].astype(jnp.int32), 0, NUM_EMB - 1)
            ba = ia * (NREP * WSTR) + loff
            bo = io * (NREP * WSTR) + loff
            for j in range(EMB_DIM):
                ov[j, 0, sl] = plsc.load_gather(wv, [ba + j])
                ov[EMB_DIM + 7 + j, 0, sl] = plsc.load_gather(wv, [bo + j])
            for c in range(1, 8):
                ov[EMB_DIM + c - 1, 0, sl] = xv[c, sl]
                ov[2 * EMB_DIM + 6 + c, 0, sl] = xv[c + 8, sl]

    in_dma(0, 0).start()
    in_dma(1, 1).start()

    @pl.loop(0, N_CHUNK // 2)
    def _cpair(i):
        for p in range(2):
            ci = 2 * i + p
            in_dma(ci, p).wait()

            @pl.when(ci >= 2)
            def _():
                out_dma(ci - 2, p).wait()

            compute(xvs[p], ovs[p])
            out_dma(ci, p).start()

            @pl.when(ci + 2 < N_CHUNK)
            def _():
                in_dma(ci + 2, p).start()

    out_dma(N_CHUNK - 2, 0).wait()
    out_dma(N_CHUNK - 1, 1).wait()


@jax.jit
def _sc_embed(x2, w):
    run = pl.kernel(
        _sc_body,
        out_type=jax.ShapeDtypeStruct((C_OUT, HIST, BATCH), jnp.float32),
        mesh=plsc.VectorSubcoreMesh(core_axis_name="c", subcore_axis_name="s"),
        scratch_types=[
            pltpu.VMEM((NUM_EMB * NREP * WSTR,), jnp.float32),
            [pltpu.VMEM((C_IN, BC), jnp.float32)] * 2,
            [pltpu.VMEM((C_OUT, 1, BC), jnp.float32)] * 2,
            [pltpu.SemaphoreType.DMA] * 2,
            [pltpu.SemaphoreType.DMA] * 2,
        ],
        compiler_params=pltpu.CompilerParams(
            use_tc_tiling_on_sc=False, needs_layout_passes=False),
    )
    return run(x2, w)


def kernel(x, W):
    x_t = jnp.transpose(x, (1, 2, 0)).reshape(HIST * C_IN, BATCH)
    pad = jnp.zeros((NUM_EMB, WSTR - EMB_DIM), W.dtype)
    w_rep = jnp.concatenate([W, pad] * NREP, axis=1).reshape(-1)
    out_t = _sc_embed(x_t, w_rep)
    return jnp.transpose(out_t, (2, 1, 0))

# --- scband reference (transcript-rebuilt; emitter-appended) ---
"""Pipeline reference for scband-observation-embedding-10110353015328 (READ-ONLY COPY).

The authoritative reference and input builder live on the scoring server;
editing this copy changes nothing except your own understanding.
"""

import jax, jax.numpy as jnp
import numpy as np

NUM_EMB = 400
EMB_DIM = 32

def setup_inputs(seed: int = 0) -> dict:
    key = jax.random.key(seed)
    k1, k2 = jax.random.split(key)
    x = jax.random.normal(k1, (16384, 200, 16), dtype=jnp.float32)
    # learned embedding table (torch inits to zero, but use small random for a nontrivial check)
    W = jax.random.normal(k2, (NUM_EMB, EMB_DIM), dtype=jnp.float32) * 0.02
    return {"x": x, "W": W}

def _embed(h, W):
    a = h[..., :1]
    s = h[..., 1:]
    idx = jnp.clip(a.astype(jnp.int32), 0, NUM_EMB - 1)
    actionstate = jnp.take(W, idx, axis=0)  # [..., 1, EMB_DIM]
    actionstate = jnp.squeeze(actionstate, axis=-2)  # [..., EMB_DIM]
    return jnp.concatenate([actionstate, s], axis=-1)

def reference(x, W):
    agent, opponent = jnp.split(x, 2, axis=-1)
    agent_e = _embed(agent, W)
    opponent_e = _embed(opponent, W)
    return jnp.concatenate([agent_e, opponent_e], axis=-1)

if __name__ == "__main__":
    import jax
    _d = setup_inputs()
    print(jax.jit(kernel)(*tuple(_d.values())))

</pallas_src>

<mosaic_0001>
#map = affine_map<(d0, d1) -> (0, 0)>
#map1 = affine_map<(d0, d1) -> (0)>
#map2 = affine_map<(d0, d1) -> (0, 0, 0)>
module attributes {stable_mosaic.version = 14 : i64} {
  func.func @_sc_body(%arg0: i32, %arg1: i32, %arg2: memref<3200x16384xf32, #tpu.memory_space<hbm>>, %arg3: memref<52800xf32, #tpu.memory_space<hbm>>, %arg4: memref<78x200x16384xf32, #tpu.memory_space<hbm>>, %arg5: memref<52800xf32, #tpu.memory_space<vmem>>, %arg6: memref<16x256xf32, #tpu.memory_space<vmem>>, %arg7: memref<16x256xf32, #tpu.memory_space<vmem>>, %arg8: memref<78x1x256xf32, #tpu.memory_space<vmem>>, %arg9: memref<78x1x256xf32, #tpu.memory_space<vmem>>, %arg10: memref<!tpu.dma_semaphore, #tpu.memory_space<semaphore_mem>>, %arg11: memref<!tpu.dma_semaphore, #tpu.memory_space<semaphore_mem>>, %arg12: memref<!tpu.dma_semaphore, #tpu.memory_space<semaphore_mem>>, %arg13: memref<!tpu.dma_semaphore, #tpu.memory_space<semaphore_mem>>) attributes {dimension_semantics = [#tpu.dimension_semantics<core_parallel>, #tpu.dimension_semantics<subcore_parallel>], iteration_bounds = array<i64: 2, 16>, scalar_prefetch = 0 : i64, scratch_operands = 9 : i64, tpu.core_type = #tpu.core_type<sc_vector_subcore>, window_params = [{transform_indices = #map}, {transform_indices = #map1}, {transform_indices = #map2}]} {
    %mul3A = arith.constant 2 : i32
    %mul3A_0 = arith.muli %arg1, %mul3A : i32
    %add3A = arith.addi %mul3A_0, %arg0 : i32
    %mul3A_1 = arith.constant 512 : i32
    %mul3A_2 = arith.muli %add3A, %mul3A_1 : i32
    "tpu.region"() ({
      %run_scoped3A = tpu.sem_alloc : memref<!tpu.dma_semaphore, #tpu.memory_space<semaphore_mem>>
      tpu.enqueue_dma source(%arg3 : memref<52800xf32, #tpu.memory_space<hbm>>) target(%arg5 : memref<52800xf32, #tpu.memory_space<vmem>>) target_semaphore(%run_scoped3A : memref<!tpu.dma_semaphore, #tpu.memory_space<semaphore_mem>>)
      tpu.wait_dma2 semaphore(%run_scoped3A : memref<!tpu.dma_semaphore, #tpu.memory_space<semaphore_mem>>) src(%arg3 : memref<52800xf32, #tpu.memory_space<hbm>>) dst(%arg5 : memref<52800xf32, #tpu.memory_space<vmem>>)
      tpu.yield
    }) : () -> ()
    %iota3A = tpu.iota {dimensions = array<i32: 0>} : vector<16xi32>
    %jit3A = arith.constant 4 : i32
    %eq3A = arith.constant 0 : i32
    %eq3A_3 = arith.cmpi eq, %jit3A, %eq3A : i32
    %jit3A_4 = arith.constant 1 : i32
    %select_n3A = arith.select %eq3A_3, %jit3A_4, %jit3A : i32
    %rem3A = vector.broadcast %select_n3A : i32 to vector<16xi32>
    %rem3A_5 = arith.remsi %iota3A, %rem3A : vector<16xi32>
    %ne3A = arith.constant 0 : i32
    %ne3A_6 = vector.broadcast %ne3A : i32 to vector<16xi32>
    %ne3A_7 = arith.cmpi ne, %rem3A_5, %ne3A_6 : vector<16xi32>
    %lt3A = arith.constant 0 : i32
    %lt3A_8 = vector.broadcast %lt3A : i32 to vector<16xi32>
    %lt3A_9 = arith.cmpi slt, %rem3A_5, %lt3A_8 : vector<16xi32>
    %lt3A_10 = arith.constant 0 : i32
    %lt3A_11 = arith.cmpi slt, %select_n3A, %lt3A_10 : i32
    %ne3A_12 = vector.broadcast %lt3A_11 : i1 to vector<16xi1>
    %ne3A_13 = vector.broadcast %ne3A_12 : vector<16xi1> to vector<16xi1>
    %ne3A_14 = arith.xori %lt3A_9, %ne3A_13 : vector<16xi1>
    %and3A = arith.andi %ne3A_14, %ne3A_7 : vector<16xi1>
    %add3A_15 = vector.broadcast %select_n3A : i32 to vector<16xi32>
    %add3A_16 = arith.addi %rem3A_5, %add3A_15 : vector<16xi32>
    %select_n3A_17 = arith.select %and3A, %add3A_16, %rem3A_5 : vector<16xi1>, vector<16xi32>
    %mul3A_18 = arith.constant 33 : i32
    %mul3A_19 = vector.broadcast %mul3A_18 : i32 to vector<16xi32>
    %mul3A_20 = arith.muli %select_n3A_17, %mul3A_19 : vector<16xi32>
    %add3A_21 = arith.constant 0 : i32
    %add3A_22 = arith.addi %mul3A_2, %add3A_21 : i32
    %dma_start3A = arith.constant 0 : i32
    %dma_start3A_23 = tpu.memref_slice %arg2[%dma_start3A, %add3A_22] : memref<3200x16384xf32, #tpu.memory_space<hbm>> -> memref<16x256xf32, #tpu.memory_space<hbm>>
    %dma_start3A_24 = arith.constant 0 : i32
    %dma_start3A_25 = tpu.memref_slice %arg2[%dma_start3A_24, %add3A_22] : memref<3200x16384xf32, #tpu.memory_space<hbm>> -> memref<16x256xf32, #tpu.memory_space<hbm>>
    tpu.enqueue_dma source(%dma_start3A_25 : memref<16x256xf32, #tpu.memory_space<hbm>>) target(%arg6 : memref<16x256xf32, #tpu.memory_space<vmem>>) target_semaphore(%arg10 : memref<!tpu.dma_semaphore, #tpu.memory_space<semaphore_mem>>)
    %add3A_26 = arith.constant 256 : i32
    %add3A_27 = arith.addi %mul3A_2, %add3A_26 : i32
    %dma_start3A_28 = arith.constant 0 : i32
    %dma_start3A_29 = tpu.memref_slice %arg2[%dma_start3A_28, %add3A_27] : memref<3200x16384xf32, #tpu.memory_space<hbm>> -> memref<16x256xf32, #tpu.memory_space<hbm>>
    %dma_start3A_30 = arith.constant 0 : i32
    %dma_start3A_31 = tpu.memref_slice %arg2[%dma_start3A_30, %add3A_27] : memref<3200x16384xf32, #tpu.memory_space<hbm>> -> memref<16x256xf32, #tpu.memory_space<hbm>>
    tpu.enqueue_dma source(%dma_start3A_31 : memref<16x256xf32, #tpu.memory_space<hbm>>) target(%arg7 : memref<16x256xf32, #tpu.memory_space<vmem>>) target_semaphore(%arg11 : memref<!tpu.dma_semaphore, #tpu.memory_space<semaphore_mem>>)
    %scan3A = arith.constant 0 : i32
    %scan3A_32 = arith.constant 200 : i32
    %scan3A_33 = arith.addi %scan3A, %scan3A_32 : i32
    %scan3A_34 = arith.constant 1 : i32
    scf.for %scan3A_51 = %scan3A to %scan3A_33 step %scan3A_34  : i32 {
      %mul3A_52 = arith.constant 1 : i32
      %mul3A_53 = arith.muli %scan3A_51, %mul3A_52 : i32
      %add3A_54 = arith.constant 0 : i32
      %add3A_55 = arith.addi %add3A_54, %mul3A_53 : i32
      %mul3A_56 = arith.constant 2 : i32
      %mul3A_57 = arith.muli %mul3A_56, %add3A_55 : i32
      %add3A_58 = arith.constant 0 : i32
      %add3A_59 = arith.addi %mul3A_57, %add3A_58 : i32
      %jit3A_60 = arith.constant 2 : i32
      %div3A = arith.divsi %add3A_59, %jit3A_60 : i32
      %sign3A = arith.constant 0 : i32
      %sign3A_61 = arith.cmpi sgt, %add3A_59, %sign3A : i32
      %sign3A_62 = arith.extui %sign3A_61 : i1 to i32
      %sign3A_63 = arith.constant 0 : i32
      %sign3A_64 = arith.cmpi slt, %add3A_59, %sign3A_63 : i32
      %sign3A_65 = arith.extui %sign3A_64 : i1 to i32
      %sign3A_66 = arith.subi %sign3A_62, %sign3A_65 : i32
      %sign3A_67 = arith.constant 0 : i32
      %sign3A_68 = arith.cmpi sgt, %jit3A_60, %sign3A_67 : i32
      %sign3A_69 = arith.extui %sign3A_68 : i1 to i32
      %sign3A_70 = arith.constant 0 : i32
      %sign3A_71 = arith.cmpi slt, %jit3A_60, %sign3A_70 : i32
      %sign3A_72 = arith.extui %sign3A_71 : i1 to i32
      %sign3A_73 = arith.subi %sign3A_69, %sign3A_72 : i32
      %ne3A_74 = arith.cmpi ne, %sign3A_66, %sign3A_73 : i32
      %rem3A_75 = arith.remsi %add3A_59, %jit3A_60 : i32
      %ne3A_76 = arith.constant 0 : i32
      %ne3A_77 = arith.cmpi ne, %rem3A_75, %ne3A_76 : i32
      %and3A_78 = arith.andi %ne3A_74, %ne3A_77 : i1
      %sub3A = arith.constant 1 : i32
      %sub3A_79 = arith.subi %div3A, %sub3A : i32
      %select_n3A_80 = arith.select %and3A_78, %sub3A_79, %div3A : i32
      %jit3A_81 = arith.constant 2 : i32
      %eq3A_82 = arith.constant 0 : i32
      %eq3A_83 = arith.cmpi eq, %jit3A_81, %eq3A_82 : i32
      %jit3A_84 = arith.constant 1 : i32
      %select_n3A_85 = arith.select %eq3A_83, %jit3A_84, %jit3A_81 : i32
      %rem3A_86 = arith.remsi %add3A_59, %select_n3A_85 : i32
      %ne3A_87 = arith.constant 0 : i32
      %ne3A_88 = arith.cmpi ne, %rem3A_86, %ne3A_87 : i32
      %lt3A_89 = arith.constant 0 : i32
      %lt3A_90 = arith.cmpi slt, %rem3A_86, %lt3A_89 : i32
      %lt3A_91 = arith.constant 0 : i32
      %lt3A_92 = arith.cmpi slt, %select_n3A_85, %lt3A_91 : i32
      %ne3A_93 = arith.xori %lt3A_90, %lt3A_92 : i1
      %and3A_94 = arith.andi %ne3A_93, %ne3A_88 : i1
      %add3A_95 = arith.addi %rem3A_86, %select_n3A_85 : i32
      %select_n3A_96 = arith.select %and3A_94, %add3A_95, %rem3A_86 : i32
      %mul3A_97 = arith.constant 16 : i32
      %mul3A_98 = arith.muli %select_n3A_80, %mul3A_97 : i32
      %mul3A_99 = arith.constant 256 : i32
      %mul3A_100 = arith.muli %select_n3A_96, %mul3A_99 : i32
      %add3A_101 = arith.addi %mul3A_2, %mul3A_100 : i32
      %dma_wait3A_102 = tpu.memref_slice %arg2[%mul3A_98, %add3A_101] : memref<3200x16384xf32, #tpu.memory_space<hbm>> -> memref<16x256xf32, #tpu.memory_space<hbm>>
      %dma_wait3A_103 = tpu.memref_slice %arg2[%mul3A_98, %add3A_101] : memref<3200x16384xf32, #tpu.memory_space<hbm>> -> memref<16x256xf32, #tpu.memory_space<hbm>>
      tpu.wait_dma2 semaphore(%arg10 : memref<!tpu.dma_semaphore, #tpu.memory_space<semaphore_mem>>) src(%dma_wait3A_103 : memref<16x256xf32, #tpu.memory_space<hbm>>) dst(%arg6 : memref<16x256xf32, #tpu.memory_space<vmem>>)
      %ge3A = arith.constant 2 : i32
      %ge3A_104 = arith.cmpi sge, %add3A_59, %ge3A : i32
      %convert_element_type3A = arith.extui %ge3A_104 : i1 to i32
      %cond3A = arith.constant 0 : i32
      %cond3A_105 = arith.cmpi ne, %convert_element_type3A, %cond3A : i32
      scf.if %cond3A_105 {
        %sub3A_275 = arith.constant 2 : i32
        %sub3A_276 = arith.subi %add3A_59, %sub3A_275 : i32
        %jit3A_277 = arith.constant 2 : i32
        %div3A_278 = arith.divsi %sub3A_276, %jit3A_277 : i32
        %sign3A_279 = arith.constant 0 : i32
        %sign3A_280 = arith.cmpi sgt, %sub3A_276, %sign3A_279 : i32
        %sign3A_281 = arith.extui %sign3A_280 : i1 to i32
        %sign3A_282 = arith.constant 0 : i32
        %sign3A_283 = arith.cmpi slt, %sub3A_276, %sign3A_282 : i32
        %sign3A_284 = arith.extui %sign3A_283 : i1 to i32
        %sign3A_285 = arith.subi %sign3A_281, %sign3A_284 : i32
        %sign3A_286 = arith.constant 0 : i32
        %sign3A_287 = arith.cmpi sgt, %jit3A_277, %sign3A_286 : i32
        %sign3A_288 = arith.extui %sign3A_287 : i1 to i32
        %sign3A_289 = arith.constant 0 : i32
        %sign3A_290 = arith.cmpi slt, %jit3A_277, %sign3A_289 : i32
        %sign3A_291 = arith.extui %sign3A_290 : i1 to i32
        %sign3A_292 = arith.subi %sign3A_288, %sign3A_291 : i32
        %ne3A_293 = arith.cmpi ne, %sign3A_285, %sign3A_292 : i32
        %rem3A_294 = arith.remsi %sub3A_276, %jit3A_277 : i32
        %ne3A_295 = arith.constant 0 : i32
        %ne3A_296 = arith.cmpi ne, %rem3A_294, %ne3A_295 : i32
        %and3A_297 = arith.andi %ne3A_293, %ne3A_296 : i1
        %sub3A_298 = arith.constant 1 : i32
        %sub3A_299 = arith.subi %div3A_278, %sub3A_298 : i32
        %select_n3A_300 = arith.select %and3A_297, %sub3A_299, %div3A_278 : i32
        %jit3A_301 = arith.constant 2 : i32
        %eq3A_302 = arith.constant 0 : i32
        %eq3A_303 = arith.cmpi eq, %jit3A_301, %eq3A_302 : i32
        %jit3A_304 = arith.constant 1 : i32
        %select_n3A_305 = arith.select %eq3A_303, %jit3A_304, %jit3A_301 : i32
        %rem3A_306 = arith.remsi %sub3A_276, %select_n3A_305 : i32
        %ne3A_307 = arith.constant 0 : i32
        %ne3A_308 = arith.cmpi ne, %rem3A_306, %ne3A_307 : i32
        %lt3A_309 = arith.constant 0 : i32
        %lt3A_310 = arith.cmpi slt, %rem3A_306, %lt3A_309 : i32
        %lt3A_311 = arith.constant 0 : i32
        %lt3A_312 = arith.cmpi slt, %select_n3A_305, %lt3A_311 : i32
        %ne3A_313 = arith.xori %lt3A_310, %lt3A_312 : i1
        %and3A_314 = arith.andi %ne3A_313, %ne3A_308 : i1
        %add3A_315 = arith.addi %rem3A_306, %select_n3A_305 : i32
        %select_n3A_316 = arith.select %and3A_314, %add3A_315, %rem3A_306 : i32
        %mul3A_317 = arith.constant 256 : i32
        %mul3A_318 = arith.muli %select_n3A_316, %mul3A_317 : i32
        %add3A_319 = arith.addi %mul3A_2, %mul3A_318 : i32
        %dma_wait3A_320 = arith.constant 0 : i32
        %dma_wait3A_321 = tpu.memref_slice %arg4[%dma_wait3A_320, %select_n3A_300, %add3A_319] : memref<78x200x16384xf32, #tpu.memory_space<hbm>> -> memref<78x1x256xf32, #tpu.memory_space<hbm>>
        %dma_wait3A_322 = arith.constant 0 : i32
        %dma_wait3A_323 = tpu.memref_slice %arg4[%dma_wait3A_322, %select_n3A_300, %add3A_319] : memref<78x200x16384xf32, #tpu.memory_space<hbm>> -> memref<78x1x256xf32, #tpu.memory_space<hbm>>
        tpu.wait_dma2 semaphore(%arg12 : memref<!tpu.dma_semaphore, #tpu.memory_space<semaphore_mem>>) src(%arg8 : memref<78x1x256xf32, #tpu.memory_space<vmem>>) dst(%dma_wait3A_323 : memref<78x1x256xf32, #tpu.memory_space<hbm>>)
      } else {
      }
      %parallel_loop3A = arith.constant 0 : i32
      %parallel_loop3A_106 = arith.constant 256 : i32
      %parallel_loop3A_107 = arith.constant 16 : i32
      scf.for %parallel_loop3A_275 = %parallel_loop3A to %parallel_loop3A_106 step %parallel_loop3A_107  : i32 {
        %parallel_loop3A_276 = arith.constant 0 : i32
        %parallel_loop3A_277 = arith.index_cast %parallel_loop3A_276 : i32 to index
        %parallel_loop3A_278 = arith.index_cast %parallel_loop3A_275 : i32 to index
        %parallel_loop3A_279 = tpu.vector_load %arg6[%parallel_loop3A_277, %parallel_loop3A_278] {strides = array<i32>} : memref<16x256xf32, #tpu.memory_space<vmem>>, vector<16xf32>,
        %parallel_loop3A_280 = arith.fptosi %parallel_loop3A_279 : vector<16xf32> to vector<16xi32>
        %parallel_loop3A_281 = arith.constant 0 : i32
        %parallel_loop3A_282 = arith.constant 399 : i32
        %parallel_loop3A_283 = vector.broadcast %parallel_loop3A_281 : i32 to vector<16xi32>
        %parallel_loop3A_284 = arith.maxsi %parallel_loop3A_283, %parallel_loop3A_280 : vector<16xi32>
        %parallel_loop3A_285 = vector.broadcast %parallel_loop3A_282 : i32 to vector<16xi32>
        %parallel_loop3A_286 = arith.minsi %parallel_loop3A_285, %parallel_loop3A_284 : vector<16xi32>
        %parallel_loop3A_287 = arith.constant 8 : i32
        %parallel_loop3A_288 = arith.index_cast %parallel_loop3A_287 : i32 to index
        %parallel_loop3A_289 = arith.index_cast %parallel_loop3A_275 : i32 to index
        %parallel_loop3A_290 = tpu.vector_load %arg6[%parallel_loop3A_288, %parallel_loop3A_289] {strides = array<i32>} : memref<16x256xf32, #tpu.memory_space<vmem>>, vector<16xf32>,
        %parallel_loop3A_291 = arith.fptosi %parallel_loop3A_290 : vector<16xf32> to vector<16xi32>
        %parallel_loop3A_292 = arith.constant 0 : i32
        %parallel_loop3A_293 = arith.constant 399 : i32
        %parallel_loop3A_294 = vector.broadcast %parallel_loop3A_292 : i32 to vector<16xi32>
        %parallel_loop3A_295 = arith.maxsi %parallel_loop3A_294, %parallel_loop3A_291 : vector<16xi32>
        %parallel_loop3A_296 = vector.broadcast %parallel_loop3A_293 : i32 to vector<16xi32>
        %parallel_loop3A_297 = arith.minsi %parallel_loop3A_296, %parallel_loop3A_295 : vector<16xi32>
        %parallel_loop3A_298 = arith.constant 132 : i32
        %parallel_loop3A_299 = vector.broadcast %parallel_loop3A_298 : i32 to vector<16xi32>
        %parallel_loop3A_300 = arith.muli %parallel_loop3A_286, %parallel_loop3A_299 : vector<16xi32>
        %parallel_loop3A_301 = arith.addi %parallel_loop3A_300, %mul3A_20 : vector<16xi32>
        %parallel_loop3A_302 = arith.constant 132 : i32
        %parallel_loop3A_303 = vector.broadcast %parallel_loop3A_302 : i32 to vector<16xi32>
        %parallel_loop3A_304 = arith.muli %parallel_loop3A_297, %parallel_loop3A_303 : vector<16xi32>
        %parallel_loop3A_305 = arith.addi %parallel_loop3A_304, %mul3A_20 : vector<16xi32>
        %parallel_loop3A_306 = arith.constant 0 : i32
        %parallel_loop3A_307 = vector.broadcast %parallel_loop3A_306 : i32 to vector<16xi32>
        %parallel_loop3A_308 = arith.addi %parallel_loop3A_301, %parallel_loop3A_307 : vector<16xi32>
        %parallel_loop3A_309 = tpu.vector_load_idx %arg5[%parallel_loop3A_308] : memref<52800xf32, #tpu.memory_space<vmem>>[vector<16xi32>], vector<16xf32>,
        %parallel_loop3A_310 = arith.constant 0 : i32
        %parallel_loop3A_311 = arith.constant 0 : i32
        %parallel_loop3A_312 = arith.index_cast %parallel_loop3A_310 : i32 to index
        %parallel_loop3A_313 = arith.index_cast %parallel_loop3A_311 : i32 to index
        %parallel_loop3A_314 = arith.index_cast %parallel_loop3A_275 : i32 to index
        %parallel_loop3A_315 = tpu.vector_load %arg8[%parallel_loop3A_312, %parallel_loop3A_313, %parallel_loop3A_314] {strides = array<i32>} : memref<78x1x256xf32, #tpu.memory_space<vmem>>, vector<16xf32>,
        tpu.vector_store %arg8[%parallel_loop3A_312, %parallel_loop3A_313, %parallel_loop3A_314], %parallel_loop3A_309 {strides = array<i32>} : memref<78x1x256xf32, #tpu.memory_space<vmem>>, vector<16xf32>,
        %parallel_loop3A_316 = arith.constant 0 : i32
        %parallel_loop3A_317 = vector.broadcast %parallel_loop3A_316 : i32 to vector<16xi32>
        %parallel_loop3A_318 = arith.addi %parallel_loop3A_305, %parallel_loop3A_317 : vector<16xi32>
        %parallel_loop3A_319 = tpu.vector_load_idx %arg5[%parallel_loop3A_318] : memref<52800xf32, #tpu.memory_space<vmem>>[vector<16xi32>], vector<16xf32>,
        %parallel_loop3A_320 = arith.constant 39 : i32
        %parallel_loop3A_321 = arith.constant 0 : i32
        %parallel_loop3A_322 = arith.index_cast %parallel_loop3A_320 : i32 to index
        %parallel_loop3A_323 = arith.index_cast %parallel_loop3A_321 : i32 to index
        %parallel_loop3A_324 = arith.index_cast %parallel_loop3A_275 : i32 to index
        %parallel_loop3A_325 = tpu.vector_load %arg8[%parallel_loop3A_322, %parallel_loop3A_323, %parallel_loop3A_324] {strides = array<i32>} : memref<78x1x256xf32, #tpu.memory_space<vmem>>, vector<16xf32>,
        tpu.vector_store %arg8[%parallel_loop3A_322, %parallel_loop3A_323, %parallel_loop3A_324], %parallel_loop3A_319 {strides = array<i32>} : memref<78x1x256xf32, #tpu.memory_space<vmem>>, vector<16xf32>,
        %parallel_loop3A_326 = arith.constant 1 : i32
        %parallel_loop3A_327 = vector.broadcast %parallel_loop3A_326 : i32 to vector<16xi32>
        %parallel_loop3A_328 = arith.addi %parallel_loop3A_301, %parallel_loop3A_327 : vector<16xi32>
        %parallel_loop3A_329 = tpu.vector_load_idx %arg5[%parallel_loop3A_328] : memref<52800xf32, #tpu.memory_space<vmem>>[vector<16xi32>], vector<16xf32>,
        %parallel_loop3A_330 = arith.constant 1 : i32
        %parallel_loop3A_331 = arith.constant 0 : i32
        %parallel_loop3A_332 = arith.index_cast %parallel_loop3A_330 : i32 to index
        %parallel_loop3A_333 = arith.index_cast %parallel_loop3A_331 : i32 to index
        %parallel_loop3A_334 = arith.index_cast %parallel_loop3A_275 : i32 to index
        %parallel_loop3A_335 = tpu.vector_load %arg8[%parallel_loop3A_332, %parallel_loop3A_333, %parallel_loop3A_334] {strides = array<i32>} : memref<78x1x256xf32, #tpu.memory_space<vmem>>, vector<16xf32>,
        tpu.vector_store %arg8[%parallel_loop3A_332, %parallel_loop3A_333, %parallel_loop3A_334], %parallel_loop3A_329 {strides = array<i32>} : memref<78x1x256xf32, #tpu.memory_space<vmem>>, vector<16xf32>,
        %parallel_loop3A_336 = arith.constant 1 : i32
        %parallel_loop3A_337 = vector.broadcast %parallel_loop3A_336 : i32 to vector<16xi32>
        %parallel_loop3A_338 = arith.addi %parallel_loop3A_305, %parallel_loop3A_337 : vector<16xi32>
        %parallel_loop3A_339 = tpu.vector_load_idx %arg5[%parallel_loop3A_338] : memref<52800xf32, #tpu.memory_space<vmem>>[vector<16xi32>], vector<16xf32>,
        %parallel_loop3A_340 = arith.constant 40 : i32
        %parallel_loop3A_341 = arith.constant 0 : i32
        %parallel_loop3A_342 = arith.index_cast %parallel_loop3A_340 : i32 to index
        %parallel_loop3A_343 = arith.index_cast %parallel_loop3A_341 : i32 to index
        %parallel_loop3A_344 = arith.index_cast %parallel_loop3A_275 : i32 to index
        %parallel_loop3A_345 = tpu.vector_load %arg8[%parallel_loop3A_342, %parallel_loop3A_343, %parallel_loop3A_344] {strides = array<i32>} : memref<78x1x256xf32, #tpu.memory_space<vmem>>, vector<16xf32>,
        tpu.vector_store %arg8[%parallel_loop3A_342, %parallel_loop3A_343, %parallel_loop3A_344], %parallel_loop3A_339 {strides = array<i32>} : memref<78x1x256xf32, #tpu.memory_space<vmem>>, vector<16xf32>,
        %parallel_loop3A_346 = arith.constant 2 : i32
        %parallel_loop3A_347 = vector.broadcast %parallel_loop3A_346 : i32 to vector<16xi32>
        %parallel_loop3A_348 = arith.addi %parallel_loop3A_301, %parallel_loop3A_347 : vector<16xi32>
        %parallel_loop3A_349 = tpu.vector_load_idx %arg5[%parallel_loop3A_348] : memref<52800xf32, #tpu.memory_space<vmem>>[vector<16xi32>], vector<16xf32>,
        %parallel_loop3A_350 = arith.constant 2 : i32
        %parallel_loop3A_351 = arith.constant 0 : i32
        %parallel_loop3A_352 = arith.index_cast %parallel_loop3A_350 : i32 to index
        %parallel_loop3A_353 = arith.index_cast %parallel_loop3A_351 : i32 to index
        %parallel_loop3A_354 = arith.index_cast %parallel_loop3A_275 : i32 to index
        %parallel_loop3A_355 = tpu.vector_load %arg8[%parallel_loop3A_352, %parallel_loop3A_353, %parallel_loop3A_354] {strides = array<i32>} : memref<78x1x256xf32, #tpu.memory_space<vmem>>, vector<16xf32>,
        tpu.vector_store %arg8[%parallel_loop3A_352, %parallel_loop3A_353, %parallel_loop3A_354], %parallel_loop3A_349 {strides = array<i32>} : memref<78x1x256xf32, #tpu.memory_space<vmem>>, vector<16xf32>,
        %parallel_loop3A_356 = arith.constant 2 : i32
        %parallel_loop3A_357 = vector.broadcast %parallel_loop3A_356 : i32 to vector<16xi32>
        %parallel_loop3A_358 = arith.addi %parallel_loop3A_305, %parallel_loop3A_357 : vector<16xi32>
        %parallel_loop3A_359 = tpu.vector_load_idx %arg5[%parallel_loop3A_358] : memref<52800xf32, #tpu.memory_space<vmem>>[vector<16xi32>], vector<16xf32>,
        %parallel_loop3A_360 = arith.constant 41 : i32
        %parallel_loop3A_361 = arith.constant 0 : i32
        %parallel_loop3A_362 = arith.index_cast %parallel_loop3A_360 : i32 to index
        %parallel_loop3A_363 = arith.index_cast %parallel_loop3A_361 : i32 to index
        %parallel_loop3A_364 = arith.index_cast %parallel_loop3A_275 : i32 to index
        %parallel_loop3A_365 = tpu.vector_load %arg8[%parallel_loop3A_362, %parallel_loop3A_363, %parallel_loop3A_364] {strides = array<i32>} : memref<78x1x256xf32, #tpu.memory_space<vmem>>, vector<16xf32>,
        tpu.vector_store %arg8[%parallel_loop3A_362, %parallel_loop3A_363, %parallel_loop3A_364], %parallel_loop3A_359 {strides = array<i32>} : memref<78x1x256xf32, #tpu.memory_space<vmem>>, vector<16xf32>,
        %parallel_loop3A_366 = arith.constant 3 : i32
        %parallel_loop3A_367 = vector.broadcast %parallel_loop3A_366 : i32 to vector<16xi32>
        %parallel_loop3A_368 = arith.addi %parallel_loop3A_301, %parallel_loop3A_367 : vector<16xi32>
        %parallel_loop3A_369 = tpu.vector_load_idx %arg5[%parallel_loop3A_368] : memref<52800xf32, #tpu.memory_space<vmem>>[vector<16xi32>], vector<16xf32>,
        %parallel_loop3A_370 = arith.constant 3 : i32
        %parallel_loop3A_371 = arith.constant 0 : i32
        %parallel_loop3A_372 = arith.index_cast %parallel_loop3A_370 : i32 to index
        %parallel_loop3A_373 = arith.index_cast %parallel_loop3A_371 : i32 to index
        %parallel_loop3A_374 = arith.index_cast %parallel_loop3A_275 : i32 to index
        %parallel_loop3A_375 = tpu.vector_load %arg8[%parallel_loop3A_372, %parallel_loop3A_373, %parallel_loop3A_374] {strides = array<i32>} : memref<78x1x256xf32, #tpu.memory_space<vmem>>, vector<16xf32>,
        tpu.vector_store %arg8[%parallel_loop3A_372, %parallel_loop3A_373, %parallel_loop3A_374], %parallel_loop3A_369 {strides = array<i32>} : memref<78x1x256xf32, #tpu.memory_space<vmem>>, vector<16xf32>,
        %parallel_loop3A_376 = arith.constant 3 : i32
        %parallel_loop3A_377 = vector.broadcast %parallel_loop3A_376 : i32 to vector<16xi32>
        %parallel_loop3A_378 = arith.addi %parallel_loop3A_305, %parallel_loop3A_377 : vector<16xi32>
        %parallel_loop3A_379 = tpu.vector_load_idx %arg5[%parallel_loop3A_378] : memref<52800xf32, #tpu.memory_space<vmem>>[vector<16xi32>], vector<16xf32>,
        %parallel_loop3A_380 = arith.constant 42 : i32
        %parallel_loop3A_381 = arith.constant 0 : i32
        %parallel_loop3A_382 = arith.index_cast %parallel_loop3A_380 : i32 to index
        %parallel_loop3A_383 = arith.index_cast %parallel_loop3A_381 : i32 to index
        %parallel_loop3A_384 = arith.index_cast %parallel_loop3A_275 : i32 to index
        %parallel_loop3A_385 = tpu.vector_load %arg8[%parallel_loop3A_382, %parallel_loop3A_383, %parallel_loop3A_384] {strides = array<i32>} : memref<78x1x256xf32, #tpu.memory_space<vmem>>, vector<16xf32>,
        tpu.vector_store %arg8[%parallel_loop3A_382, %parallel_loop3A_383, %parallel_loop3A_384], %parallel_loop3A_379 {strides = array<i32>} : memref<78x1x256xf32, #tpu.memory_space<vmem>>, vector<16xf32>,
        %parallel_loop3A_386 = arith.constant 4 : i32
        %parallel_loop3A_387 = vector.broadcast %parallel_loop3A_386 : i32 to vector<16xi32>
        %parallel_loop3A_388 = arith.addi %parallel_loop3A_301, %parallel_loop3A_387 : vector<16xi32>
        %parallel_loop3A_389 = tpu.vector_load_idx %arg5[%parallel_loop3A_388] : memref<52800xf32, #tpu.memory_space<vmem>>[vector<16xi32>], vector<16xf32>,
        %parallel_loop3A_390 = arith.constant 4 : i32
        %parallel_loop3A_391 = arith.constant 0 : i32
        %parallel_loop3A_392 = arith.index_cast %parallel_loop3A_390 : i32 to index
        %parallel_loop3A_393 = arith.index_cast %parallel_loop3A_391 : i32 to index
        %parallel_loop3A_394 = arith.index_cast %parallel_loop3A_275 : i32 to index
        %parallel_loop3A_395 = tpu.vector_load %arg8[%parallel_loop3A_392, %parallel_loop3A_393, %parallel_loop3A_394] {strides = array<i32>} : memref<78x1x256xf32, #tpu.memory_space<vmem>>, vector<16xf32>,
        tpu.vector_store %arg8[%parallel_loop3A_392, %parallel_loop3A_393, %parallel_loop3A_394], %parallel_loop3A_389 {strides = array<i32>} : memref<78x1x256xf32, #tpu.memory_space<vmem>>, vector<16xf32>,
        %parallel_loop3A_396 = arith.constant 4 : i32
        %parallel_loop3A_397 = vector.broadcast %parallel_loop3A_396 : i32 to vector<16xi32>
        %parallel_loop3A_398 = arith.addi %parallel_loop3A_305, %parallel_loop3A_397 : vector<16xi32>
        %parallel_loop3A_399 = tpu.vector_load_idx %arg5[%parallel_loop3A_398] : memref<52800xf32, #tpu.memory_space<vmem>>[vector<16xi32>], vector<16xf32>,
        %parallel_loop3A_400 = arith.constant 43 : i32
        %parallel_loop3A_401 = arith.constant 0 : i32
        %parallel_loop3A_402 = arith.index_cast %parallel_loop3A_400 : i32 to index
        %parallel_loop3A_403 = arith.index_cast %parallel_loop3A_401 : i32 to index
        %parallel_loop3A_404 = arith.index_cast %parallel_loop3A_275 : i32 to index
        %parallel_loop3A_405 = tpu.vector_load %arg8[%parallel_loop3A_402, %parallel_loop3A_403, %parallel_loop3A_404] {strides = array<i32>} : memref<78x1x256xf32, #tpu.memory_space<vmem>>, vector<16xf32>,
        tpu.vector_store %arg8[%parallel_loop3A_402, %parallel_loop3A_403, %parallel_loop3A_404], %parallel_loop3A_399 {strides = array<i32>} : memref<78x1x256xf32, #tpu.memory_space<vmem>>, vector<16xf32>,
        %parallel_loop3A_406 = arith.constant 5 : i32
        %parallel_loop3A_407 = vector.broadcast %parallel_loop3A_406 : i32 to vector<16xi32>
        %parallel_loop3A_408 = arith.addi %parallel_loop3A_301, %parallel_loop3A_407 : vector<16xi32>
        %parallel_loop3A_409 = tpu.vector_load_idx %arg5[%parallel_loop3A_408] : memref<52800xf32, #tpu.memory_space<vmem>>[vector<16xi32>], vector<16xf32>,
        %parallel_loop3A_410 = arith.constant 5 : i32
        %parallel_loop3A_411 = arith.constant 0 : i32
        %parallel_loop3A_412 = arith.index_cast %parallel_loop3A_410 : i32 to index
        %parallel_loop3A_413 = arith.index_cast %parallel_loop3A_411 : i32 to index
        %parallel_loop3A_414 = arith.index_cast %parallel_loop3A_275 : i32 to index
        %parallel_loop3A_415 = tpu.vector_load %arg8[%parallel_loop3A_412, %parallel_loop3A_413, %parallel_loop3A_414] {strides = array<i32>} : memref<78x1x256xf32, #tpu.memory_space<vmem>>, vector<16xf32>,
        tpu.vector_store %arg8[%parallel_loop3A_412, %parallel_loop3A_413, %parallel_loop3A_414], %parallel_loop3A_409 {strides = array<i32>} : memref<78x1x256xf32, #tpu.memory_space<vmem>>, vector<16xf32>,
        %parallel_loop3A_416 = arith.constant 5 : i32
        %parallel_loop3A_417 = vector.broadcast %parallel_loop3A_416 : i32 to vector<16xi32>
        %parallel_loop3A_418 = arith.addi %parallel_loop3A_305, %parallel_loop3A_417 : vector<16xi32>
        %parallel_loop3A_419 = tpu.vector_load_idx %arg5[%parallel_loop3A_418] : memref<52800xf32, #tpu.memory_space<vmem>>[vector<16xi32>], vector<16xf32>,
        %parallel_loop3A_420 = arith.constant 44 : i32
        %parallel_loop3A_421 = arith.constant 0 : i32
        %parallel_loop3A_422 = arith.index_cast %parallel_loop3A_420 : i32 to index
        %parallel_loop3A_423 = arith.index_cast %parallel_loop3A_421 : i32 to index
        %parallel_loop3A_424 = arith.index_cast %parallel_loop3A_275 : i32 to index
        %parallel_loop3A_425 = tpu.vector_load %arg8[%parallel_loop3A_422, %parallel_loop3A_423, %parallel_loop3A_424] {strides = array<i32>} : memref<78x1x256xf32, #tpu.memory_space<vmem>>, vector<16xf32>,
        tpu.vector_store %arg8[%parallel_loop3A_422, %parallel_loop3A_423, %parallel_loop3A_424], %parallel_loop3A_419 {strides = array<i32>} : memref<78x1x256xf32, #tpu.memory_space<vmem>>, vector<16xf32>,
        %parallel_loop3A_426 = arith.constant 6 : i32
        %parallel_loop3A_427 = vector.broadcast %parallel_loop3A_426 : i32 to vector<16xi32>
        %parallel_loop3A_428 = arith.addi %parallel_loop3A_301, %parallel_loop3A_427 : vector<16xi32>
        %parallel_loop3A_429 = tpu.vector_load_idx %arg5[%parallel_loop3A_428] : memref<52800xf32, #tpu.memory_space<vmem>>[vector<16xi32>], vector<16xf32>,
        %parallel_loop3A_430 = arith.constant 6 : i32
        %parallel_loop3A_431 = arith.constant 0 : i32
        %parallel_loop3A_432 = arith.index_cast %parallel_loop3A_430 : i32 to index
        %parallel_loop3A_433 = arith.index_cast %parallel_loop3A_431 : i32 to index
        %parallel_loop3A_434 = arith.index_cast %parallel_loop3A_275 : i32 to index
        %parallel_loop3A_435 = tpu.vector_load %arg8[%parallel_loop3A_432, %parallel_loop3A_433, %parallel_loop3A_434] {strides = array<i32>} : memref<78x1x256xf32, #tpu.memory_space<vmem>>, vector<16xf32>,
        tpu.vector_store %arg8[%parallel_loop3A_432, %parallel_loop3A_433, %parallel_loop3A_434], %parallel_loop3A_429 {strides = array<i32>} : memref<78x1x256xf32, #tpu.memory_space<vmem>>, vector<16xf32>,
        %parallel_loop3A_436 = arith.constant 6 : i32
        %parallel_loop3A_437 = vector.broadcast %parallel_loop3A_436 : i32 to vector<16xi32>
        %parallel_loop3A_438 = arith.addi %parallel_loop3A_305, %parallel_loop3A_437 : vector<16xi32>
        %parallel_loop3A_439 = tpu.vector_load_idx %arg5[%parallel_loop3A_438] : memref<52800xf32, #tpu.memory_space<vmem>>[vector<16xi32>], vector<16xf32>,
        %parallel_loop3A_440 = arith.constant 45 : i32
        %parallel_loop3A_441 = arith.constant 0 : i32
        %parallel_loop3A_442 = arith.index_cast %parallel_loop3A_440 : i32 to index
        %parallel_loop3A_443 = arith.index_cast %parallel_loop3A_441 : i32 to index
        %parallel_loop3A_444 = arith.index_cast %parallel_loop3A_275 : i32 to index
        %parallel_loop3A_445 = tpu.vector_load %arg8[%parallel_loop3A_442, %parallel_loop3A_443, %parallel_loop3A_444] {strides = array<i32>} : memref<78x1x256xf32, #tpu.memory_space<vmem>>, vector<16xf32>,
        tpu.vector_store %arg8[%parallel_loop3A_442, %parallel_loop3A_443, %parallel_loop3A_444], %parallel_loop3A_439 {strides = array<i32>} : memref<78x1x256xf32, #tpu.memory_space<vmem>>, vector<16xf32>,
        %parallel_loop3A_446 = arith.constant 7 : i32
        %parallel_loop3A_447 = vector.broadcast %parallel_loop3A_446 : i32 to vector<16xi32>
        %parallel_loop3A_448 = arith.addi %parallel_loop3A_301, %parallel_loop3A_447 : vector<16xi32>
        %parallel_loop3A_449 = tpu.vector_load_idx %arg5[%parallel_loop3A_448] : memref<52800xf32, #tpu.memory_space<vmem>>[vector<16xi32>], vector<16xf32>,
        %parallel_loop3A_450 = arith.constant 7 : i32
        %parallel_loop3A_451 = arith.constant 0 : i32
        %parallel_loop3A_452 = arith.index_cast %parallel_loop3A_450 : i32 to index
        %parallel_loop3A_453 = arith.index_cast %parallel_loop3A_451 : i32 to index
        %parallel_loop3A_454 = arith.index_cast %parallel_loop3A_275 : i32 to index
        %parallel_loop3A_455 = tpu.vector_load %arg8[%parallel_loop3A_452, %parallel_loop3A_453, %parallel_loop3A_454] {strides = array<i32>} : memref<78x1x256xf32, #tpu.memory_space<vmem>>, vector<16xf32>,
        tpu.vector_store %arg8[%parallel_loop3A_452, %parallel_loop3A_453, %parallel_loop3A_454], %parallel_loop3A_449 {strides = array<i32>} : memref<78x1x256xf32, #tpu.memory_space<vmem>>, vector<16xf32>,
        %parallel_loop3A_456 = arith.constant 7 : i32
        %parallel_loop3A_457 = vector.broadcast %parallel_loop3A_456 : i32 to vector<16xi32>
        %parallel_loop3A_458 = arith.addi %parallel_loop3A_305, %parallel_loop3A_457 : vector<16xi32>
        %parallel_loop3A_459 = tpu.vector_load_idx %arg5[%parallel_loop3A_458] : memref<52800xf32, #tpu.memory_space<vmem>>[vector<16xi32>], vector<16xf32>,
        %parallel_loop3A_460 = arith.constant 46 : i32
        %parallel_loop3A_461 = arith.constant 0 : i32
        %parallel_loop3A_462 = arith.index_cast %parallel_loop3A_460 : i32 to index
        %parallel_loop3A_463 = arith.index_cast %parallel_loop3A_461 : i32 to index
        %parallel_loop3A_464 = arith.index_cast %parallel_loop3A_275 : i32 to index
        %parallel_loop3A_465 = tpu.vector_load %arg8[%parallel_loop3A_462, %parallel_loop3A_463, %parallel_loop3A_464] {strides = array<i32>} : memref<78x1x256xf32, #tpu.memory_space<vmem>>, vector<16xf32>,
        tpu.vector_store %arg8[%parallel_loop3A_462, %parallel_loop3A_463, %parallel_loop3A_464], %parallel_loop3A_459 {strides = array<i32>} : memref<78x1x256xf32, #tpu.memory_space<vmem>>, vector<16xf32>,
        %parallel_loop3A_466 = arith.constant 8 : i32
        %parallel_loop3A_467 = vector.broadcast %parallel_loop3A_466 : i32 to vector<16xi32>
        %parallel_loop3A_468 = arith.addi %parallel_loop3A_301, %parallel_loop3A_467 : vector<16xi32>
        %parallel_loop3A_469 = tpu.vector_load_idx %arg5[%parallel_loop3A_468] : memref<52800xf32, #tpu.memory_space<vmem>>[vector<16xi32>], vector<16xf32>,
        %parallel_loop3A_470 = arith.constant 8 : i32
        %parallel_loop3A_471 = arith.constant 0 : i32
        %parallel_loop3A_472 = arith.index_cast %parallel_loop3A_470 : i32 to index
        %parallel_loop3A_473 = arith.index_cast %parallel_loop3A_471 : i32 to index
        %parallel_loop3A_474 = arith.index_cast %parallel_loop3A_275 : i32 to index
        %parallel_loop3A_475 = tpu.vector_load %arg8[%parallel_loop3A_472, %parallel_loop3A_473, %parallel_loop3A_474] {strides = array<i32>} : memref<78x1x256xf32, #tpu.memory_space<vmem>>, vector<16xf32>,
        tpu.vector_store %arg8[%parallel_loop3A_472, %parallel_loop3A_473, %parallel_loop3A_474], %parallel_loop3A_469 {strides = array<i32>} : memref<78x1x256xf32, #tpu.memory_space<vmem>>, vector<16xf32>,
        %parallel_loop3A_476 = arith.constant 8 : i32
        %parallel_loop3A_477 = vector.broadcast %parallel_loop3A_476 : i32 to vector<16xi32>
        %parallel_loop3A_478 = arith.addi %parallel_loop3A_305, %parallel_loop3A_477 : vector<16xi32>
        %parallel_loop3A_479 = tpu.vector_load_idx %arg5[%parallel_loop3A_478] : memref<52800xf32, #tpu.memory_space<vmem>>[vector<16xi32>], vector<16xf32>,
        %parallel_loop3A_480 = arith.constant 47 : i32
        %parallel_loop3A_481 = arith.constant 0 : i32
        %parallel_loop3A_482 = arith.index_cast %parallel_loop3A_480 : i32 to index
        %parallel_loop3A_483 = arith.index_cast %parallel_loop3A_481 : i32 to index
        %parallel_loop3A_484 = arith.index_cast %parallel_loop3A_275 : i32 to index
        %parallel_loop3A_485 = tpu.vector_load %arg8[%parallel_loop3A_482, %parallel_loop3A_483, %parallel_loop3A_484] {strides = array<i32>} : memref<78x1x256xf32, #tpu.memory_space<vmem>>, vector<16xf32>,
        tpu.vector_store %arg8[%parallel_loop3A_482, %parallel_loop3A_483, %parallel_loop3A_484], %parallel_loop3A_479 {strides = array<i32>} : memref<78x1x256xf32, #tpu.memory_space<vmem>>, vector<16xf32>,
        %parallel_loop3A_486 = arith.constant 9 : i32
        %parallel_loop3A_487 = vector.broadcast %parallel_loop3A_486 : i32 to vector<16xi32>
        %parallel_loop3A_488 = arith.addi %parallel_loop3A_301, %parallel_loop3A_487 : vector<16xi32>
        %parallel_loop3A_489 = tpu.vector_load_idx %arg5[%parallel_loop3A_488] : memref<52800xf32, #tpu.memory_space<vmem>>[vector<16xi32>], vector<16xf32>,
        %parallel_loop3A_490 = arith.constant 9 : i32
        %parallel_loop3A_491 = arith.constant 0 : i32
        %parallel_loop3A_492 = arith.index_cast %parallel_loop3A_490 : i32 to index
        %parallel_loop3A_493 = arith.index_cast %parallel_loop3A_491 : i32 to index
        %parallel_loop3A_494 = arith.index_cast %parallel_loop3A_275 : i32 to index
        %parallel_loop3A_495 = tpu.vector_load %arg8[%parallel_loop3A_492, %parallel_loop3A_493, %parallel_loop3A_494] {strides = array<i32>} : memref<78x1x256xf32, #tpu.memory_space<vmem>>, vector<16xf32>,
        tpu.vector_store %arg8[%parallel_loop3A_492, %parallel_loop3A_493, %parallel_loop3A_494], %parallel_loop3A_489 {strides = array<i32>} : memref<78x1x256xf32, #tpu.memory_space<vmem>>, vector<16xf32>,
        %parallel_loop3A_496 = arith.constant 9 : i32
        %parallel_loop3A_497 = vector.broadcast %parallel_loop3A_496 : i32 to vector<16xi32>
        %parallel_loop3A_498 = arith.addi %parallel_loop3A_305, %parallel_loop3A_497 : vector<16xi32>
        %parallel_loop3A_499 = tpu.vector_load_idx %arg5[%parallel_loop3A_498] : memref<52800xf32, #tpu.memory_space<vmem>>[vector<16xi32>], vector<16xf32>,
        %parallel_loop3A_500 = arith.constant 48 : i32
        %parallel_loop3A_501 = arith.constant 0 : i32
        %parallel_loop3A_502 = arith.index_cast %parallel_loop3A_500 : i32 to index
        %parallel_loop3A_503 = arith.index_cast %parallel_loop3A_501 : i32 to index
        %parallel_loop3A_504 = arith.index_cast %parallel_loop3A_275 : i32 to index
        %parallel_loop3A_505 = tpu.vector_load %arg8[%parallel_loop3A_502, %parallel_loop3A_503, %parallel_loop3A_504] {strides = array<i32>} : memref<78x1x256xf32, #tpu.memory_space<vmem>>, vector<16xf32>,
        tpu.vector_store %arg8[%parallel_loop3A_502, %parallel_loop3A_503, %parallel_loop3A_504], %parallel_loop3A_499 {strides = array<i32>} : memref<78x1x256xf32, #tpu.memory_space<vmem>>, vector<16xf32>,
        %parallel_loop3A_506 = arith.constant 10 : i32
        %parallel_loop3A_507 = vector.broadcast %parallel_loop3A_506 : i32 to vector<16xi32>
        %parallel_loop3A_508 = arith.addi %parallel_loop3A_301, %parallel_loop3A_507 : vector<16xi32>
        %parallel_loop3A_509 = tpu.vector_load_idx %arg5[%parallel_loop3A_508] : memref<52800xf32, #tpu.memory_space<vmem>>[vector<16xi32>], vector<16xf32>,
        %parallel_loop3A_510 = arith.constant 10 : i32
        %parallel_loop3A_511 = arith.constant 0 : i32
        %parallel_loop3A_512 = arith.index_cast %parallel_loop3A_510 : i32 to index
        %parallel_loop3A_513 = arith.index_cast %parallel_loop3A_511 : i32 to index
        %parallel_loop3A_514 = arith.index_cast %parallel_loop3A_275 : i32 to index
        %parallel_loop3A_515 = tpu.vector_load %arg8[%parallel_loop3A_512, %parallel_loop3A_513, %parallel_loop3A_514] {strides = array<i32>} : memref<78x1x256xf32, #tpu.memory_space<vmem>>, vector<16xf32>,
        tpu.vector_store %arg8[%parallel_loop3A_512, %parallel_loop3A_513, %parallel_loop3A_514], %parallel_loop3A_509 {strides = array<i32>} : memref<78x1x256xf32, #tpu.memory_space<vmem>>, vector<16xf32>,
        %parallel_loop3A_516 = arith.constant 10 : i32
        %parallel_loop3A_517 = vector.broadcast %parallel_loop3A_516 : i32 to vector<16xi32>
        %parallel_loop3A_518 = arith.addi %parallel_loop3A_305, %parallel_loop3A_517 : vector<16xi32>
        %parallel_loop3A_519 = tpu.vector_load_idx %arg5[%parallel_loop3A_518] : memref<52800xf32, #tpu.memory_space<vmem>>[vector<16xi32>], vector<16xf32>,
        %parallel_loop3A_520 = arith.constant 49 : i32
        %parallel_loop3A_521 = arith.constant 0 : i32
        %parallel_loop3A_522 = arith.index_cast %parallel_loop3A_520 : i32 to index
        %parallel_loop3A_523 = arith.index_cast %parallel_loop3A_521 : i32 to index
        %parallel_loop3A_524 = arith.index_cast %parallel_loop3A_275 : i32 to index
        %parallel_loop3A_525 = tpu.vector_load %arg8[%parallel_loop3A_522, %parallel_loop3A_523, %parallel_loop3A_524] {strides = array<i32>} : memref<78x1x256xf32, #tpu.memory_space<vmem>>, vector<16xf32>,
        tpu.vector_store %arg8[%parallel_loop3A_522, %parallel_loop3A_523, %parallel_loop3A_524], %parallel_loop3A_519 {strides = array<i32>} : memref<78x1x256xf32, #tpu.memory_space<vmem>>, vector<16xf32>,
        %parallel_loop3A_526 = arith.constant 11 : i32
        %parallel_loop3A_527 = vector.broadcast %parallel_loop3A_526 : i32 to vector<16xi32>
        %parallel_loop3A_528 = arith.addi %parallel_loop3A_301, %parallel_loop3A_527 : vector<16xi32>
        %parallel_loop3A_529 = tpu.vector_load_idx %arg5[%parallel_loop3A_528] : memref<52800xf32, #tpu.memory_space<vmem>>[vector<16xi32>], vector<16xf32>,
        %parallel_loop3A_530 = arith.constant 11 : i32
        %parallel_loop3A_531 = arith.constant 0 : i32
        %parallel_loop3A_532 = arith.index_cast %parallel_loop3A_530 : i32 to index
        %parallel_loop3A_533 = arith.index_cast %parallel_loop3A_531 : i32 to index
        %parallel_loop3A_534 = arith.index_cast %parallel_loop3A_275 : i32 to index
        %parallel_loop3A_535 = tpu.vector_load %arg8[%parallel_loop3A_532, %parallel_loop3A_533, %parallel_loop3A_534] {strides = array<i32>} : memref<78x1x256xf32, #tpu.memory_space<vmem>>, vector<16xf32>,
        tpu.vector_store %arg8[%parallel_loop3A_532, %parallel_loop3A_533, %parallel_loop3A_534], %parallel_loop3A_529 {strides = array<i32>} : memref<78x1x256xf32, #tpu.memory_space<vmem>>, vector<16xf32>,
        %parallel_loop3A_536 = arith.constant 11 : i32
        %parallel_loop3A_537 = vector.broadcast %parallel_loop3A_536 : i32 to vector<16xi32>
        %parallel_loop3A_538 = arith.addi %parallel_loop3A_305, %parallel_loop3A_537 : vector<16xi32>
        %parallel_loop3A_539 = tpu.vector_load_idx %arg5[%parallel_loop3A_538] : memref<52800xf32, #tpu.memory_space<vmem>>[vector<16xi32>], vector<16xf32>,
        %parallel_loop3A_540 = arith.constant 50 : i32
        %parallel_loop3A_541 = arith.constant 0 : i32
        %parallel_loop3A_542 = arith.index_cast %parallel_loop3A_540 : i32 to index
        %parallel_loop3A_543 = arith.index_cast %parallel_loop3A_541 : i32 to index
        %parallel_loop3A_544 = arith.index_cast %parallel_loop3A_275 : i32 to index
        %parallel_loop3A_545 = tpu.vector_load %arg8[%parallel_loop3A_542, %parallel_loop3A_543, %parallel_loop3A_544] {strides = array<i32>} : memref<78x1x256xf32, #tpu.memory_space<vmem>>, vector<16xf32>,
        tpu.vector_store %arg8[%parallel_loop3A_542, %parallel_loop3A_543, %parallel_loop3A_544], %parallel_loop3A_539 {strides = array<i32>} : memref<78x1x256xf32, #tpu.memory_space<vmem>>, vector<16xf32>,
        %parallel_loop3A_546 = arith.constant 12 : i32
        %parallel_loop3A_547 = vector.broadcast %parallel_loop3A_546 : i32 to vector<16xi32>
        %parallel_loop3A_548 = arith.addi %parallel_loop3A_301, %parallel_loop3A_547 : vector<16xi32>
        %parallel_loop3A_549 = tpu.vector_load_idx %arg5[%parallel_loop3A_548] : memref<52800xf32, #tpu.memory_space<vmem>>[vector<16xi32>], vector<16xf32>,
        %parallel_loop3A_550 = arith.constant 12 : i32
        %parallel_loop3A_551 = arith.constant 0 : i32
        %parallel_loop3A_552 = arith.index_cast %parallel_loop3A_550 : i32 to index
        %parallel_loop3A_553 = arith.index_cast %parallel_loop3A_551 : i32 to index
        %parallel_loop3A_554 = arith.index_cast %parallel_loop3A_275 : i32 to index
        %parallel_loop3A_555 = tpu.vector_load %arg8[%parallel_loop3A_552, %parallel_loop3A_553, %parallel_loop3A_554] {strides = array<i32>} : memref<78x1x256xf32, #tpu.memory_space<vmem>>, vector<16xf32>,
        tpu.vector_store %arg8[%parallel_loop3A_552, %parallel_loop3A_553, %parallel_loop3A_554], %parallel_loop3A_549 {strides = array<i32>} : memref<78x1x256xf32, #tpu.memory_space<vmem>>, vector<16xf32>,
        %parallel_loop3A_556 = arith.constant 12 : i32
        %parallel_loop3A_557 = vector.broadcast %parallel_loop3A_556 : i32 to vector<16xi32>
        %parallel_loop3A_558 = arith.addi %parallel_loop3A_305, %parallel_loop3A_557 : vector<16xi32>
        %parallel_loop3A_559 = tpu.vector_load_idx %arg5[%parallel_loop3A_558] : memref<52800xf32, #tpu.memory_space<vmem>>[vector<16xi32>], vector<16xf32>,
        %parallel_loop3A_560 = arith.constant 51 : i32
        %parallel_loop3A_561 = arith.constant 0 : i32
        %parallel_loop3A_562 = arith.index_cast %parallel_loop3A_560 : i32 to index
        %parallel_loop3A_563 = arith.index_cast %parallel_loop3A_561 : i32 to index
        %parallel_loop3A_564 = arith.index_cast %parallel_loop3A_275 : i32 to index
        %parallel_loop3A_565 = tpu.vector_load %arg8[%parallel_loop3A_562, %parallel_loop3A_563, %parallel_loop3A_564] {strides = array<i32>} : memref<78x1x256xf32, #tpu.memory_space<vmem>>, vector<16xf32>,
        tpu.vector_store %arg8[%parallel_loop3A_562, %parallel_loop3A_563, %parallel_loop3A_564], %parallel_loop3A_559 {strides = array<i32>} : memref<78x1x256xf32, #tpu.memory_space<vmem>>, vector<16xf32>,
        %parallel_loop3A_566 = arith.constant 13 : i32
        %parallel_loop3A_567 = vector.broadcast %parallel_loop3A_566 : i32 to vector<16xi32>
        %parallel_loop3A_568 = arith.addi %parallel_loop3A_301, %parallel_loop3A_567 : vector<16xi32>
        %parallel_loop3A_569 = tpu.vector_load_idx %arg5[%parallel_loop3A_568] : memref<52800xf32, #tpu.memory_space<vmem>>[vector<16xi32>], vector<16xf32>,
        %parallel_loop3A_570 = arith.constant 13 : i32
        %parallel_loop3A_571 = arith.constant 0 : i32
        %parallel_loop3A_572 = arith.index_cast %parallel_loop3A_570 : i32 to index
        %parallel_loop3A_573 = arith.index_cast %parallel_loop3A_571 : i32 to index
        %parallel_loop3A_574 = arith.index_cast %parallel_loop3A_275 : i32 to index
        %parallel_loop3A_575 = tpu.vector_load %arg8[%parallel_loop3A_572, %parallel_loop3A_573, %parallel_loop3A_574] {strides = array<i32>} : memref<78x1x256xf32, #tpu.memory_space<vmem>>, vector<16xf32>,
        tpu.vector_store %arg8[%parallel_loop3A_572, %parallel_loop3A_573, %parallel_loop3A_574], %parallel_loop3A_569 {strides = array<i32>} : memref<78x1x256xf32, #tpu.memory_space<vmem>>, vector<16xf32>,
        %parallel_loop3A_576 = arith.constant 13 : i32
        %parallel_loop3A_577 = vector.broadcast %parallel_loop3A_576 : i32 to vector<16xi32>
        %parallel_loop3A_578 = arith.addi %parallel_loop3A_305, %parallel_loop3A_577 : vector<16xi32>
        %parallel_loop3A_579 = tpu.vector_load_idx %arg5[%parallel_loop3A_578] : memref<52800xf32, #tpu.memory_space<vmem>>[vector<16xi32>], vector<16xf32>,
        %parallel_loop3A_580 = arith.constant 52 : i32
        %parallel_loop3A_581 = arith.constant 0 : i32
        %parallel_loop3A_582 = arith.index_cast %parallel_loop3A_580 : i32 to index
        %parallel_loop3A_583 = arith.index_cast %parallel_loop3A_581 : i32 to index
        %parallel_loop3A_584 = arith.index_cast %parallel_loop3A_275 : i32 to index
        %parallel_loop3A_585 = tpu.vector_load %arg8[%parallel_loop3A_582, %parallel_loop3A_583, %parallel_loop3A_584] {strides = array<i32>} : memref<78x1x256xf32, #tpu.memory_space<vmem>>, vector<16xf32>,
        tpu.vector_store %arg8[%parallel_loop3A_582, %parallel_loop3A_583, %parallel_loop3A_584], %parallel_loop3A_579 {strides = array<i32>} : memref<78x1x256xf32, #tpu.memory_space<vmem>>, vector<16xf32>,
        %parallel_loop3A_586 = arith.constant 14 : i32
        %parallel_loop3A_587 = vector.broadcast %parallel_loop3A_586 : i32 to vector<16xi32>
        %parallel_loop3A_588 = arith.addi %parallel_loop3A_301, %parallel_loop3A_587 : vector<16xi32>
        %parallel_loop3A_589 = tpu.vector_load_idx %arg5[%parallel_loop3A_588] : memref<52800xf32, #tpu.memory_space<vmem>>[vector<16xi32>], vector<16xf32>,
        %parallel_loop3A_590 = arith.constant 14 : i32
        %parallel_loop3A_591 = arith.constant 0 : i32
        %parallel_loop3A_592 = arith.index_cast %parallel_loop3A_590 : i32 to index
        %parallel_loop3A_593 = arith.index_cast %parallel_loop3A_591 : i32 to index
        %parallel_loop3A_594 = arith.index_cast %parallel_loop3A_275 : i32 to index
        %parallel_loop3A_595 = tpu.vector_load %arg8[%parallel_loop3A_592, %parallel_loop3A_593, %parallel_loop3A_594] {strides = array<i32>} : memref<78x1x256xf32, #tpu.memory_space<vmem>>, vector<16xf32>,
        tpu.vector_store %arg8[%parallel_loop3A_592, %parallel_loop3A_593, %parallel_loop3A_594], %parallel_loop3A_589 {strides = array<i32>} : memref<78x1x256xf32, #tpu.memory_space<vmem>>, vector<16xf32>,
        %parallel_loop3A_596 = arith.constant 14 : i32
        %parallel_loop3A_597 = vector.broadcast %parallel_loop3A_596 : i32 to vector<16xi32>
        %parallel_loop3A_598 = arith.addi %parallel_loop3A_305, %parallel_loop3A_597 : vector<16xi32>
        %parallel_loop3A_599 = tpu.vector_load_idx %arg5[%parallel_loop3A_598] : memref<52800xf32, #tpu.memory_space<vmem>>[vector<16xi32>], vector<16xf32>,
        %parallel_loop3A_600 = arith.constant 53 : i32
        %parallel_loop3A_601 = arith.constant 0 : i32
        %parallel_loop3A_602 = arith.index_cast %parallel_loop3A_600 : i32 to index
        %parallel_loop3A_603 = arith.index_cast %parallel_loop3A_601 : i32 to index
        %parallel_loop3A_604 = arith.index_cast %parallel_loop3A_275 : i32 to index
        %parallel_loop3A_605 = tpu.vector_load %arg8[%parallel_loop3A_602, %parallel_loop3A_603, %parallel_loop3A_604] {strides = array<i32>} : memref<78x1x256xf32, #tpu.memory_space<vmem>>, vector<16xf32>,
        tpu.vector_store %arg8[%parallel_loop3A_602, %parallel_loop3A_603, %parallel_loop3A_604], %parallel_loop3A_599 {strides = array<i32>} : memref<78x1x256xf32, #tpu.memory_space<vmem>>, vector<16xf32>,
        %parallel_loop3A_606 = arith.constant 15 : i32
        %parallel_loop3A_607 = vector.broadcast %parallel_loop3A_606 : i32 to vector<16xi32>
        %parallel_loop3A_608 = arith.addi %parallel_loop3A_301, %parallel_loop3A_607 : vector<16xi32>
        %parallel_loop3A_609 = tpu.vector_load_idx %arg5[%parallel_loop3A_608] : memref<52800xf32, #tpu.memory_space<vmem>>[vector<16xi32>], vector<16xf32>,
        %parallel_loop3A_610 = arith.constant 15 : i32
        %parallel_loop3A_611 = arith.constant 0 : i32
        %parallel_loop3A_612 = arith.index_cast %parallel_loop3A_610 : i32 to index
        %parallel_loop3A_613 = arith.index_cast %parallel_loop3A_611 : i32 to index
        %parallel_loop3A_614 = arith.index_cast %parallel_loop3A_275 : i32 to index
        %parallel_loop3A_615 = tpu.vector_load %arg8[%parallel_loop3A_612, %parallel_loop3A_613, %parallel_loop3A_614] {strides = array<i32>} : memref<78x1x256xf32, #tpu.memory_space<vmem>>, vector<16xf32>,
        tpu.vector_store %arg8[%parallel_loop3A_612, %parallel_loop3A_613, %parallel_loop3A_614], %parallel_loop3A_609 {strides = array<i32>} : memref<78x1x256xf32, #tpu.memory_space<vmem>>, vector<16xf32>,
        %parallel_loop3A_616 = arith.constant 15 : i32
        %parallel_loop3A_617 = vector.broadcast %parallel_loop3A_616 : i32 to vector<16xi32>
        %parallel_loop3A_618 = arith.addi %parallel_loop3A_305, %parallel_loop3A_617 : vector<16xi32>
        %parallel_loop3A_619 = tpu.vector_load_idx %arg5[%parallel_loop3A_618] : memref<52800xf32, #tpu.memory_space<vmem>>[vector<16xi32>], vector<16xf32>,
        %parallel_loop3A_620 = arith.constant 54 : i32
        %parallel_loop3A_621 = arith.constant 0 : i32
        %parallel_loop3A_622 = arith.index_cast %parallel_loop3A_620 : i32 to index
        %parallel_loop3A_623 = arith.index_cast %parallel_loop3A_621 : i32 to index
        %parallel_loop3A_624 = arith.index_cast %parallel_loop3A_275 : i32 to index
        %parallel_loop3A_625 = tpu.vector_load %arg8[%parallel_loop3A_622, %parallel_loop3A_623, %parallel_loop3A_624] {strides = array<i32>} : memref<78x1x256xf32, #tpu.memory_space<vmem>>, vector<16xf32>,
        tpu.vector_store %arg8[%parallel_loop3A_622, %parallel_loop3A_623, %parallel_loop3A_624], %parallel_loop3A_619 {strides = array<i32>} : memref<78x1x256xf32, #tpu.memory_space<vmem>>, vector<16xf32>,
        %parallel_loop3A_626 = arith.constant 16 : i32
        %parallel_loop3A_627 = vector.broadcast %parallel_loop3A_626 : i32 to vector<16xi32>
        %parallel_loop3A_628 = arith.addi %parallel_loop3A_301, %parallel_loop3A_627 : vector<16xi32>
        %parallel_loop3A_629 = tpu.vector_load_idx %arg5[%parallel_loop3A_628] : memref<52800xf32, #tpu.memory_space<vmem>>[vector<16xi32>], vector<16xf32>,
        %parallel_loop3A_630 = arith.constant 16 : i32
        %parallel_loop3A_631 = arith.constant 0 : i32
        %parallel_loop3A_632 = arith.index_cast %parallel_loop3A_630 : i32 to index
        %parallel_loop3A_633 = arith.index_cast %parallel_loop3A_631 : i32 to index
        %parallel_loop3A_634 = arith.index_cast %parallel_loop3A_275 : i32 to index
        %parallel_loop3A_635 = tpu.vector_load %arg8[%parallel_loop3A_632, %parallel_loop3A_633, %parallel_loop3A_634] {strides = array<i32>} : memref<78x1x256xf32, #tpu.memory_space<vmem>>, vector<16xf32>,
        tpu.vector_store %arg8[%parallel_loop3A_632, %parallel_loop3A_633, %parallel_loop3A_634], %parallel_loop3A_629 {strides = array<i32>} : memref<78x1x256xf32, #tpu.memory_space<vmem>>, vector<16xf32>,
        %parallel_loop3A_636 = arith.constant 16 : i32
        %parallel_loop3A_637 = vector.broadcast %parallel_loop3A_636 : i32 to vector<16xi32>
        %parallel_loop3A_638 = arith.addi %parallel_loop3A_305, %parallel_loop3A_637 : vector<16xi32>
        %parallel_loop3A_639 = tpu.vector_load_idx %arg5[%parallel_loop3A_638] : memref<52800xf32, #tpu.memory_space<vmem>>[vector<16xi32>], vector<16xf32>,
        %parallel_loop3A_640 = arith.constant 55 : i32
        %parallel_loop3A_641 = arith.constant 0 : i32
        %parallel_loop3A_642 = arith.index_cast %parallel_loop3A_640 : i32 to index
        %parallel_loop3A_643 = arith.index_cast %parallel_loop3A_641 : i32 to index
        %parallel_loop3A_644 = arith.index_cast %parallel_loop3A_275 : i32 to index
        %parallel_loop3A_645 = tpu.vector_load %arg8[%parallel_loop3A_642, %parallel_loop3A_643, %parallel_loop3A_644] {strides = array<i32>} : memref<78x1x256xf32, #tpu.memory_space<vmem>>, vector<16xf32>,
        tpu.vector_store %arg8[%parallel_loop3A_642, %parallel_loop3A_643, %parallel_loop3A_644], %parallel_loop3A_639 {strides = array<i32>} : memref<78x1x256xf32, #tpu.memory_space<vmem>>, vector<16xf32>,
        %parallel_loop3A_646 = arith.constant 17 : i32
        %parallel_loop3A_647 = vector.broadcast %parallel_loop3A_646 : i32 to vector<16xi32>
        %parallel_loop3A_648 = arith.addi %parallel_loop3A_301, %parallel_loop3A_647 : vector<16xi32>
        %parallel_loop3A_649 = tpu.vector_load_idx %arg5[%parallel_loop3A_648] : memref<52800xf32, #tpu.memory_space<vmem>>[vector<16xi32>], vector<16xf32>,
        %parallel_loop3A_650 = arith.constant 17 : i32
        %parallel_loop3A_651 = arith.constant 0 : i32
        %parallel_loop3A_652 = arith.index_cast %parallel_loop3A_650 : i32 to index
        %parallel_loop3A_653 = arith.index_cast %parallel_loop3A_651 : i32 to index
        %parallel_loop3A_654 = arith.index_cast %parallel_loop3A_275 : i32 to index
        %parallel_loop3A_655 = tpu.vector_load %arg8[%parallel_loop3A_652, %parallel_loop3A_653, %parallel_loop3A_654] {strides = array<i32>} : memref<78x1x256xf32, #tpu.memory_space<vmem>>, vector<16xf32>,
        tpu.vector_store %arg8[%parallel_loop3A_652, %parallel_loop3A_653, %parallel_loop3A_654], %parallel_loop3A_649 {strides = array<i32>} : memref<78x1x256xf32, #tpu.memory_space<vmem>>, vector<16xf32>,
        %parallel_loop3A_656 = arith.constant 17 : i32
        %parallel_loop3A_657 = vector.broadcast %parallel_loop3A_656 : i32 to vector<16xi32>
        %parallel_loop3A_658 = arith.addi %parallel_loop3A_305, %parallel_loop3A_657 : vector<16xi32>
        %parallel_loop3A_659 = tpu.vector_load_idx %arg5[%parallel_loop3A_658] : memref<52800xf32, #tpu.memory_space<vmem>>[vector<16xi32>], vector<16xf32>,
        %parallel_loop3A_660 = arith.constant 56 : i32
        %parallel_loop3A_661 = arith.constant 0 : i32
        %parallel_loop3A_662 = arith.index_cast %parallel_loop3A_660 : i32 to index
        %parallel_loop3A_663 = arith.index_cast %parallel_loop3A_661 : i32 to index
        %parallel_loop3A_664 = arith.index_cast %parallel_loop3A_275 : i32 to index
        %parallel_loop3A_665 = tpu.vector_load %arg8[%parallel_loop3A_662, %parallel_loop3A_663, %parallel_loop3A_664] {strides = array<i32>} : memref<78x1x256xf32, #tpu.memory_space<vmem>>, vector<16xf32>,
        tpu.vector_store %arg8[%parallel_loop3A_662, %parallel_loop3A_663, %parallel_loop3A_664], %parallel_loop3A_659 {strides = array<i32>} : memref<78x1x256xf32, #tpu.memory_space<vmem>>, vector<16xf32>,
        %parallel_loop3A_666 = arith.constant 18 : i32
        %parallel_loop3A_667 = vector.broadcast %parallel_loop3A_666 : i32 to vector<16xi32>
        %parallel_loop3A_668 = arith.addi %parallel_loop3A_301, %parallel_loop3A_667 : vector<16xi32>
        %parallel_loop3A_669 = tpu.vector_load_idx %arg5[%parallel_loop3A_668] : memref<52800xf32, #tpu.memory_space<vmem>>[vector<16xi32>], vector<16xf32>,
        %parallel_loop3A_670 = arith.constant 18 : i32
        %parallel_loop3A_671 = arith.constant 0 : i32
        %parallel_loop3A_672 = arith.index_cast %parallel_loop3A_670 : i32 to index
        %parallel_loop3A_673 = arith.index_cast %parallel_loop3A_671 : i32 to index
        %parallel_loop3A_674 = arith.index_cast %parallel_loop3A_275 : i32 to index
        %parallel_loop3A_675 = tpu.vector_load %arg8[%parallel_loop3A_672, %parallel_loop3A_673, %parallel_loop3A_674] {strides = array<i32>} : memref<78x1x256xf32, #tpu.memory_space<vmem>>, vector<16xf32>,
        tpu.vector_store %arg8[%parallel_loop3A_672, %parallel_loop3A_673, %parallel_loop3A_674], %parallel_loop3A_669 {strides = array<i32>} : memref<78x1x256xf32, #tpu.memory_space<vmem>>, vector<16xf32>,
        %parallel_loop3A_676 = arith.constant 18 : i32
        %parallel_loop3A_677 = vector.broadcast %parallel_loop3A_676 : i32 to vector<16xi32>
        %parallel_loop3A_678 = arith.addi %parallel_loop3A_305, %parallel_loop3A_677 : vector<16xi32>
        %parallel_loop3A_679 = tpu.vector_load_idx %arg5[%parallel_loop3A_678] : memref<52800xf32, #tpu.memory_space<vmem>>[vector<16xi32>], vector<16xf32>,
        %parallel_loop3A_680 = arith.constant 57 : i32
        %parallel_loop3A_681 = arith.constant 0 : i32
        %parallel_loop3A_682 = arith.index_cast %parallel_loop3A_680 : i32 to index
        %parallel_loop3A_683 = arith.index_cast %parallel_loop3A_681 : i32 to index
        %parallel_loop3A_684 = arith.index_cast %parallel_loop3A_275 : i32 to index
        %parallel_loop3A_685 = tpu.vector_load %arg8[%parallel_loop3A_682, %parallel_loop3A_683, %parallel_loop3A_684] {strides = array<i32>} : memref<78x1x256xf32, #tpu.memory_space<vmem>>, vector<16xf32>,
        tpu.vector_store %arg8[%parallel_loop3A_682, %parallel_loop3A_683, %parallel_loop3A_684], %parallel_loop3A_679 {strides = array<i32>} : memref<78x1x256xf32, #tpu.memory_space<vmem>>, vector<16xf32>,
        %parallel_loop3A_686 = arith.constant 19 : i32
        %parallel_loop3A_687 = vector.broadcast %parallel_loop3A_686 : i32 to vector<16xi32>
        %parallel_loop3A_688 = arith.addi %parallel_loop3A_301, %parallel_loop3A_687 : vector<16xi32>
        %parallel_loop3A_689 = tpu.vector_load_idx %arg5[%parallel_loop3A_688] : memref<52800xf32, #tpu.memory_space<vmem>>[vector<16xi32>], vector<16xf32>,
        %parallel_loop3A_690 = arith.constant 19 : i32
        %parallel_loop3A_691 = arith.constant 0 : i32
        %parallel_loop3A_692 = arith.index_cast %parallel_loop3A_690 : i32 to index
        %parallel_loop3A_693 = arith.index_cast %parallel_loop3A_691 : i32 to index
        %parallel_loop3A_694 = arith.index_cast %parallel_loop3A_275 : i32 to index
        %parallel_loop3A_695 = tpu.vector_load %arg8[%parallel_loop3A_692, %parallel_loop3A_693, %parallel_loop3A_694] {strides = array<i32>} : memref<78x1x256xf32, #tpu.memory_space<vmem>>, vector<16xf32>,
        tpu.vector_store %arg8[%parallel_loop3A_692, %parallel_loop3A_693, %parallel_loop3A_694], %parallel_loop3A_689 {strides = array<i32>} : memref<78x1x256xf32, #tpu.memory_space<vmem>>, vector<16xf32>,
        %parallel_loop3A_696 = arith.constant 19 : i32
        %parallel_loop3A_697 = vector.broadcast %parallel_loop3A_696 : i32 to vector<16xi32>
        %parallel_loop3A_698 = arith.addi %parallel_loop3A_305, %parallel_loop3A_697 : vector<16xi32>
        %parallel_loop3A_699 = tpu.vector_load_idx %arg5[%parallel_loop3A_698] : memref<52800xf32, #tpu.memory_space<vmem>>[vector<16xi32>], vector<16xf32>,
        %parallel_loop3A_700 = arith.constant 58 : i32
        %parallel_loop3A_701 = arith.constant 0 : i32
        %parallel_loop3A_702 = arith.index_cast %parallel_loop3A_700 : i32 to index
        %parallel_loop3A_703 = arith.index_cast %parallel_loop3A_701 : i32 to index
        %parallel_loop3A_704 = arith.index_cast %parallel_loop3A_275 : i32 to index
        %parallel_loop3A_705 = tpu.vector_load %arg8[%parallel_loop3A_702, %parallel_loop3A_703, %parallel_loop3A_704] {strides = array<i32>} : memref<78x1x256xf32, #tpu.memory_space<vmem>>, vector<16xf32>,
        tpu.vector_store %arg8[%parallel_loop3A_702, %parallel_loop3A_703, %parallel_loop3A_704], %parallel_loop3A_699 {strides = array<i32>} : memref<78x1x256xf32, #tpu.memory_space<vmem>>, vector<16xf32>,
        %parallel_loop3A_706 = arith.constant 20 : i32
        %parallel_loop3A_707 = vector.broadcast %parallel_loop3A_706 : i32 to vector<16xi32>
        %parallel_loop3A_708 = arith.addi %parallel_loop3A_301, %parallel_loop3A_707 : vector<16xi32>
        %parallel_loop3A_709 = tpu.vector_load_idx %arg5[%parallel_loop3A_708] : memref<52800xf32, #tpu.memory_space<vmem>>[vector<16xi32>], vector<16xf32>,
        %parallel_loop3A_710 = arith.constant 20 : i32
        %parallel_loop3A_711 = arith.constant 0 : i32
        %parallel_loop3A_712 = arith.index_cast %parallel_loop3A_710 : i32 to index
        %parallel_loop3A_713 = arith.index_cast %parallel_loop3A_711 : i32 to index
        %parallel_loop3A_714 = arith.index_cast %parallel_loop3A_275 : i32 to index
        %parallel_loop3A_715 = tpu.vector_load %arg8[%parallel_loop3A_712, %parallel_loop3A_713, %parallel_loop3A_714] {strides = array<i32>} : memref<78x1x256xf32, #tpu.memory_space<vmem>>, vector<16xf32>,
        tpu.vector_store %arg8[%parallel_loop3A_712, %parallel_loop3A_713, %parallel_loop3A_714], %parallel_loop3A_709 {strides = array<i32>} : memref<78x1x256xf32, #tpu.memory_space<vmem>>, vector<16xf32>,
        %parallel_loop3A_716 = arith.constant 20 : i32
        %parallel_loop3A_717 = vector.broadcast %parallel_loop3A_716 : i32 to vector<16xi32>
        %parallel_loop3A_718 = arith.addi %parallel_loop3A_305, %parallel_loop3A_717 : vector<16xi32>
        %parallel_loop3A_719 = tpu.vector_load_idx %arg5[%parallel_loop3A_718] : memref<52800xf32, #tpu.memory_space<vmem>>[vector<16xi32>], vector<16xf32>,
        %parallel_loop3A_720 = arith.constant 59 : i32
        %parallel_loop3A_721 = arith.constant 0 : i32
        %parallel_loop3A_722 = arith.index_cast %parallel_loop3A_720 : i32 to index
        %parallel_loop3A_723 = arith.index_cast %parallel_loop3A_721 : i32 to index
        %parallel_loop3A_724 = arith.index_cast %parallel_loop3A_275 : i32 to index
        %parallel_loop3A_725 = tpu.vector_load %arg8[%parallel_loop3A_722, %parallel_loop3A_723, %parallel_loop3A_724] {strides = array<i32>} : memref<78x1x256xf32, #tpu.memory_space<vmem>>, vector<16xf32>,
        tpu.vector_store %arg8[%parallel_loop3A_722, %parallel_loop3A_723, %parallel_loop3A_724], %parallel_loop3A_719 {strides = array<i32>} : memref<78x1x256xf32, #tpu.memory_space<vmem>>, vector<16xf32>,
        %parallel_loop3A_726 = arith.constant 21 : i32
        %parallel_loop3A_727 = vector.broadcast %parallel_loop3A_726 : i32 to vector<16xi32>
        %parallel_loop3A_728 = arith.addi %parallel_loop3A_301, %parallel_loop3A_727 : vector<16xi32>
        %parallel_loop3A_729 = tpu.vector_load_idx %arg5[%parallel_loop3A_728] : memref<52800xf32, #tpu.memory_space<vmem>>[vector<16xi32>], vector<16xf32>,
        %parallel_loop3A_730 = arith.constant 21 : i32
        %parallel_loop3A_731 = arith.constant 0 : i32
        %parallel_loop3A_732 = arith.index_cast %parallel_loop3A_730 : i32 to index
        %parallel_loop3A_733 = arith.index_cast %parallel_loop3A_731 : i32 to index
        %parallel_loop3A_734 = arith.index_cast %parallel_loop3A_275 : i32 to index
        %parallel_loop3A_735 = tpu.vector_load %arg8[%parallel_loop3A_732, %parallel_loop3A_733, %parallel_loop3A_734] {strides = array<i32>} : memref<78x1x256xf32, #tpu.memory_space<vmem>>, vector<16xf32>,
        tpu.vector_store %arg8[%parallel_loop3A_732, %parallel_loop3A_733, %parallel_loop3A_734], %parallel_loop3A_729 {strides = array<i32>} : memref<78x1x256xf32, #tpu.memory_space<vmem>>, vector<16xf32>,
        %parallel_loop3A_736 = arith.constant 21 : i32
        %parallel_loop3A_737 = vector.broadcast %parallel_loop3A_736 : i32 to vector<16xi32>
        %parallel_loop3A_738 = arith.addi %parallel_loop3A_305, %parallel_loop3A_737 : vector<16xi32>
        %parallel_loop3A_739 = tpu.vector_load_idx %arg5[%parallel_loop3A_738] : memref<52800xf32, #tpu.memory_space<vmem>>[vector<16xi32>], vector<16xf32>,
        %parallel_loop3A_740 = arith.constant 60 : i32
        %parallel_loop3A_741 = arith.constant 0 : i32
        %parallel_loop3A_742 = arith.index_cast %parallel_loop3A_740 : i32 to index
        %parallel_loop3A_743 = arith.index_cast %parallel_loop3A_741 : i32 to index
        %parallel_loop3A_744 = arith.index_cast %parallel_loop3A_275 : i32 to index
        %parallel_loop3A_745 = tpu.vector_load %arg8[%parallel_loop3A_742, %parallel_loop3A_743, %parallel_loop3A_744] {strides = array<i32>} : memref<78x1x256xf32, #tpu.memory_space<vmem>>, vector<16xf32>,
        tpu.vector_store %arg8[%parallel_loop3A_742, %parallel_loop3A_743, %parallel_loop3A_744], %parallel_loop3A_739 {strides = array<i32>} : memref<78x1x256xf32, #tpu.memory_space<vmem>>, vector<16xf32>,
        %parallel_loop3A_746 = arith.constant 22 : i32
        %parallel_loop3A_747 = vector.broadcast %parallel_loop3A_746 : i32 to vector<16xi32>
        %parallel_loop3A_748 = arith.addi %parallel_loop3A_301, %parallel_loop3A_747 : vector<16xi32>
        %parallel_loop3A_749 = tpu.vector_load_idx %arg5[%parallel_loop3A_748] : memref<52800xf32, #tpu.memory_space<vmem>>[vector<16xi32>], vector<16xf32>,
        %parallel_loop3A_750 = arith.constant 22 : i32
        %parallel_loop3A_751 = arith.constant 0 : i32
        %parallel_loop3A_752 = arith.index_cast %parallel_loop3A_750 : i32 to index
        %parallel_loop3A_753 = arith.index_cast %parallel_loop3A_751 : i32 to index
        %parallel_loop3A_754 = arith.index_cast %parallel_loop3A_275 : i32 to index
        %parallel_loop3A_755 = tpu.vector_load %arg8[%parallel_loop3A_752, %parallel_loop3A_753, %parallel_loop3A_754] {strides = array<i32>} : memref<78x1x256xf32, #tpu.memory_space<vmem>>, vector<16xf32>,
        tpu.vector_store %arg8[%parallel_loop3A_752, %parallel_loop3A_753, %parallel_loop3A_754], %parallel_loop3A_749 {strides = array<i32>} : memref<78x1x256xf32, #tpu.memory_space<vmem>>, vector<16xf32>,
        %parallel_loop3A_756 = arith.constant 22 : i32
        %parallel_loop3A_757 = vector.broadcast %parallel_loop3A_756 : i32 to vector<16xi32>
        %parallel_loop3A_758 = arith.addi %parallel_loop3A_305, %parallel_loop3A_757 : vector<16xi32>
        %parallel_loop3A_759 = tpu.vector_load_idx %arg5[%parallel_loop3A_758] : memref<52800xf32, #tpu.memory_space<vmem>>[vector<16xi32>], vector<16xf32>,
        %parallel_loop3A_760 = arith.constant 61 : i32
        %parallel_loop3A_761 = arith.constant 0 : i32
        %parallel_loop3A_762 = arith.index_cast %parallel_loop3A_760 : i32 to index
        %parallel_loop3A_763 = arith.index_cast %parallel_loop3A_761 : i32 to index
        %parallel_loop3A_764 = arith.index_cast %parallel_loop3A_275 : i32 to index
        %parallel_loop3A_765 = tpu.vector_load %arg8[%parallel_loop3A_762, %parallel_loop3A_763, %parallel_loop3A_764] {strides = array<i32>} : memref<78x1x256xf32, #tpu.memory_space<vmem>>, vector<16xf32>,
        tpu.vector_store %arg8[%parallel_loop3A_762, %parallel_loop3A_763, %parallel_loop3A_764], %parallel_loop3A_759 {strides = array<i32>} : memref<78x1x256xf32, #tpu.memory_space<vmem>>, vector<16xf32>,
        %parallel_loop3A_766 = arith.constant 23 : i32
        %parallel_loop3A_767 = vector.broadcast %parallel_loop3A_766 : i32 to vector<16xi32>
        %parallel_loop3A_768 = arith.addi %parallel_loop3A_301, %parallel_loop3A_767 : vector<16xi32>
        %parallel_loop3A_769 = tpu.vector_load_idx %arg5[%parallel_loop3A_768] : memref<52800xf32, #tpu.memory_space<vmem>>[vector<16xi32>], vector<16xf32>,
        %parallel_loop3A_770 = arith.constant 23 : i32
        %parallel_loop3A_771 = arith.constant 0 : i32
        %parallel_loop3A_772 = arith.index_cast %parallel_loop3A_770 : i32 to index
        %parallel_loop3A_773 = arith.index_cast %parallel_loop3A_771 : i32 to index
        %parallel_loop3A_774 = arith.index_cast %parallel_loop3A_275 : i32 to index
        %parallel_loop3A_775 = tpu.vector_load %arg8[%parallel_loop3A_772, %parallel_loop3A_773, %parallel_loop3A_774] {strides = array<i32>} : memref<78x1x256xf32, #tpu.memory_space<vmem>>, vector<16xf32>,
        tpu.vector_store %arg8[%parallel_loop3A_772, %parallel_loop3A_773, %parallel_loop3A_774], %parallel_loop3A_769 {strides = array<i32>} : memref<78x1x256xf32, #tpu.memory_space<vmem>>, vector<16xf32>,
        %parallel_loop3A_776 = arith.constant 23 : i32
        %parallel_loop3A_777 = vector.broadcast %parallel_loop3A_776 : i32 to vector<16xi32>
        %parallel_loop3A_778 = arith.addi %parallel_loop3A_305, %parallel_loop3A_777 : vector<16xi32>
        %parallel_loop3A_779 = tpu.vector_load_idx %arg5[%parallel_loop3A_778] : memref<52800xf32, #tpu.memory_space<vmem>>[vector<16xi32>], vector<16xf32>,
        %parallel_loop3A_780 = arith.constant 62 : i32
        %parallel_loop3A_781 = arith.constant 0 : i32
        %parallel_loop3A_782 = arith.index_cast %parallel_loop3A_780 : i32 to index
        %parallel_loop3A_783 = arith.index_cast %parallel_loop3A_781 : i32 to index
        %parallel_loop3A_784 = arith.index_cast %parallel_loop3A_275 : i32 to index
        %parallel_loop3A_785 = tpu.vector_load %arg8[%parallel_loop3A_782, %parallel_loop3A_783, %parallel_loop3A_784] {strides = array<i32>} : memref<78x1x256xf32, #tpu.memory_space<vmem>>, vector<16xf32>,
        tpu.vector_store %arg8[%parallel_loop3A_782, %parallel_loop3A_783, %parallel_loop3A_784], %parallel_loop3A_779 {strides = array<i32>} : memref<78x1x256xf32, #tpu.memory_space<vmem>>, vector<16xf32>,
        %parallel_loop3A_786 = arith.constant 24 : i32
        %parallel_loop3A_787 = vector.broadcast %parallel_loop3A_786 : i32 to vector<16xi32>
        %parallel_loop3A_788 = arith.addi %parallel_loop3A_301, %parallel_loop3A_787 : vector<16xi32>
        %parallel_loop3A_789 = tpu.vector_load_idx %arg5[%parallel_loop3A_788] : memref<52800xf32, #tpu.memory_space<vmem>>[vector<16xi32>], vector<16xf32>,
        %parallel_loop3A_790 = arith.constant 24 : i32
        %parallel_loop3A_791 = arith.constant 0 : i32
        %parallel_loop3A_792 = arith.index_cast %parallel_loop3A_790 : i32 to index
        %parallel_loop3A_793 = arith.index_cast %parallel_loop3A_791 : i32 to index
        %parallel_loop3A_794 = arith.index_cast %parallel_loop3A_275 : i32 to index
        %parallel_loop3A_795 = tpu.vector_load %arg8[%parallel_loop3A_792, %parallel_loop3A_793, %parallel_loop3A_794] {strides = array<i32>} : memref<78x1x256xf32, #tpu.memory_space<vmem>>, vector<16xf32>,
        tpu.vector_store %arg8[%parallel_loop3A_792, %parallel_loop3A_793, %parallel_loop3A_794], %parallel_loop3A_789 {strides = array<i32>} : memref<78x1x256xf32, #tpu.memory_space<vmem>>, vector<16xf32>,
        %parallel_loop3A_796 = arith.constant 24 : i32
        %parallel_loop3A_797 = vector.broadcast %parallel_loop3A_796 : i32 to vector<16xi32>
        %parallel_loop3A_798 = arith.addi %parallel_loop3A_305, %parallel_loop3A_797 : vector<16xi32>
        %parallel_loop3A_799 = tpu.vector_load_idx %arg5[%parallel_loop3A_798] : memref<52800xf32, #tpu.memory_space<vmem>>[vector<16xi32>], vector<16xf32>,
        %parallel_loop3A_800 = arith.constant 63 : i32
        %parallel_loop3A_801 = arith.constant 0 : i32
        %parallel_loop3A_802 = arith.index_cast %parallel_loop3A_800 : i32 to index
        %parallel_loop3A_803 = arith.index_cast %parallel_loop3A_801 : i32 to index
        %parallel_loop3A_804 = arith.index_cast %parallel_loop3A_275 : i32 to index
        %parallel_loop3A_805 = tpu.vector_load %arg8[%parallel_loop3A_802, %parallel_loop3A_803, %parallel_loop3A_804] {strides = array<i32>} : memref<78x1x256xf32, #tpu.memory_space<vmem>>, vector<16xf32>,
        tpu.vector_store %arg8[%parallel_loop3A_802, %parallel_loop3A_803, %parallel_loop3A_804], %parallel_loop3A_799 {strides = array<i32>} : memref<78x1x256xf32, #tpu.memory_space<vmem>>, vector<16xf32>,
        %parallel_loop3A_806 = arith.constant 25 : i32
        %parallel_loop3A_807 = vector.broadcast %parallel_loop3A_806 : i32 to vector<16xi32>
        %parallel_loop3A_808 = arith.addi %parallel_loop3A_301, %parallel_loop3A_807 : vector<16xi32>
        %parallel_loop3A_809 = tpu.vector_load_idx %arg5[%parallel_loop3A_808] : memref<52800xf32, #tpu.memory_space<vmem>>[vector<16xi32>], vector<16xf32>,
        %parallel_loop3A_810 = arith.constant 25 : i32
        %parallel_loop3A_811 = arith.constant 0 : i32
        %parallel_loop3A_812 = arith.index_cast %parallel_loop3A_810 : i32 to index
        %parallel_loop3A_813 = arith.index_cast %parallel_loop3A_811 : i32 to index
        %parallel_loop3A_814 = arith.index_cast %parallel_loop3A_275 : i32 to index
        %parallel_loop3A_815 = tpu.vector_load %arg8[%parallel_loop3A_812, %parallel_loop3A_813, %parallel_loop3A_814] {strides = array<i32>} : memref<78x1x256xf32, #tpu.memory_space<vmem>>, vector<16xf32>,
        tpu.vector_store %arg8[%parallel_loop3A_812, %parallel_loop3A_813, %parallel_loop3A_814], %parallel_loop3A_809 {strides = array<i32>} : memref<78x1x256xf32, #tpu.memory_space<vmem>>, vector<16xf32>,
        %parallel_loop3A_816 = arith.constant 25 : i32
        %parallel_loop3A_817 = vector.broadcast %parallel_loop3A_816 : i32 to vector<16xi32>
        %parallel_loop3A_818 = arith.addi %parallel_loop3A_305, %parallel_loop3A_817 : vector<16xi32>
        %parallel_loop3A_819 = tpu.vector_load_idx %arg5[%parallel_loop3A_818] : memref<52800xf32, #tpu.memory_space<vmem>>[vector<16xi32>], vector<16xf32>,
        %parallel_loop3A_820 = arith.constant 64 : i32
        %parallel_loop3A_821 = arith.constant 0 : i32
        %parallel_loop3A_822 = arith.index_cast %parallel_loop3A_820 : i32 to index
        %parallel_loop3A_823 = arith.index_cast %parallel_loop3A_821 : i32 to index
        %parallel_loop3A_824 = arith.index_cast %parallel_loop3A_275 : i32 to index
        %parallel_loop3A_825 = tpu.vector_load %arg8[%parallel_loop3A_822, %parallel_loop3A_823, %parallel_loop3A_824] {strides = array<i32>} : memref<78x1x256xf32, #tpu.memory_space<vmem>>, vector<16xf32>,
        tpu.vector_store %arg8[%parallel_loop3A_822, %parallel_loop3A_823, %parallel_loop3A_824], %parallel_loop3A_819 {strides = array<i32>} : memref<78x1x256xf32, #tpu.memory_space<vmem>>, vector<16xf32>,
        %parallel_loop3A_826 = arith.constant 26 : i32
        %parallel_loop3A_827 = vector.broadcast %parallel_loop3A_826 : i32 to vector<16xi32>
        %parallel_loop3A_828 = arith.addi %parallel_loop3A_301, %parallel_loop3A_827 : vector<16xi32>
        %parallel_loop3A_829 = tpu.vector_load_idx %arg5[%parallel_loop3A_828] : memref<52800xf32, #tpu.memory_space<vmem>>[vector<16xi32>], vector<16xf32>,
        %parallel_loop3A_830 = arith.constant 26 : i32
        %parallel_loop3A_831 = arith.constant 0 : i32
        %parallel_loop3A_832 = arith.index_cast %parallel_loop3A_830 : i32 to index
        %parallel_loop3A_833 = arith.index_cast %parallel_loop3A_831 : i32 to index
        %parallel_loop3A_834 = arith.index_cast %parallel_loop3A_275 : i32 to index
        %parallel_loop3A_835 = tpu.vector_load %arg8[%parallel_loop3A_832, %parallel_loop3A_833, %parallel_loop3A_834] {strides = array<i32>} : memref<78x1x256xf32, #tpu.memory_space<vmem>>, vector<16xf32>,
        tpu.vector_store %arg8[%parallel_loop3A_832, %parallel_loop3A_833, %parallel_loop3A_834], %parallel_loop3A_829 {strides = array<i32>} : memref<78x1x256xf32, #tpu.memory_space<vmem>>, vector<16xf32>,
        %parallel_loop3A_836 = arith.constant 26 : i32
        %parallel_loop3A_837 = vector.broadcast %parallel_loop3A_836 : i32 to vector<16xi32>
        %parallel_loop3A_838 = arith.addi %parallel_loop3A_305, %parallel_loop3A_837 : vector<16xi32>
        %parallel_loop3A_839 = tpu.vector_load_idx %arg5[%parallel_loop3A_838] : memref<52800xf32, #tpu.memory_space<vmem>>[vector<16xi32>], vector<16xf32>,
        %parallel_loop3A_840 = arith.constant 65 : i32
        %parallel_loop3A_841 = arith.constant 0 : i32
        %parallel_loop3A_842 = arith.index_cast %parallel_loop3A_840 : i32 to index
        %parallel_loop3A_843 = arith.index_cast %parallel_loop3A_841 : i32 to index
        %parallel_loop3A_844 = arith.index_cast %parallel_loop3A_275 : i32 to index
        %parallel_loop3A_845 = tpu.vector_load %arg8[%parallel_loop3A_842, %parallel_loop3A_843, %parallel_loop3A_844] {strides = array<i32>} : memref<78x1x256xf32, #tpu.memory_space<vmem>>, vector<16xf32>,
        tpu.vector_store %arg8[%parallel_loop3A_842, %parallel_loop3A_843, %parallel_loop3A_844], %parallel_loop3A_839 {strides = array<i32>} : memref<78x1x256xf32, #tpu.memory_space<vmem>>, vector<16xf32>,
        %parallel_loop3A_846 = arith.constant 27 : i32
        %parallel_loop3A_847 = vector.broadcast %parallel_loop3A_846 : i32 to vector<16xi32>
        %parallel_loop3A_848 = arith.addi %parallel_loop3A_301, %parallel_loop3A_847 : vector<16xi32>
        %parallel_loop3A_849 = tpu.vector_load_idx %arg5[%parallel_loop3A_848] : memref<52800xf32, #tpu.memory_space<vmem>>[vector<16xi32>], vector<16xf32>,
        %parallel_loop3A_850 = arith.constant 27 : i32
        %parallel_loop3A_851 = arith.constant 0 : i32
        %parallel_loop3A_852 = arith.index_cast %parallel_loop3A_850 : i32 to index
        %parallel_loop3A_853 = arith.index_cast %parallel_loop3A_851 : i32 to index
        %parallel_loop3A_854 = arith.index_cast %parallel_loop3A_275 : i32 to index
        %parallel_loop3A_855 = tpu.vector_load %arg8[%parallel_loop3A_852, %parallel_loop3A_853, %parallel_loop3A_854] {strides = array<i32>} : memref<78x1x256xf32, #tpu.memory_space<vmem>>, vector<16xf32>,
        tpu.vector_store %arg8[%parallel_loop3A_852, %parallel_loop3A_853, %parallel_loop3A_854], %parallel_loop3A_849 {strides = array<i32>} : memref<78x1x256xf32, #tpu.memory_space<vmem>>, vector<16xf32>,
        %parallel_loop3A_856 = arith.constant 27 : i32
        %parallel_loop3A_857 = vector.broadcast %parallel_loop3A_856 : i32 to vector<16xi32>
        %parallel_loop3A_858 = arith.addi %parallel_loop3A_305, %parallel_loop3A_857 : vector<16xi32>
        %parallel_loop3A_859 = tpu.vector_load_idx %arg5[%parallel_loop3A_858] : memref<52800xf32, #tpu.memory_space<vmem>>[vector<16xi32>], vector<16xf32>,
        %parallel_loop3A_860 = arith.constant 66 : i32
        %parallel_loop3A_861 = arith.constant 0 : i32
        %parallel_loop3A_862 = arith.index_cast %parallel_loop3A_860 : i32 to index
        %parallel_loop3A_863 = arith.index_cast %parallel_loop3A_861 : i32 to index
        %parallel_loop3A_864 = arith.index_cast %parallel_loop3A_275 : i32 to index
        %parallel_loop3A_865 = tpu.vector_load %arg8[%parallel_loop3A_862, %parallel_loop3A_863, %parallel_loop3A_864] {strides = array<i32>} : memref<78x1x256xf32, #tpu.memory_space<vmem>>, vector<16xf32>,
        tpu.vector_store %arg8[%parallel_loop3A_862, %parallel_loop3A_863, %parallel_loop3A_864], %parallel_loop3A_859 {strides = array<i32>} : memref<78x1x256xf32, #tpu.memory_space<vmem>>, vector<16xf32>,
        %parallel_loop3A_866 = arith.constant 28 : i32
        %parallel_loop3A_867 = vector.broadcast %parallel_loop3A_866 : i32 to vector<16xi32>
        %parallel_loop3A_868 = arith.addi %parallel_loop3A_301, %parallel_loop3A_867 : vector<16xi32>
        %parallel_loop3A_869 = tpu.vector_load_idx %arg5[%parallel_loop3A_868] : memref<52800xf32, #tpu.memory_space<vmem>>[vector<16xi32>], vector<16xf32>,
        %parallel_loop3A_870 = arith.constant 28 : i32
        %parallel_loop3A_871 = arith.constant 0 : i32
        %parallel_loop3A_872 = arith.index_cast %parallel_loop3A_870 : i32 to index
        %parallel_loop3A_873 = arith.index_cast %parallel_loop3A_871 : i32 to index
        %parallel_loop3A_874 = arith.index_cast %parallel_loop3A_275 : i32 to index
        %parallel_loop3A_875 = tpu.vector_load %arg8[%parallel_loop3A_872, %parallel_loop3A_873, %parallel_loop3A_874] {strides = array<i32>} : memref<78x1x256xf32, #tpu.memory_space<vmem>>, vector<16xf32>,
        tpu.vector_store %arg8[%parallel_loop3A_872, %parallel_loop3A_873, %parallel_loop3A_874], %parallel_loop3A_869 {strides = array<i32>} : memref<78x1x256xf32, #tpu.memory_space<vmem>>, vector<16xf32>,
        %parallel_loop3A_876 = arith.constant 28 : i32
        %parallel_loop3A_877 = vector.broadcast %parallel_loop3A_876 : i32 to vector<16xi32>
        %parallel_loop3A_878 = arith.addi %parallel_loop3A_305, %parallel_loop3A_877 : vector<16xi32>
        %parallel_loop3A_879 = tpu.vector_load_idx %arg5[%parallel_loop3A_878] : memref<52800xf32, #tpu.memory_space<vmem>>[vector<16xi32>], vector<16xf32>,
        %parallel_loop3A_880 = arith.constant 67 : i32
        %parallel_loop3A_881 = arith.constant 0 : i32
        %parallel_loop3A_882 = arith.index_cast %parallel_loop3A_880 : i32 to index
        %parallel_loop3A_883 = arith.index_cast %parallel_loop3A_881 : i32 to index
        %parallel_loop3A_884 = arith.index_cast %parallel_loop3A_275 : i32 to index
        %parallel_loop3A_885 = tpu.vector_load %arg8[%parallel_loop3A_882, %parallel_loop3A_883, %parallel_loop3A_884] {strides = array<i32>} : memref<78x1x256xf32, #tpu.memory_space<vmem>>, vector<16xf32>,
        tpu.vector_store %arg8[%parallel_loop3A_882, %parallel_loop3A_883, %parallel_loop3A_884], %parallel_loop3A_879 {strides = array<i32>} : memref<78x1x256xf32, #tpu.memory_space<vmem>>, vector<16xf32>,
        %parallel_loop3A_886 = arith.constant 29 : i32
        %parallel_loop3A_887 = vector.broadcast %parallel_loop3A_886 : i32 to vector<16xi32>
        %parallel_loop3A_888 = arith.addi %parallel_loop3A_301, %parallel_loop3A_887 : vector<16xi32>
        %parallel_loop3A_889 = tpu.vector_load_idx %arg5[%parallel_loop3A_888] : memref<52800xf32, #tpu.memory_space<vmem>>[vector<16xi32>], vector<16xf32>,
        %parallel_loop3A_890 = arith.constant 29 : i32
        %parallel_loop3A_891 = arith.constant 0 : i32
        %parallel_loop3A_892 = arith.index_cast %parallel_loop3A_890 : i32 to index
        %parallel_loop3A_893 = arith.index_cast %parallel_loop3A_891 : i32 to index
        %parallel_loop3A_894 = arith.index_cast %parallel_loop3A_275 : i32 to index
        %parallel_loop3A_895 = tpu.vector_load %arg8[%parallel_loop3A_892, %parallel_loop3A_893, %parallel_loop3A_894] {strides = array<i32>} : memref<78x1x256xf32, #tpu.memory_space<vmem>>, vector<16xf32>,
        tpu.vector_store %arg8[%parallel_loop3A_892, %parallel_loop3A_893, %parallel_loop3A_894], %parallel_loop3A_889 {strides = array<i32>} : memref<78x1x256xf32, #tpu.memory_space<vmem>>, vector<16xf32>,
        %parallel_loop3A_896 = arith.constant 29 : i32
        %parallel_loop3A_897 = vector.broadcast %parallel_loop3A_896 : i32 to vector<16xi32>
        %parallel_loop3A_898 = arith.addi %parallel_loop3A_305, %parallel_loop3A_897 : vector<16xi32>
        %parallel_loop3A_899 = tpu.vector_load_idx %arg5[%parallel_loop3A_898] : memref<52800xf32, #tpu.memory_space<vmem>>[vector<16xi32>], vector<16xf32>,
        %parallel_loop3A_900 = arith.constant 68 : i32
        %parallel_loop3A_901 = arith.constant 0 : i32
        %parallel_loop3A_902 = arith.index_cast %parallel_loop3A_900 : i32 to index
        %parallel_loop3A_903 = arith.index_cast %parallel_loop3A_901 : i32 to index
        %parallel_loop3A_904 = arith.index_cast %parallel_loop3A_275 : i32 to index
        %parallel_loop3A_905 = tpu.vector_load %arg8[%parallel_loop3A_902, %parallel_loop3A_903, %parallel_loop3A_904] {strides = array<i32>} : memref<78x1x256xf32, #tpu.memory_space<vmem>>, vector<16xf32>,
        tpu.vector_store %arg8[%parallel_loop3A_902, %parallel_loop3A_903, %parallel_loop3A_904], %parallel_loop3A_899 {strides = array<i32>} : memref<78x1x256xf32, #tpu.memory_space<vmem>>, vector<16xf32>,
        %parallel_loop3A_906 = arith.constant 30 : i32
        %parallel_loop3A_907 = vector.broadcast %parallel_loop3A_906 : i32 to vector<16xi32>
        %parallel_loop3A_908 = arith.addi %parallel_loop3A_301, %parallel_loop3A_907 : vector<16xi32>
        %parallel_loop3A_909 = tpu.vector_load_idx %arg5[%parallel_loop3A_908] : memref<52800xf32, #tpu.memory_space<vmem>>[vector<16xi32>], vector<16xf32>,
        %parallel_loop3A_910 = arith.constant 30 : i32
        %parallel_loop3A_911 = arith.constant 0 : i32
        %parallel_loop3A_912 = arith.index_cast %parallel_loop3A_910 : i32 to index
        %parallel_loop3A_913 = arith.index_cast %parallel_loop3A_911 : i32 to index
        %parallel_loop3A_914 = arith.index_cast %parallel_loop3A_275 : i32 to index
        %parallel_loop3A_915 = tpu.vector_load %arg8[%parallel_loop3A_912, %parallel_loop3A_913, %parallel_loop3A_914] {strides = array<i32>} : memref<78x1x256xf32, #tpu.memory_space<vmem>>, vector<16xf32>,
        tpu.vector_store %arg8[%parallel_loop3A_912, %parallel_loop3A_913, %parallel_loop3A_914], %parallel_loop3A_909 {strides = array<i32>} : memref<78x1x256xf32, #tpu.memory_space<vmem>>, vector<16xf32>,
        %parallel_loop3A_916 = arith.constant 30 : i32
        %parallel_loop3A_917 = vector.broadcast %parallel_loop3A_916 : i32 to vector<16xi32>
        %parallel_loop3A_918 = arith.addi %parallel_loop3A_305, %parallel_loop3A_917 : vector<16xi32>
        %parallel_loop3A_919 = tpu.vector_load_idx %arg5[%parallel_loop3A_918] : memref<52800xf32, #tpu.memory_space<vmem>>[vector<16xi32>], vector<16xf32>,
        %parallel_loop3A_920 = arith.constant 69 : i32
        %parallel_loop3A_921 = arith.constant 0 : i32
        %parallel_loop3A_922 = arith.index_cast %parallel_loop3A_920 : i32 to index
        %parallel_loop3A_923 = arith.index_cast %parallel_loop3A_921 : i32 to index
        %parallel_loop3A_924 = arith.index_cast %parallel_loop3A_275 : i32 to index
        %parallel_loop3A_925 = tpu.vector_load %arg8[%parallel_loop3A_922, %parallel_loop3A_923, %parallel_loop3A_924] {strides = array<i32>} : memref<78x1x256xf32, #tpu.memory_space<vmem>>, vector<16xf32>,
        tpu.vector_store %arg8[%parallel_loop3A_922, %parallel_loop3A_923, %parallel_loop3A_924], %parallel_loop3A_919 {strides = array<i32>} : memref<78x1x256xf32, #tpu.memory_space<vmem>>, vector<16xf32>,
        %parallel_loop3A_926 = arith.constant 31 : i32
        %parallel_loop3A_927 = vector.broadcast %parallel_loop3A_926 : i32 to vector<16xi32>
        %parallel_loop3A_928 = arith.addi %parallel_loop3A_301, %parallel_loop3A_927 : vector<16xi32>
        %parallel_loop3A_929 = tpu.vector_load_idx %arg5[%parallel_loop3A_928] : memref<52800xf32, #tpu.memory_space<vmem>>[vector<16xi32>], vector<16xf32>,
        %parallel_loop3A_930 = arith.constant 31 : i32
        %parallel_loop3A_931 = arith.constant 0 : i32
        %parallel_loop3A_932 = arith.index_cast %parallel_loop3A_930 : i32 to index
        %parallel_loop3A_933 = arith.index_cast %parallel_loop3A_931 : i32 to index
        %parallel_loop3A_934 = arith.index_cast %parallel_loop3A_275 : i32 to index
        %parallel_loop3A_935 = tpu.vector_load %arg8[%parallel_loop3A_932, %parallel_loop3A_933, %parallel_loop3A_934] {strides = array<i32>} : memref<78x1x256xf32, #tpu.memory_space<vmem>>, vector<16xf32>,
        tpu.vector_store %arg8[%parallel_loop3A_932, %parallel_loop3A_933, %parallel_loop3A_934], %parallel_loop3A_929 {strides = array<i32>} : memref<78x1x256xf32, #tpu.memory_space<vmem>>, vector<16xf32>,
        %parallel_loop3A_936 = arith.constant 31 : i32
        %parallel_loop3A_937 = vector.broadcast %parallel_loop3A_936 : i32 to vector<16xi32>
        %parallel_loop3A_938 = arith.addi %parallel_loop3A_305, %parallel_loop3A_937 : vector<16xi32>
        %parallel_loop3A_939 = tpu.vector_load_idx %arg5[%parallel_loop3A_938] : memref<52800xf32, #tpu.memory_space<vmem>>[vector<16xi32>], vector<16xf32>,
        %parallel_loop3A_940 = arith.constant 70 : i32
        %parallel_loop3A_941 = arith.constant 0 : i32
        %parallel_loop3A_942 = arith.index_cast %parallel_loop3A_940 : i32 to index
        %parallel_loop3A_943 = arith.index_cast %parallel_loop3A_941 : i32 to index
        %parallel_loop3A_944 = arith.index_cast %parallel_loop3A_275 : i32 to index
        %parallel_loop3A_945 = tpu.vector_load %arg8[%parallel_loop3A_942, %parallel_loop3A_943, %parallel_loop3A_944] {strides = array<i32>} : memref<78x1x256xf32, #tpu.memory_space<vmem>>, vector<16xf32>,
        tpu.vector_store %arg8[%parallel_loop3A_942, %parallel_loop3A_943, %parallel_loop3A_944], %parallel_loop3A_939 {strides = array<i32>} : memref<78x1x256xf32, #tpu.memory_space<vmem>>, vector<16xf32>,
        %parallel_loop3A_946 = arith.constant 1 : i32
        %parallel_loop3A_947 = arith.index_cast %parallel_loop3A_946 : i32 to index
        %parallel_loop3A_948 = arith.index_cast %parallel_loop3A_275 : i32 to index
        %parallel_loop3A_949 = tpu.vector_load %arg6[%parallel_loop3A_947, %parallel_loop3A_948] {strides = array<i32>} : memref<16x256xf32, #tpu.memory_space<vmem>>, vector<16xf32>,
        %parallel_loop3A_950 = arith.constant 32 : i32
        %parallel_loop3A_951 = arith.constant 0 : i32
        %parallel_loop3A_952 = arith.index_cast %parallel_loop3A_950 : i32 to index
        %parallel_loop3A_953 = arith.index_cast %parallel_loop3A_951 : i32 to index
        %parallel_loop3A_954 = arith.index_cast %parallel_loop3A_275 : i32 to index
        %parallel_loop3A_955 = tpu.vector_load %arg8[%parallel_loop3A_952, %parallel_loop3A_953, %parallel_loop3A_954] {strides = array<i32>} : memref<78x1x256xf32, #tpu.memory_space<vmem>>, vector<16xf32>,
        tpu.vector_store %arg8[%parallel_loop3A_952, %parallel_loop3A_953, %parallel_loop3A_954], %parallel_loop3A_949 {strides = array<i32>} : memref<78x1x256xf32, #tpu.memory_space<vmem>>, vector<16xf32>,
        %parallel_loop3A_956 = arith.constant 9 : i32
        %parallel_loop3A_957 = arith.index_cast %parallel_loop3A_956 : i32 to index
        %parallel_loop3A_958 = arith.index_cast %parallel_loop3A_275 : i32 to index
        %parallel_loop3A_959 = tpu.vector_load %arg6[%parallel_loop3A_957, %parallel_loop3A_958] {strides = array<i32>} : memref<16x256xf32, #tpu.memory_space<vmem>>, vector<16xf32>,
        %parallel_loop3A_960 = arith.constant 71 : i32
        %parallel_loop3A_961 = arith.constant 0 : i32
        %parallel_loop3A_962 = arith.index_cast %parallel_loop3A_960 : i32 to index
        %parallel_loop3A_963 = arith.index_cast %parallel_loop3A_961 : i32 to index
        %parallel_loop3A_964 = arith.index_cast %parallel_loop3A_275 : i32 to index
        %parallel_loop3A_965 = tpu.vector_load %arg8[%parallel_loop3A_962, %parallel_loop3A_963, %parallel_loop3A_964] {strides = array<i32>} : memref<78x1x256xf32, #tpu.memory_space<vmem>>, vector<16xf32>,
        tpu.vector_store %arg8[%parallel_loop3A_962, %parallel_loop3A_963, %parallel_loop3A_964], %parallel_loop3A_959 {strides = array<i32>} : memref<78x1x256xf32, #tpu.memory_space<vmem>>, vector<16xf32>,
        %parallel_loop3A_966 = arith.constant 2 : i32
        %parallel_loop3A_967 = arith.index_cast %parallel_loop3A_966 : i32 to index
        %parallel_loop3A_968 = arith.index_cast %parallel_loop3A_275 : i32 to index
        %parallel_loop3A_969 = tpu.vector_load %arg6[%parallel_loop3A_967, %parallel_loop3A_968] {strides = array<i32>} : memref<16x256xf32, #tpu.memory_space<vmem>>, vector<16xf32>,
        %parallel_loop3A_970 = arith.constant 33 : i32
        %parallel_loop3A_971 = arith.constant 0 : i32
        %parallel_loop3A_972 = arith.index_cast %parallel_loop3A_970 : i32 to index
        %parallel_loop3A_973 = arith.index_cast %parallel_loop3A_971 : i32 to index
        %parallel_loop3A_974 = arith.index_cast %parallel_loop3A_275 : i32 to index
        %parallel_loop3A_975 = tpu.vector_load %arg8[%parallel_loop3A_972, %parallel_loop3A_973, %parallel_loop3A_974] {strides = array<i32>} : memref<78x1x256xf32, #tpu.memory_space<vmem>>, vector<16xf32>,
        tpu.vector_store %arg8[%parallel_loop3A_972, %parallel_loop3A_973, %parallel_loop3A_974], %parallel_loop3A_969 {strides = array<i32>} : memref<78x1x256xf32, #tpu.memory_space<vmem>>, vector<16xf32>,
        %parallel_loop3A_976 = arith.constant 10 : i32
        %parallel_loop3A_977 = arith.index_cast %parallel_loop3A_976 : i32 to index
        %parallel_loop3A_978 = arith.index_cast %parallel_loop3A_275 : i32 to index
        %parallel_loop3A_979 = tpu.vector_load %arg6[%parallel_loop3A_977, %parallel_loop3A_978] {strides = array<i32>} : memref<16x256xf32, #tpu.memory_space<vmem>>, vector<16xf32>,
        %parallel_loop3A_980 = arith.constant 72 : i32
        %parallel_loop3A_981 = arith.constant 0 : i32
        %parallel_loop3A_982 = arith.index_cast %parallel_loop3A_980 : i32 to index
        %parallel_loop3A_983 = arith.index_cast %parallel_loop3A_981 : i32 to index
        %parallel_loop3A_984 = arith.index_cast %parallel_loop3A_275 : i32 to index
        %parallel_loop3A_985 = tpu.vector_load %arg8[%parallel_loop3A_982, %parallel_loop3A_983, %parallel_loop3A_984] {strides = array<i32>} : memref<78x1x256xf32, #tpu.memory_space<vmem>>, vector<16xf32>,
        tpu.vector_store %arg8[%parallel_loop3A_982, %parallel_loop3A_983, %parallel_loop3A_984], %parallel_loop3A_979 {strides = array<i32>} : memref<78x1x256xf32, #tpu.memory_space<vmem>>, vector<16xf32>,
        %parallel_loop3A_986 = arith.constant 3 : i32
        %parallel_loop3A_987 = arith.index_cast %parallel_loop3A_986 : i32 to index
        %parallel_loop3A_988 = arith.index_cast %parallel_loop3A_275 : i32 to index
        %parallel_loop3A_989 = tpu.vector_load %arg6[%parallel_loop3A_987, %parallel_loop3A_988] {strides = array<i32>} : memref<16x256xf32, #tpu.memory_space<vmem>>, vector<16xf32>,
        %parallel_loop3A_990 = arith.constant 34 : i32
        %parallel_loop3A_991 = arith.constant 0 : i32
        %parallel_loop3A_992 = arith.index_cast %parallel_loop3A_990 : i32 to index
        %parallel_loop3A_993 = arith.index_cast %parallel_loop3A_991 : i32 to index
        %parallel_loop3A_994 = arith.index_cast %parallel_loop3A_275 : i32 to index
        %parallel_loop3A_995 = tpu.vector_load %arg8[%parallel_loop3A_992, %parallel_loop3A_993, %parallel_loop3A_994] {strides = array<i32>} : memref<78x1x256xf32, #tpu.memory_space<vmem>>, vector<16xf32>,
        tpu.vector_store %arg8[%parallel_loop3A_992, %parallel_loop3A_993, %parallel_loop3A_994], %parallel_loop3A_989 {strides = array<i32>} : memref<78x1x256xf32, #tpu.memory_space<vmem>>, vector<16xf32>,
        %parallel_loop3A_996 = arith.constant 11 : i32
        %parallel_loop3A_997 = arith.index_cast %parallel_loop3A_996 : i32 to index
        %parallel_loop3A_998 = arith.index_cast %parallel_loop3A_275 : i32 to index
        %parallel_loop3A_999 = tpu.vector_load %arg6[%parallel_loop3A_997, %parallel_loop3A_998] {strides = array<i32>} : memref<16x256xf32, #tpu.memory_space<vmem>>, vector<16xf32>,
        %parallel_loop3A_1000 = arith.constant 73 : i32
        %parallel_loop3A_1001 = arith.constant 0 : i32
        %parallel_loop3A_1002 = arith.index_cast %parallel_loop3A_1000 : i32 to index
        %parallel_loop3A_1003 = arith.index_cast %parallel_loop3A_1001 : i32 to index
        %parallel_loop3A_1004 = arith.index_cast %parallel_loop3A_275 : i32 to index
        %parallel_loop3A_1005 = tpu.vector_load %arg8[%parallel_loop3A_1002, %parallel_loop3A_1003, %parallel_loop3A_1004] {strides = array<i32>} : memref<78x1x256xf32, #tpu.memory_space<vmem>>, vector<16xf32>,
        tpu.vector_store %arg8[%parallel_loop3A_1002, %parallel_loop3A_1003, %parallel_loop3A_1004], %parallel_loop3A_999 {strides = array<i32>} : memref<78x1x256xf32, #tpu.memory_space<vmem>>, vector<16xf32>,
        %parallel_loop3A_1006 = arith.constant 4 : i32
        %parallel_loop3A_1007 = arith.index_cast %parallel_loop3A_1006 : i32 to index
        %parallel_loop3A_1008 = arith.index_cast %parallel_loop3A_275 : i32 to index
        %parallel_loop3A_1009 = tpu.vector_load %arg6[%parallel_loop3A_1007, %parallel_loop3A_1008] {strides = array<i32>} : memref<16x256xf32, #tpu.memory_space<vmem>>, vector<16xf32>,
        %parallel_loop3A_1010 = arith.constant 35 : i32
        %parallel_loop3A_1011 = arith.constant 0 : i32
        %parallel_loop3A_1012 = arith.index_cast %parallel_loop3A_1010 : i32 to index
        %parallel_loop3A_1013 = arith.index_cast %parallel_loop3A_1011 : i32 to index
        %parallel_loop3A_1014 = arith.index_cast %parallel_loop3A_275 : i32 to index
        %parallel_loop3A_1015 = tpu.vector_load %arg8[%parallel_loop3A_1012, %parallel_loop3A_1013, %parallel_loop3A_1014] {strides = array<i32>} : memref<78x1x256xf32, #tpu.memory_space<vmem>>, vector<16xf32>,
        tpu.vector_store %arg8[%parallel_loop3A_1012, %parallel_loop3A_1013, %parallel_loop3A_1014], %parallel_loop3A_1009 {strides = array<i32>} : memref<78x1x256xf32, #tpu.memory_space<vmem>>, vector<16xf32>,
        %parallel_loop3A_1016 = arith.constant 12 : i32
        %parallel_loop3A_1017 = arith.index_cast %parallel_loop3A_1016 : i32 to index
        %parallel_loop3A_1018 = arith.index_cast %parallel_loop3A_275 : i32 to index
        %parallel_loop3A_1019 = tpu.vector_load %arg6[%parallel_loop3A_1017, %parallel_loop3A_1018] {strides = array<i32>} : memref<16x256xf32, #tpu.memory_space<vmem>>, vector<16xf32>,
        %parallel_loop3A_1020 = arith.constant 74 : i32
        %parallel_loop3A_1021 = arith.constant 0 : i32
        %parallel_loop3A_1022 = arith.index_cast %parallel_loop3A_1020 : i32 to index
        %parallel_loop3A_1023 = arith.index_cast %parallel_loop3A_1021 : i32 to index
        %parallel_loop3A_1024 = arith.index_cast %parallel_loop3A_275 : i32 to index
        %parallel_loop3A_1025 = tpu.vector_load %arg8[%parallel_loop3A_1022, %parallel_loop3A_1023, %parallel_loop3A_1024] {strides = array<i32>} : memref<78x1x256xf32, #tpu.memory_space<vmem>>, vector<16xf32>,
        tpu.vector_store %arg8[%parallel_loop3A_1022, %parallel_loop3A_1023, %parallel_loop3A_1024], %parallel_loop3A_1019 {strides = array<i32>} : memref<78x1x256xf32, #tpu.memory_space<vmem>>, vector<16xf32>,
        %parallel_loop3A_1026 = arith.constant 5 : i32
        %parallel_loop3A_1027 = arith.index_cast %parallel_loop3A_1026 : i32 to index
        %parallel_loop3A_1028 = arith.index_cast %parallel_loop3A_275 : i32 to index
        %parallel_loop3A_1029 = tpu.vector_load %arg6[%parallel_loop3A_1027, %parallel_loop3A_1028] {strides = array<i32>} : memref<16x256xf32, #tpu.memory_space<vmem>>, vector<16xf32>,
        %parallel_loop3A_1030 = arith.constant 36 : i32
        %parallel_loop3A_1031 = arith.constant 0 : i32
        %parallel_loop3A_1032 = arith.index_cast %parallel_loop3A_1030 : i32 to index
        %parallel_loop3A_1033 = arith.index_cast %parallel_loop3A_1031 : i32 to index
        %parallel_loop3A_1034 = arith.index_cast %parallel_loop3A_275 : i32 to index
        %parallel_loop3A_1035 = tpu.vector_load %arg8[%parallel_loop3A_1032, %parallel_loop3A_1033, %parallel_loop3A_1034] {strides = array<i32>} : memref<78x1x256xf32, #tpu.memory_space<vmem>>, vector<16xf32>,
        tpu.vector_store %arg8[%parallel_loop3A_1032, %parallel_loop3A_1033, %parallel_loop3A_1034], %parallel_loop3A_1029 {strides = array<i32>} : memref<78x1x256xf32, #tpu.memory_space<vmem>>, vector<16xf32>,
        %parallel_loop3A_1036 = arith.constant 13 : i32
        %parallel_loop3A_1037 = arith.index_cast %parallel_loop3A_1036 : i32 to index
        %parallel_loop3A_1038 = arith.index_cast %parallel_loop3A_275 : i32 to index
        %parallel_loop3A_1039 = tpu.vector_load %arg6[%parallel_loop3A_1037, %parallel_loop3A_1038] {strides = array<i32>} : memref<16x256xf32, #tpu.memory_space<vmem>>, vector<16xf32>,
        %parallel_loop3A_1040 = arith.constant 75 : i32
        %parallel_loop3A_1041 = arith.constant 0 : i32
        %parallel_loop3A_1042 = arith.index_cast %parallel_loop3A_1040 : i32 to index
        %parallel_loop3A_1043 = arith.index_cast %parallel_loop3A_1041 : i32 to index
        %parallel_loop3A_1044 = arith.index_cast %parallel_loop3A_275 : i32 to index
        %parallel_loop3A_1045 = tpu.vector_load %arg8[%parallel_loop3A_1042, %parallel_loop3A_1043, %parallel_loop3A_1044] {strides = array<i32>} : memref<78x1x256xf32, #tpu.memory_space<vmem>>, vector<16xf32>,
        tpu.vector_store %arg8[%parallel_loop3A_1042, %parallel_loop3A_1043, %parallel_loop3A_1044], %parallel_loop3A_1039 {strides = array<i32>} : memref<78x1x256xf32, #tpu.memory_space<vmem>>, vector<16xf32>,
        %parallel_loop3A_1046 = arith.constant 6 : i32
        %parallel_loop3A_1047 = arith.index_cast %parallel_loop3A_1046 : i32 to index
        %parallel_loop3A_1048 = arith.index_cast %parallel_loop3A_275 : i32 to index
        %parallel_loop3A_1049 = tpu.vector_load %arg6[%parallel_loop3A_1047, %parallel_loop3A_1048] {strides = array<i32>} : memref<16x256xf32, #tpu.memory_space<vmem>>, vector<16xf32>,
        %parallel_loop3A_1050 = arith.constant 37 : i32
        %parallel_loop3A_1051 = arith.constant 0 : i32
        %parallel_loop3A_1052 = arith.index_cast %parallel_loop3A_1050 : i32 to index
        %parallel_loop3A_1053 = arith.index_cast %parallel_loop3A_1051 : i32 to index
        %parallel_loop3A_1054 = arith.index_cast %parallel_loop3A_275 : i32 to index
        %parallel_loop3A_1055 = tpu.vector_load %arg8[%parallel_loop3A_1052, %parallel_loop3A_1053, %parallel_loop3A_1054] {strides = array<i32>} : memref<78x1x256xf32, #tpu.memory_space<vmem>>, vector<16xf32>,
        tpu.vector_store %arg8[%parallel_loop3A_1052, %parallel_loop3A_1053, %parallel_loop3A_1054], %parallel_loop3A_1049 {strides = array<i32>} : memref<78x1x256xf32, #tpu.memory_space<vmem>>, vector<16xf32>,
        %parallel_loop3A_1056 = arith.constant 14 : i32
        %parallel_loop3A_1057 = arith.index_cast %parallel_loop3A_1056 : i32 to index
        %parallel_loop3A_1058 = arith.index_cast %parallel_loop3A_275 : i32 to index
        %parallel_loop3A_1059 = tpu.vector_load %arg6[%parallel_loop3A_1057, %parallel_loop3A_1058] {strides = array<i32>} : memref<16x256xf32, #tpu.memory_space<vmem>>, vector<16xf32>,
        %parallel_loop3A_1060 = arith.constant 76 : i32
        %parallel_loop3A_1061 = arith.constant 0 : i32
        %parallel_loop3A_1062 = arith.index_cast %parallel_loop3A_1060 : i32 to index
        %parallel_loop3A_1063 = arith.index_cast %parallel_loop3A_1061 : i32 to index
        %parallel_loop3A_1064 = arith.index_cast %parallel_loop3A_275 : i32 to index
        %parallel_loop3A_1065 = tpu.vector_load %arg8[%parallel_loop3A_1062, %parallel_loop3A_1063, %parallel_loop3A_1064] {strides = array<i32>} : memref<78x1x256xf32, #tpu.memory_space<vmem>>, vector<16xf32>,
        tpu.vector_store %arg8[%parallel_loop3A_1062, %parallel_loop3A_1063, %parallel_loop3A_1064], %parallel_loop3A_1059 {strides = array<i32>} : memref<78x1x256xf32, #tpu.memory_space<vmem>>, vector<16xf32>,
        %parallel_loop3A_1066 = arith.constant 7 : i32
        %parallel_loop3A_1067 = arith.index_cast %parallel_loop3A_1066 : i32 to index
        %parallel_loop3A_1068 = arith.index_cast %parallel_loop3A_275 : i32 to index
        %parallel_loop3A_1069 = tpu.vector_load %arg6[%parallel_loop3A_1067, %parallel_loop3A_1068] {strides = array<i32>} : memref<16x256xf32, #tpu.memory_space<vmem>>, vector<16xf32>,
        %parallel_loop3A_1070 = arith.constant 38 : i32
        %parallel_loop3A_1071 = arith.constant 0 : i32
        %parallel_loop3A_1072 = arith.index_cast %parallel_loop3A_1070 : i32 to index
        %parallel_loop3A_1073 = arith.index_cast %parallel_loop3A_1071 : i32 to index
        %parallel_loop3A_1074 = arith.index_cast %parallel_loop3A_275 : i32 to index
        %parallel_loop3A_1075 = tpu.vector_load %arg8[%parallel_loop3A_1072, %parallel_loop3A_1073, %parallel_loop3A_1074] {strides = array<i32>} : memref<78x1x256xf32, #tpu.memory_space<vmem>>, vector<16xf32>,
        tpu.vector_store %arg8[%parallel_loop3A_1072, %parallel_loop3A_1073, %parallel_loop3A_1074], %parallel_loop3A_1069 {strides = array<i32>} : memref<78x1x256xf32, #tpu.memory_space<vmem>>, vector<16xf32>,
        %parallel_loop3A_1076 = arith.constant 15 : i32
        %parallel_loop3A_1077 = arith.index_cast %parallel_loop3A_1076 : i32 to index
        %parallel_loop3A_1078 = arith.index_cast %parallel_loop3A_275 : i32 to index
        %parallel_loop3A_1079 = tpu.vector_load %arg6[%parallel_loop3A_1077, %parallel_loop3A_1078] {strides = array<i32>} : memref<16x256xf32, #tpu.memory_space<vmem>>, vector<16xf32>,
        %parallel_loop3A_1080 = arith.constant 77 : i32
        %parallel_loop3A_1081 = arith.constant 0 : i32
        %parallel_loop3A_1082 = arith.index_cast %parallel_loop3A_1080 : i32 to index
        %parallel_loop3A_1083 = arith.index_cast %parallel_loop3A_1081 : i32 to index
        %parallel_loop3A_1084 = arith.index_cast %parallel_loop3A_275 : i32 to index
        %parallel_loop3A_1085 = tpu.vector_load %arg8[%parallel_loop3A_1082, %parallel_loop3A_1083, %parallel_loop3A_1084] {strides = array<i32>} : memref<78x1x256xf32, #tpu.memory_space<vmem>>, vector<16xf32>,
        tpu.vector_store %arg8[%parallel_loop3A_1082, %parallel_loop3A_1083, %parallel_loop3A_1084], %parallel_loop3A_1079 {strides = array<i32>} : memref<78x1x256xf32, #tpu.memory_space<vmem>>, vector<16xf32>,
      } {sc.loop_unroll_factor = 8 : i64, sc.parallel_access}
      %jit3A_108 = arith.constant 2 : i32
      %div3A_109 = arith.divsi %add3A_59, %jit3A_108 : i32
      %sign3A_110 = arith.constant 0 : i32
      %sign3A_111 = arith.cmpi sgt, %add3A_59, %sign3A_110 : i32
      %sign3A_112 = arith.extui %sign3A_111 : i1 to i32
      %sign3A_113 = arith.constant 0 : i32
      %sign3A_114 = arith.cmpi slt, %add3A_59, %sign3A_113 : i32
      %sign3A_115 = arith.extui %sign3A_114 : i1 to i32
      %sign3A_116 = arith.subi %sign3A_112, %sign3A_115 : i32
      %sign3A_117 = arith.constant 0 : i32
      %sign3A_118 = arith.cmpi sgt, %jit3A_108, %sign3A_117 : i32
      %sign3A_119 = arith.extui %sign3A_118 : i1 to i32
      %sign3A_120 = arith.constant 0 : i32
      %sign3A_121 = arith.cmpi slt, %jit3A_108, %sign3A_120 : i32
      %sign3A_122 = arith.extui %sign3A_121 : i1 to i32
      %sign3A_123 = arith.subi %sign3A_119, %sign3A_122 : i32
      %ne3A_124 = arith.cmpi ne, %sign3A_116, %sign3A_123 : i32
      %rem3A_125 = arith.remsi %add3A_59, %jit3A_108 : i32
      %ne3A_126 = arith.constant 0 : i32
      %ne3A_127 = arith.cmpi ne, %rem3A_125, %ne3A_126 : i32
      %and3A_128 = arith.andi %ne3A_124, %ne3A_127 : i1
      %sub3A_129 = arith.constant 1 : i32
      %sub3A_130 = arith.subi %div3A_109, %sub3A_129 : i32
      %select_n3A_131 = arith.select %and3A_128, %sub3A_130, %div3A_109 : i32
      %jit3A_132 = arith.constant 2 : i32
      %eq3A_133 = arith.constant 0 : i32
      %eq3A_134 = arith.cmpi eq, %jit3A_132, %eq3A_133 : i32
      %jit3A_135 = arith.constant 1 : i32
      %select_n3A_136 = arith.select %eq3A_134, %jit3A_135, %jit3A_132 : i32
      %rem3A_137 = arith.remsi %add3A_59, %select_n3A_136 : i32
      %ne3A_138 = arith.constant 0 : i32
      %ne3A_139 = arith.cmpi ne, %rem3A_137, %ne3A_138 : i32
      %lt3A_140 = arith.constant 0 : i32
      %lt3A_141 = arith.cmpi slt, %rem3A_137, %lt3A_140 : i32
      %lt3A_142 = arith.constant 0 : i32
      %lt3A_143 = arith.cmpi slt, %select_n3A_136, %lt3A_142 : i32
      %ne3A_144 = arith.xori %lt3A_141, %lt3A_143 : i1
      %and3A_145 = arith.andi %ne3A_144, %ne3A_139 : i1
      %add3A_146 = arith.addi %rem3A_137, %select_n3A_136 : i32
      %select_n3A_147 = arith.select %and3A_145, %add3A_146, %rem3A_137 : i32
      %mul3A_148 = arith.constant 256 : i32
      %mul3A_149 = arith.muli %select_n3A_147, %mul3A_148 : i32
      %add3A_150 = arith.addi %mul3A_2, %mul3A_149 : i32
      %dma_start3A_151 = arith.constant 0 : i32
      %dma_start3A_152 = tpu.memref_slice %arg4[%dma_start3A_151, %select_n3A_131, %add3A_150] : memref<78x200x16384xf32, #tpu.memory_space<hbm>> -> memref<78x1x256xf32, #tpu.memory_space<hbm>>
      %dma_start3A_153 = arith.constant 0 : i32
      %dma_start3A_154 = tpu.memref_slice %arg4[%dma_start3A_153, %select_n3A_131, %add3A_150] : memref<78x200x16384xf32, #tpu.memory_space<hbm>> -> memref<78x1x256xf32, #tpu.memory_space<hbm>>
      tpu.enqueue_dma source(%arg8 : memref<78x1x256xf32, #tpu.memory_space<vmem>>) target(%dma_start3A_154 : memref<78x1x256xf32, #tpu.memory_space<hbm>>) target_semaphore(%arg12 : memref<!tpu.dma_semaphore, #tpu.memory_space<semaphore_mem>>)
      %add3A_155 = arith.constant 2 : i32
      %add3A_156 = arith.addi %add3A_59, %add3A_155 : i32
      %lt3A_157 = arith.constant 400 : i32
      %lt3A_158 = arith.cmpi slt, %add3A_156, %lt3A_157 : i32
      %convert_element_type3A_159 = arith.extui %lt3A_158 : i1 to i32
      %cond3A_160 = arith.constant 0 : i32
      %cond3A_161 = arith.cmpi ne, %convert_element_type3A_159, %cond3A_160 : i32
      scf.if %cond3A_161 {
        %add3A_275 = arith.constant 2 : i32
        %add3A_276 = arith.addi %add3A_59, %add3A_275 : i32
        %jit3A_277 = arith.constant 2 : i32
        %div3A_278 = arith.divsi %add3A_276, %jit3A_277 : i32
        %sign3A_279 = arith.constant 0 : i32
        %sign3A_280 = arith.cmpi sgt, %add3A_276, %sign3A_279 : i32
        %sign3A_281 = arith.extui %sign3A_280 : i1 to i32
        %sign3A_282 = arith.constant 0 : i32
        %sign3A_283 = arith.cmpi slt, %add3A_276, %sign3A_282 : i32
        %sign3A_284 = arith.extui %sign3A_283 : i1 to i32
        %sign3A_285 = arith.subi %sign3A_281, %sign3A_284 : i32
        %sign3A_286 = arith.constant 0 : i32
        %sign3A_287 = arith.cmpi sgt, %jit3A_277, %sign3A_286 : i32
        %sign3A_288 = arith.extui %sign3A_287 : i1 to i32
        %sign3A_289 = arith.constant 0 : i32
        %sign3A_290 = arith.cmpi slt, %jit3A_277, %sign3A_289 : i32
        %sign3A_291 = arith.extui %sign3A_290 : i1 to i32
        %sign3A_292 = arith.subi %sign3A_288, %sign3A_291 : i32
        %ne3A_293 = arith.cmpi ne, %sign3A_285, %sign3A_292 : i32
        %rem3A_294 = arith.remsi %add3A_276, %jit3A_277 : i32
        %ne3A_295 = arith.constant 0 : i32
        %ne3A_296 = arith.cmpi ne, %rem3A_294, %ne3A_295 : i32
        %and3A_297 = arith.andi %ne3A_293, %ne3A_296 : i1
        %sub3A_298 = arith.constant 1 : i32
        %sub3A_299 = arith.subi %div3A_278, %sub3A_298 : i32
        %select_n3A_300 = arith.select %and3A_297, %sub3A_299, %div3A_278 : i32
        %jit3A_301 = arith.constant 2 : i32
        %eq3A_302 = arith.constant 0 : i32
        %eq3A_303 = arith.cmpi eq, %jit3A_301, %eq3A_302 : i32
        %jit3A_304 = arith.constant 1 : i32
        %select_n3A_305 = arith.select %eq3A_303, %jit3A_304, %jit3A_301 : i32
        %rem3A_306 = arith.remsi %add3A_276, %select_n3A_305 : i32
        %ne3A_307 = arith.constant 0 : i32
        %ne3A_308 = arith.cmpi ne, %rem3A_306, %ne3A_307 : i32
        %lt3A_309 = arith.constant 0 : i32
        %lt3A_310 = arith.cmpi slt, %rem3A_306, %lt3A_309 : i32
        %lt3A_311 = arith.constant 0 : i32
        %lt3A_312 = arith.cmpi slt, %select_n3A_305, %lt3A_311 : i32
        %ne3A_313 = arith.xori %lt3A_310, %lt3A_312 : i1
        %and3A_314 = arith.andi %ne3A_313, %ne3A_308 : i1
        %add3A_315 = arith.addi %rem3A_306, %select_n3A_305 : i32
        %select_n3A_316 = arith.select %and3A_314, %add3A_315, %rem3A_306 : i32
        %mul3A_317 = arith.constant 16 : i32
        %mul3A_318 = arith.muli %select_n3A_300, %mul3A_317 : i32
        %mul3A_319 = arith.constant 256 : i32
        %mul3A_320 = arith.muli %select_n3A_316, %mul3A_319 : i32
        %add3A_321 = arith.addi %mul3A_2, %mul3A_320 : i32
        %dma_start3A_322 = tpu.memref_slice %arg2[%mul3A_318, %add3A_321] : memref<3200x16384xf32, #tpu.memory_space<hbm>> -> memref<16x256xf32, #tpu.memory_space<hbm>>
        %dma_start3A_323 = tpu.memref_slice %arg2[%mul3A_318, %add3A_321] : memref<3200x16384xf32, #tpu.memory_space<hbm>> -> memref<16x256xf32, #tpu.memory_space<hbm>>
        tpu.enqueue_dma source(%dma_start3A_323 : memref<16x256xf32, #tpu.memory_space<hbm>>) target(%arg6 : memref<16x256xf32, #tpu.memory_space<vmem>>) target_semaphore(%arg10 : memref<!tpu.dma_semaphore, #tpu.memory_space<semaphore_mem>>)
      } else {
      }
      %mul3A_162 = arith.constant 2 : i32
      %mul3A_163 = arith.muli %mul3A_162, %add3A_55 : i32
      %add3A_164 = arith.constant 1 : i32
      %add3A_165 = arith.addi %mul3A_163, %add3A_164 : i32
      %jit3A_166 = arith.constant 2 : i32
      %div3A_167 = arith.divsi %add3A_165, %jit3A_166 : i32
      %sign3A_168 = arith.constant 0 : i32
      %sign3A_169 = arith.cmpi sgt, %add3A_165, %sign3A_168 : i32
      %sign3A_170 = arith.extui %sign3A_169 : i1 to i32
      %sign3A_171 = arith.constant 0 : i32
      %sign3A_172 = arith.cmpi slt, %add3A_165, %sign3A_171 : i32
      %sign3A_173 = arith.extui %sign3A_172 : i1 to i32
      %sign3A_174 = arith.subi %sign3A_170, %sign3A_173 : i32
      %sign3A_175 = arith.constant 0 : i32
      %sign3A_176 = arith.cmpi sgt, %jit3A_166, %sign3A_175 : i32
      %sign3A_177 = arith.extui %sign3A_176 : i1 to i32
      %sign3A_178 = arith.constant 0 : i32
      %sign3A_179 = arith.cmpi slt, %jit3A_166, %sign3A_178 : i32
      %sign3A_180 = arith.extui %sign3A_179 : i1 to i32
      %sign3A_181 = arith.subi %sign3A_177, %sign3A_180 : i32
      %ne3A_182 = arith.cmpi ne, %sign3A_174, %sign3A_181 : i32
      %rem3A_183 = arith.remsi %add3A_165, %jit3A_166 : i32
      %ne3A_184 = arith.constant 0 : i32
      %ne3A_185 = arith.cmpi ne, %rem3A_183, %ne3A_184 : i32
      %and3A_186 = arith.andi %ne3A_182, %ne3A_185 : i1
      %sub3A_187 = arith.constant 1 : i32
      %sub3A_188 = arith.subi %div3A_167, %sub3A_187 : i32
      %select_n3A_189 = arith.select %and3A_186, %sub3A_188, %div3A_167 : i32
      %jit3A_190 = arith.constant 2 : i32
      %eq3A_191 = arith.constant 0 : i32
      %eq3A_192 = arith.cmpi eq, %jit3A_190, %eq3A_191 : i32
      %jit3A_193 = arith.constant 1 : i32
      %select_n3A_194 = arith.select %eq3A_192, %jit3A_193, %jit3A_190 : i32
      %rem3A_195 = arith.remsi %add3A_165, %select_n3A_194 : i32
      %ne3A_196 = arith.constant 0 : i32
      %ne3A_197 = arith.cmpi ne, %rem3A_195, %ne3A_196 : i32
      %lt3A_198 = arith.constant 0 : i32
      %lt3A_199 = arith.cmpi slt, %rem3A_195, %lt3A_198 : i32
      %lt3A_200 = arith.constant 0 : i32
      %lt3A_201 = arith.cmpi slt, %select_n3A_194, %lt3A_200 : i32
      %ne3A_202 = arith.xori %lt3A_199, %lt3A_201 : i1
      %and3A_203 = arith.andi %ne3A_202, %ne3A_197 : i1
      %add3A_204 = arith.addi %rem3A_195, %select_n3A_194 : i32
      %select_n3A_205 = arith.select %and3A_203, %add3A_204, %rem3A_195 : i32
      %mul3A_206 = arith.constant 16 : i32
      %mul3A_207 = arith.muli %select_n3A_189, %mul3A_206 : i32
      %mul3A_208 = arith.constant 256 : i32
      %mul3A_209 = arith.muli %select_n3A_205, %mul3A_208 : i32
      %add3A_210 = arith.addi %mul3A_2, %mul3A_209 : i32
      %dma_wait3A_211 = tpu.memref_slice %arg2[%mul3A_207, %add3A_210] : memref<3200x16384xf32, #tpu.memory_space<hbm>> -> memref<16x256xf32, #tpu.memory_space<hbm>>
      %dma_wait3A_212 = tpu.memref_slice %arg2[%mul3A_207, %add3A_210] : memref<3200x16384xf32, #tpu.memory_space<hbm>> -> memref<16x256xf32, #tpu.memory_space<hbm>>
      tpu.wait_dma2 semaphore(%arg11 : memref<!tpu.dma_semaphore, #tpu.memory_space<semaphore_mem>>) src(%dma_wait3A_212 : memref<16x256xf32, #tpu.memory_space<hbm>>) dst(%arg7 : memref<16x256xf32, #tpu.memory_space<vmem>>)
      %ge3A_213 = arith.constant 2 : i32
      %ge3A_214 = arith.cmpi sge, %add3A_165, %ge3A_213 : i32
      %convert_element_type3A_215 = arith.extui %ge3A_214 : i1 to i32
      %cond3A_216 = arith.constant 0 : i32
      %cond3A_217 = arith.cmpi ne, %convert_element_type3A_215, %cond3A_216 : i32
      scf.if %cond3A_217 {
        %sub3A_275 = arith.constant 2 : i32
        %sub3A_276 = arith.subi %add3A_165, %sub3A_275 : i32
        %jit3A_277 = arith.constant 2 : i32
        %div3A_278 = arith.divsi %sub3A_276, %jit3A_277 : i32
        %sign3A_279 = arith.constant 0 : i32
        %sign3A_280 = arith.cmpi sgt, %sub3A_276, %sign3A_279 : i32
        %sign3A_281 = arith.extui %sign3A_280 : i1 to i32
        %sign3A_282 = arith.constant 0 : i32
        %sign3A_283 = arith.cmpi slt, %sub3A_276, %sign3A_282 : i32
        %sign3A_284 = arith.extui %sign3A_283 : i1 to i32
        %sign3A_285 = arith.subi %sign3A_281, %sign3A_284 : i32
        %sign3A_286 = arith.constant 0 : i32
        %sign3A_287 = arith.cmpi sgt, %jit3A_277, %sign3A_286 : i32
        %sign3A_288 = arith.extui %sign3A_287 : i1 to i32
        %sign3A_289 = arith.constant 0 : i32
        %sign3A_290 = arith.cmpi slt, %jit3A_277, %sign3A_289 : i32
        %sign3A_291 = arith.extui %sign3A_290 : i1 to i32
        %sign3A_292 = arith.subi %sign3A_288, %sign3A_291 : i32
        %ne3A_293 = arith.cmpi ne, %sign3A_285, %sign3A_292 : i32
        %rem3A_294 = arith.remsi %sub3A_276, %jit3A_277 : i32
        %ne3A_295 = arith.constant 0 : i32
        %ne3A_296 = arith.cmpi ne, %rem3A_294, %ne3A_295 : i32
        %and3A_297 = arith.andi %ne3A_293, %ne3A_296 : i1
        %sub3A_298 = arith.constant 1 : i32
        %sub3A_299 = arith.subi %div3A_278, %sub3A_298 : i32
        %select_n3A_300 = arith.select %and3A_297, %sub3A_299, %div3A_278 : i32
        %jit3A_301 = arith.constant 2 : i32
        %eq3A_302 = arith.constant 0 : i32
        %eq3A_303 = arith.cmpi eq, %jit3A_301, %eq3A_302 : i32
        %jit3A_304 = arith.constant 1 : i32
        %select_n3A_305 = arith.select %eq3A_303, %jit3A_304, %jit3A_301 : i32
        %rem3A_306 = arith.remsi %sub3A_276, %select_n3A_305 : i32
        %ne3A_307 = arith.constant 0 : i32
        %ne3A_308 = arith.cmpi ne, %rem3A_306, %ne3A_307 : i32
        %lt3A_309 = arith.constant 0 : i32
        %lt3A_310 = arith.cmpi slt, %rem3A_306, %lt3A_309 : i32
        %lt3A_311 = arith.constant 0 : i32
        %lt3A_312 = arith.cmpi slt, %select_n3A_305, %lt3A_311 : i32
        %ne3A_313 = arith.xori %lt3A_310, %lt3A_312 : i1
        %and3A_314 = arith.andi %ne3A_313, %ne3A_308 : i1
        %add3A_315 = arith.addi %rem3A_306, %select_n3A_305 : i32
        %select_n3A_316 = arith.select %and3A_314, %add3A_315, %rem3A_306 : i32
        %mul3A_317 = arith.constant 256 : i32
        %mul3A_318 = arith.muli %select_n3A_316, %mul3A_317 : i32
        %add3A_319 = arith.addi %mul3A_2, %mul3A_318 : i32
        %dma_wait3A_320 = arith.constant 0 : i32
        %dma_wait3A_321 = tpu.memref_slice %arg4[%dma_wait3A_320, %select_n3A_300, %add3A_319] : memref<78x200x16384xf32, #tpu.memory_space<hbm>> -> memref<78x1x256xf32, #tpu.memory_space<hbm>>
        %dma_wait3A_322 = arith.constant 0 : i32
        %dma_wait3A_323 = tpu.memref_slice %arg4[%dma_wait3A_322, %select_n3A_300, %add3A_319] : memref<78x200x16384xf32, #tpu.memory_space<hbm>> -> memref<78x1x256xf32, #tpu.memory_space<hbm>>
        tpu.wait_dma2 semaphore(%arg13 : memref<!tpu.dma_semaphore, #tpu.memory_space<semaphore_mem>>) src(%arg9 : memref<78x1x256xf32, #tpu.memory_space<vmem>>) dst(%dma_wait3A_323 : memref<78x1x256xf32, #tpu.memory_space<hbm>>)
      } else {
      }
      %parallel_loop3A_218 = arith.constant 0 : i32
      %parallel_loop3A_219 = arith.constant 256 : i32
      %parallel_loop3A_220 = arith.constant 16 : i32
      scf.for %parallel_loop3A_275 = %parallel_loop3A_218 to %parallel_loop3A_219 step %parallel_loop3A_220  : i32 {
        %parallel_loop3A_276 = arith.constant 0 : i32
        %parallel_loop3A_277 = arith.index_cast %parallel_loop3A_276 : i32 to index
        %parallel_loop3A_278 = arith.index_cast %parallel_loop3A_275 : i32 to index
        %parallel_loop3A_279 = tpu.vector_load %arg7[%parallel_loop3A_277, %parallel_loop3A_278] {strides = array<i32>} : memref<16x256xf32, #tpu.memory_space<vmem>>, vector<16xf32>,
        %parallel_loop3A_280 = arith.fptosi %parallel_loop3A_279 : vector<16xf32> to vector<16xi32>
        %parallel_loop3A_281 = arith.constant 0 : i32
        %parallel_loop3A_282 = arith.constant 399 : i32
        %parallel_loop3A_283 = vector.broadcast %parallel_loop3A_281 : i32 to vector<16xi32>
        %parallel_loop3A_284 = arith.maxsi %parallel_loop3A_283, %parallel_loop3A_280 : vector<16xi32>
        %parallel_loop3A_285 = vector.broadcast %parallel_loop3A_282 : i32 to vector<16xi32>
        %parallel_loop3A_286 = arith.minsi %parallel_loop3A_285, %parallel_loop3A_284 : vector<16xi32>
        %parallel_loop3A_287 = arith.constant 8 : i32
        %parallel_loop3A_288 = arith.index_cast %parallel_loop3A_287 : i32 to index
        %parallel_loop3A_289 = arith.index_cast %parallel_loop3A_275 : i32 to index
        %parallel_loop3A_290 = tpu.vector_load %arg7[%parallel_loop3A_288, %parallel_loop3A_289] {strides = array<i32>} : memref<16x256xf32, #tpu.memory_space<vmem>>, vector<16xf32>,
        %parallel_loop3A_291 = arith.fptosi %parallel_loop3A_290 : vector<16xf32> to vector<16xi32>
        %parallel_loop3A_292 = arith.constant 0 : i32
        %parallel_loop3A_293 = arith.constant 399 : i32
        %parallel_loop3A_294 = vector.broadcast %parallel_loop3A_292 : i32 to vector<16xi32>
        %parallel_loop3A_295 = arith.maxsi %parallel_loop3A_294, %parallel_loop3A_291 : vector<16xi32>
        %parallel_loop3A_296 = vector.broadcast %parallel_loop3A_293 : i32 to vector<16xi32>
        %parallel_loop3A_297 = arith.minsi %parallel_loop3A_296, %parallel_loop3A_295 : vector<16xi32>
        %parallel_loop3A_298 = arith.constant 132 : i32
        %parallel_loop3A_299 = vector.broadcast %parallel_loop3A_298 : i32 to vector<16xi32>
        %parallel_loop3A_300 = arith.muli %parallel_loop3A_286, %parallel_loop3A_299 : vector<16xi32>
        %parallel_loop3A_301 = arith.addi %parallel_loop3A_300, %mul3A_20 : vector<16xi32>
        %parallel_loop3A_302 = arith.constant 132 : i32
        %parallel_loop3A_303 = vector.broadcast %parallel_loop3A_302 : i32 to vector<16xi32>
        %parallel_loop3A_304 = arith.muli %parallel_loop3A_297, %parallel_loop3A_303 : vector<16xi32>
        %parallel_loop3A_305 = arith.addi %parallel_loop3A_304, %mul3A_20 : vector<16xi32>
        %parallel_loop3A_306 = arith.constant 0 : i32
        %parallel_loop3A_307 = vector.broadcast %parallel_loop3A_306 : i32 to vector<16xi32>
        %parallel_loop3A_308 = arith.addi %parallel_loop3A_301, %parallel_loop3A_307 : vector<16xi32>
        %parallel_loop3A_309 = tpu.vector_load_idx %arg5[%parallel_loop3A_308] : memref<52800xf32, #tpu.memory_space<vmem>>[vector<16xi32>], vector<16xf32>,
        %parallel_loop3A_310 = arith.constant 0 : i32
        %parallel_loop3A_311 = arith.constant 0 : i32
        %parallel_loop3A_312 = arith.index_cast %parallel_loop3A_310 : i32 to index
        %parallel_loop3A_313 = arith.index_cast %parallel_loop3A_311 : i32 to index
        %parallel_loop3A_314 = arith.index_cast %parallel_loop3A_275 : i32 to index
        %parallel_loop3A_315 = tpu.vector_load %arg9[%parallel_loop3A_312, %parallel_loop3A_313, %parallel_loop3A_314] {strides = array<i32>} : memref<78x1x256xf32, #tpu.memory_space<vmem>>, vector<16xf32>,
        tpu.vector_store %arg9[%parallel_loop3A_312, %parallel_loop3A_313, %parallel_loop3A_314], %parallel_loop3A_309 {strides = array<i32>} : memref<78x1x256xf32, #tpu.memory_space<vmem>>, vector<16xf32>,
        %parallel_loop3A_316 = arith.constant 0 : i32
        %parallel_loop3A_317 = vector.broadcast %parallel_loop3A_316 : i32 to vector<16xi32>
        %parallel_loop3A_318 = arith.addi %parallel_loop3A_305, %parallel_loop3A_317 : vector<16xi32>
        %parallel_loop3A_319 = tpu.vector_load_idx %arg5[%parallel_loop3A_318] : memref<52800xf32, #tpu.memory_space<vmem>>[vector<16xi32>], vector<16xf32>,
        %parallel_loop3A_320 = arith.constant 39 : i32
        %parallel_loop3A_321 = arith.constant 0 : i32
        %parallel_loop3A_322 = arith.index_cast %parallel_loop3A_320 : i32 to index
        %parallel_loop3A_323 = arith.index_cast %parallel_loop3A_321 : i32 to index
        %parallel_loop3A_324 = arith.index_cast %parallel_loop3A_275 : i32 to index
        %parallel_loop3A_325 = tpu.vector_load %arg9[%parallel_loop3A_322, %parallel_loop3A_323, %parallel_loop3A_324] {strides = array<i32>} : memref<78x1x256xf32, #tpu.memory_space<vmem>>, vector<16xf32>,
        tpu.vector_store %arg9[%parallel_loop3A_322, %parallel_loop3A_323, %parallel_loop3A_324], %parallel_loop3A_319 {strides = array<i32>} : memref<78x1x256xf32, #tpu.memory_space<vmem>>, vector<16xf32>,
        %parallel_loop3A_326 = arith.constant 1 : i32
        %parallel_loop3A_327 = vector.broadcast %parallel_loop3A_326 : i32 to vector<16xi32>
        %parallel_loop3A_328 = arith.addi %parallel_loop3A_301, %parallel_loop3A_327 : vector<16xi32>
        %parallel_loop3A_329 = tpu.vector_load_idx %arg5[%parallel_loop3A_328] : memref<52800xf32, #tpu.memory_space<vmem>>[vector<16xi32>], vector<16xf32>,
        %parallel_loop3A_330 = arith.constant 1 : i32
        %parallel_loop3A_331 = arith.constant 0 : i32
        %parallel_loop3A_332 = arith.index_cast %parallel_loop3A_330 : i32 to index
        %parallel_loop3A_333 = arith.index_cast %parallel_loop3A_331 : i32 to index
        %parallel_loop3A_334 = arith.index_cast %parallel_loop3A_275 : i32 to index
        %parallel_loop3A_335 = tpu.vector_load %arg9[%parallel_loop3A_332, %parallel_loop3A_333, %parallel_loop3A_334] {strides = array<i32>} : memref<78x1x256xf32, #tpu.memory_space<vmem>>, vector<16xf32>,
        tpu.vector_store %arg9[%parallel_loop3A_332, %parallel_loop3A_333, %parallel_loop3A_334], %parallel_loop3A_329 {strides = array<i32>} : memref<78x1x256xf32, #tpu.memory_space<vmem>>, vector<16xf32>,
        %parallel_loop3A_336 = arith.constant 1 : i32
        %parallel_loop3A_337 = vector.broadcast %parallel_loop3A_336 : i32 to vector<16xi32>
        %parallel_loop3A_338 = arith.addi %parallel_loop3A_305, %parallel_loop3A_337 : vector<16xi32>
        %parallel_loop3A_339 = tpu.vector_load_idx %arg5[%parallel_loop3A_338] : memref<52800xf32, #tpu.memory_space<vmem>>[vector<16xi32>], vector<16xf32>,
        %parallel_loop3A_340 = arith.constant 40 : i32
        %parallel_loop3A_341 = arith.constant 0 : i32
        %parallel_loop3A_342 = arith.index_cast %parallel_loop3A_340 : i32 to index
        %parallel_loop3A_343 = arith.index_cast %parallel_loop3A_341 : i32 to index
        %parallel_loop3A_344 = arith.index_cast %parallel_loop3A_275 : i32 to index
        %parallel_loop3A_345 = tpu.vector_load %arg9[%parallel_loop3A_342, %parallel_loop3A_343, %parallel_loop3A_344] {strides = array<i32>} : memref<78x1x256xf32, #tpu.memory_space<vmem>>, vector<16xf32>,
        tpu.vector_store %arg9[%parallel_loop3A_342, %parallel_loop3A_343, %parallel_loop3A_344], %parallel_loop3A_339 {strides = array<i32>} : memref<78x1x256xf32, #tpu.memory_space<vmem>>, vector<16xf32>,
        %parallel_loop3A_346 = arith.constant 2 : i32
        %parallel_loop3A_347 = vector.broadcast %parallel_loop3A_346 : i32 to vector<16xi32>
        %parallel_loop3A_348 = arith.addi %parallel_loop3A_301, %parallel_loop3A_347 : vector<16xi32>
        %parallel_loop3A_349 = tpu.vector_load_idx %arg5[%parallel_loop3A_348] : memref<52800xf32, #tpu.memory_space<vmem>>[vector<16xi32>], vector<16xf32>,
        %parallel_loop3A_350 = arith.constant 2 : i32
        %parallel_loop3A_351 = arith.constant 0 : i32
        %parallel_loop3A_352 = arith.index_cast %parallel_loop3A_350 : i32 to index
        %parallel_loop3A_353 = arith.index_cast %parallel_loop3A_351 : i32 to index
        %parallel_loop3A_354 = arith.index_cast %parallel_loop3A_275 : i32 to index
        %parallel_loop3A_355 = tpu.vector_load %arg9[%parallel_loop3A_352, %parallel_loop3A_353, %parallel_loop3A_354] {strides = array<i32>} : memref<78x1x256xf32, #tpu.memory_space<vmem>>, vector<16xf32>,
        tpu.vector_store %arg9[%parallel_loop3A_352, %parallel_loop3A_353, %parallel_loop3A_354], %parallel_loop3A_349 {strides = array<i32>} : memref<78x1x256xf32, #tpu.memory_space<vmem>>, vector<16xf32>,
        %parallel_loop3A_356 = arith.constant 2 : i32
        %parallel_loop3A_357 = vector.broadcast %parallel_loop3A_356 : i32 to vector<16xi32>
        %parallel_loop3A_358 = arith.addi %parallel_loop3A_305, %parallel_loop3A_357 : vector<16xi32>
        %parallel_loop3A_359 = tpu.vector_load_idx %arg5[%parallel_loop3A_358] : memref<52800xf32, #tpu.memory_space<vmem>>[vector<16xi32>], vector<16xf32>,
        %parallel_loop3A_360 = arith.constant 41 : i32
        %parallel_loop3A_361 = arith.constant 0 : i32
        %parallel_loop3A_362 = arith.index_cast %parallel_loop3A_360 : i32 to index
        %parallel_loop3A_363 = arith.index_cast %parallel_loop3A_361 : i32 to index
        %parallel_loop3A_364 = arith.index_cast %parallel_loop3A_275 : i32 to index
        %parallel_loop3A_365 = tpu.vector_load %arg9[%parallel_loop3A_362, %parallel_loop3A_363, %parallel_loop3A_364] {strides = array<i32>} : memref<78x1x256xf32, #tpu.memory_space<vmem>>, vector<16xf32>,
        tpu.vector_store %arg9[%parallel_loop3A_362, %parallel_loop3A_363, %parallel_loop3A_364], %parallel_loop3A_359 {strides = array<i32>} : memref<78x1x256xf32, #tpu.memory_space<vmem>>, vector<16xf32>,
        %parallel_loop3A_366 = arith.constant 3 : i32
        %parallel_loop3A_367 = vector.broadcast %parallel_loop3A_366 : i32 to vector<16xi32>
        %parallel_loop3A_368 = arith.addi %parallel_loop3A_301, %parallel_loop3A_367 : vector<16xi32>
        %parallel_loop3A_369 = tpu.vector_load_idx %arg5[%parallel_loop3A_368] : memref<52800xf32, #tpu.memory_space<vmem>>[vector<16xi32>], vector<16xf32>,
        %parallel_loop3A_370 = arith.constant 3 : i32
        %parallel_loop3A_371 = arith.constant 0 : i32
        %parallel_loop3A_372 = arith.index_cast %parallel_loop3A_370 : i32 to index
        %parallel_loop3A_373 = arith.index_cast %parallel_loop3A_371 : i32 to index
        %parallel_loop3A_374 = arith.index_cast %parallel_loop3A_275 : i32 to index
        %parallel_loop3A_375 = tpu.vector_load %arg9[%parallel_loop3A_372, %parallel_loop3A_373, %parallel_loop3A_374] {strides = array<i32>} : memref<78x1x256xf32, #tpu.memory_space<vmem>>, vector<16xf32>,
        tpu.vector_store %arg9[%parallel_loop3A_372, %parallel_loop3A_373, %parallel_loop3A_374], %parallel_loop3A_369 {strides = array<i32>} : memref<78x1x256xf32, #tpu.memory_space<vmem>>, vector<16xf32>,
        %parallel_loop3A_376 = arith.constant 3 : i32
        %parallel_loop3A_377 = vector.broadcast %parallel_loop3A_376 : i32 to vector<16xi32>
        %parallel_loop3A_378 = arith.addi %parallel_loop3A_305, %parallel_loop3A_377 : vector<16xi32>
        %parallel_loop3A_379 = tpu.vector_load_idx %arg5[%parallel_loop3A_378] : memref<52800xf32, #tpu.memory_space<vmem>>[vector<16xi32>], vector<16xf32>,
        %parallel_loop3A_380 = arith.constant 42 : i32
        %parallel_loop3A_381 = arith.constant 0 : i32
        %parallel_loop3A_382 = arith.index_cast %parallel_loop3A_380 : i32 to index
        %parallel_loop3A_383 = arith.index_cast %parallel_loop3A_381 : i32 to index
        %parallel_loop3A_384 = arith.index_cast %parallel_loop3A_275 : i32 to index
        %parallel_loop3A_385 = tpu.vector_load %arg9[%parallel_loop3A_382, %parallel_loop3A_383, %parallel_loop3A_384] {strides = array<i32>} : memref<78x1x256xf32, #tpu.memory_space<vmem>>, vector<16xf32>,
        tpu.vector_store %arg9[%parallel_loop3A_382, %parallel_loop3A_383, %parallel_loop3A_384], %parallel_loop3A_379 {strides = array<i32>} : memref<78x1x256xf32, #tpu.memory_space<vmem>>, vector<16xf32>,
        %parallel_loop3A_386 = arith.constant 4 : i32
        %parallel_loop3A_387 = vector.broadcast %parallel_loop3A_386 : i32 to vector<16xi32>
        %parallel_loop3A_388 = arith.addi %parallel_loop3A_301, %parallel_loop3A_387 : vector<16xi32>
        %parallel_loop3A_389 = tpu.vector_load_idx %arg5[%parallel_loop3A_388] : memref<52800xf32, #tpu.memory_space<vmem>>[vector<16xi32>], vector<16xf32>,
        %parallel_loop3A_390 = arith.constant 4 : i32
        %parallel_loop3A_391 = arith.constant 0 : i32
        %parallel_loop3A_392 = arith.index_cast %parallel_loop3A_390 : i32 to index
        %parallel_loop3A_393 = arith.index_cast %parallel_loop3A_391 : i32 to index
        %parallel_loop3A_394 = arith.index_cast %parallel_loop3A_275 : i32 to index
        %parallel_loop3A_395 = tpu.vector_load %arg9[%parallel_loop3A_392, %parallel_loop3A_393, %parallel_loop3A_394] {strides = array<i32>} : memref<78x1x256xf32, #tpu.memory_space<vmem>>, vector<16xf32>,
        tpu.vector_store %arg9[%parallel_loop3A_392, %parallel_loop3A_393, %parallel_loop3A_394], %parallel_loop3A_389 {strides = array<i32>} : memref<78x1x256xf32, #tpu.memory_space<vmem>>, vector<16xf32>,
        %parallel_loop3A_396 = arith.constant 4 : i32
        %parallel_loop3A_397 = vector.broadcast %parallel_loop3A_396 : i32 to vector<16xi32>
        %parallel_loop3A_398 = arith.addi %parallel_loop3A_305, %parallel_loop3A_397 : vector<16xi32>
        %parallel_loop3A_399 = tpu.vector_load_idx %arg5[%parallel_loop3A_398] : memref<52800xf32, #tpu.memory_space<vmem>>[vector<16xi32>], vector<16xf32>,
        %parallel_loop3A_400 = arith.constant 43 : i32
        %parallel_loop3A_401 = arith.constant 0 : i32
        %parallel_loop3A_402 = arith.index_cast %parallel_loop3A_400 : i32 to index
        %parallel_loop3A_403 = arith.index_cast %parallel_loop3A_401 : i32 to index
        %parallel_loop3A_404 = arith.index_cast %parallel_loop3A_275 : i32 to index
        %parallel_loop3A_405 = tpu.vector_load %arg9[%parallel_loop3A_402, %parallel_loop3A_403, %parallel_loop3A_404] {strides = array<i32>} : memref<78x1x256xf32, #tpu.memory_space<vmem>>, vector<16xf32>,
        tpu.vector_store %arg9[%parallel_loop3A_402, %parallel_loop3A_403, %parallel_loop3A_404], %parallel_loop3A_399 {strides = array<i32>} : memref<78x1x256xf32, #tpu.memory_space<vmem>>, vector<16xf32>,
        %parallel_loop3A_406 = arith.constant 5 : i32
        %parallel_loop3A_407 = vector.broadcast %parallel_loop3A_406 : i32 to vector<16xi32>
        %parallel_loop3A_408 = arith.addi %parallel_loop3A_301, %parallel_loop3A_407 : vector<16xi32>
        %parallel_loop3A_409 = tpu.vector_load_idx %arg5[%parallel_loop3A_408] : memref<52800xf32, #tpu.memory_space<vmem>>[vector<16xi32>], vector<16xf32>,
        %parallel_loop3A_410 = arith.constant 5 : i32
        %parallel_loop3A_411 = arith.constant 0 : i32
        %parallel_loop3A_412 = arith.index_cast %parallel_loop3A_410 : i32 to index
        %parallel_loop3A_413 = arith.index_cast %parallel_loop3A_411 : i32 to index
        %parallel_loop3A_414 = arith.index_cast %parallel_loop3A_275 : i32 to index
        %parallel_loop3A_415 = tpu.vector_load %arg9[%parallel_loop3A_412, %parallel_loop3A_413, %parallel_loop3A_414] {strides = array<i32>} : memref<78x1x256xf32, #tpu.memory_space<vmem>>, vector<16xf32>,
        tpu.vector_store %arg9[%parallel_loop3A_412, %parallel_loop3A_413, %parallel_loop3A_414], %parallel_loop3A_409 {strides = array<i32>} : memref<78x1x256xf32, #tpu.memory_space<vmem>>, vector<16xf32>,
        %parallel_loop3A_416 = arith.constant 5 : i32
        %parallel_loop3A_417 = vector.broadcast %parallel_loop3A_416 : i32 to vector<16xi32>
        %parallel_loop3A_418 = arith.addi %parallel_loop3A_305, %parallel_loop3A_417 : vector<16xi32>
        %parallel_loop3A_419 = tpu.vector_load_idx %arg5[%parallel_loop3A_418] : memref<52800xf32, #tpu.memory_space<vmem>>[vector<16xi32>], vector<16xf32>,
        %parallel_loop3A_420 = arith.constant 44 : i32
        %parallel_loop3A_421 = arith.constant 0 : i32
        %parallel_loop3A_422 = arith.index_cast %parallel_loop3A_420 : i32 to index
        %parallel_loop3A_423 = arith.index_cast %parallel_loop3A_421 : i32 to index
        %parallel_loop3A_424 = arith.index_cast %parallel_loop3A_275 : i32 to index
        %parallel_loop3A_425 = tpu.vector_load %arg9[%parallel_loop3A_422, %parallel_loop3A_423, %parallel_loop3A_424] {strides = array<i32>} : memref<78x1x256xf32, #tpu.memory_space<vmem>>, vector<16xf32>,
        tpu.vector_store %arg9[%parallel_loop3A_422, %parallel_loop3A_423, %parallel_loop3A_424], %parallel_loop3A_419 {strides = array<i32>} : memref<78x1x256xf32, #tpu.memory_space<vmem>>, vector<16xf32>,
        %parallel_loop3A_426 = arith.constant 6 : i32
        %parallel_loop3A_427 = vector.broadcast %parallel_loop3A_426 : i32 to vector<16xi32>
        %parallel_loop3A_428 = arith.addi %parallel_loop3A_301, %parallel_loop3A_427 : vector<16xi32>
        %parallel_loop3A_429 = tpu.vector_load_idx %arg5[%parallel_loop3A_428] : memref<52800xf32, #tpu.memory_space<vmem>>[vector<16xi32>], vector<16xf32>,
        %parallel_loop3A_430 = arith.constant 6 : i32
        %parallel_loop3A_431 = arith.constant 0 : i32
        %parallel_loop3A_432 = arith.index_cast %parallel_loop3A_430 : i32 to index
        %parallel_loop3A_433 = arith.index_cast %parallel_loop3A_431 : i32 to index
        %parallel_loop3A_434 = arith.index_cast %parallel_loop3A_275 : i32 to index
        %parallel_loop3A_435 = tpu.vector_load %arg9[%parallel_loop3A_432, %parallel_loop3A_433, %parallel_loop3A_434] {strides = array<i32>} : memref<78x1x256xf32, #tpu.memory_space<vmem>>, vector<16xf32>,
        tpu.vector_store %arg9[%parallel_loop3A_432, %parallel_loop3A_433, %parallel_loop3A_434], %parallel_loop3A_429 {strides = array<i32>} : memref<78x1x256xf32, #tpu.memory_space<vmem>>, vector<16xf32>,
        %parallel_loop3A_436 = arith.constant 6 : i32
        %parallel_loop3A_437 = vector.broadcast %parallel_loop3A_436 : i32 to vector<16xi32>
        %parallel_loop3A_438 = arith.addi %parallel_loop3A_305, %parallel_loop3A_437 : vector<16xi32>
        %parallel_loop3A_439 = tpu.vector_load_idx %arg5[%parallel_loop3A_438] : memref<52800xf32, #tpu.memory_space<vmem>>[vector<16xi32>], vector<16xf32>,
        %parallel_loop3A_440 = arith.constant 45 : i32
        %parallel_loop3A_441 = arith.constant 0 : i32
        %parallel_loop3A_442 = arith.index_cast %parallel_loop3A_440 : i32 to index
        %parallel_loop3A_443 = arith.index_cast %parallel_loop3A_441 : i32 to index
        %parallel_loop3A_444 = arith.index_cast %parallel_loop3A_275 : i32 to index
        %parallel_loop3A_445 = tpu.vector_load %arg9[%parallel_loop3A_442, %parallel_loop3A_443, %parallel_loop3A_444] {strides = array<i32>} : memref<78x1x256xf32, #tpu.memory_space<vmem>>, vector<16xf32>,
        tpu.vector_store %arg9[%parallel_loop3A_442, %parallel_loop3A_443, %parallel_loop3A_444], %parallel_loop3A_439 {strides = array<i32>} : memref<78x1x256xf32, #tpu.memory_space<vmem>>, vector<16xf32>,
        %parallel_loop3A_446 = arith.constant 7 : i32
        %parallel_loop3A_447 = vector.broadcast %parallel_loop3A_446 : i32 to vector<16xi32>
        %parallel_loop3A_448 = arith.addi %parallel_loop3A_301, %parallel_loop3A_447 : vector<16xi32>
        %parallel_loop3A_449 = tpu.vector_load_idx %arg5[%parallel_loop3A_448] : memref<52800xf32, #tpu.memory_space<vmem>>[vector<16xi32>], vector<16xf32>,
        %parallel_loop3A_450 = arith.constant 7 : i32
        %parallel_loop3A_451 = arith.constant 0 : i32
        %parallel_loop3A_452 = arith.index_cast %parallel_loop3A_450 : i32 to index
        %parallel_loop3A_453 = arith.index_cast %parallel_loop3A_451 : i32 to index
        %parallel_loop3A_454 = arith.index_cast %parallel_loop3A_275 : i32 to index
        %parallel_loop3A_455 = tpu.vector_load %arg9[%parallel_loop3A_452, %parallel_loop3A_453, %parallel_loop3A_454] {strides = array<i32>} : memref<78x1x256xf32, #tpu.memory_space<vmem>>, vector<16xf32>,
        tpu.vector_store %arg9[%parallel_loop3A_452, %parallel_loop3A_453, %parallel_loop3A_454], %parallel_loop3A_449 {strides = array<i32>} : memref<78x1x256xf32, #tpu.memory_space<vmem>>, vector<16xf32>,
        %parallel_loop3A_456 = arith.constant 7 : i32
        %parallel_loop3A_457 = vector.broadcast %parallel_loop3A_456 : i32 to vector<16xi32>
        %parallel_loop3A_458 = arith.addi %parallel_loop3A_305, %parallel_loop3A_457 : vector<16xi32>
        %parallel_loop3A_459 = tpu.vector_load_idx %arg5[%parallel_loop3A_458] : memref<52800xf32, #tpu.memory_space<vmem>>[vector<16xi32>], vector<16xf32>,
        %parallel_loop3A_460 = arith.constant 46 : i32
        %parallel_loop3A_461 = arith.constant 0 : i32
        %parallel_loop3A_462 = arith.index_cast %parallel_loop3A_460 : i32 to index
        %parallel_loop3A_463 = arith.index_cast %parallel_loop3A_461 : i32 to index
        %parallel_loop3A_464 = arith.index_cast %parallel_loop3A_275 : i32 to index
        %parallel_loop3A_465 = tpu.vector_load %arg9[%parallel_loop3A_462, %parallel_loop3A_463, %parallel_loop3A_464] {strides = array<i32>} : memref<78x1x256xf32, #tpu.memory_space<vmem>>, vector<16xf32>,
        tpu.vector_store %arg9[%parallel_loop3A_462, %parallel_loop3A_463, %parallel_loop3A_464], %parallel_loop3A_459 {strides = array<i32>} : memref<78x1x256xf32, #tpu.memory_space<vmem>>, vector<16xf32>,
        %parallel_loop3A_466 = arith.constant 8 : i32
        %parallel_loop3A_467 = vector.broadcast %parallel_loop3A_466 : i32 to vector<16xi32>
        %parallel_loop3A_468 = arith.addi %parallel_loop3A_301, %parallel_loop3A_467 : vector<16xi32>
        %parallel_loop3A_469 = tpu.vector_load_idx %arg5[%parallel_loop3A_468] : memref<52800xf32, #tpu.memory_space<vmem>>[vector<16xi32>], vector<16xf32>,
        %parallel_loop3A_470 = arith.constant 8 : i32
        %parallel_loop3A_471 = arith.constant 0 : i32
        %parallel_loop3A_472 = arith.index_cast %parallel_loop3A_470 : i32 to index
        %parallel_loop3A_473 = arith.index_cast %parallel_loop3A_471 : i32 to index
        %parallel_loop3A_474 = arith.index_cast %parallel_loop3A_275 : i32 to index
        %parallel_loop3A_475 = tpu.vector_load %arg9[%parallel_loop3A_472, %parallel_loop3A_473, %parallel_loop3A_474] {strides = array<i32>} : memref<78x1x256xf32, #tpu.memory_space<vmem>>, vector<16xf32>,
        tpu.vector_store %arg9[%parallel_loop3A_472, %parallel_loop3A_473, %parallel_loop3A_474], %parallel_loop3A_469 {strides = array<i32>} : memref<78x1x256xf32, #tpu.memory_space<vmem>>, vector<16xf32>,
        %parallel_loop3A_476 = arith.constant 8 : i32
        %parallel_loop3A_477 = vector.broadcast %parallel_loop3A_476 : i32 to vector<16xi32>
        %parallel_loop3A_478 = arith.addi %parallel_loop3A_305, %parallel_loop3A_477 : vector<16xi32>
        %parallel_loop3A_479 = tpu.vector_load_idx %arg5[%parallel_loop3A_478] : memref<52800xf32, #tpu.memory_space<vmem>>[vector<16xi32>], vector<16xf32>,
        %parallel_loop3A_480 = arith.constant 47 : i32
        %parallel_loop3A_481 = arith.constant 0 : i32
        %parallel_loop3A_482 = arith.index_cast %parallel_loop3A_480 : i32 to index
        %parallel_loop3A_483 = arith.index_cast %parallel_loop3A_481 : i32 to index
        %parallel_loop3A_484 = arith.index_cast %parallel_loop3A_275 : i32 to index
        %parallel_loop3A_485 = tpu.vector_load %arg9[%parallel_loop3A_482, %parallel_loop3A_483, %parallel_loop3A_484] {strides = array<i32>} : memref<78x1x256xf32, #tpu.memory_space<vmem>>, vector<16xf32>,
        tpu.vector_store %arg9[%parallel_loop3A_482, %parallel_loop3A_483, %parallel_loop3A_484], %parallel_loop3A_479 {strides = array<i32>} : memref<78x1x256xf32, #tpu.memory_space<vmem>>, vector<16xf32>,
        %parallel_loop3A_486 = arith.constant 9 : i32
        %parallel_loop3A_487 = vector.broadcast %parallel_loop3A_486 : i32 to vector<16xi32>
        %parallel_loop3A_488 = arith.addi %parallel_loop3A_301, %parallel_loop3A_487 : vector<16xi32>
        %parallel_loop3A_489 = tpu.vector_load_idx %arg5[%parallel_loop3A_488] : memref<52800xf32, #tpu.memory_space<vmem>>[vector<16xi32>], vector<16xf32>,
        %parallel_loop3A_490 = arith.constant 9 : i32
        %parallel_loop3A_491 = arith.constant 0 : i32
        %parallel_loop3A_492 = arith.index_cast %parallel_loop3A_490 : i32 to index
        %parallel_loop3A_493 = arith.index_cast %parallel_loop3A_491 : i32 to index
        %parallel_loop3A_494 = arith.index_cast %parallel_loop3A_275 : i32 to index
        %parallel_loop3A_495 = tpu.vector_load %arg9[%parallel_loop3A_492, %parallel_loop3A_493, %parallel_loop3A_494] {strides = array<i32>} : memref<78x1x256xf32, #tpu.memory_space<vmem>>, vector<16xf32>,
        tpu.vector_store %arg9[%parallel_loop3A_492, %parallel_loop3A_493, %parallel_loop3A_494], %parallel_loop3A_489 {strides = array<i32>} : memref<78x1x256xf32, #tpu.memory_space<vmem>>, vector<16xf32>,
        %parallel_loop3A_496 = arith.constant 9 : i32
        %parallel_loop3A_497 = vector.broadcast %parallel_loop3A_496 : i32 to vector<16xi32>
        %parallel_loop3A_498 = arith.addi %parallel_loop3A_305, %parallel_loop3A_497 : vector<16xi32>
        %parallel_loop3A_499 = tpu.vector_load_idx %arg5[%parallel_loop3A_498] : memref<52800xf32, #tpu.memory_space<vmem>>[vector<16xi32>], vector<16xf32>,
        %parallel_loop3A_500 = arith.constant 48 : i32
        %parallel_loop3A_501 = arith.constant 0 : i32
        %parallel_loop3A_502 = arith.index_cast %parallel_loop3A_500 : i32 to index
        %parallel_loop3A_503 = arith.index_cast %parallel_loop3A_501 : i32 to index
        %parallel_loop3A_504 = arith.index_cast %parallel_loop3A_275 : i32 to index
        %parallel_loop3A_505 = tpu.vector_load %arg9[%parallel_loop3A_502, %parallel_loop3A_503, %parallel_loop3A_504] {strides = array<i32>} : memref<78x1x256xf32, #tpu.memory_space<vmem>>, vector<16xf32>,
        tpu.vector_store %arg9[%parallel_loop3A_502, %parallel_loop3A_503, %parallel_loop3A_504], %parallel_loop3A_499 {strides = array<i32>} : memref<78x1x256xf32, #tpu.memory_space<vmem>>, vector<16xf32>,
        %parallel_loop3A_506 = arith.constant 10 : i32
        %parallel_loop3A_507 = vector.broadcast %parallel_loop3A_506 : i32 to vector<16xi32>
        %parallel_loop3A_508 = arith.addi %parallel_loop3A_301, %parallel_loop3A_507 : vector<16xi32>
        %parallel_loop3A_509 = tpu.vector_load_idx %arg5[%parallel_loop3A_508] : memref<52800xf32, #tpu.memory_space<vmem>>[vector<16xi32>], vector<16xf32>,
        %parallel_loop3A_510 = arith.constant 10 : i32
        %parallel_loop3A_511 = arith.constant 0 : i32
        %parallel_loop3A_512 = arith.index_cast %parallel_loop3A_510 : i32 to index
        %parallel_loop3A_513 = arith.index_cast %parallel_loop3A_511 : i32 to index
        %parallel_loop3A_514 = arith.index_cast %parallel_loop3A_275 : i32 to index
        %parallel_loop3A_515 = tpu.vector_load %arg9[%parallel_loop3A_512, %parallel_loop3A_513, %parallel_loop3A_514] {strides = array<i32>} : memref<78x1x256xf32, #tpu.memory_space<vmem>>, vector<16xf32>,
        tpu.vector_store %arg9[%parallel_loop3A_512, %parallel_loop3A_513, %parallel_loop3A_514], %parallel_loop3A_509 {strides = array<i32>} : memref<78x1x256xf32, #tpu.memory_space<vmem>>, vector<16xf32>,
        %parallel_loop3A_516 = arith.constant 10 : i32
        %parallel_loop3A_517 = vector.broadcast %parallel_loop3A_516 : i32 to vector<16xi32>
        %parallel_loop3A_518 = arith.addi %parallel_loop3A_305, %parallel_loop3A_517 : vector<16xi32>
        %parallel_loop3A_519 = tpu.vector_load_idx %arg5[%parallel_loop3A_518] : memref<52800xf32, #tpu.memory_space<vmem>>[vector<16xi32>], vector<16xf32>,
        %parallel_loop3A_520 = arith.constant 49 : i32
        %parallel_loop3A_521 = arith.constant 0 : i32
        %parallel_loop3A_522 = arith.index_cast %parallel_loop3A_520 : i32 to index
        %parallel_loop3A_523 = arith.index_cast %parallel_loop3A_521 : i32 to index
        %parallel_loop3A_524 = arith.index_cast %parallel_loop3A_275 : i32 to index
        %parallel_loop3A_525 = tpu.vector_load %arg9[%parallel_loop3A_522, %parallel_loop3A_523, %parallel_loop3A_524] {strides = array<i32>} : memref<78x1x256xf32, #tpu.memory_space<vmem>>, vector<16xf32>,
        tpu.vector_store %arg9[%parallel_loop3A_522, %parallel_loop3A_523, %parallel_loop3A_524], %parallel_loop3A_519 {strides = array<i32>} : memref<78x1x256xf32, #tpu.memory_space<vmem>>, vector<16xf32>,
        %parallel_loop3A_526 = arith.constant 11 : i32
        %parallel_loop3A_527 = vector.broadcast %parallel_loop3A_526 : i32 to vector<16xi32>
        %parallel_loop3A_528 = arith.addi %parallel_loop3A_301, %parallel_loop3A_527 : vector<16xi32>
        %parallel_loop3A_529 = tpu.vector_load_idx %arg5[%parallel_loop3A_528] : memref<52800xf32, #tpu.memory_space<vmem>>[vector<16xi32>], vector<16xf32>,
        %parallel_loop3A_530 = arith.constant 11 : i32
        %parallel_loop3A_531 = arith.constant 0 : i32
        %parallel_loop3A_532 = arith.index_cast %parallel_loop3A_530 : i32 to index
        %parallel_loop3A_533 = arith.index_cast %parallel_loop3A_531 : i32 to index
        %parallel_loop3A_534 = arith.index_cast %parallel_loop3A_275 : i32 to index
        %parallel_loop3A_535 = tpu.vector_load %arg9[%parallel_loop3A_532, %parallel_loop3A_533, %parallel_loop3A_534] {strides = array<i32>} : memref<78x1x256xf32, #tpu.memory_space<vmem>>, vector<16xf32>,
        tpu.vector_store %arg9[%parallel_loop3A_532, %parallel_loop3A_533, %parallel_loop3A_534], %parallel_loop3A_529 {strides = array<i32>} : memref<78x1x256xf32, #tpu.memory_space<vmem>>, vector<16xf32>,
        %parallel_loop3A_536 = arith.constant 11 : i32
        %parallel_loop3A_537 = vector.broadcast %parallel_loop3A_536 : i32 to vector<16xi32>
        %parallel_loop3A_538 = arith.addi %parallel_loop3A_305, %parallel_loop3A_537 : vector<16xi32>
        %parallel_loop3A_539 = tpu.vector_load_idx %arg5[%parallel_loop3A_538] : memref<52800xf32, #tpu.memory_space<vmem>>[vector<16xi32>], vector<16xf32>,
        %parallel_loop3A_540 = arith.constant 50 : i32
        %parallel_loop3A_541 = arith.constant 0 : i32
        %parallel_loop3A_542 = arith.index_cast %parallel_loop3A_540 : i32 to index
        %parallel_loop3A_543 = arith.index_cast %parallel_loop3A_541 : i32 to index
        %parallel_loop3A_544 = arith.index_cast %parallel_loop3A_275 : i32 to index
        %parallel_loop3A_545 = tpu.vector_load %arg9[%parallel_loop3A_542, %parallel_loop3A_543, %parallel_loop3A_544] {strides = array<i32>} : memref<78x1x256xf32, #tpu.memory_space<vmem>>, vector<16xf32>,
        tpu.vector_store %arg9[%parallel_loop3A_542, %parallel_loop3A_543, %parallel_loop3A_544], %parallel_loop3A_539 {strides = array<i32>} : memref<78x1x256xf32, #tpu.memory_space<vmem>>, vector<16xf32>,
        %parallel_loop3A_546 = arith.constant 12 : i32
        %parallel_loop3A_547 = vector.broadcast %parallel_loop3A_546 : i32 to vector<16xi32>
        %parallel_loop3A_548 = arith.addi %parallel_loop3A_301, %parallel_loop3A_547 : vector<16xi32>
        %parallel_loop3A_549 = tpu.vector_load_idx %arg5[%parallel_loop3A_548] : memref<52800xf32, #tpu.memory_space<vmem>>[vector<16xi32>], vector<16xf32>,
        %parallel_loop3A_550 = arith.constant 12 : i32
        %parallel_loop3A_551 = arith.constant 0 : i32
        %parallel_loop3A_552 = arith.index_cast %parallel_loop3A_550 : i32 to index
        %parallel_loop3A_553 = arith.index_cast %parallel_loop3A_551 : i32 to index
        %parallel_loop3A_554 = arith.index_cast %parallel_loop3A_275 : i32 to index
        %parallel_loop3A_555 = tpu.vector_load %arg9[%parallel_loop3A_552, %parallel_loop3A_553, %parallel_loop3A_554] {strides = array<i32>} : memref<78x1x256xf32, #tpu.memory_space<vmem>>, vector<16xf32>,
        tpu.vector_store %arg9[%parallel_loop3A_552, %parallel_loop3A_553, %parallel_loop3A_554], %parallel_loop3A_549 {strides = array<i32>} : memref<78x1x256xf32, #tpu.memory_space<vmem>>, vector<16xf32>,
        %parallel_loop3A_556 = arith.constant 12 : i32
        %parallel_loop3A_557 = vector.broadcast %parallel_loop3A_556 : i32 to vector<16xi32>
        %parallel_loop3A_558 = arith.addi %parallel_loop3A_305, %parallel_loop3A_557 : vector<16xi32>
        %parallel_loop3A_559 = tpu.vector_load_idx %arg5[%parallel_loop3A_558] : memref<52800xf32, #tpu.memory_space<vmem>>[vector<16xi32>], vector<16xf32>,
        %parallel_loop3A_560 = arith.constant 51 : i32
        %parallel_loop3A_561 = arith.constant 0 : i32
        %parallel_loop3A_562 = arith.index_cast %parallel_loop3A_560 : i32 to index
        %parallel_loop3A_563 = arith.index_cast %parallel_loop3A_561 : i32 to index
        %parallel_loop3A_564 = arith.index_cast %parallel_loop3A_275 : i32 to index
        %parallel_loop3A_565 = tpu.vector_load %arg9[%parallel_loop3A_562, %parallel_loop3A_563, %parallel_loop3A_564] {strides = array<i32>} : memref<78x1x256xf32, #tpu.memory_space<vmem>>, vector<16xf32>,
        tpu.vector_store %arg9[%parallel_loop3A_562, %parallel_loop3A_563, %parallel_loop3A_564], %parallel_loop3A_559 {strides = array<i32>} : memref<78x1x256xf32, #tpu.memory_space<vmem>>, vector<16xf32>,
        %parallel_loop3A_566 = arith.constant 13 : i32
        %parallel_loop3A_567 = vector.broadcast %parallel_loop3A_566 : i32 to vector<16xi32>
        %parallel_loop3A_568 = arith.addi %parallel_loop3A_301, %parallel_loop3A_567 : vector<16xi32>
        %parallel_loop3A_569 = tpu.vector_load_idx %arg5[%parallel_loop3A_568] : memref<52800xf32, #tpu.memory_space<vmem>>[vector<16xi32>], vector<16xf32>,
        %parallel_loop3A_570 = arith.constant 13 : i32
        %parallel_loop3A_571 = arith.constant 0 : i32
        %parallel_loop3A_572 = arith.index_cast %parallel_loop3A_570 : i32 to index
        %parallel_loop3A_573 = arith.index_cast %parallel_loop3A_571 : i32 to index
        %parallel_loop3A_574 = arith.index_cast %parallel_loop3A_275 : i32 to index
        %parallel_loop3A_575 = tpu.vector_load %arg9[%parallel_loop3A_572, %parallel_loop3A_573, %parallel_loop3A_574] {strides = array<i32>} : memref<78x1x256xf32, #tpu.memory_space<vmem>>, vector<16xf32>,
        tpu.vector_store %arg9[%parallel_loop3A_572, %parallel_loop3A_573, %parallel_loop3A_574], %parallel_loop3A_569 {strides = array<i32>} : memref<78x1x256xf32, #tpu.memory_space<vmem>>, vector<16xf32>,
        %parallel_loop3A_576 = arith.constant 13 : i32
        %parallel_loop3A_577 = vector.broadcast %parallel_loop3A_576 : i32 to vector<16xi32>
        %parallel_loop3A_578 = arith.addi %parallel_loop3A_305, %parallel_loop3A_577 : vector<16xi32>
        %parallel_loop3A_579 = tpu.vector_load_idx %arg5[%parallel_loop3A_578] : memref<52800xf32, #tpu.memory_space<vmem>>[vector<16xi32>], vector<16xf32>,
        %parallel_loop3A_580 = arith.constant 52 : i32
        %parallel_loop3A_581 = arith.constant 0 : i32
        %parallel_loop3A_582 = arith.index_cast %parallel_loop3A_580 : i32 to index
        %parallel_loop3A_583 = arith.index_cast %parallel_loop3A_581 : i32 to index
        %parallel_loop3A_584 = arith.index_cast %parallel_loop3A_275 : i32 to index
        %parallel_loop3A_585 = tpu.vector_load %arg9[%parallel_loop3A_582, %parallel_loop3A_583, %parallel_loop3A_584] {strides = array<i32>} : memref<78x1x256xf32, #tpu.memory_space<vmem>>, vector<16xf32>,
        tpu.vector_store %arg9[%parallel_loop3A_582, %parallel_loop3A_583, %parallel_loop3A_584], %parallel_loop3A_579 {strides = array<i32>} : memref<78x1x256xf32, #tpu.memory_space<vmem>>, vector<16xf32>,
        %parallel_loop3A_586 = arith.constant 14 : i32
        %parallel_loop3A_587 = vector.broadcast %parallel_loop3A_586 : i32 to vector<16xi32>
        %parallel_loop3A_588 = arith.addi %parallel_loop3A_301, %parallel_loop3A_587 : vector<16xi32>
        %parallel_loop3A_589 = tpu.vector_load_idx %arg5[%parallel_loop3A_588] : memref<52800xf32, #tpu.memory_space<vmem>>[vector<16xi32>], vector<16xf32>,
        %parallel_loop3A_590 = arith.constant 14 : i32
        %parallel_loop3A_591 = arith.constant 0 : i32
        %parallel_loop3A_592 = arith.index_cast %parallel_loop3A_590 : i32 to index
        %parallel_loop3A_593 = arith.index_cast %parallel_loop3A_591 : i32 to index
        %parallel_loop3A_594 = arith.index_cast %parallel_loop3A_275 : i32 to index
        %parallel_loop3A_595 = tpu.vector_load %arg9[%parallel_loop3A_592, %parallel_loop3A_593, %parallel_loop3A_594] {strides = array<i32>} : memref<78x1x256xf32, #tpu.memory_space<vmem>>, vector<16xf32>,
        tpu.vector_store %arg9[%parallel_loop3A_592, %parallel_loop3A_593, %parallel_loop3A_594], %parallel_loop3A_589 {strides = array<i32>} : memref<78x1x256xf32, #tpu.memory_space<vmem>>, vector<16xf32>,
        %parallel_loop3A_596 = arith.constant 14 : i32
        %parallel_loop3A_597 = vector.broadcast %parallel_loop3A_596 : i32 to vector<16xi32>
        %parallel_loop3A_598 = arith.addi %parallel_loop3A_305, %parallel_loop3A_597 : vector<16xi32>
        %parallel_loop3A_599 = tpu.vector_load_idx %arg5[%parallel_loop3A_598] : memref<52800xf32, #tpu.memory_space<vmem>>[vector<16xi32>], vector<16xf32>,
        %parallel_loop3A_600 = arith.constant 53 : i32
        %parallel_loop3A_601 = arith.constant 0 : i32
        %parallel_loop3A_602 = arith.index_cast %parallel_loop3A_600 : i32 to index
        %parallel_loop3A_603 = arith.index_cast %parallel_loop3A_601 : i32 to index
        %parallel_loop3A_604 = arith.index_cast %parallel_loop3A_275 : i32 to index
        %parallel_loop3A_605 = tpu.vector_load %arg9[%parallel_loop3A_602, %parallel_loop3A_603, %parallel_loop3A_604] {strides = array<i32>} : memref<78x1x256xf32, #tpu.memory_space<vmem>>, vector<16xf32>,
        tpu.vector_store %arg9[%parallel_loop3A_602, %parallel_loop3A_603, %parallel_loop3A_604], %parallel_loop3A_599 {strides = array<i32>} : memref<78x1x256xf32, #tpu.memory_space<vmem>>, vector<16xf32>,
        %parallel_loop3A_606 = arith.constant 15 : i32
        %parallel_loop3A_607 = vector.broadcast %parallel_loop3A_606 : i32 to vector<16xi32>
        %parallel_loop3A_608 = arith.addi %parallel_loop3A_301, %parallel_loop3A_607 : vector<16xi32>
        %parallel_loop3A_609 = tpu.vector_load_idx %arg5[%parallel_loop3A_608] : memref<52800xf32, #tpu.memory_space<vmem>>[vector<16xi32>], vector<16xf32>,
        %parallel_loop3A_610 = arith.constant 15 : i32
        %parallel_loop3A_611 = arith.constant 0 : i32
        %parallel_loop3A_612 = arith.index_cast %parallel_loop3A_610 : i32 to index
        %parallel_loop3A_613 = arith.index_cast %parallel_loop3A_611 : i32 to index
        %parallel_loop3A_614 = arith.index_cast %parallel_loop3A_275 : i32 to index
        %parallel_loop3A_615 = tpu.vector_load %arg9[%parallel_loop3A_612, %parallel_loop3A_613, %parallel_loop3A_614] {strides = array<i32>} : memref<78x1x256xf32, #tpu.memory_space<vmem>>, vector<16xf32>,
        tpu.vector_store %arg9[%parallel_loop3A_612, %parallel_loop3A_613, %parallel_loop3A_614], %parallel_loop3A_609 {strides = array<i32>} : memref<78x1x256xf32, #tpu.memory_space<vmem>>, vector<16xf32>,
        %parallel_loop3A_616 = arith.constant 15 : i32
        %parallel_loop3A_617 = vector.broadcast %parallel_loop3A_616 : i32 to vector<16xi32>
        %parallel_loop3A_618 = arith.addi %parallel_loop3A_305, %parallel_loop3A_617 : vector<16xi32>
        %parallel_loop3A_619 = tpu.vector_load_idx %arg5[%parallel_loop3A_618] : memref<52800xf32, #tpu.memory_space<vmem>>[vector<16xi32>], vector<16xf32>,
        %parallel_loop3A_620 = arith.constant 54 : i32
        %parallel_loop3A_621 = arith.constant 0 : i32
        %parallel_loop3A_622 = arith.index_cast %parallel_loop3A_620 : i32 to index
        %parallel_loop3A_623 = arith.index_cast %parallel_loop3A_621 : i32 to index
        %parallel_loop3A_624 = arith.index_cast %parallel_loop3A_275 : i32 to index
        %parallel_loop3A_625 = tpu.vector_load %arg9[%parallel_loop3A_622, %parallel_loop3A_623, %parallel_loop3A_624] {strides = array<i32>} : memref<78x1x256xf32, #tpu.memory_space<vmem>>, vector<16xf32>,
        tpu.vector_store %arg9[%parallel_loop3A_622, %parallel_loop3A_623, %parallel_loop3A_624], %parallel_loop3A_619 {strides = array<i32>} : memref<78x1x256xf32, #tpu.memory_space<vmem>>, vector<16xf32>,
        %parallel_loop3A_626 = arith.constant 16 : i32
        %parallel_loop3A_627 = vector.broadcast %parallel_loop3A_626 : i32 to vector<16xi32>
        %parallel_loop3A_628 = arith.addi %parallel_loop3A_301, %parallel_loop3A_627 : vector<16xi32>
        %parallel_loop3A_629 = tpu.vector_load_idx %arg5[%parallel_loop3A_628] : memref<52800xf32, #tpu.memory_space<vmem>>[vector<16xi32>], vector<16xf32>,
        %parallel_loop3A_630 = arith.constant 16 : i32
        %parallel_loop3A_631 = arith.constant 0 : i32
        %parallel_loop3A_632 = arith.index_cast %parallel_loop3A_630 : i32 to index
        %parallel_loop3A_633 = arith.index_cast %parallel_loop3A_631 : i32 to index
        %parallel_loop3A_634 = arith.index_cast %parallel_loop3A_275 : i32 to index
        %parallel_loop3A_635 = tpu.vector_load %arg9[%parallel_loop3A_632, %parallel_loop3A_633, %parallel_loop3A_634] {strides = array<i32>} : memref<78x1x256xf32, #tpu.memory_space<vmem>>, vector<16xf32>,
        tpu.vector_store %arg9[%parallel_loop3A_632, %parallel_loop3A_633, %parallel_loop3A_634], %parallel_loop3A_629 {strides = array<i32>} : memref<78x1x256xf32, #tpu.memory_space<vmem>>, vector<16xf32>,
        %parallel_loop3A_636 = arith.constant 16 : i32
        %parallel_loop3A_637 = vector.broadcast %parallel_loop3A_636 : i32 to vector<16xi32>
        %parallel_loop3A_638 = arith.addi %parallel_loop3A_305, %parallel_loop3A_637 : vector<16xi32>
        %parallel_loop3A_639 = tpu.vector_load_idx %arg5[%parallel_loop3A_638] : memref<52800xf32, #tpu.memory_space<vmem>>[vector<16xi32>], vector<16xf32>,
        %parallel_loop3A_640 = arith.constant 55 : i32
        %parallel_loop3A_641 = arith.constant 0 : i32
        %parallel_loop3A_642 = arith.index_cast %parallel_loop3A_640 : i32 to index
        %parallel_loop3A_643 = arith.index_cast %parallel_loop3A_641 : i32 to index
        %parallel_loop3A_644 = arith.index_cast %parallel_loop3A_275 : i32 to index
        %parallel_loop3A_645 = tpu.vector_load %arg9[%parallel_loop3A_642, %parallel_loop3A_643, %parallel_loop3A_644] {strides = array<i32>} : memref<78x1x256xf32, #tpu.memory_space<vmem>>, vector<16xf32>,
        tpu.vector_store %arg9[%parallel_loop3A_642, %parallel_loop3A_643, %parallel_loop3A_644], %parallel_loop3A_639 {strides = array<i32>} : memref<78x1x256xf32, #tpu.memory_space<vmem>>, vector<16xf32>,
        %parallel_loop3A_646 = arith.constant 17 : i32
        %parallel_loop3A_647 = vector.broadcast %parallel_loop3A_646 : i32 to vector<16xi32>
        %parallel_loop3A_648 = arith.addi %parallel_loop3A_301, %parallel_loop3A_647 : vector<16xi32>
        %parallel_loop3A_649 = tpu.vector_load_idx %arg5[%parallel_loop3A_648] : memref<52800xf32, #tpu.memory_space<vmem>>[vector<16xi32>], vector<16xf32>,
        %parallel_loop3A_650 = arith.constant 17 : i32
        %parallel_loop3A_651 = arith.constant 0 : i32
        %parallel_loop3A_652 = arith.index_cast %parallel_loop3A_650 : i32 to index
        %parallel_loop3A_653 = arith.index_cast %parallel_loop3A_651 : i32 to index
        %parallel_loop3A_654 = arith.index_cast %parallel_loop3A_275 : i32 to index
        %parallel_loop3A_655 = tpu.vector_load %arg9[%parallel_loop3A_652, %parallel_loop3A_653, %parallel_loop3A_654] {strides = array<i32>} : memref<78x1x256xf32, #tpu.memory_space<vmem>>, vector<16xf32>,
        tpu.vector_store %arg9[%parallel_loop3A_652, %parallel_loop3A_653, %parallel_loop3A_654], %parallel_loop3A_649 {strides = array<i32>} : memref<78x1x256xf32, #tpu.memory_space<vmem>>, vector<16xf32>,
        %parallel_loop3A_656 = arith.constant 17 : i32
        %parallel_loop3A_657 = vector.broadcast %parallel_loop3A_656 : i32 to vector<16xi32>
        %parallel_loop3A_658 = arith.addi %parallel_loop3A_305, %parallel_loop3A_657 : vector<16xi32>
        %parallel_loop3A_659 = tpu.vector_load_idx %arg5[%parallel_loop3A_658] : memref<52800xf32, #tpu.memory_space<vmem>>[vector<16xi32>], vector<16xf32>,
        %parallel_loop3A_660 = arith.constant 56 : i32
        %parallel_loop3A_661 = arith.constant 0 : i32
        %parallel_loop3A_662 = arith.index_cast %parallel_loop3A_660 : i32 to index
        %parallel_loop3A_663 = arith.index_cast %parallel_loop3A_661 : i32 to index
        %parallel_loop3A_664 = arith.index_cast %parallel_loop3A_275 : i32 to index
        %parallel_loop3A_665 = tpu.vector_load %arg9[%parallel_loop3A_662, %parallel_loop3A_663, %parallel_loop3A_664] {strides = array<i32>} : memref<78x1x256xf32, #tpu.memory_space<vmem>>, vector<16xf32>,
        tpu.vector_store %arg9[%parallel_loop3A_662, %parallel_loop3A_663, %parallel_loop3A_664], %parallel_loop3A_659 {strides = array<i32>} : memref<78x1x256xf32, #tpu.memory_space<vmem>>, vector<16xf32>,
        %parallel_loop3A_666 = arith.constant 18 : i32
        %parallel_loop3A_667 = vector.broadcast %parallel_loop3A_666 : i32 to vector<16xi32>
        %parallel_loop3A_668 = arith.addi %parallel_loop3A_301, %parallel_loop3A_667 : vector<16xi32>
        %parallel_loop3A_669 = tpu.vector_load_idx %arg5[%parallel_loop3A_668] : memref<52800xf32, #tpu.memory_space<vmem>>[vector<16xi32>], vector<16xf32>,
        %parallel_loop3A_670 = arith.constant 18 : i32
        %parallel_loop3A_671 = arith.constant 0 : i32
        %parallel_loop3A_672 = arith.index_cast %parallel_loop3A_670 : i32 to index
        %parallel_loop3A_673 = arith.index_cast %parallel_loop3A_671 : i32 to index
        %parallel_loop3A_674 = arith.index_cast %parallel_loop3A_275 : i32 to index
        %parallel_loop3A_675 = tpu.vector_load %arg9[%parallel_loop3A_672, %parallel_loop3A_673, %parallel_loop3A_674] {strides = array<i32>} : memref<78x1x256xf32, #tpu.memory_space<vmem>>, vector<16xf32>,
        tpu.vector_store %arg9[%parallel_loop3A_672, %parallel_loop3A_673, %parallel_loop3A_674], %parallel_loop3A_669 {strides = array<i32>} : memref<78x1x256xf32, #tpu.memory_space<vmem>>, vector<16xf32>,
        %parallel_loop3A_676 = arith.constant 18 : i32
        %parallel_loop3A_677 = vector.broadcast %parallel_loop3A_676 : i32 to vector<16xi32>
        %parallel_loop3A_678 = arith.addi %parallel_loop3A_305, %parallel_loop3A_677 : vector<16xi32>
        %parallel_loop3A_679 = tpu.vector_load_idx %arg5[%parallel_loop3A_678] : memref<52800xf32, #tpu.memory_space<vmem>>[vector<16xi32>], vector<16xf32>,
        %parallel_loop3A_680 = arith.constant 57 : i32
        %parallel_loop3A_681 = arith.constant 0 : i32
        %parallel_loop3A_682 = arith.index_cast %parallel_loop3A_680 : i32 to index
        %parallel_loop3A_683 = arith.index_cast %parallel_loop3A_681 : i32 to index
        %parallel_loop3A_684 = arith.index_cast %parallel_loop3A_275 : i32 to index
        %parallel_loop3A_685 = tpu.vector_load %arg9[%parallel_loop3A_682, %parallel_loop3A_683, %parallel_loop3A_684] {strides = array<i32>} : memref<78x1x256xf32, #tpu.memory_space<vmem>>, vector<16xf32>,
        tpu.vector_store %arg9[%parallel_loop3A_682, %parallel_loop3A_683, %parallel_loop3A_684], %parallel_loop3A_679 {strides = array<i32>} : memref<78x1x256xf32, #tpu.memory_space<vmem>>, vector<16xf32>,
        %parallel_loop3A_686 = arith.constant 19 : i32
        %parallel_loop3A_687 = vector.broadcast %parallel_loop3A_686 : i32 to vector<16xi32>
        %parallel_loop3A_688 = arith.addi %parallel_loop3A_301, %parallel_loop3A_687 : vector<16xi32>
        %parallel_loop3A_689 = tpu.vector_load_idx %arg5[%parallel_loop3A_688] : memref<52800xf32, #tpu.memory_space<vmem>>[vector<16xi32>], vector<16xf32>,
        %parallel_loop3A_690 = arith.constant 19 : i32
        %parallel_loop3A_691 = arith.constant 0 : i32
        %parallel_loop3A_692 = arith.index_cast %parallel_loop3A_690 : i32 to index
        %parallel_loop3A_693 = arith.index_cast %parallel_loop3A_691 : i32 to index
        %parallel_loop3A_694 = arith.index_cast %parallel_loop3A_275 : i32 to index
        %parallel_loop3A_695 = tpu.vector_load %arg9[%parallel_loop3A_692, %parallel_loop3A_693, %parallel_loop3A_694] {strides = array<i32>} : memref<78x1x256xf32, #tpu.memory_space<vmem>>, vector<16xf32>,
        tpu.vector_store %arg9[%parallel_loop3A_692, %parallel_loop3A_693, %parallel_loop3A_694], %parallel_loop3A_689 {strides = array<i32>} : memref<78x1x256xf32, #tpu.memory_space<vmem>>, vector<16xf32>,
        %parallel_loop3A_696 = arith.constant 19 : i32
        %parallel_loop3A_697 = vector.broadcast %parallel_loop3A_696 : i32 to vector<16xi32>
        %parallel_loop3A_698 = arith.addi %parallel_loop3A_305, %parallel_loop3A_697 : vector<16xi32>
        %parallel_loop3A_699 = tpu.vector_load_idx %arg5[%parallel_loop3A_698] : memref<52800xf32, #tpu.memory_space<vmem>>[vector<16xi32>], vector<16xf32>,
        %parallel_loop3A_700 = arith.constant 58 : i32
        %parallel_loop3A_701 = arith.constant 0 : i32
        %parallel_loop3A_702 = arith.index_cast %parallel_loop3A_700 : i32 to index
        %parallel_loop3A_703 = arith.index_cast %parallel_loop3A_701 : i32 to index
        %parallel_loop3A_704 = arith.index_cast %parallel_loop3A_275 : i32 to index
        %parallel_loop3A_705 = tpu.vector_load %arg9[%parallel_loop3A_702, %parallel_loop3A_703, %parallel_loop3A_704] {strides = array<i32>} : memref<78x1x256xf32, #tpu.memory_space<vmem>>, vector<16xf32>,
        tpu.vector_store %arg9[%parallel_loop3A_702, %parallel_loop3A_703, %parallel_loop3A_704], %parallel_loop3A_699 {strides = array<i32>} : memref<78x1x256xf32, #tpu.memory_space<vmem>>, vector<16xf32>,
        %parallel_loop3A_706 = arith.constant 20 : i32
        %parallel_loop3A_707 = vector.broadcast %parallel_loop3A_706 : i32 to vector<16xi32>
        %parallel_loop3A_708 = arith.addi %parallel_loop3A_301, %parallel_loop3A_707 : vector<16xi32>
        %parallel_loop3A_709 = tpu.vector_load_idx %arg5[%parallel_loop3A_708] : memref<52800xf32, #tpu.memory_space<vmem>>[vector<16xi32>], vector<16xf32>,
        %parallel_loop3A_710 = arith.constant 20 : i32
        %parallel_loop3A_711 = arith.constant 0 : i32
        %parallel_loop3A_712 = arith.index_cast %parallel_loop3A_710 : i32 to index
        %parallel_loop3A_713 = arith.index_cast %parallel_loop3A_711 : i32 to index
        %parallel_loop3A_714 = arith.index_cast %parallel_loop3A_275 : i32 to index
        %parallel_loop3A_715 = tpu.vector_load %arg9[%parallel_loop3A_712, %parallel_loop3A_713, %parallel_loop3A_714] {strides = array<i32>} : memref<78x1x256xf32, #tpu.memory_space<vmem>>, vector<16xf32>,
        tpu.vector_store %arg9[%parallel_loop3A_712, %parallel_loop3A_713, %parallel_loop3A_714], %parallel_loop3A_709 {strides = array<i32>} : memref<78x1x256xf32, #tpu.memory_space<vmem>>, vector<16xf32>,
        %parallel_loop3A_716 = arith.constant 20 : i32
        %parallel_loop3A_717 = vector.broadcast %parallel_loop3A_716 : i32 to vector<16xi32>
        %parallel_loop3A_718 = arith.addi %parallel_loop3A_305, %parallel_loop3A_717 : vector<16xi32>
        %parallel_loop3A_719 = tpu.vector_load_idx %arg5[%parallel_loop3A_718] : memref<52800xf32, #tpu.memory_space<vmem>>[vector<16xi32>], vector<16xf32>,
        %parallel_loop3A_720 = arith.constant 59 : i32
        %parallel_loop3A_721 = arith.constant 0 : i32
        %parallel_loop3A_722 = arith.index_cast %parallel_loop3A_720 : i32 to index
        %parallel_loop3A_723 = arith.index_cast %parallel_loop3A_721 : i32 to index
        %parallel_loop3A_724 = arith.index_cast %parallel_loop3A_275 : i32 to index
        %parallel_loop3A_725 = tpu.vector_load %arg9[%parallel_loop3A_722, %parallel_loop3A_723, %parallel_loop3A_724] {strides = array<i32>} : memref<78x1x256xf32, #tpu.memory_space<vmem>>, vector<16xf32>,
        tpu.vector_store %arg9[%parallel_loop3A_722, %parallel_loop3A_723, %parallel_loop3A_724], %parallel_loop3A_719 {strides = array<i32>} : memref<78x1x256xf32, #tpu.memory_space<vmem>>, vector<16xf32>,
        %parallel_loop3A_726 = arith.constant 21 : i32
        %parallel_loop3A_727 = vector.broadcast %parallel_loop3A_726 : i32 to vector<16xi32>
        %parallel_loop3A_728 = arith.addi %parallel_loop3A_301, %parallel_loop3A_727 : vector<16xi32>
        %parallel_loop3A_729 = tpu.vector_load_idx %arg5[%parallel_loop3A_728] : memref<52800xf32, #tpu.memory_space<vmem>>[vector<16xi32>], vector<16xf32>,
        %parallel_loop3A_730 = arith.constant 21 : i32
        %parallel_loop3A_731 = arith.constant 0 : i32
        %parallel_loop3A_732 = arith.index_cast %parallel_loop3A_730 : i32 to index
        %parallel_loop3A_733 = arith.index_cast %parallel_loop3A_731 : i32 to index
        %parallel_loop3A_734 = arith.index_cast %parallel_loop3A_275 : i32 to index
        %parallel_loop3A_735 = tpu.vector_load %arg9[%parallel_loop3A_732, %parallel_loop3A_733, %parallel_loop3A_734] {strides = array<i32>} : memref<78x1x256xf32, #tpu.memory_space<vmem>>, vector<16xf32>,
        tpu.vector_store %arg9[%parallel_loop3A_732, %parallel_loop3A_733, %parallel_loop3A_734], %parallel_loop3A_729 {strides = array<i32>} : memref<78x1x256xf32, #tpu.memory_space<vmem>>, vector<16xf32>,
        %parallel_loop3A_736 = arith.constant 21 : i32
        %parallel_loop3A_737 = vector.broadcast %parallel_loop3A_736 : i32 to vector<16xi32>
        %parallel_loop3A_738 = arith.addi %parallel_loop3A_305, %parallel_loop3A_737 : vector<16xi32>
        %parallel_loop3A_739 = tpu.vector_load_idx %arg5[%parallel_loop3A_738] : memref<52800xf32, #tpu.memory_space<vmem>>[vector<16xi32>], vector<16xf32>,
        %parallel_loop3A_740 = arith.constant 60 : i32
        %parallel_loop3A_741 = arith.constant 0 : i32
        %parallel_loop3A_742 = arith.index_cast %parallel_loop3A_740 : i32 to index
        %parallel_loop3A_743 = arith.index_cast %parallel_loop3A_741 : i32 to index
        %parallel_loop3A_744 = arith.index_cast %parallel_loop3A_275 : i32 to index
        %parallel_loop3A_745 = tpu.vector_load %arg9[%parallel_loop3A_742, %parallel_loop3A_743, %parallel_loop3A_744] {strides = array<i32>} : memref<78x1x256xf32, #tpu.memory_space<vmem>>, vector<16xf32>,
        tpu.vector_store %arg9[%parallel_loop3A_742, %parallel_loop3A_743, %parallel_loop3A_744], %parallel_loop3A_739 {strides = array<i32>} : memref<78x1x256xf32, #tpu.memory_space<vmem>>, vector<16xf32>,
        %parallel_loop3A_746 = arith.constant 22 : i32
        %parallel_loop3A_747 = vector.broadcast %parallel_loop3A_746 : i32 to vector<16xi32>
        %parallel_loop3A_748 = arith.addi %parallel_loop3A_301, %parallel_loop3A_747 : vector<16xi32>
        %parallel_loop3A_749 = tpu.vector_load_idx %arg5[%parallel_loop3A_748] : memref<52800xf32, #tpu.memory_space<vmem>>[vector<16xi32>], vector<16xf32>,
        %parallel_loop3A_750 = arith.constant 22 : i32
        %parallel_loop3A_751 = arith.constant 0 : i32
        %parallel_loop3A_752 = arith.index_cast %parallel_loop3A_750 : i32 to index
        %parallel_loop3A_753 = arith.index_cast %parallel_loop3A_751 : i32 to index
        %parallel_loop3A_754 = arith.index_cast %parallel_loop3A_275 : i32 to index
        %parallel_loop3A_755 = tpu.vector_load %arg9[%parallel_loop3A_752, %parallel_loop3A_753, %parallel_loop3A_754] {strides = array<i32>} : memref<78x1x256xf32, #tpu.memory_space<vmem>>, vector<16xf32>,
        tpu.vector_store %arg9[%parallel_loop3A_752, %parallel_loop3A_753, %parallel_loop3A_754], %parallel_loop3A_749 {strides = array<i32>} : memref<78x1x256xf32, #tpu.memory_space<vmem>>, vector<16xf32>,
        %parallel_loop3A_756 = arith.constant 22 : i32
        %parallel_loop3A_757 = vector.broadcast %parallel_loop3A_756 : i32 to vector<16xi32>
        %parallel_loop3A_758 = arith.addi %parallel_loop3A_305, %parallel_loop3A_757 : vector<16xi32>
        %parallel_loop3A_759 = tpu.vector_load_idx %arg5[%parallel_loop3A_758] : memref<52800xf32, #tpu.memory_space<vmem>>[vector<16xi32>], vector<16xf32>,
        %parallel_loop3A_760 = arith.constant 61 : i32
        %parallel_loop3A_761 = arith.constant 0 : i32
        %parallel_loop3A_762 = arith.index_cast %parallel_loop3A_760 : i32 to index
        %parallel_loop3A_763 = arith.index_cast %parallel_loop3A_761 : i32 to index
        %parallel_loop3A_764 = arith.index_cast %parallel_loop3A_275 : i32 to index
        %parallel_loop3A_765 = tpu.vector_load %arg9[%parallel_loop3A_762, %parallel_loop3A_763, %parallel_loop3A_764] {strides = array<i32>} : memref<78x1x256xf32, #tpu.memory_space<vmem>>, vector<16xf32>,
        tpu.vector_store %arg9[%parallel_loop3A_762, %parallel_loop3A_763, %parallel_loop3A_764], %parallel_loop3A_759 {strides = array<i32>} : memref<78x1x256xf32, #tpu.memory_space<vmem>>, vector<16xf32>,
        %parallel_loop3A_766 = arith.constant 23 : i32
        %parallel_loop3A_767 = vector.broadcast %parallel_loop3A_766 : i32 to vector<16xi32>
        %parallel_loop3A_768 = arith.addi %parallel_loop3A_301, %parallel_loop3A_767 : vector<16xi32>
        %parallel_loop3A_769 = tpu.vector_load_idx %arg5[%parallel_loop3A_768] : memref<52800xf32, #tpu.memory_space<vmem>>[vector<16xi32>], vector<16xf32>,
        %parallel_loop3A_770 = arith.constant 23 : i32
        %parallel_loop3A_771 = arith.constant 0 : i32
        %parallel_loop3A_772 = arith.index_cast %parallel_loop3A_770 : i32 to index
        %parallel_loop3A_773 = arith.index_cast %parallel_loop3A_771 : i32 to index
        %parallel_loop3A_774 = arith.index_cast %parallel_loop3A_275 : i32 to index
        %parallel_loop3A_775 = tpu.vector_load %arg9[%parallel_loop3A_772, %parallel_loop3A_773, %parallel_loop3A_774] {strides = array<i32>} : memref<78x1x256xf32, #tpu.memory_space<vmem>>, vector<16xf32>,
        tpu.vector_store %arg9[%parallel_loop3A_772, %parallel_loop3A_773, %parallel_loop3A_774], %parallel_loop3A_769 {strides = array<i32>} : memref<78x1x256xf32, #tpu.memory_space<vmem>>, vector<16xf32>,
        %parallel_loop3A_776 = arith.constant 23 : i32
        %parallel_loop3A_777 = vector.broadcast %parallel_loop3A_776 : i32 to vector<16xi32>
        %parallel_loop3A_778 = arith.addi %parallel_loop3A_305, %parallel_loop3A_777 : vector<16xi32>
        %parallel_loop3A_779 = tpu.vector_load_idx %arg5[%parallel_loop3A_778] : memref<52800xf32, #tpu.memory_space<vmem>>[vector<16xi32>], vector<16xf32>,
        %parallel_loop3A_780 = arith.constant 62 : i32
        %parallel_loop3A_781 = arith.constant 0 : i32
        %parallel_loop3A_782 = arith.index_cast %parallel_loop3A_780 : i32 to index
        %parallel_loop3A_783 = arith.index_cast %parallel_loop3A_781 : i32 to index
        %parallel_loop3A_784 = arith.index_cast %parallel_loop3A_275 : i32 to index
        %parallel_loop3A_785 = tpu.vector_load %arg9[%parallel_loop3A_782, %parallel_loop3A_783, %parallel_loop3A_784] {strides = array<i32>} : memref<78x1x256xf32, #tpu.memory_space<vmem>>, vector<16xf32>,
        tpu.vector_store %arg9[%parallel_loop3A_782, %parallel_loop3A_783, %parallel_loop3A_784], %parallel_loop3A_779 {strides = array<i32>} : memref<78x1x256xf32, #tpu.memory_space<vmem>>, vector<16xf32>,
        %parallel_loop3A_786 = arith.constant 24 : i32
        %parallel_loop3A_787 = vector.broadcast %parallel_loop3A_786 : i32 to vector<16xi32>
        %parallel_loop3A_788 = arith.addi %parallel_loop3A_301, %parallel_loop3A_787 : vector<16xi32>
        %parallel_loop3A_789 = tpu.vector_load_idx %arg5[%parallel_loop3A_788] : memref<52800xf32, #tpu.memory_space<vmem>>[vector<16xi32>], vector<16xf32>,
        %parallel_loop3A_790 = arith.constant 24 : i32
        %parallel_loop3A_791 = arith.constant 0 : i32
        %parallel_loop3A_792 = arith.index_cast %parallel_loop3A_790 : i32 to index
        %parallel_loop3A_793 = arith.index_cast %parallel_loop3A_791 : i32 to index
        %parallel_loop3A_794 = arith.index_cast %parallel_loop3A_275 : i32 to index
        %parallel_loop3A_795 = tpu.vector_load %arg9[%parallel_loop3A_792, %parallel_loop3A_793, %parallel_loop3A_794] {strides = array<i32>} : memref<78x1x256xf32, #tpu.memory_space<vmem>>, vector<16xf32>,
        tpu.vector_store %arg9[%parallel_loop3A_792, %parallel_loop3A_793, %parallel_loop3A_794], %parallel_loop3A_789 {strides = array<i32>} : memref<78x1x256xf32, #tpu.memory_space<vmem>>, vector<16xf32>,
        %parallel_loop3A_796 = arith.constant 24 : i32
        %parallel_loop3A_797 = vector.broadcast %parallel_loop3A_796 : i32 to vector<16xi32>
        %parallel_loop3A_798 = arith.addi %parallel_loop3A_305, %parallel_loop3A_797 : vector<16xi32>
        %parallel_loop3A_799 = tpu.vector_load_idx %arg5[%parallel_loop3A_798] : memref<52800xf32, #tpu.memory_space<vmem>>[vector<16xi32>], vector<16xf32>,
        %parallel_loop3A_800 = arith.constant 63 : i32
        %parallel_loop3A_801 = arith.constant 0 : i32
        %parallel_loop3A_802 = arith.index_cast %parallel_loop3A_800 : i32 to index
        %parallel_loop3A_803 = arith.index_cast %parallel_loop3A_801 : i32 to index
        %parallel_loop3A_804 = arith.index_cast %parallel_loop3A_275 : i32 to index
        %parallel_loop3A_805 = tpu.vector_load %arg9[%parallel_loop3A_802, %parallel_loop3A_803, %parallel_loop3A_804] {strides = array<i32>} : memref<78x1x256xf32, #tpu.memory_space<vmem>>, vector<16xf32>,
        tpu.vector_store %arg9[%parallel_loop3A_802, %parallel_loop3A_803, %parallel_loop3A_804], %parallel_loop3A_799 {strides = array<i32>} : memref<78x1x256xf32, #tpu.memory_space<vmem>>, vector<16xf32>,
        %parallel_loop3A_806 = arith.constant 25 : i32
        %parallel_loop3A_807 = vector.broadcast %parallel_loop3A_806 : i32 to vector<16xi32>
        %parallel_loop3A_808 = arith.addi %parallel_loop3A_301, %parallel_loop3A_807 : vector<16xi32>
        %parallel_loop3A_809 = tpu.vector_load_idx %arg5[%parallel_loop3A_808] : memref<52800xf32, #tpu.memory_space<vmem>>[vector<16xi32>], vector<16xf32>,
        %parallel_loop3A_810 = arith.constant 25 : i32
        %parallel_loop3A_811 = arith.constant 0 : i32
        %parallel_loop3A_812 = arith.index_cast %parallel_loop3A_810 : i32 to index
        %parallel_loop3A_813 = arith.index_cast %parallel_loop3A_811 : i32 to index
        %parallel_loop3A_814 = arith.index_cast %parallel_loop3A_275 : i32 to index
        %parallel_loop3A_815 = tpu.vector_load %arg9[%parallel_loop3A_812, %parallel_loop3A_813, %parallel_loop3A_814] {strides = array<i32>} : memref<78x1x256xf32, #tpu.memory_space<vmem>>, vector<16xf32>,
        tpu.vector_store %arg9[%parallel_loop3A_812, %parallel_loop3A_813, %parallel_loop3A_814], %parallel_loop3A_809 {strides = array<i32>} : memref<78x1x256xf32, #tpu.memory_space<vmem>>, vector<16xf32>,
        %parallel_loop3A_816 = arith.constant 25 : i32
        %parallel_loop3A_817 = vector.broadcast %parallel_loop3A_816 : i32 to vector<16xi32>
        %parallel_loop3A_818 = arith.addi %parallel_loop3A_305, %parallel_loop3A_817 : vector<16xi32>
        %parallel_loop3A_819 = tpu.vector_load_idx %arg5[%parallel_loop3A_818] : memref<52800xf32, #tpu.memory_space<vmem>>[vector<16xi32>], vector<16xf32>,
        %parallel_loop3A_820 = arith.constant 64 : i32
        %parallel_loop3A_821 = arith.constant 0 : i32
        %parallel_loop3A_822 = arith.index_cast %parallel_loop3A_820 : i32 to index
        %parallel_loop3A_823 = arith.index_cast %parallel_loop3A_821 : i32 to index
        %parallel_loop3A_824 = arith.index_cast %parallel_loop3A_275 : i32 to index
        %parallel_loop3A_825 = tpu.vector_load %arg9[%parallel_loop3A_822, %parallel_loop3A_823, %parallel_loop3A_824] {strides = array<i32>} : memref<78x1x256xf32, #tpu.memory_space<vmem>>, vector<16xf32>,
        tpu.vector_store %arg9[%parallel_loop3A_822, %parallel_loop3A_823, %parallel_loop3A_824], %parallel_loop3A_819 {strides = array<i32>} : memref<78x1x256xf32, #tpu.memory_space<vmem>>, vector<16xf32>,
        %parallel_loop3A_826 = arith.constant 26 : i32
        %parallel_loop3A_827 = vector.broadcast %parallel_loop3A_826 : i32 to vector<16xi32>
        %parallel_loop3A_828 = arith.addi %parallel_loop3A_301, %parallel_loop3A_827 : vector<16xi32>
        %parallel_loop3A_829 = tpu.vector_load_idx %arg5[%parallel_loop3A_828] : memref<52800xf32, #tpu.memory_space<vmem>>[vector<16xi32>], vector<16xf32>,
        %parallel_loop3A_830 = arith.constant 26 : i32
        %parallel_loop3A_831 = arith.constant 0 : i32
        %parallel_loop3A_832 = arith.index_cast %parallel_loop3A_830 : i32 to index
        %parallel_loop3A_833 = arith.index_cast %parallel_loop3A_831 : i32 to index
        %parallel_loop3A_834 = arith.index_cast %parallel_loop3A_275 : i32 to index
        %parallel_loop3A_835 = tpu.vector_load %arg9[%parallel_loop3A_832, %parallel_loop3A_833, %parallel_loop3A_834] {strides = array<i32>} : memref<78x1x256xf32, #tpu.memory_space<vmem>>, vector<16xf32>,
        tpu.vector_store %arg9[%parallel_loop3A_832, %parallel_loop3A_833, %parallel_loop3A_834], %parallel_loop3A_829 {strides = array<i32>} : memref<78x1x256xf32, #tpu.memory_space<vmem>>, vector<16xf32>,
        %parallel_loop3A_836 = arith.constant 26 : i32
        %parallel_loop3A_837 = vector.broadcast %parallel_loop3A_836 : i32 to vector<16xi32>
        %parallel_loop3A_838 = arith.addi %parallel_loop3A_305, %parallel_loop3A_837 : vector<16xi32>
        %parallel_loop3A_839 = tpu.vector_load_idx %arg5[%parallel_loop3A_838] : memref<52800xf32, #tpu.memory_space<vmem>>[vector<16xi32>], vector<16xf32>,
        %parallel_loop3A_840 = arith.constant 65 : i32
        %parallel_loop3A_841 = arith.constant 0 : i32
        %parallel_loop3A_842 = arith.index_cast %parallel_loop3A_840 : i32 to index
        %parallel_loop3A_843 = arith.index_cast %parallel_loop3A_841 : i32 to index
        %parallel_loop3A_844 = arith.index_cast %parallel_loop3A_275 : i32 to index
        %parallel_loop3A_845 = tpu.vector_load %arg9[%parallel_loop3A_842, %parallel_loop3A_843, %parallel_loop3A_844] {strides = array<i32>} : memref<78x1x256xf32, #tpu.memory_space<vmem>>, vector<16xf32>,
        tpu.vector_store %arg9[%parallel_loop3A_842, %parallel_loop3A_843, %parallel_loop3A_844], %parallel_loop3A_839 {strides = array<i32>} : memref<78x1x256xf32, #tpu.memory_space<vmem>>, vector<16xf32>,
        %parallel_loop3A_846 = arith.constant 27 : i32
        %parallel_loop3A_847 = vector.broadcast %parallel_loop3A_846 : i32 to vector<16xi32>
        %parallel_loop3A_848 = arith.addi %parallel_loop3A_301, %parallel_loop3A_847 : vector<16xi32>
        %parallel_loop3A_849 = tpu.vector_load_idx %arg5[%parallel_loop3A_848] : memref<52800xf32, #tpu.memory_space<vmem>>[vector<16xi32>], vector<16xf32>,
        %parallel_loop3A_850 = arith.constant 27 : i32
        %parallel_loop3A_851 = arith.constant 0 : i32
        %parallel_loop3A_852 = arith.index_cast %parallel_loop3A_850 : i32 to index
        %parallel_loop3A_853 = arith.index_cast %parallel_loop3A_851 : i32 to index
        %parallel_loop3A_854 = arith.index_cast %parallel_loop3A_275 : i32 to index
        %parallel_loop3A_855 = tpu.vector_load %arg9[%parallel_loop3A_852, %parallel_loop3A_853, %parallel_loop3A_854] {strides = array<i32>} : memref<78x1x256xf32, #tpu.memory_space<vmem>>, vector<16xf32>,
        tpu.vector_store %arg9[%parallel_loop3A_852, %parallel_loop3A_853, %parallel_loop3A_854], %parallel_loop3A_849 {strides = array<i32>} : memref<78x1x256xf32, #tpu.memory_space<vmem>>, vector<16xf32>,
        %parallel_loop3A_856 = arith.constant 27 : i32
        %parallel_loop3A_857 = vector.broadcast %parallel_loop3A_856 : i32 to vector<16xi32>
        %parallel_loop3A_858 = arith.addi %parallel_loop3A_305, %parallel_loop3A_857 : vector<16xi32>
        %parallel_loop3A_859 = tpu.vector_load_idx %arg5[%parallel_loop3A_858] : memref<52800xf32, #tpu.memory_space<vmem>>[vector<16xi32>], vector<16xf32>,
        %parallel_loop3A_860 = arith.constant 66 : i32
        %parallel_loop3A_861 = arith.constant 0 : i32
        %parallel_loop3A_862 = arith.index_cast %parallel_loop3A_860 : i32 to index
        %parallel_loop3A_863 = arith.index_cast %parallel_loop3A_861 : i32 to index
        %parallel_loop3A_864 = arith.index_cast %parallel_loop3A_275 : i32 to index
        %parallel_loop3A_865 = tpu.vector_load %arg9[%parallel_loop3A_862, %parallel_loop3A_863, %parallel_loop3A_864] {strides = array<i32>} : memref<78x1x256xf32, #tpu.memory_space<vmem>>, vector<16xf32>,
        tpu.vector_store %arg9[%parallel_loop3A_862, %parallel_loop3A_863, %parallel_loop3A_864], %parallel_loop3A_859 {strides = array<i32>} : memref<78x1x256xf32, #tpu.memory_space<vmem>>, vector<16xf32>,
        %parallel_loop3A_866 = arith.constant 28 : i32
        %parallel_loop3A_867 = vector.broadcast %parallel_loop3A_866 : i32 to vector<16xi32>
        %parallel_loop3A_868 = arith.addi %parallel_loop3A_301, %parallel_loop3A_867 : vector<16xi32>
        %parallel_loop3A_869 = tpu.vector_load_idx %arg5[%parallel_loop3A_868] : memref<52800xf32, #tpu.memory_space<vmem>>[vector<16xi32>], vector<16xf32>,
        %parallel_loop3A_870 = arith.constant 28 : i32
        %parallel_loop3A_871 = arith.constant 0 : i32
        %parallel_loop3A_872 = arith.index_cast %parallel_loop3A_870 : i32 to index
        %parallel_loop3A_873 = arith.index_cast %parallel_loop3A_871 : i32 to index
        %parallel_loop3A_874 = arith.index_cast %parallel_loop3A_275 : i32 to index
        %parallel_loop3A_875 = tpu.vector_load %arg9[%parallel_loop3A_872, %parallel_loop3A_873, %parallel_loop3A_874] {strides = array<i32>} : memref<78x1x256xf32, #tpu.memory_space<vmem>>, vector<16xf32>,
        tpu.vector_store %arg9[%parallel_loop3A_872, %parallel_loop3A_873, %parallel_loop3A_874], %parallel_loop3A_869 {strides = array<i32>} : memref<78x1x256xf32, #tpu.memory_space<vmem>>, vector<16xf32>,
        %parallel_loop3A_876 = arith.constant 28 : i32
        %parallel_loop3A_877 = vector.broadcast %parallel_loop3A_876 : i32 to vector<16xi32>
        %parallel_loop3A_878 = arith.addi %parallel_loop3A_305, %parallel_loop3A_877 : vector<16xi32>
        %parallel_loop3A_879 = tpu.vector_load_idx %arg5[%parallel_loop3A_878] : memref<52800xf32, #tpu.memory_space<vmem>>[vector<16xi32>], vector<16xf32>,
        %parallel_loop3A_880 = arith.constant 67 : i32
        %parallel_loop3A_881 = arith.constant 0 : i32
        %parallel_loop3A_882 = arith.index_cast %parallel_loop3A_880 : i32 to index
        %parallel_loop3A_883 = arith.index_cast %parallel_loop3A_881 : i32 to index
        %parallel_loop3A_884 = arith.index_cast %parallel_loop3A_275 : i32 to index
        %parallel_loop3A_885 = tpu.vector_load %arg9[%parallel_loop3A_882, %parallel_loop3A_883, %parallel_loop3A_884] {strides = array<i32>} : memref<78x1x256xf32, #tpu.memory_space<vmem>>, vector<16xf32>,
        tpu.vector_store %arg9[%parallel_loop3A_882, %parallel_loop3A_883, %parallel_loop3A_884], %parallel_loop3A_879 {strides = array<i32>} : memref<78x1x256xf32, #tpu.memory_space<vmem>>, vector<16xf32>,
        %parallel_loop3A_886 = arith.constant 29 : i32
        %parallel_loop3A_887 = vector.broadcast %parallel_loop3A_886 : i32 to vector<16xi32>
        %parallel_loop3A_888 = arith.addi %parallel_loop3A_301, %parallel_loop3A_887 : vector<16xi32>
        %parallel_loop3A_889 = tpu.vector_load_idx %arg5[%parallel_loop3A_888] : memref<52800xf32, #tpu.memory_space<vmem>>[vector<16xi32>], vector<16xf32>,
        %parallel_loop3A_890 = arith.constant 29 : i32
        %parallel_loop3A_891 = arith.constant 0 : i32
        %parallel_loop3A_892 = arith.index_cast %parallel_loop3A_890 : i32 to index
        %parallel_loop3A_893 = arith.index_cast %parallel_loop3A_891 : i32 to index
        %parallel_loop3A_894 = arith.index_cast %parallel_loop3A_275 : i32 to index
        %parallel_loop3A_895 = tpu.vector_load %arg9[%parallel_loop3A_892, %parallel_loop3A_893, %parallel_loop3A_894] {strides = array<i32>} : memref<78x1x256xf32, #tpu.memory_space<vmem>>, vector<16xf32>,
        tpu.vector_store %arg9[%parallel_loop3A_892, %parallel_loop3A_893, %parallel_loop3A_894], %parallel_loop3A_889 {strides = array<i32>} : memref<78x1x256xf32, #tpu.memory_space<vmem>>, vector<16xf32>,
        %parallel_loop3A_896 = arith.constant 29 : i32
        %parallel_loop3A_897 = vector.broadcast %parallel_loop3A_896 : i32 to vector<16xi32>
        %parallel_loop3A_898 = arith.addi %parallel_loop3A_305, %parallel_loop3A_897 : vector<16xi32>
        %parallel_loop3A_899 = tpu.vector_load_idx %arg5[%parallel_loop3A_898] : memref<52800xf32, #tpu.memory_space<vmem>>[vector<16xi32>], vector<16xf32>,
        %parallel_loop3A_900 = arith.constant 68 : i32
        %parallel_loop3A_901 = arith.constant 0 : i32
        %parallel_loop3A_902 = arith.index_cast %parallel_loop3A_900 : i32 to index
        %parallel_loop3A_903 = arith.index_cast %parallel_loop3A_901 : i32 to index
        %parallel_loop3A_904 = arith.index_cast %parallel_loop3A_275 : i32 to index
        %parallel_loop3A_905 = tpu.vector_load %arg9[%parallel_loop3A_902, %parallel_loop3A_903, %parallel_loop3A_904] {strides = array<i32>} : memref<78x1x256xf32, #tpu.memory_space<vmem>>, vector<16xf32>,
        tpu.vector_store %arg9[%parallel_loop3A_902, %parallel_loop3A_903, %parallel_loop3A_904], %parallel_loop3A_899 {strides = array<i32>} : memref<78x1x256xf32, #tpu.memory_space<vmem>>, vector<16xf32>,
        %parallel_loop3A_906 = arith.constant 30 : i32
        %parallel_loop3A_907 = vector.broadcast %parallel_loop3A_906 : i32 to vector<16xi32>
        %parallel_loop3A_908 = arith.addi %parallel_loop3A_301, %parallel_loop3A_907 : vector<16xi32>
        %parallel_loop3A_909 = tpu.vector_load_idx %arg5[%parallel_loop3A_908] : memref<52800xf32, #tpu.memory_space<vmem>>[vector<16xi32>], vector<16xf32>,
        %parallel_loop3A_910 = arith.constant 30 : i32
        %parallel_loop3A_911 = arith.constant 0 : i32
        %parallel_loop3A_912 = arith.index_cast %parallel_loop3A_910 : i32 to index
        %parallel_loop3A_913 = arith.index_cast %parallel_loop3A_911 : i32 to index
        %parallel_loop3A_914 = arith.index_cast %parallel_loop3A_275 : i32 to index
        %parallel_loop3A_915 = tpu.vector_load %arg9[%parallel_loop3A_912, %parallel_loop3A_913, %parallel_loop3A_914] {strides = array<i32>} : memref<78x1x256xf32, #tpu.memory_space<vmem>>, vector<16xf32>,
        tpu.vector_store %arg9[%parallel_loop3A_912, %parallel_loop3A_913, %parallel_loop3A_914], %parallel_loop3A_909 {strides = array<i32>} : memref<78x1x256xf32, #tpu.memory_space<vmem>>, vector<16xf32>,
        %parallel_loop3A_916 = arith.constant 30 : i32
        %parallel_loop3A_917 = vector.broadcast %parallel_loop3A_916 : i32 to vector<16xi32>
        %parallel_loop3A_918 = arith.addi %parallel_loop3A_305, %parallel_loop3A_917 : vector<16xi32>
        %parallel_loop3A_919 = tpu.vector_load_idx %arg5[%parallel_loop3A_918] : memref<52800xf32, #tpu.memory_space<vmem>>[vector<16xi32>], vector<16xf32>,
        %parallel_loop3A_920 = arith.constant 69 : i32
        %parallel_loop3A_921 = arith.constant 0 : i32
        %parallel_loop3A_922 = arith.index_cast %parallel_loop3A_920 : i32 to index
        %parallel_loop3A_923 = arith.index_cast %parallel_loop3A_921 : i32 to index
        %parallel_loop3A_924 = arith.index_cast %parallel_loop3A_275 : i32 to index
        %parallel_loop3A_925 = tpu.vector_load %arg9[%parallel_loop3A_922, %parallel_loop3A_923, %parallel_loop3A_924] {strides = array<i32>} : memref<78x1x256xf32, #tpu.memory_space<vmem>>, vector<16xf32>,
        tpu.vector_store %arg9[%parallel_loop3A_922, %parallel_loop3A_923, %parallel_loop3A_924], %parallel_loop3A_919 {strides = array<i32>} : memref<78x1x256xf32, #tpu.memory_space<vmem>>, vector<16xf32>,
        %parallel_loop3A_926 = arith.constant 31 : i32
        %parallel_loop3A_927 = vector.broadcast %parallel_loop3A_926 : i32 to vector<16xi32>
        %parallel_loop3A_928 = arith.addi %parallel_loop3A_301, %parallel_loop3A_927 : vector<16xi32>
        %parallel_loop3A_929 = tpu.vector_load_idx %arg5[%parallel_loop3A_928] : memref<52800xf32, #tpu.memory_space<vmem>>[vector<16xi32>], vector<16xf32>,
        %parallel_loop3A_930 = arith.constant 31 : i32
        %parallel_loop3A_931 = arith.constant 0 : i32
        %parallel_loop3A_932 = arith.index_cast %parallel_loop3A_930 : i32 to index
        %parallel_loop3A_933 = arith.index_cast %parallel_loop3A_931 : i32 to index
        %parallel_loop3A_934 = arith.index_cast %parallel_loop3A_275 : i32 to index
        %parallel_loop3A_935 = tpu.vector_load %arg9[%parallel_loop3A_932, %parallel_loop3A_933, %parallel_loop3A_934] {strides = array<i32>} : memref<78x1x256xf32, #tpu.memory_space<vmem>>, vector<16xf32>,
        tpu.vector_store %arg9[%parallel_loop3A_932, %parallel_loop3A_933, %parallel_loop3A_934], %parallel_loop3A_929 {strides = array<i32>} : memref<78x1x256xf32, #tpu.memory_space<vmem>>, vector<16xf32>,
        %parallel_loop3A_936 = arith.constant 31 : i32
        %parallel_loop3A_937 = vector.broadcast %parallel_loop3A_936 : i32 to vector<16xi32>
        %parallel_loop3A_938 = arith.addi %parallel_loop3A_305, %parallel_loop3A_937 : vector<16xi32>
        %parallel_loop3A_939 = tpu.vector_load_idx %arg5[%parallel_loop3A_938] : memref<52800xf32, #tpu.memory_space<vmem>>[vector<16xi32>], vector<16xf32>,
        %parallel_loop3A_940 = arith.constant 70 : i32
        %parallel_loop3A_941 = arith.constant 0 : i32
        %parallel_loop3A_942 = arith.index_cast %parallel_loop3A_940 : i32 to index
        %parallel_loop3A_943 = arith.index_cast %parallel_loop3A_941 : i32 to index
        %parallel_loop3A_944 = arith.index_cast %parallel_loop3A_275 : i32 to index
        %parallel_loop3A_945 = tpu.vector_load %arg9[%parallel_loop3A_942, %parallel_loop3A_943, %parallel_loop3A_944] {strides = array<i32>} : memref<78x1x256xf32, #tpu.memory_space<vmem>>, vector<16xf32>,
        tpu.vector_store %arg9[%parallel_loop3A_942, %parallel_loop3A_943, %parallel_loop3A_944], %parallel_loop3A_939 {strides = array<i32>} : memref<78x1x256xf32, #tpu.memory_space<vmem>>, vector<16xf32>,
        %parallel_loop3A_946 = arith.constant 1 : i32
        %parallel_loop3A_947 = arith.index_cast %parallel_loop3A_946 : i32 to index
        %parallel_loop3A_948 = arith.index_cast %parallel_loop3A_275 : i32 to index
        %parallel_loop3A_949 = tpu.vector_load %arg7[%parallel_loop3A_947, %parallel_loop3A_948] {strides = array<i32>} : memref<16x256xf32, #tpu.memory_space<vmem>>, vector<16xf32>,
        %parallel_loop3A_950 = arith.constant 32 : i32
        %parallel_loop3A_951 = arith.constant 0 : i32
        %parallel_loop3A_952 = arith.index_cast %parallel_loop3A_950 : i32 to index
        %parallel_loop3A_953 = arith.index_cast %parallel_loop3A_951 : i32 to index
        %parallel_loop3A_954 = arith.index_cast %parallel_loop3A_275 : i32 to index
        %parallel_loop3A_955 = tpu.vector_load %arg9[%parallel_loop3A_952, %parallel_loop3A_953, %parallel_loop3A_954] {strides = array<i32>} : memref<78x1x256xf32, #tpu.memory_space<vmem>>, vector<16xf32>,
        tpu.vector_store %arg9[%parallel_loop3A_952, %parallel_loop3A_953, %parallel_loop3A_954], %parallel_loop3A_949 {strides = array<i32>} : memref<78x1x256xf32, #tpu.memory_space<vmem>>, vector<16xf32>,
        %parallel_loop3A_956 = arith.constant 9 : i32
        %parallel_loop3A_957 = arith.index_cast %parallel_loop3A_956 : i32 to index
        %parallel_loop3A_958 = arith.index_cast %parallel_loop3A_275 : i32 to index
        %parallel_loop3A_959 = tpu.vector_load %arg7[%parallel_loop3A_957, %parallel_loop3A_958] {strides = array<i32>} : memref<16x256xf32, #tpu.memory_space<vmem>>, vector<16xf32>,
        %parallel_loop3A_960 = arith.constant 71 : i32
        %parallel_loop3A_961 = arith.constant 0 : i32
        %parallel_loop3A_962 = arith.index_cast %parallel_loop3A_960 : i32 to index
        %parallel_loop3A_963 = arith.index_cast %parallel_loop3A_961 : i32 to index
        %parallel_loop3A_964 = arith.index_cast %parallel_loop3A_275 : i32 to index
        %parallel_loop3A_965 = tpu.vector_load %arg9[%parallel_loop3A_962, %parallel_loop3A_963, %parallel_loop3A_964] {strides = array<i32>} : memref<78x1x256xf32, #tpu.memory_space<vmem>>, vector<16xf32>,
        tpu.vector_store %arg9[%parallel_loop3A_962, %parallel_loop3A_963, %parallel_loop3A_964], %parallel_loop3A_959 {strides = array<i32>} : memref<78x1x256xf32, #tpu.memory_space<vmem>>, vector<16xf32>,
        %parallel_loop3A_966 = arith.constant 2 : i32
        %parallel_loop3A_967 = arith.index_cast %parallel_loop3A_966 : i32 to index
        %parallel_loop3A_968 = arith.index_cast %parallel_loop3A_275 : i32 to index
        %parallel_loop3A_969 = tpu.vector_load %arg7[%parallel_loop3A_967, %parallel_loop3A_968] {strides = array<i32>} : memref<16x256xf32, #tpu.memory_space<vmem>>, vector<16xf32>,
        %parallel_loop3A_970 = arith.constant 33 : i32
        %parallel_loop3A_971 = arith.constant 0 : i32
        %parallel_loop3A_972 = arith.index_cast %parallel_loop3A_970 : i32 to index
        %parallel_loop3A_973 = arith.index_cast %parallel_loop3A_971 : i32 to index
        %parallel_loop3A_974 = arith.index_cast %parallel_loop3A_275 : i32 to index
        %parallel_loop3A_975 = tpu.vector_load %arg9[%parallel_loop3A_972, %parallel_loop3A_973, %parallel_loop3A_974] {strides = array<i32>} : memref<78x1x256xf32, #tpu.memory_space<vmem>>, vector<16xf32>,
        tpu.vector_store %arg9[%parallel_loop3A_972, %parallel_loop3A_973, %parallel_loop3A_974], %parallel_loop3A_969 {strides = array<i32>} : memref<78x1x256xf32, #tpu.memory_space<vmem>>, vector<16xf32>,
        %parallel_loop3A_976 = arith.constant 10 : i32
        %parallel_loop3A_977 = arith.index_cast %parallel_loop3A_976 : i32 to index
        %parallel_loop3A_978 = arith.index_cast %parallel_loop3A_275 : i32 to index
        %parallel_loop3A_979 = tpu.vector_load %arg7[%parallel_loop3A_977, %parallel_loop3A_978] {strides = array<i32>} : memref<16x256xf32, #tpu.memory_space<vmem>>, vector<16xf32>,
        %parallel_loop3A_980 = arith.constant 72 : i32
        %parallel_loop3A_981 = arith.constant 0 : i32
        %parallel_loop3A_982 = arith.index_cast %parallel_loop3A_980 : i32 to index
        %parallel_loop3A_983 = arith.index_cast %parallel_loop3A_981 : i32 to index
        %parallel_loop3A_984 = arith.index_cast %parallel_loop3A_275 : i32 to index
        %parallel_loop3A_985 = tpu.vector_load %arg9[%parallel_loop3A_982, %parallel_loop3A_983, %parallel_loop3A_984] {strides = array<i32>} : memref<78x1x256xf32, #tpu.memory_space<vmem>>, vector<16xf32>,
        tpu.vector_store %arg9[%parallel_loop3A_982, %parallel_loop3A_983, %parallel_loop3A_984], %parallel_loop3A_979 {strides = array<i32>} : memref<78x1x256xf32, #tpu.memory_space<vmem>>, vector<16xf32>,
        %parallel_loop3A_986 = arith.constant 3 : i32
        %parallel_loop3A_987 = arith.index_cast %parallel_loop3A_986 : i32 to index
        %parallel_loop3A_988 = arith.index_cast %parallel_loop3A_275 : i32 to index
        %parallel_loop3A_989 = tpu.vector_load %arg7[%parallel_loop3A_987, %parallel_loop3A_988] {strides = array<i32>} : memref<16x256xf32, #tpu.memory_space<vmem>>, vector<16xf32>,
        %parallel_loop3A_990 = arith.constant 34 : i32
        %parallel_loop3A_991 = arith.constant 0 : i32
        %parallel_loop3A_992 = arith.index_cast %parallel_loop3A_990 : i32 to index
        %parallel_loop3A_993 = arith.index_cast %parallel_loop3A_991 : i32 to index
        %parallel_loop3A_994 = arith.index_cast %parallel_loop3A_275 : i32 to index
        %parallel_loop3A_995 = tpu.vector_load %arg9[%parallel_loop3A_992, %parallel_loop3A_993, %parallel_loop3A_994] {strides = array<i32>} : memref<78x1x256xf32, #tpu.memory_space<vmem>>, vector<16xf32>,
        tpu.vector_store %arg9[%parallel_loop3A_992, %parallel_loop3A_993, %parallel_loop3A_994], %parallel_loop3A_989 {strides = array<i32>} : memref<78x1x256xf32, #tpu.memory_space<vmem>>, vector<16xf32>,
        %parallel_loop3A_996 = arith.constant 11 : i32
        %parallel_loop3A_997 = arith.index_cast %parallel_loop3A_996 : i32 to index
        %parallel_loop3A_998 = arith.index_cast %parallel_loop3A_275 : i32 to index
        %parallel_loop3A_999 = tpu.vector_load %arg7[%parallel_loop3A_997, %parallel_loop3A_998] {strides = array<i32>} : memref<16x256xf32, #tpu.memory_space<vmem>>, vector<16xf32>,
        %parallel_loop3A_1000 = arith.constant 73 : i32
        %parallel_loop3A_1001 = arith.constant 0 : i32
        %parallel_loop3A_1002 = arith.index_cast %parallel_loop3A_1000 : i32 to index
        %parallel_loop3A_1003 = arith.index_cast %parallel_loop3A_1001 : i32 to index
        %parallel_loop3A_1004 = arith.index_cast %parallel_loop3A_275 : i32 to index
        %parallel_loop3A_1005 = tpu.vector_load %arg9[%parallel_loop3A_1002, %parallel_loop3A_1003, %parallel_loop3A_1004] {strides = array<i32>} : memref<78x1x256xf32, #tpu.memory_space<vmem>>, vector<16xf32>,
        tpu.vector_store %arg9[%parallel_loop3A_1002, %parallel_loop3A_1003, %parallel_loop3A_1004], %parallel_loop3A_999 {strides = array<i32>} : memref<78x1x256xf32, #tpu.memory_space<vmem>>, vector<16xf32>,
        %parallel_loop3A_1006 = arith.constant 4 : i32
        %parallel_loop3A_1007 = arith.index_cast %parallel_loop3A_1006 : i32 to index
        %parallel_loop3A_1008 = arith.index_cast %parallel_loop3A_275 : i32 to index
        %parallel_loop3A_1009 = tpu.vector_load %arg7[%parallel_loop3A_1007, %parallel_loop3A_1008] {strides = array<i32>} : memref<16x256xf32, #tpu.memory_space<vmem>>, vector<16xf32>,
        %parallel_loop3A_1010 = arith.constant 35 : i32
        %parallel_loop3A_1011 = arith.constant 0 : i32
        %parallel_loop3A_1012 = arith.index_cast %parallel_loop3A_1010 : i32 to index
        %parallel_loop3A_1013 = arith.index_cast %parallel_loop3A_1011 : i32 to index
        %parallel_loop3A_1014 = arith.index_cast %parallel_loop3A_275 : i32 to index
        %parallel_loop3A_1015 = tpu.vector_load %arg9[%parallel_loop3A_1012, %parallel_loop3A_1013, %parallel_loop3A_1014] {strides = array<i32>} : memref<78x1x256xf32, #tpu.memory_space<vmem>>, vector<16xf32>,
        tpu.vector_store %arg9[%parallel_loop3A_1012, %parallel_loop3A_1013, %parallel_loop3A_1014], %parallel_loop3A_1009 {strides = array<i32>} : memref<78x1x256xf32, #tpu.memory_space<vmem>>, vector<16xf32>,
        %parallel_loop3A_1016 = arith.constant 12 : i32
        %parallel_loop3A_1017 = arith.index_cast %parallel_loop3A_1016 : i32 to index
        %parallel_loop3A_1018 = arith.index_cast %parallel_loop3A_275 : i32 to index
        %parallel_loop3A_1019 = tpu.vector_load %arg7[%parallel_loop3A_1017, %parallel_loop3A_1018] {strides = array<i32>} : memref<16x256xf32, #tpu.memory_space<vmem>>, vector<16xf32>,
        %parallel_loop3A_1020 = arith.constant 74 : i32
        %parallel_loop3A_1021 = arith.constant 0 : i32
        %parallel_loop3A_1022 = arith.index_cast %parallel_loop3A_1020 : i32 to index
        %parallel_loop3A_1023 = arith.index_cast %parallel_loop3A_1021 : i32 to index
        %parallel_loop3A_1024 = arith.index_cast %parallel_loop3A_275 : i32 to index
        %parallel_loop3A_1025 = tpu.vector_load %arg9[%parallel_loop3A_1022, %parallel_loop3A_1023, %parallel_loop3A_1024] {strides = array<i32>} : memref<78x1x256xf32, #tpu.memory_space<vmem>>, vector<16xf32>,
        tpu.vector_store %arg9[%parallel_loop3A_1022, %parallel_loop3A_1023, %parallel_loop3A_1024], %parallel_loop3A_1019 {strides = array<i32>} : memref<78x1x256xf32, #tpu.memory_space<vmem>>, vector<16xf32>,
        %parallel_loop3A_1026 = arith.constant 5 : i32
        %parallel_loop3A_1027 = arith.index_cast %parallel_loop3A_1026 : i32 to index
        %parallel_loop3A_1028 = arith.index_cast %parallel_loop3A_275 : i32 to index
        %parallel_loop3A_1029 = tpu.vector_load %arg7[%parallel_loop3A_1027, %parallel_loop3A_1028] {strides = array<i32>} : memref<16x256xf32, #tpu.memory_space<vmem>>, vector<16xf32>,
        %parallel_loop3A_1030 = arith.constant 36 : i32
        %parallel_loop3A_1031 = arith.constant 0 : i32
        %parallel_loop3A_1032 = arith.index_cast %parallel_loop3A_1030 : i32 to index
        %parallel_loop3A_1033 = arith.index_cast %parallel_loop3A_1031 : i32 to index
        %parallel_loop3A_1034 = arith.index_cast %parallel_loop3A_275 : i32 to index
        %parallel_loop3A_1035 = tpu.vector_load %arg9[%parallel_loop3A_1032, %parallel_loop3A_1033, %parallel_loop3A_1034] {strides = array<i32>} : memref<78x1x256xf32, #tpu.memory_space<vmem>>, vector<16xf32>,
        tpu.vector_store %arg9[%parallel_loop3A_1032, %parallel_loop3A_1033, %parallel_loop3A_1034], %parallel_loop3A_1029 {strides = array<i32>} : memref<78x1x256xf32, #tpu.memory_space<vmem>>, vector<16xf32>,
        %parallel_loop3A_1036 = arith.constant 13 : i32
        %parallel_loop3A_1037 = arith.index_cast %parallel_loop3A_1036 : i32 to index
        %parallel_loop3A_1038 = arith.index_cast %parallel_loop3A_275 : i32 to index
        %parallel_loop3A_1039 = tpu.vector_load %arg7[%parallel_loop3A_1037, %parallel_loop3A_1038] {strides = array<i32>} : memref<16x256xf32, #tpu.memory_space<vmem>>, vector<16xf32>,
        %parallel_loop3A_1040 = arith.constant 75 : i32
        %parallel_loop3A_1041 = arith.constant 0 : i32
        %parallel_loop3A_1042 = arith.index_cast %parallel_loop3A_1040 : i32 to index
        %parallel_loop3A_1043 = arith.index_cast %parallel_loop3A_1041 : i32 to index
        %parallel_loop3A_1044 = arith.index_cast %parallel_loop3A_275 : i32 to index
        %parallel_loop3A_1045 = tpu.vector_load %arg9[%parallel_loop3A_1042, %parallel_loop3A_1043, %parallel_loop3A_1044] {strides = array<i32>} : memref<78x1x256xf32, #tpu.memory_space<vmem>>, vector<16xf32>,
        tpu.vector_store %arg9[%parallel_loop3A_1042, %parallel_loop3A_1043, %parallel_loop3A_1044], %parallel_loop3A_1039 {strides = array<i32>} : memref<78x1x256xf32, #tpu.memory_space<vmem>>, vector<16xf32>,
        %parallel_loop3A_1046 = arith.constant 6 : i32
        %parallel_loop3A_1047 = arith.index_cast %parallel_loop3A_1046 : i32 to index
        %parallel_loop3A_1048 = arith.index_cast %parallel_loop3A_275 : i32 to index
        %parallel_loop3A_1049 = tpu.vector_load %arg7[%parallel_loop3A_1047, %parallel_loop3A_1048] {strides = array<i32>} : memref<16x256xf32, #tpu.memory_space<vmem>>, vector<16xf32>,
        %parallel_loop3A_1050 = arith.constant 37 : i32
        %parallel_loop3A_1051 = arith.constant 0 : i32
        %parallel_loop3A_1052 = arith.index_cast %parallel_loop3A_1050 : i32 to index
        %parallel_loop3A_1053 = arith.index_cast %parallel_loop3A_1051 : i32 to index
        %parallel_loop3A_1054 = arith.index_cast %parallel_loop3A_275 : i32 to index
        %parallel_loop3A_1055 = tpu.vector_load %arg9[%parallel_loop3A_1052, %parallel_loop3A_1053, %parallel_loop3A_1054] {strides = array<i32>} : memref<78x1x256xf32, #tpu.memory_space<vmem>>, vector<16xf32>,
        tpu.vector_store %arg9[%parallel_loop3A_1052, %parallel_loop3A_1053, %parallel_loop3A_1054], %parallel_loop3A_1049 {strides = array<i32>} : memref<78x1x256xf32, #tpu.memory_space<vmem>>, vector<16xf32>,
        %parallel_loop3A_1056 = arith.constant 14 : i32
        %parallel_loop3A_1057 = arith.index_cast %parallel_loop3A_1056 : i32 to index
        %parallel_loop3A_1058 = arith.index_cast %parallel_loop3A_275 : i32 to index
        %parallel_loop3A_1059 = tpu.vector_load %arg7[%parallel_loop3A_1057, %parallel_loop3A_1058] {strides = array<i32>} : memref<16x256xf32, #tpu.memory_space<vmem>>, vector<16xf32>,
        %parallel_loop3A_1060 = arith.constant 76 : i32
        %parallel_loop3A_1061 = arith.constant 0 : i32
        %parallel_loop3A_1062 = arith.index_cast %parallel_loop3A_1060 : i32 to index
        %parallel_loop3A_1063 = arith.index_cast %parallel_loop3A_1061 : i32 to index
        %parallel_loop3A_1064 = arith.index_cast %parallel_loop3A_275 : i32 to index
        %parallel_loop3A_1065 = tpu.vector_load %arg9[%parallel_loop3A_1062, %parallel_loop3A_1063, %parallel_loop3A_1064] {strides = array<i32>} : memref<78x1x256xf32, #tpu.memory_space<vmem>>, vector<16xf32>,
        tpu.vector_store %arg9[%parallel_loop3A_1062, %parallel_loop3A_1063, %parallel_loop3A_1064], %parallel_loop3A_1059 {strides = array<i32>} : memref<78x1x256xf32, #tpu.memory_space<vmem>>, vector<16xf32>,
        %parallel_loop3A_1066 = arith.constant 7 : i32
        %parallel_loop3A_1067 = arith.index_cast %parallel_loop3A_1066 : i32 to index
        %parallel_loop3A_1068 = arith.index_cast %parallel_loop3A_275 : i32 to index
        %parallel_loop3A_1069 = tpu.vector_load %arg7[%parallel_loop3A_1067, %parallel_loop3A_1068] {strides = array<i32>} : memref<16x256xf32, #tpu.memory_space<vmem>>, vector<16xf32>,
        %parallel_loop3A_1070 = arith.constant 38 : i32
        %parallel_loop3A_1071 = arith.constant 0 : i32
        %parallel_loop3A_1072 = arith.index_cast %parallel_loop3A_1070 : i32 to index
        %parallel_loop3A_1073 = arith.index_cast %parallel_loop3A_1071 : i32 to index
        %parallel_loop3A_1074 = arith.index_cast %parallel_loop3A_275 : i32 to index
        %parallel_loop3A_1075 = tpu.vector_load %arg9[%parallel_loop3A_1072, %parallel_loop3A_1073, %parallel_loop3A_1074] {strides = array<i32>} : memref<78x1x256xf32, #tpu.memory_space<vmem>>, vector<16xf32>,
        tpu.vector_store %arg9[%parallel_loop3A_1072, %parallel_loop3A_1073, %parallel_loop3A_1074], %parallel_loop3A_1069 {strides = array<i32>} : memref<78x1x256xf32, #tpu.memory_space<vmem>>, vector<16xf32>,
        %parallel_loop3A_1076 = arith.constant 15 : i32
        %parallel_loop3A_1077 = arith.index_cast %parallel_loop3A_1076 : i32 to index
        %parallel_loop3A_1078 = arith.index_cast %parallel_loop3A_275 : i32 to index
        %parallel_loop3A_1079 = tpu.vector_load %arg7[%parallel_loop3A_1077, %parallel_loop3A_1078] {strides = array<i32>} : memref<16x256xf32, #tpu.memory_space<vmem>>, vector<16xf32>,
        %parallel_loop3A_1080 = arith.constant 77 : i32
        %parallel_loop3A_1081 = arith.constant 0 : i32
        %parallel_loop3A_1082 = arith.index_cast %parallel_loop3A_1080 : i32 to index
        %parallel_loop3A_1083 = arith.index_cast %parallel_loop3A_1081 : i32 to index
        %parallel_loop3A_1084 = arith.index_cast %parallel_loop3A_275 : i32 to index
        %parallel_loop3A_1085 = tpu.vector_load %arg9[%parallel_loop3A_1082, %parallel_loop3A_1083, %parallel_loop3A_1084] {strides = array<i32>} : memref<78x1x256xf32, #tpu.memory_space<vmem>>, vector<16xf32>,
        tpu.vector_store %arg9[%parallel_loop3A_1082, %parallel_loop3A_1083, %parallel_loop3A_1084], %parallel_loop3A_1079 {strides = array<i32>} : memref<78x1x256xf32, #tpu.memory_space<vmem>>, vector<16xf32>,
      } {sc.loop_unroll_factor = 8 : i64, sc.parallel_access}
      %jit3A_221 = arith.constant 2 : i32
      %div3A_222 = arith.divsi %add3A_165, %jit3A_221 : i32
      %sign3A_223 = arith.constant 0 : i32
      %sign3A_224 = arith.cmpi sgt, %add3A_165, %sign3A_223 : i32
      %sign3A_225 = arith.extui %sign3A_224 : i1 to i32
      %sign3A_226 = arith.constant 0 : i32
      %sign3A_227 = arith.cmpi slt, %add3A_165, %sign3A_226 : i32
      %sign3A_228 = arith.extui %sign3A_227 : i1 to i32
      %sign3A_229 = arith.subi %sign3A_225, %sign3A_228 : i32
      %sign3A_230 = arith.constant 0 : i32
      %sign3A_231 = arith.cmpi sgt, %jit3A_221, %sign3A_230 : i32
      %sign3A_232 = arith.extui %sign3A_231 : i1 to i32
      %sign3A_233 = arith.constant 0 : i32
      %sign3A_234 = arith.cmpi slt, %jit3A_221, %sign3A_233 : i32
      %sign3A_235 = arith.extui %sign3A_234 : i1 to i32
      %sign3A_236 = arith.subi %sign3A_232, %sign3A_235 : i32
      %ne3A_237 = arith.cmpi ne, %sign3A_229, %sign3A_236 : i32
      %rem3A_238 = arith.remsi %add3A_165, %jit3A_221 : i32
      %ne3A_239 = arith.constant 0 : i32
      %ne3A_240 = arith.cmpi ne, %rem3A_238, %ne3A_239 : i32
      %and3A_241 = arith.andi %ne3A_237, %ne3A_240 : i1
      %sub3A_242 = arith.constant 1 : i32
      %sub3A_243 = arith.subi %div3A_222, %sub3A_242 : i32
      %select_n3A_244 = arith.select %and3A_241, %sub3A_243, %div3A_222 : i32
      %jit3A_245 = arith.constant 2 : i32
      %eq3A_246 = arith.constant 0 : i32
      %eq3A_247 = arith.cmpi eq, %jit3A_245, %eq3A_246 : i32
      %jit3A_248 = arith.constant 1 : i32
      %select_n3A_249 = arith.select %eq3A_247, %jit3A_248, %jit3A_245 : i32
      %rem3A_250 = arith.remsi %add3A_165, %select_n3A_249 : i32
      %ne3A_251 = arith.constant 0 : i32
      %ne3A_252 = arith.cmpi ne, %rem3A_250, %ne3A_251 : i32
      %lt3A_253 = arith.constant 0 : i32
      %lt3A_254 = arith.cmpi slt, %rem3A_250, %lt3A_253 : i32
      %lt3A_255 = arith.constant 0 : i32
      %lt3A_256 = arith.cmpi slt, %select_n3A_249, %lt3A_255 : i32
      %ne3A_257 = arith.xori %lt3A_254, %lt3A_256 : i1
      %and3A_258 = arith.andi %ne3A_257, %ne3A_252 : i1
      %add3A_259 = arith.addi %rem3A_250, %select_n3A_249 : i32
      %select_n3A_260 = arith.select %and3A_258, %add3A_259, %rem3A_250 : i32
      %mul3A_261 = arith.constant 256 : i32
      %mul3A_262 = arith.muli %select_n3A_260, %mul3A_261 : i32
      %add3A_263 = arith.addi %mul3A_2, %mul3A_262 : i32
      %dma_start3A_264 = arith.constant 0 : i32
      %dma_start3A_265 = tpu.memref_slice %arg4[%dma_start3A_264, %select_n3A_244, %add3A_263] : memref<78x200x16384xf32, #tpu.memory_space<hbm>> -> memref<78x1x256xf32, #tpu.memory_space<hbm>>
      %dma_start3A_266 = arith.constant 0 : i32
      %dma_start3A_267 = tpu.memref_slice %arg4[%dma_start3A_266, %select_n3A_244, %add3A_263] : memref<78x200x16384xf32, #tpu.memory_space<hbm>> -> memref<78x1x256xf32, #tpu.memory_space<hbm>>
      tpu.enqueue_dma source(%arg9 : memref<78x1x256xf32, #tpu.memory_space<vmem>>) target(%dma_start3A_267 : memref<78x1x256xf32, #tpu.memory_space<hbm>>) target_semaphore(%arg13 : memref<!tpu.dma_semaphore, #tpu.memory_space<semaphore_mem>>)
      %add3A_268 = arith.constant 2 : i32
      %add3A_269 = arith.addi %add3A_165, %add3A_268 : i32
      %lt3A_270 = arith.constant 400 : i32
      %lt3A_271 = arith.cmpi slt, %add3A_269, %lt3A_270 : i32
      %convert_element_type3A_272 = arith.extui %lt3A_271 : i1 to i32
      %cond3A_273 = arith.constant 0 : i32
      %cond3A_274 = arith.cmpi ne, %convert_element_type3A_272, %cond3A_273 : i32
      scf.if %cond3A_274 {
        %add3A_275 = arith.constant 2 : i32
        %add3A_276 = arith.addi %add3A_165, %add3A_275 : i32
        %jit3A_277 = arith.constant 2 : i32
        %div3A_278 = arith.divsi %add3A_276, %jit3A_277 : i32
        %sign3A_279 = arith.constant 0 : i32
        %sign3A_280 = arith.cmpi sgt, %add3A_276, %sign3A_279 : i32
        %sign3A_281 = arith.extui %sign3A_280 : i1 to i32
        %sign3A_282 = arith.constant 0 : i32
        %sign3A_283 = arith.cmpi slt, %add3A_276, %sign3A_282 : i32
        %sign3A_284 = arith.extui %sign3A_283 : i1 to i32
        %sign3A_285 = arith.subi %sign3A_281, %sign3A_284 : i32
        %sign3A_286 = arith.constant 0 : i32
        %sign3A_287 = arith.cmpi sgt, %jit3A_277, %sign3A_286 : i32
        %sign3A_288 = arith.extui %sign3A_287 : i1 to i32
        %sign3A_289 = arith.constant 0 : i32
        %sign3A_290 = arith.cmpi slt, %jit3A_277, %sign3A_289 : i32
        %sign3A_291 = arith.extui %sign3A_290 : i1 to i32
        %sign3A_292 = arith.subi %sign3A_288, %sign3A_291 : i32
        %ne3A_293 = arith.cmpi ne, %sign3A_285, %sign3A_292 : i32
        %rem3A_294 = arith.remsi %add3A_276, %jit3A_277 : i32
        %ne3A_295 = arith.constant 0 : i32
        %ne3A_296 = arith.cmpi ne, %rem3A_294, %ne3A_295 : i32
        %and3A_297 = arith.andi %ne3A_293, %ne3A_296 : i1
        %sub3A_298 = arith.constant 1 : i32
        %sub3A_299 = arith.subi %div3A_278, %sub3A_298 : i32
        %select_n3A_300 = arith.select %and3A_297, %sub3A_299, %div3A_278 : i32
        %jit3A_301 = arith.constant 2 : i32
        %eq3A_302 = arith.constant 0 : i32
        %eq3A_303 = arith.cmpi eq, %jit3A_301, %eq3A_302 : i32
        %jit3A_304 = arith.constant 1 : i32
        %select_n3A_305 = arith.select %eq3A_303, %jit3A_304, %jit3A_301 : i32
        %rem3A_306 = arith.remsi %add3A_276, %select_n3A_305 : i32
        %ne3A_307 = arith.constant 0 : i32
        %ne3A_308 = arith.cmpi ne, %rem3A_306, %ne3A_307 : i32
        %lt3A_309 = arith.constant 0 : i32
        %lt3A_310 = arith.cmpi slt, %rem3A_306, %lt3A_309 : i32
        %lt3A_311 = arith.constant 0 : i32
        %lt3A_312 = arith.cmpi slt, %select_n3A_305, %lt3A_311 : i32
        %ne3A_313 = arith.xori %lt3A_310, %lt3A_312 : i1
        %and3A_314 = arith.andi %ne3A_313, %ne3A_308 : i1
        %add3A_315 = arith.addi %rem3A_306, %select_n3A_305 : i32
        %select_n3A_316 = arith.select %and3A_314, %add3A_315, %rem3A_306 : i32
        %mul3A_317 = arith.constant 16 : i32
        %mul3A_318 = arith.muli %select_n3A_300, %mul3A_317 : i32
        %mul3A_319 = arith.constant 256 : i32
        %mul3A_320 = arith.muli %select_n3A_316, %mul3A_319 : i32
        %add3A_321 = arith.addi %mul3A_2, %mul3A_320 : i32
        %dma_start3A_322 = tpu.memref_slice %arg2[%mul3A_318, %add3A_321] : memref<3200x16384xf32, #tpu.memory_space<hbm>> -> memref<16x256xf32, #tpu.memory_space<hbm>>
        %dma_start3A_323 = tpu.memref_slice %arg2[%mul3A_318, %add3A_321] : memref<3200x16384xf32, #tpu.memory_space<hbm>> -> memref<16x256xf32, #tpu.memory_space<hbm>>
        tpu.enqueue_dma source(%dma_start3A_323 : memref<16x256xf32, #tpu.memory_space<hbm>>) target(%arg7 : memref<16x256xf32, #tpu.memory_space<vmem>>) target_semaphore(%arg11 : memref<!tpu.dma_semaphore, #tpu.memory_space<semaphore_mem>>)
      } else {
      }
    }
    %scan3A_35 = arith.constant 200 : i32
    %add3A_36 = arith.constant 0 : i32
    %add3A_37 = arith.addi %mul3A_2, %add3A_36 : i32
    %dma_wait3A = arith.constant 0 : i32
    %dma_wait3A_38 = arith.constant 199 : i32
    %dma_wait3A_39 = tpu.memref_slice %arg4[%dma_wait3A, %dma_wait3A_38, %add3A_37] : memref<78x200x16384xf32, #tpu.memory_space<hbm>> -> memref<78x1x256xf32, #tpu.memory_space<hbm>>
    %dma_wait3A_40 = arith.constant 0 : i32
    %dma_wait3A_41 = arith.constant 199 : i32
    %dma_wait3A_42 = tpu.memref_slice %arg4[%dma_wait3A_40, %dma_wait3A_41, %add3A_37] : memref<78x200x16384xf32, #tpu.memory_space<hbm>> -> memref<78x1x256xf32, #tpu.memory_space<hbm>>
    tpu.wait_dma2 semaphore(%arg12 : memref<!tpu.dma_semaphore, #tpu.memory_space<semaphore_mem>>) src(%arg8 : memref<78x1x256xf32, #tpu.memory_space<vmem>>) dst(%dma_wait3A_42 : memref<78x1x256xf32, #tpu.memory_space<hbm>>)
    %add3A_43 = arith.constant 256 : i32
    %add3A_44 = arith.addi %mul3A_2, %add3A_43 : i32
    %dma_wait3A_45 = arith.constant 0 : i32
    %dma_wait3A_46 = arith.constant 199 : i32
    %dma_wait3A_47 = tpu.memref_slice %arg4[%dma_wait3A_45, %dma_wait3A_46, %add3A_44] : memref<78x200x16384xf32, #tpu.memory_space<hbm>> -> memref<78x1x256xf32, #tpu.memory_space<hbm>>
    %dma_wait3A_48 = arith.constant 0 : i32
    %dma_wait3A_49 = arith.constant 199 : i32
    %dma_wait3A_50 = tpu.memref_slice %arg4[%dma_wait3A_48, %dma_wait3A_49, %add3A_44] : memref<78x200x16384xf32, #tpu.memory_space<hbm>> -> memref<78x1x256xf32, #tpu.memory_space<hbm>>
    tpu.wait_dma2 semaphore(%arg13 : memref<!tpu.dma_semaphore, #tpu.memory_space<semaphore_mem>>) src(%arg9 : memref<78x1x256xf32, #tpu.memory_space<vmem>>) dst(%dma_wait3A_50 : memref<78x1x256xf32, #tpu.memory_space<hbm>>)
    return
  }
}

</mosaic_0001>

<sc_bundles>
// kernel: _sc_embed.3.cloned.1.call-start
scs
__scs_entry_jumppad:
0x0: {  	(pc) =	sbr.rel $0x88, $3  }
0x1: {  	(tag) =	ssettag $0x0;
	lr =	simm.s32 $0x1  }
0x2: {  	[smem:$0x3F9F] =	sst lr;
	_ =	strace $0xD0000000  }
0x3: {  	_ = 	snop  }
0x4: {  	_ = 	snop  }
0x5: {  	_ = 	snop  }
0x6: {  	_ = 	snop  }
0x7: {  	_ = 	snop  }
__scs_overlays_trampoline_lowered:
0x8: {  	[smem:$0x3FAE] =	sst s0  }
0x9: {  	[smem:$0x3FAF] =	sst s1  }
0xa: {  	[smem:$0x3FB0] =	sst s2  }
0xb: {  	[smem:$0x3FB1] =	sst s3  }
0xc: {  	[smem:$0x3FB2] =	sst s4  }
0xd: {  	[smem:$0x3FB3] =	sst s5  }
0xe: {  	[smem:$0x3FB4] =	sst s6  }
0xf: {  	[smem:$0x3FB5] =	sst s7  }
0x10: {  	[smem:$0x3FB6] =	sst s8  }
0x11: {  	[smem:$0x3FB7] =	sst s9;
	s0 =	simm.s32 @!p0 $0x0  }
0x12: {  	s1 =	sld [smem:$0x3F9D];
	s0 =	simm.s32 @p0 $0x1  }
0x13: {  	[smem:$0x3FB8] =	sst s0;
	s0 =	simm.s32 @!p1 $0x0  }
0x14: {  	s2 =	sld [smem:$0x3F9C];
	s0 =	simm.s32 @p1 $0x1  }
0x15: {  	[smem:$0x3FB9] =	sst s0;
	s0 =	simm.s32 @!p2 $0x0  }
0x16: {  	s3 =	sld [smem:$0x3FDB];
	s0 =	simm.s32 @p2 $0x1  }
0x17: {  	s4 =	simm.s32 $0x1BF5;
	[smem:$0x3FBB] =	sst s0  }
0x18: {  	s0 =	sld [smem:$0x3F9E];
	_ =	swait.ge [sflag:s4], $0x0  }
0x19: {  	s7 =	sld [smem:$0x3F9F]  }
0x1a: {  	s8 =	sadd.s32 $0xFFFFE003, lr  }
0x1b: {  	s9 =	sadd.s32 $0xFFFFFEF7, lr;
	s5 =	simm.s32 $0xFFFFFFFF;
	p2 =	slt.u32 s8, $0xFFFFF086  }
0x1c: {  	p1 =	slt.u32 s9, $0xF7A;
	s5 =	simm.s32 @!p2 $0x0  }
0x1d: {  	s5 =	simm.s32 @p1 $0x1;
	p0 =	seq.s32 s7, s2  }
0x1e: {  	s7 =	smul.u32 @!p0 $0xF7A, s2;
	p2 =	seq.s32 @!p0 s5, $0x0  }
0x1f: {  	s9 =	smul.u32 $0xF7A, s1;
	s8 =	simm.s32 @!p0 $0x1BF5;
	p2 =	por !p2, p0  }
0x20: {  	[sflag:s8] =	ssyncset.s32 @!p0 $0xFFFFF086;
	s6 =	sadd.s32 @!p0 s3, s7;
	s7 =	simm.s32 @!p0 $0x108  }
0x21: {  	s3 =	sadd.s32 s3, s9;
	s6 =	sadd.s32 @!p0 $0x88, s6;
	s7 =	simm.s32 @p2 $0x1082  }
0x22: {  	[simem:s7], [sflag:s8] =	dma.local @!p0 [hbm:s6], $0xF7A  }
0x23: {  	s9 =	sor.u32 $0xD0000000, s2;
	s6 =	simm.s32 $0x108;
	_ =	swait.ge @!p0 [sflag:s8], $0x0  }
0x24: {  	s3 =	sadd.s32 $0x88, s3;
	s6 =	simm.s32 @!p1 $0x1082;
	[sflag:s4] =	ssyncset.s32 $0xFFFFF086  }
0x25: {  	[simem:s6], [sflag:s4] =	dma.local [hbm:s3], $0xF7A  }
0x26: {  	[smem:$0x3F9F] =	sst s1;
	(tag) =	ssettag s2;
	_ =	strace s9  }
0x27: {  	s1 =	sld [smem:$0x3FAF]  }
0x28: {  	s2 =	sld [smem:$0x3FB0]  }
0x29: {  	s4 =	sld [smem:$0x3FB2]  }
0x2a: {  	p0 =	seq.s32 s5, $0x0;
	s5 =	sld [smem:$0x3FB3]  }
0x2b: {  	s6 =	sld [smem:$0x3FB4]  }
0x2c: {  	s7 =	sld [smem:$0x3FB5]  }
0x2d: {  	s3 =	simm.s32 $0x108;
	s8 =	sld [smem:$0x3FB6]  }
0x2e: {  	s3 =	simm.s32 @!p0 $0x1082;
	s9 =	sld [smem:$0x3FB7]  }
0x2f: {  	lr =	sadd.s32 s0, s3;
	s0 =	sld [smem:$0x3FAE]  }
0x30: {  	s3 =	sld [smem:$0x3FB1]  }
0x31: {  	[smem:$0x3FBA] =	sst s10  }
0x32: {  	s10 =	sld [smem:$0x3FB8];
	_ =	sdelay $0x3  }
0x33: {  	p0 =	seq.s32 s10, $0x1;
	s10 =	sld [smem:$0x3FBA];
	_ =	sdelay $0x3  }
0x34: {  	[smem:$0x3FBA] =	sst s10  }
0x35: {  	s10 =	sld [smem:$0x3FB9];
	_ =	sdelay $0x3  }
0x36: {  	p1 =	seq.s32 s10, $0x1;
	s10 =	sld [smem:$0x3FBA];
	_ =	sdelay $0x3  }
0x37: {  	[smem:$0x3FBA] =	sst s10  }
0x38: {  	s10 =	sld [smem:$0x3FBB]  }
0x39: {  	_ = 	snop;
	(pc) =	sbr.ind lr, $3  }
0x3a: {  	_ = 	snop  }
0x3b: {  	_ = 	snop  }
0x3c: {  	p2 =	seq.s32 s10, $0x1;
	s10 =	sld [smem:$0x3FBA]  }
0x3d: {  	_ =	shalt  }
0x3e: {  	_ =	shalt  }
0x3f: {  	_ =	shalt  }
0x40: {  	_ =	shalt  }
0x41: {  	_ =	shalt  }
0x42: {  	_ =	shalt  }
0x43: {  	_ =	shalt  }
0x44: {  	_ =	shalt  }
0x45: {  	_ =	shalt  }
0x46: {  	_ =	shalt  }
0x47: {  	_ =	shalt  }
0x48: {  	_ =	shalt  }
0x49: {  	_ =	shalt  }
0x4a: {  	_ =	shalt  }
0x4b: {  	_ =	shalt  }
0x4c: {  	_ =	shalt  }
0x4d: {  	_ =	shalt  }
0x4e: {  	_ =	shalt  }
0x4f: {  	_ =	shalt  }
0x50: {  	_ =	shalt  }
0x51: {  	_ =	shalt  }
0x52: {  	_ =	shalt  }
0x53: {  	_ =	shalt  }
0x54: {  	_ =	shalt  }
0x55: {  	_ =	shalt  }
0x56: {  	_ =	shalt  }
0x57: {  	_ =	shalt  }
0x58: {  	_ =	shalt  }
0x59: {  	_ =	shalt  }
0x5a: {  	_ =	shalt  }
0x5b: {  	_ =	shalt  }
0x5c: {  	_ =	shalt  }
0x5d: {  	_ =	shalt  }
0x5e: {  	_ =	shalt  }
0x5f: {  	_ =	shalt  }
0x60: {  	_ =	shalt  }
0x61: {  	_ =	shalt  }
0x62: {  	_ =	shalt  }
0x63: {  	_ =	shalt  }
0x64: {  	_ =	shalt  }
0x65: {  	_ =	shalt  }
0x66: {  	_ =	shalt  }
0x67: {  	_ =	shalt  }
0x68: {  	_ =	shalt  }
0x69: {  	_ =	shalt  }
0x6a: {  	_ =	shalt  }
0x6b: {  	_ =	shalt  }
0x6c: {  	_ =	shalt  }
0x6d: {  	_ =	shalt  }
0x6e: {  	_ =	shalt  }
0x6f: {  	_ =	shalt  }
0x70: {  	_ =	shalt  }
0x71: {  	_ =	shalt  }
0x72: {  	_ =	shalt  }
0x73: {  	_ =	shalt  }
0x74: {  	_ =	shalt  }
0x75: {  	_ =	shalt  }
0x76: {  	_ =	shalt  }
0x77: {  	_ =	shalt  }
0x78: {  	_ =	shalt  }
0x79: {  	_ =	shalt  }
0x7a: {  	_ =	shalt  }
0x7b: {  	_ =	shalt  }
0x7c: {  	_ =	shalt  }
0x7d: {  	_ =	shalt  }
0x7e: {  	_ =	shalt  }
0x7f: {  	_ =	shalt  }
0x80: {  	_ =	shalt  }
0x81: {  	_ =	shalt  }
0x82: {  	_ =	shalt  }
0x83: {  	_ =	shalt  }
0x84: {  	_ =	shalt  }
0x85: {  	_ =	shalt  }
0x86: {  	_ =	shalt  }
0x87: {  	_ =	shalt  }
.Lfunc_end0:
.L_simem_size_0:
called_computation.1_lowered:
.L_overlay_start_0:
0x88: {  	s2 =	sld [smem:$0x3FD9]  }
0x89: {  	s3 =	sld [smem:$0x3FFE];
	_ =	sdelay $0x1  }
0x8a: {  	s1 =	srdreg.scid  }
0x8b: {  	s0 =	sand.u32 $0x1, s1  }
0x8c: {  	s17 =	sshll.u32 s0, $0xA;
	s2 =	sadd.s32 s3, s2  }
0x8d: {  	s2 =	sadd.s32 s2, s17  }
0x8e: {  	[smem:$0x3FC6] =	sst s2  }
0x8f: {  	_ = 	snop  }
0x90: {  	s2 =	sld [smem:$0x3FC8]  }
0x91: {  	s18 =	sld [smem:$0x3FD0];
	(tm) =	ssettm $0x1  }
0x92: {  	s4 =	sld [smem:$0x3FFB];
	_ =	sdelay $0x3  }
0x93: {  	_ =	strace s4  }
0x94: {  	s4 =	sld [smem:$0x3FFC];
	_ =	sdelay $0x3  }
0x95: {  	_ =	strace s4  }
0x96: {  	s4 =	sld [smem:$0x3FFD];
	_ =	sdelay $0x3  }
0x97: {  	_ =	strace s4  }
0x98: {  	_ =	strace $0x8FFFFFFF  }
0x99: {  	s19 =	sld [smem:$0x3FDB];
	_ =	sdelay $0x1  }
0x9a: {  	s5 =	simm.s32 $_scs_section_size  }
0x9b: {  	s6 =	simm.s32 $_size__tile_overlayer_lowered;
	s7 =	simm.s32 $_tile_overlayer_lowered  }
0x9c: {  	s22 =	simm.s32 $0x1BFF;
	s21 =	sshll.u32 s7, $0x1;
	s4 =	sadd.s32 s5, s19  }
0x9d: {  	s8 =	simm.s32 $0x0;
	s20 =	sshll.u32 s6, $0x1;
	s6 =	sadd.s32 s21, s4  }
0x9e: {  	[timem:s8], [sflag:s22] =	dma.local [hbm:s6], s20  }
0x9f: {  	_ =	swait.ge [sflag:s22], s20  }
0xa0: {  	s5 =	ssub.s32 $0x0, s20;
	[sflag:s22] =	ssyncset.done $0x0  }
0xa1: {  	[sflag:s22] =	ssyncadd.s32 s5;
	_ =	sdelay $0x1  }
0xa2: {  	s23 =	simm.s32 $0x1B8B  }
0xa3: {  	_ =	swait.ge [sflag:s23], $0x1  }
0xa4: {  	[sflag:s23] =	ssyncset.done $0x0  }
0xa5: {  	s25 =	simm.s32 $0x1B8E;
	s24 =	sld [smem:$0x3FFE];
	[sflag:s23] =	ssyncadd.s32 $0xFFFFFFFF  }
0xa6: {  	s26 =	simm.s32 $execute0_lowered;
	[smem:$0x3FD2] =	sst s25  }
0xa7: {  	s6 =	sshll.u32 s26, $0x1;
	_ =	strace $0x80000049;
	[dreg:$0x1] =	wrdreg $0xFFFFFFFF  }
0xa8: {  	s28 =	simm.s32 $_size_execute0_lowered;
	s4 =	sadd.s32 s4, s6;
	[dreg:$0x0] =	wrdreg $0x0  }
0xa9: {  	s6 =	sshll.u32 s28, $0x1;
	[dreg:$0x2] =	wrdreg s4  }
0xaa: {  	[dreg:$0x3] =	wrdreg s6  }
0xab: {  	[dreg:$0x4] =	wrdreg $0xC0  }
0xac: {  	_ =	task [dreg:s8], $0x5FFFF  }
0xad: {  	[dreg:$0x1] =	wrdreg $0xFFFFFFFF  }
0xae: {  	[dreg:$0x0] =	wrdreg $0x60  }
0xaf: {  	[dreg:$0x2] =	wrdreg s18  }
0xb0: {  	[dreg:$0x3] =	wrdreg s2  }
0xb1: {  	[dreg:$0x4] =	wrdreg s24  }
0xb2: {  	[dreg:$0x5] =	wrdreg $0x9  }
0xb3: {  	_ =	task.clear_ibuf [dreg:s8], $0x6FFFF;
	_ =	strace $0x90000049  }
0xb4: {  	s29 =	simm.s32 $0x9;
	_ =	strace $0x8000004B  }
0xb5: {  	_ =	swait.ge [sflag:s29], $0x1  }
0xb6: {  	[sflag:s29] =	ssyncadd.s32 $0xFFFFFFFF  }
0xb7: {  	_ =	strace $0x9000004B  }
0xb8: {  	_ =	sfence  }
0xb9: {  	s30 =	sld [smem:$0x0];
	_ =	sdelay $0x2  }
0xba: {  	s31 =	sshll.u32 s1, $0xD;
	s1 =	sshrl.u32 s1, $0x2  }
0xbb: {  	s3 =	sand.u32 $0x4000, s31;
	s1 =	sadd.s32 s1, s30  }
0xbc: {  	s0 =	sor.u32 s3, s0;
	s1 =	sshll.u32 s1, $0x11  }
0xbd: {  	s0 =	sor.u32 s1, s0  }
0xbe: {  	s0 =	sadd.s32 $0x8F2B, s0  }
0xbf: {  	[sflag:s0] =	ssyncadd.remote.s32 $0x1  }
0xc0: {  	_ =	sfence.sel $0xFFFF  }
0xc1: {  	[dreg:$0x0] =	wrdreg $0xFFFFFFFF;
	(pc) =	sbr.abs _section_cstart, $3  }
0xc2: {  	[dreg:$0x1] =	wrdreg $0xFFFFFFFF  }
0xc3: {  	_ =	task.clear_ibuf [dreg:s8], $0x2FFFF;
	_ =	strace $0x9FFFFFFF  }
0xc4: {  	(tm) =	ssettm $0x7FFFFFFF  }
0xc5: {  	_ =	shalt  }
tec
execute0_lowered:
.L_overlay_start_1:
0x0: {  	(tag) =	ssettag $0x1  }
0x1: {  	v0 =	vlaneseq.u32;
	s1 =	rddreg [dreg:$0x0]  }
0x2: {  	s2 =	rddreg [dreg:$0x1];
	v0 =	vand.u32 $0x3, v0  }
0x3: {  	s6 =	rddreg [dreg:$0x2];
	v0 =	vmul.u32 $0x21, v0  }
0x4: {  	s4 =	srdreg.scid;
	s0 =	rddreg [dreg:$0x3]  }
0x5: {  	s3 =	stileid.u32;
	s13 =	simm.s32 $0x5;
	s14 =	simm.s32 $0x100;
	v1 =	vadd.s32 $0x1, v0  }
0x6: {  	s15 =	simm.s32 $0x4000;
	s16 =	simm.s32 $0xCE40;
	s17 =	simm.s32 $0xDE40;
	v2 =	vadd.s32 $0x2, v0;
	v3 =	vadd.s32 $0x3, v0;
	v4 =	vadd.s32 $0x4, v0  }
0x7: {  	s18 =	simm.s32 $0x1;
	s19 =	simm.s32 $0x320000;
	s20 =	simm.s32 $0xEE40;
	v5 =	vadd.s32 $0x5, v0;
	v6 =	vadd.s32 $0x6, v0;
	v7 =	vadd.s32 $0x7, v0  }
0x8: {  	s21 =	simm.s32 $0x2;
	s22 =	simm.s32 $0x4;
	s23 =	simm.s32 $0x13C40;
	v8 =	vadd.s32 $0x8, v0;
	v9 =	vadd.s32 $0x9, v0;
	v10 =	vadd.s32 $0xA, v0  }
0x9: {  	s24 =	simm.s32 $0x3;
	s25 =	simm.s32 $0x0;
	s5 =	sand.u32 $0x1, s4;
	v11 =	vadd.s32 $0xB, v0;
	v12 =	vadd.s32 $0xC, v0;
	v13 =	vadd.s32 $0xD, v0  }
0xa: {  	s4 =	simm.s32 $0x0;
	s7 =	sshll.u32 s3, $0xA;
	s6 =	sadd.s32 $0x800, s6;
	v14 =	vadd.s32 $0xE, v0;
	v15 =	vadd.s32 $0xF, v0;
	v16 =	vadd.s32 $0x10, v0  }
.Ltmp0:
0xb: {  	s8 =	sshll.u32 s5, $0x9;
	s9 =	ssub.s32 $0x2, s5;
	v17 =	vadd.s32 $0x11, v0;
	v18 =	vadd.s32 $0x12, v0;
	v19 =	vadd.s32 $0x13, v0;
	(pc) =	sbr.rel .LBB2_1-.Ltmp0, $4  }
0xc: {  	[smem:$0x7FF] =	sst s4;
	s5 =	sor.u32 s8, s7;
	s31 =	sshrl.u32 s9, $0x1;
	v20 =	vadd.s32 $0x14, v0;
	v21 =	vadd.s32 $0x15, v0;
	v22 =	vadd.s32 $0x16, v0  }
0xd: {  	_ =	strace $0x8000004A;
	s8 =	sshrl.u32 s5, $0x3;
	s12 =	ssub.s32 s9, s31;
	v23 =	vadd.s32 $0x17, v0;
	v24 =	vadd.s32 $0x18, v0;
	v25 =	vadd.s32 $0x19, v0  }
0xe: {  	s9 =	sor.u32 $0x40000, s5;
	s10 =	sor.u32 $0x100, s5;
	v26 =	vadd.s32 $0x1A, v0;
	v27 =	vadd.s32 $0x1B, v0;
	v28 =	vadd.s32 $0x1C, v0;
	s7 =	sadd.s32 s1, s8  }
0xf: {  	s11 =	sor.u32 $0x40100, s5;
	v29 =	vadd.s32 $0x1D, v0;
	v30 =	vadd.s32 $0x1E, v0;
	v31 =	vadd.s32 $0x1F, v0;
	s12 =	smax.u32 s12, $0x1;
	s8 =	sadd.s32 $0x20, s7  }
.LBB2_12:
0x10: {  	s25 =	sadd.s32 $0x1, s25  }
0x11: {  	_ =	swait.ge [sflag:s24], $0x4E00;
	p0 =	sne.s32 s25, s12  }
.Ltmp1:
0x12: {  	[sflag:s24] =	ssyncset.done $0x0;
	(pc) =	sbr.rel @!p0 .LBB2_13-.Ltmp1, $4  }
0x13: {  	[sflag:s24] =	ssyncadd.s32 $0xFFFFB200  }
0x14: {  	_ =	swait.ge [sflag:s22], $0x4E00  }
0x15: {  	[sflag:s22] =	ssyncset.done $0x0  }
0x16: {  	[sflag:s22] =	ssyncadd.s32 $0xFFFFB200  }
.LBB2_1:
0x17: {  	[tilespmem:s4], [sflag:$0x5] =	stream.linear.gather [hbm4b:s2+s4], $0xCE40, $0x38;
	[tilespmem:$0x18A40] =	vst v63  }
0x18: {  	_ =	swait.ge [sflag:s13], $0xCE40  }
0x19: {  	[sflag:s13] =	ssyncset.done $0x0  }
0x1a: {  	[sflag:s13] =	ssyncadd.s32 $0xFFFF31C0  }
0x1b: {  	[tilespmem:s16], [sflag:$0x1] =	stream.strided.gather [hbm4b:s7+s14], $0x1000, s15, s14, $0x38;
	[tilespmem:$0x18A40] =	vst v63  }
0x1c: {  	s26 =	simm.s32 $0x0  }
0x1d: {  	[tilespmem:s17], [sflag:$0x2] =	stream.strided.gather [hbm4b:s8+s14], $0x1000, s15, s14, $0x38;
	[tilespmem:$0x18A40] =	vst v63  }
.LBB2_2:
0x1e: {  	_ =	swait.ge [sflag:s18], $0x1000  }
0x1f: {  	p0 =	seq.s32 s26, $0x0;
	[sflag:s18] =	ssyncset.done $0x0  }
0x20: {  	s28 =	simm.s32 @!p0 $0x3;
	[sflag:s18] =	ssyncadd.s32 $0xFFFFF000  }
0x21: {  	_ =	swait.ge @!p0 [sflag:s28], $0x4E00  }
0x22: {  	[sflag:s28] =	ssyncset.done @!p0 $0x0  }
0x23: {  	p1 =	por $0x1, $0x1;
	[sflag:s28] =	ssyncadd.s32 @!p0 $0xFFFFB200;
	s28 =	simm.s32 $0x0  }
.LBB2_3:
0x24: {  	v32 =	vld [tilespmem:s28+$0xCE40];
	_ =	sdelay $0x4  }
0x25: {  	v32 =	vtrunc.f32 v32  }
0x26: {  	v33 =	vld [tilespmem:s28+$0xD640];
	v32 =	vcvt.f32.s32 v32;
	_ =	sdelay $0x1  }
0x27: {  	vm0 =	vgt.s32 v32, $0x0  }
0x28: {  	v32 =	vnsel vm0, $0x0, v32  }
0x29: {  	v32 =	vmin.u32 v32, $0x18F  }
0x2a: {  	v33 =	vtrunc.f32 v33;
	v34 =	vmul.u32 $0x84, v32  }
0x2b: {  	v47 =	vcvt.f32.s32 v33  }
0x2c: {  	v48 =	vadd.s32 v0, v34  }
0x2d: {  	vm13 =	vgt.s32 v47, $0x0  }
0x2e: {  	v32 =	vnsel vm13, $0x0, v47  }
0x2f: {  	v32 =	vmin.u32 v32, $0x18F  }
0x30: {  	v35 =	vmul.u32 $0x84, v32  }
0x31: {  	v49 =	vld.idx.msk [tilespmem:v48+s4+$0x0], $0xffff  }
0x32: {  	v50 =	vadd.s32 v0, v35;
	_ =	sdelay $0x3  }
0x33: {  	[tilespmem:s28+$0xEE40] =	vst v49  }
0x34: {  	v32 =	vld.idx.msk [tilespmem:v50+s4+$0x0], $0xffff  }
0x35: {  	v51 =	vadd.s32 v1, v34;
	_ =	sdelay $0x3  }
0x36: {  	[tilespmem:s28+$0x11540] =	vst v32  }
0x37: {  	v32 =	vld.idx.msk [tilespmem:v51+s4+$0x0], $0xffff  }
0x38: {  	v52 =	vadd.s32 v1, v35;
	_ =	sdelay $0x3  }
0x39: {  	[tilespmem:s28+$0xEF40] =	vst v32  }
0x3a: {  	v32 =	vld.idx.msk [tilespmem:v52+s4+$0x0], $0xffff  }
0x3b: {  	v53 =	vadd.s32 v2, v34;
	_ =	sdelay $0x3  }
0x3c: {  	[tilespmem:s28+$0x11640] =	vst v32  }
0x3d: {  	v32 =	vld.idx.msk [tilespmem:v53+s4+$0x0], $0xffff  }
0x3e: {  	v54 =	vadd.s32 v2, v35;
	_ =	sdelay $0x3  }
0x3f: {  	[tilespmem:s28+$0xF040] =	vst v32  }
0x40: {  	v32 =	vld.idx.msk [tilespmem:v54+s4+$0x0], $0xffff  }
0x41: {  	v55 =	vadd.s32 v3, v34;
	_ =	sdelay $0x3  }
0x42: {  	[tilespmem:s28+$0x11740] =	vst v32  }
0x43: {  	v32 =	vld.idx.msk [tilespmem:v55+s4+$0x0], $0xffff  }
0x44: {  	v56 =	vadd.s32 v3, v35;
	_ =	sdelay $0x3  }
0x45: {  	[tilespmem:s28+$0xF140] =	vst v32  }
0x46: {  	v32 =	vld.idx.msk [tilespmem:v56+s4+$0x0], $0xffff  }
0x47: {  	v57 =	vadd.s32 v4, v34;
	_ =	sdelay $0x3  }
0x48: {  	[tilespmem:s28+$0x11840] =	vst v32  }
0x49: {  	v32 =	vld.idx.msk [tilespmem:v57+s4+$0x0], $0xffff  }
0x4a: {  	v58 =	vadd.s32 v4, v35;
	_ =	sdelay $0x3  }
0x4b: {  	[tilespmem:s28+$0xF240] =	vst v32  }
0x4c: {  	v32 =	vld.idx.msk [tilespmem:v58+s4+$0x0], $0xffff  }
0x4d: {  	v59 =	vadd.s32 v5, v34;
	_ =	sdelay $0x3  }
0x4e: {  	[tilespmem:s28+$0x11940] =	vst v32  }
0x4f: {  	v32 =	vld.idx.msk [tilespmem:v59+s4+$0x0], $0xffff  }
0x50: {  	v60 =	vadd.s32 v5, v35;
	_ =	sdelay $0x3  }
0x51: {  	[tilespmem:s28+$0xF340] =	vst v32  }
0x52: {  	v32 =	vld.idx.msk [tilespmem:v60+s4+$0x0], $0xffff  }
0x53: {  	v61 =	vadd.s32 v6, v34;
	_ =	sdelay $0x3  }
0x54: {  	[tilespmem:s28+$0x11A40] =	vst v32  }
0x55: {  	v32 =	vld.idx.msk [tilespmem:v61+s4+$0x0], $0xffff  }
0x56: {  	v62 =	vadd.s32 v6, v35;
	_ =	sdelay $0x3  }
0x57: {  	[tilespmem:s28+$0xF440] =	vst v32  }
0x58: {  	v32 =	vld.idx.msk [tilespmem:v62+s4+$0x0], $0xffff  }
0x59: {  	v63 =	vadd.s32 v7, v34;
	_ =	sdelay $0x3  }
0x5a: {  	[tilespmem:s28+$0x11B40] =	vst v32  }
0x5b: {  	v32 =	vld.idx.msk [tilespmem:v63+s4+$0x0], $0xffff  }
0x5c: {  	v36 =	vadd.s32 v7, v35;
	_ =	sdelay $0x3  }
0x5d: {  	[tilespmem:s28+$0xF540] =	vst v32  }
0x5e: {  	v32 =	vld.idx.msk [tilespmem:v36+s4+$0x0], $0xffff  }
0x5f: {  	v37 =	vadd.s32 v8, v34;
	_ =	sdelay $0x3  }
0x60: {  	[tilespmem:s28+$0x11C40] =	vst v32  }
0x61: {  	v32 =	vld.idx.msk [tilespmem:v37+s4+$0x0], $0xffff  }
0x62: {  	v38 =	vadd.s32 v8, v35;
	_ =	sdelay $0x3  }
0x63: {  	[tilespmem:s28+$0xF640] =	vst v32  }
0x64: {  	v32 =	vld.idx.msk [tilespmem:v38+s4+$0x0], $0xffff  }
0x65: {  	v39 =	vadd.s32 v9, v34;
	_ =	sdelay $0x3  }
0x66: {  	[tilespmem:s28+$0x11D40] =	vst v32  }
0x67: {  	v32 =	vld.idx.msk [tilespmem:v39+s4+$0x0], $0xffff  }
0x68: {  	v40 =	vadd.s32 v9, v35;
	_ =	sdelay $0x3  }
0x69: {  	[tilespmem:s28+$0xF740] =	vst v32  }
0x6a: {  	v32 =	vld.idx.msk [tilespmem:v40+s4+$0x0], $0xffff  }
0x6b: {  	v41 =	vadd.s32 v10, v34;
	_ =	sdelay $0x3  }
0x6c: {  	[tilespmem:s28+$0x11E40] =	vst v32  }
0x6d: {  	v32 =	vld.idx.msk [tilespmem:v41+s4+$0x0], $0xffff  }
0x6e: {  	v42 =	vadd.s32 v10, v35;
	_ =	sdelay $0x3  }
0x6f: {  	[tilespmem:s28+$0xF840] =	vst v32  }
0x70: {  	v32 =	vld.idx.msk [tilespmem:v42+s4+$0x0], $0xffff  }
0x71: {  	v43 =	vadd.s32 v11, v34;
	_ =	sdelay $0x3  }
0x72: {  	[tilespmem:s28+$0x11F40] =	vst v32  }
0x73: {  	v32 =	vld.idx.msk [tilespmem:v43+s4+$0x0], $0xffff  }
0x74: {  	v44 =	vadd.s32 v11, v35;
	v36 =	vld [tilespmem:s28+$0xCE50];
	_ =	sdelay $0x3  }
0x75: {  	[tilespmem:s28+$0xF940] =	vst v32  }
0x76: {  	v46 =	vtrunc.f32 v36;
	v32 =	vld.idx.msk [tilespmem:v44+s4+$0x0], $0xffff  }
0x77: {  	v45 =	vadd.s32 v12, v34;
	v33 =	vcvt.f32.s32 v46;
	v37 =	vld [tilespmem:s28+$0xD650];
	_ =	sdelay $0x1  }
0x78: {  	vm14 =	vgt.s32 v33, $0x0  }
0x79: {  	v33 =	vnsel vm14, $0x0, v33  }
0x7a: {  	v48 =	vmin.u32 v33, $0x18F;
	[tilespmem:s28+$0x12040] =	vst v32  }
0x7b: {  	v37 =	vtrunc.f32 v37;
	v33 =	vmul.u32 $0x84, v48;
	v32 =	vld.idx.msk [tilespmem:v45+s4+$0x0], $0xffff  }
0x7c: {  	v47 =	vadd.s32 v12, v35;
	v37 =	vcvt.f32.s32 v37  }
0x7d: {  	v38 =	vadd.s32 v0, v33  }
0x7e: {  	vm15 =	vgt.s32 v37, $0x0  }
0x7f: {  	v37 =	vnsel vm15, $0x0, v37  }
0x80: {  	v50 =	vmin.u32 v37, $0x18F;
	[tilespmem:s28+$0xFA40] =	vst v32  }
0x81: {  	v32 =	vmul.u32 $0x84, v50;
	v36 =	vld.idx.msk [tilespmem:v47+s4+$0x0], $0xffff  }
0x82: {  	v49 =	vadd.s32 v13, v34;
	v38 =	vld.idx.msk [tilespmem:v38+s4+$0x0], $0xffff  }
0x83: {  	v39 =	vadd.s32 v0, v32;
	_ =	sdelay $0x2  }
0x84: {  	[tilespmem:s28+$0x12140] =	vst v36  }
0x85: {  	[tilespmem:s28+$0xEE50] =	vst v38;
	v51 =	vld.idx.msk [tilespmem:v49+s4+$0x0], $0xffff  }
0x86: {  	v52 =	vadd.s32 v13, v35;
	v38 =	vld.idx.msk [tilespmem:v39+s4+$0x0], $0xffff  }
0x87: {  	v54 =	vadd.s32 v1, v33;
	_ =	sdelay $0x2  }
0x88: {  	[tilespmem:s28+$0xFB40] =	vst v51  }
0x89: {  	[tilespmem:s28+$0x11550] =	vst v38;
	v36 =	vld.idx.msk [tilespmem:v52+s4+$0x0], $0xffff  }
0x8a: {  	v53 =	vadd.s32 v14, v34;
	v38 =	vld.idx.msk [tilespmem:v54+s4+$0x0], $0xffff  }
0x8b: {  	v56 =	vadd.s32 v1, v32;
	_ =	sdelay $0x2  }
0x8c: {  	[tilespmem:s28+$0x12240] =	vst v36  }
0x8d: {  	[tilespmem:s28+$0xEF50] =	vst v38;
	v36 =	vld.idx.msk [tilespmem:v53+s4+$0x0], $0xffff  }
0x8e: {  	v55 =	vadd.s32 v14, v35;
	v38 =	vld.idx.msk [tilespmem:v56+s4+$0x0], $0xffff  }
0x8f: {  	v58 =	vadd.s32 v2, v33;
	_ =	sdelay $0x2  }
0x90: {  	[tilespmem:s28+$0xFC40] =	vst v36  }
0x91: {  	[tilespmem:s28+$0x11650] =	vst v38;
	v36 =	vld.idx.msk [tilespmem:v55+s4+$0x0], $0xffff  }
0x92: {  	v57 =	vadd.s32 v15, v34;
	v38 =	vld.idx.msk [tilespmem:v58+s4+$0x0], $0xffff  }
0x93: {  	v60 =	vadd.s32 v2, v32;
	_ =	sdelay $0x2  }
0x94: {  	[tilespmem:s28+$0x12340] =	vst v36  }
0x95: {  	[tilespmem:s28+$0xF050] =	vst v38;
	v36 =	vld.idx.msk [tilespmem:v57+s4+$0x0], $0xffff  }
0x96: {  	v59 =	vadd.s32 v15, v35;
	v38 =	vld.idx.msk [tilespmem:v60+s4+$0x0], $0xffff  }
0x97: {  	v62 =	vadd.s32 v3, v33;
	_ =	sdelay $0x2  }
0x98: {  	[tilespmem:s28+$0xFD40] =	vst v36  }
0x99: {  	[tilespmem:s28+$0x11750] =	vst v38;
	v36 =	vld.idx.msk [tilespmem:v59+s4+$0x0], $0xffff  }
0x9a: {  	v61 =	vadd.s32 v16, v34;
	v38 =	vld.idx.msk [tilespmem:v62+s4+$0x0], $0xffff  }
0x9b: {  	v42 =	vadd.s32 v3, v32;
	_ =	sdelay $0x2  }
0x9c: {  	[tilespmem:s28+$0x12440] =	vst v36  }
0x9d: {  	[tilespmem:s28+$0xF150] =	vst v38;
	v36 =	vld.idx.msk [tilespmem:v61+s4+$0x0], $0xffff  }
0x9e: {  	v63 =	vadd.s32 v16, v35;
	v38 =	vld.idx.msk [tilespmem:v42+s4+$0x0], $0xffff  }
0x9f: {  	v44 =	vadd.s32 v4, v33;
	_ =	sdelay $0x2  }
0xa0: {  	[tilespmem:s28+$0xFE40] =	vst v36  }
0xa1: {  	[tilespmem:s28+$0x11850] =	vst v38;
	v36 =	vld.idx.msk [tilespmem:v63+s4+$0x0], $0xffff  }
0xa2: {  	v43 =	vadd.s32 v17, v34;
	v38 =	vld.idx.msk [tilespmem:v44+s4+$0x0], $0xffff  }
0xa3: {  	v46 =	vadd.s32 v4, v32;
	_ =	sdelay $0x2  }
0xa4: {  	[tilespmem:s28+$0x12540] =	vst v36  }
0xa5: {  	[tilespmem:s28+$0xF250] =	vst v38;
	v36 =	vld.idx.msk [tilespmem:v43+s4+$0x0], $0xffff  }
0xa6: {  	v45 =	vadd.s32 v17, v35;
	v38 =	vld.idx.msk [tilespmem:v46+s4+$0x0], $0xffff  }
0xa7: {  	v48 =	vadd.s32 v5, v33;
	_ =	sdelay $0x2  }
0xa8: {  	[tilespmem:s28+$0xFF40] =	vst v36  }
0xa9: {  	[tilespmem:s28+$0x11950] =	vst v38;
	v36 =	vld.idx.msk [tilespmem:v45+s4+$0x0], $0xffff  }
0xaa: {  	v47 =	vadd.s32 v18, v34;
	v38 =	vld.idx.msk [tilespmem:v48+s4+$0x0], $0xffff  }
0xab: {  	v50 =	vadd.s32 v5, v32;
	_ =	sdelay $0x2  }
0xac: {  	[tilespmem:s28+$0x12640] =	vst v36  }
0xad: {  	[tilespmem:s28+$0xF350] =	vst v38;
	v36 =	vld.idx.msk [tilespmem:v47+s4+$0x0], $0xffff  }
0xae: {  	v49 =	vadd.s32 v18, v35;
	v38 =	vld.idx.msk [tilespmem:v50+s4+$0x0], $0xffff  }
0xaf: {  	v52 =	vadd.s32 v6, v33;
	_ =	sdelay $0x2  }
0xb0: {  	[tilespmem:s28+$0x10040] =	vst v36  }
0xb1: {  	[tilespmem:s28+$0x11A50] =	vst v38;
	v36 =	vld.idx.msk [tilespmem:v49+s4+$0x0], $0xffff  }
0xb2: {  	v51 =	vadd.s32 v19, v34;
	v38 =	vld.idx.msk [tilespmem:v52+s4+$0x0], $0xffff  }
0xb3: {  	v54 =	vadd.s32 v6, v32;
	_ =	sdelay $0x2  }
0xb4: {  	[tilespmem:s28+$0x12740] =	vst v36  }
0xb5: {  	[tilespmem:s28+$0xF450] =	vst v38;
	v36 =	vld.idx.msk [tilespmem:v51+s4+$0x0], $0xffff  }
0xb6: {  	v53 =	vadd.s32 v19, v35;
	v38 =	vld.idx.msk [tilespmem:v54+s4+$0x0], $0xffff  }
0xb7: {  	v56 =	vadd.s32 v7, v33;
	_ =	sdelay $0x2  }
0xb8: {  	[tilespmem:s28+$0x10140] =	vst v36  }
0xb9: {  	[tilespmem:s28+$0x11B50] =	vst v38;
	v36 =	vld.idx.msk [tilespmem:v53+s4+$0x0], $0xffff  }
0xba: {  	v55 =	vadd.s32 v20, v34;
	v38 =	vld.idx.msk [tilespmem:v56+s4+$0x0], $0xffff  }
0xbb: {  	v58 =	vadd.s32 v7, v32;
	_ =	sdelay $0x2  }
0xbc: {  	[tilespmem:s28+$0x12840] =	vst v36  }
0xbd: {  	[tilespmem:s28+$0xF550] =	vst v38;
	v36 =	vld.idx.msk [tilespmem:v55+s4+$0x0], $0xffff  }
0xbe: {  	v57 =	vadd.s32 v20, v35;
	v38 =	vld.idx.msk [tilespmem:v58+s4+$0x0], $0xffff  }
0xbf: {  	v60 =	vadd.s32 v8, v33;
	_ =	sdelay $0x2  }
0xc0: {  	[tilespmem:s28+$0x10240] =	vst v36  }
0xc1: {  	[tilespmem:s28+$0x11C50] =	vst v38;
	v36 =	vld.idx.msk [tilespmem:v57+s4+$0x0], $0xffff  }
0xc2: {  	v59 =	vadd.s32 v21, v34;
	v38 =	vld.idx.msk [tilespmem:v60+s4+$0x0], $0xffff  }
0xc3: {  	v62 =	vadd.s32 v8, v32;
	_ =	sdelay $0x2  }
0xc4: {  	[tilespmem:s28+$0x12940] =	vst v36  }
0xc5: {  	[tilespmem:s28+$0xF650] =	vst v38;
	v36 =	vld.idx.msk [tilespmem:v59+s4+$0x0], $0xffff  }
0xc6: {  	v61 =	vadd.s32 v21, v35;
	v38 =	vld.idx.msk [tilespmem:v62+s4+$0x0], $0xffff  }
0xc7: {  	v42 =	vadd.s32 v9, v33;
	_ =	sdelay $0x2  }
0xc8: {  	[tilespmem:s28+$0x10340] =	vst v36  }
0xc9: {  	[tilespmem:s28+$0x11D50] =	vst v38;
	v36 =	vld.idx.msk [tilespmem:v61+s4+$0x0], $0xffff  }
0xca: {  	v63 =	vadd.s32 v22, v34;
	v38 =	vld.idx.msk [tilespmem:v42+s4+$0x0], $0xffff  }
0xcb: {  	v44 =	vadd.s32 v9, v32;
	_ =	sdelay $0x2  }
0xcc: {  	[tilespmem:s28+$0x12A40] =	vst v36  }
0xcd: {  	[tilespmem:s28+$0xF750] =	vst v38;
	v36 =	vld.idx.msk [tilespmem:v63+s4+$0x0], $0xffff  }
0xce: {  	v43 =	vadd.s32 v22, v35;
	v38 =	vld.idx.msk [tilespmem:v44+s4+$0x0], $0xffff  }
0xcf: {  	v46 =	vadd.s32 v10, v33;
	_ =	sdelay $0x2  }
0xd0: {  	[tilespmem:s28+$0x10440] =	vst v36  }
0xd1: {  	[tilespmem:s28+$0x11E50] =	vst v38;
	v36 =	vld.idx.msk [tilespmem:v43+s4+$0x0], $0xffff  }
0xd2: {  	v45 =	vadd.s32 v23, v34;
	v38 =	vld.idx.msk [tilespmem:v46+s4+$0x0], $0xffff  }
0xd3: {  	v48 =	vadd.s32 v10, v32;
	_ =	sdelay $0x2  }
0xd4: {  	[tilespmem:s28+$0x12B40] =	vst v36  }
0xd5: {  	[tilespmem:s28+$0xF850] =	vst v38;
	v36 =	vld.idx.msk [tilespmem:v45+s4+$0x0], $0xffff  }
0xd6: {  	v47 =	vadd.s32 v23, v35;
	v38 =	vld.idx.msk [tilespmem:v48+s4+$0x0], $0xffff  }
0xd7: {  	v50 =	vadd.s32 v11, v33;
	_ =	sdelay $0x2  }
0xd8: {  	[tilespmem:s28+$0x10540] =	vst v36  }
0xd9: {  	[tilespmem:s28+$0x11F50] =	vst v38;
	v36 =	vld.idx.msk [tilespmem:v47+s4+$0x0], $0xffff  }
0xda: {  	v49 =	vadd.s32 v24, v34;
	v38 =	vld.idx.msk [tilespmem:v50+s4+$0x0], $0xffff  }
0xdb: {  	v52 =	vadd.s32 v11, v32;
	_ =	sdelay $0x2  }
0xdc: {  	[tilespmem:s28+$0x12C40] =	vst v36  }
0xdd: {  	[tilespmem:s28+$0xF950] =	vst v38;
	v36 =	vld.idx.msk [tilespmem:v49+s4+$0x0], $0xffff  }
0xde: {  	v51 =	vadd.s32 v24, v35;
	v38 =	vld.idx.msk [tilespmem:v52+s4+$0x0], $0xffff  }
0xdf: {  	v54 =	vadd.s32 v12, v33;
	_ =	sdelay $0x2  }
0xe0: {  	[tilespmem:s28+$0x10640] =	vst v36  }
0xe1: {  	[tilespmem:s28+$0x12050] =	vst v38;
	v36 =	vld.idx.msk [tilespmem:v51+s4+$0x0], $0xffff  }
0xe2: {  	v53 =	vadd.s32 v25, v34;
	v38 =	vld.idx.msk [tilespmem:v54+s4+$0x0], $0xffff  }
0xe3: {  	v56 =	vadd.s32 v12, v32;
	_ =	sdelay $0x2  }
0xe4: {  	[tilespmem:s28+$0x12D40] =	vst v36  }
0xe5: {  	[tilespmem:s28+$0xFA50] =	vst v38;
	v36 =	vld.idx.msk [tilespmem:v53+s4+$0x0], $0xffff  }
0xe6: {  	v55 =	vadd.s32 v25, v35;
	v38 =	vld.idx.msk [tilespmem:v56+s4+$0x0], $0xffff  }
0xe7: {  	v58 =	vadd.s32 v13, v33;
	_ =	sdelay $0x2  }
0xe8: {  	[tilespmem:s28+$0x10740] =	vst v36  }
0xe9: {  	[tilespmem:s28+$0x12150] =	vst v38;
	v36 =	vld.idx.msk [tilespmem:v55+s4+$0x0], $0xffff  }
0xea: {  	v57 =	vadd.s32 v26, v34;
	v38 =	vld.idx.msk [tilespmem:v58+s4+$0x0], $0xffff  }
0xeb: {  	v60 =	vadd.s32 v13, v32;
	_ =	sdelay $0x2  }
0xec: {  	[tilespmem:s28+$0x12E40] =	vst v36  }
0xed: {  	[tilespmem:s28+$0xFB50] =	vst v38;
	v36 =	vld.idx.msk [tilespmem:v57+s4+$0x0], $0xffff  }
0xee: {  	v59 =	vadd.s32 v26, v35;
	v38 =	vld.idx.msk [tilespmem:v60+s4+$0x0], $0xffff  }
0xef: {  	v62 =	vadd.s32 v14, v33;
	_ =	sdelay $0x2  }
0xf0: {  	[tilespmem:s28+$0x10840] =	vst v36  }
0xf1: {  	[tilespmem:s28+$0x12250] =	vst v38;
	v36 =	vld.idx.msk [tilespmem:v59+s4+$0x0], $0xffff  }
0xf2: {  	v61 =	vadd.s32 v27, v34;
	v38 =	vld.idx.msk [tilespmem:v62+s4+$0x0], $0xffff  }
0xf3: {  	v42 =	vadd.s32 v14, v32;
	_ =	sdelay $0x2  }
0xf4: {  	[tilespmem:s28+$0x12F40] =	vst v36  }
0xf5: {  	[tilespmem:s28+$0xFC50] =	vst v38;
	v36 =	vld.idx.msk [tilespmem:v61+s4+$0x0], $0xffff  }
0xf6: {  	v63 =	vadd.s32 v27, v35;
	v38 =	vld.idx.msk [tilespmem:v42+s4+$0x0], $0xffff  }
0xf7: {  	v44 =	vadd.s32 v15, v33;
	_ =	sdelay $0x2  }
0xf8: {  	[tilespmem:s28+$0x10940] =	vst v36  }
0xf9: {  	[tilespmem:s28+$0x12350] =	vst v38;
	v36 =	vld.idx.msk [tilespmem:v63+s4+$0x0], $0xffff  }
0xfa: {  	v43 =	vadd.s32 v28, v34;
	v38 =	vld.idx.msk [tilespmem:v44+s4+$0x0], $0xffff  }
0xfb: {  	v46 =	vadd.s32 v15, v32;
	_ =	sdelay $0x2  }
0xfc: {  	[tilespmem:s28+$0x13040] =	vst v36  }
0xfd: {  	[tilespmem:s28+$0xFD50] =	vst v38;
	v36 =	vld.idx.msk [tilespmem:v43+s4+$0x0], $0xffff  }
0xfe: {  	v45 =	vadd.s32 v28, v35;
	v38 =	vld.idx.msk [tilespmem:v46+s4+$0x0], $0xffff  }
0xff: {  	v48 =	vadd.s32 v16, v33;
	_ =	sdelay $0x2  }
0x100: {  	[tilespmem:s28+$0x10A40] =	vst v36  }
0x101: {  	[tilespmem:s28+$0x12450] =	vst v38;
	v36 =	vld.idx.msk [tilespmem:v45+s4+$0x0], $0xffff  }
0x102: {  	v47 =	vadd.s32 v29, v34;
	v38 =	vld.idx.msk [tilespmem:v48+s4+$0x0], $0xffff  }
0x103: {  	v50 =	vadd.s32 v16, v32;
	_ =	sdelay $0x2  }
0x104: {  	[tilespmem:s28+$0x13140] =	vst v36  }
0x105: {  	[tilespmem:s28+$0xFE50] =	vst v38;
	v36 =	vld.idx.msk [tilespmem:v47+s4+$0x0], $0xffff  }
0x106: {  	v49 =	vadd.s32 v29, v35;
	v38 =	vld.idx.msk [tilespmem:v50+s4+$0x0], $0xffff  }
0x107: {  	v52 =	vadd.s32 v17, v33;
	_ =	sdelay $0x2  }
0x108: {  	[tilespmem:s28+$0x10B40] =	vst v36  }
0x109: {  	[tilespmem:s28+$0x12550] =	vst v38;
	v36 =	vld.idx.msk [tilespmem:v49+s4+$0x0], $0xffff  }
0x10a: {  	v51 =	vadd.s32 v30, v34;
	v38 =	vld.idx.msk [tilespmem:v52+s4+$0x0], $0xffff  }
0x10b: {  	v54 =	vadd.s32 v17, v32;
	_ =	sdelay $0x2  }
0x10c: {  	[tilespmem:s28+$0x13240] =	vst v36  }
0x10d: {  	[tilespmem:s28+$0xFF50] =	vst v38;
	v36 =	vld.idx.msk [tilespmem:v51+s4+$0x0], $0xffff  }
0x10e: {  	v53 =	vadd.s32 v30, v35;
	v55 =	vld.idx.msk [tilespmem:v54+s4+$0x0], $0xffff  }
0x10f: {  	v56 =	vadd.s32 v18, v33;
	_ =	sdelay $0x2  }
0x110: {  	[tilespmem:s28+$0x10C40] =	vst v36  }
0x111: {  	[tilespmem:s28+$0x12650] =	vst v55;
	v36 =	vld.idx.msk [tilespmem:v53+s4+$0x0], $0xffff  }
0x112: {  	v34 =	vadd.s32 v31, v34;
	v57 =	vld.idx.msk [tilespmem:v56+s4+$0x0], $0xffff  }
0x113: {  	v58 =	vadd.s32 v18, v32;
	_ =	sdelay $0x2  }
0x114: {  	[tilespmem:s28+$0x13340] =	vst v36  }
0x115: {  	[tilespmem:s28+$0x10050] =	vst v57;
	v34 =	vld.idx.msk [tilespmem:v34+s4+$0x0], $0xffff  }
0x116: {  	v35 =	vadd.s32 v31, v35;
	v59 =	vld.idx.msk [tilespmem:v58+s4+$0x0], $0xffff  }
0x117: {  	v60 =	vadd.s32 v19, v33;
	_ =	sdelay $0x2  }
0x118: {  	[tilespmem:s28+$0x10D40] =	vst v34  }
0x119: {  	[tilespmem:s28+$0x12750] =	vst v59;
	v34 =	vld.idx.msk [tilespmem:v35+s4+$0x0], $0xffff  }
0x11a: {  	v35 =	vld.idx.msk [tilespmem:v60+s4+$0x0], $0xffff  }
0x11b: {  	v62 =	vadd.s32 v19, v32;
	_ =	sdelay $0x3  }
0x11c: {  	[tilespmem:s28+$0x10150] =	vst v35  }
0x11d: {  	v35 =	vld.idx.msk [tilespmem:v62+s4+$0x0], $0xffff  }
0x11e: {  	v40 =	vadd.s32 v20, v33;
	_ =	sdelay $0x3  }
0x11f: {  	[tilespmem:s28+$0x12850] =	vst v35  }
0x120: {  	v35 =	vld.idx.msk [tilespmem:v40+s4+$0x0], $0xffff  }
0x121: {  	v42 =	vadd.s32 v20, v32;
	_ =	sdelay $0x3  }
0x122: {  	[tilespmem:s28+$0x10250] =	vst v35  }
0x123: {  	v35 =	vld.idx.msk [tilespmem:v42+s4+$0x0], $0xffff  }
0x124: {  	v44 =	vadd.s32 v21, v33;
	_ =	sdelay $0x3  }
0x125: {  	[tilespmem:s28+$0x12950] =	vst v35  }
0x126: {  	v35 =	vld.idx.msk [tilespmem:v44+s4+$0x0], $0xffff  }
0x127: {  	v46 =	vadd.s32 v21, v32;
	_ =	sdelay $0x3  }
0x128: {  	[tilespmem:s28+$0x10350] =	vst v35  }
0x129: {  	v35 =	vld.idx.msk [tilespmem:v46+s4+$0x0], $0xffff  }
0x12a: {  	v48 =	vadd.s32 v22, v33;
	_ =	sdelay $0x3  }
0x12b: {  	[tilespmem:s28+$0x12A50] =	vst v35  }
0x12c: {  	v35 =	vld.idx.msk [tilespmem:v48+s4+$0x0], $0xffff  }
0x12d: {  	v50 =	vadd.s32 v22, v32;
	_ =	sdelay $0x3  }
0x12e: {  	[tilespmem:s28+$0x10450] =	vst v35  }
0x12f: {  	v35 =	vld.idx.msk [tilespmem:v50+s4+$0x0], $0xffff  }
0x130: {  	v52 =	vadd.s32 v23, v33;
	_ =	sdelay $0x3  }
0x131: {  	[tilespmem:s28+$0x12B50] =	vst v35  }
0x132: {  	v35 =	vld.idx.msk [tilespmem:v52+s4+$0x0], $0xffff  }
0x133: {  	v54 =	vadd.s32 v23, v32;
	_ =	sdelay $0x3  }
0x134: {  	[tilespmem:s28+$0x10550] =	vst v35  }
0x135: {  	v35 =	vld.idx.msk [tilespmem:v54+s4+$0x0], $0xffff  }
0x136: {  	v56 =	vadd.s32 v24, v33;
	_ =	sdelay $0x3  }
0x137: {  	[tilespmem:s28+$0x12C50] =	vst v35  }
0x138: {  	v35 =	vld.idx.msk [tilespmem:v56+s4+$0x0], $0xffff  }
0x139: {  	v61 =	vld [tilespmem:s28+$0xCF40];
	v58 =	vadd.s32 v24, v32  }
0x13a: {  	v63 =	vld [tilespmem:s28+$0xD740]  }
0x13b: {  	v41 =	vld [tilespmem:s28+$0xD040]  }
0x13c: {  	v43 =	vld [tilespmem:s28+$0xD840]  }
0x13d: {  	v45 =	vld [tilespmem:s28+$0xD140];
	[tilespmem:s28+$0x10650] =	vst v35  }
0x13e: {  	[tilespmem:s28+$0x10E40] =	vst v61;
	v35 =	vld.idx.msk [tilespmem:v58+s4+$0x0], $0xffff  }
0x13f: {  	v47 =	vld [tilespmem:s28+$0xD940];
	[tilespmem:s28+$0x13540] =	vst v63;
	v60 =	vadd.s32 v25, v33  }
0x140: {  	v49 =	vld [tilespmem:s28+$0xD240];
	[tilespmem:s28+$0x10F40] =	vst v41  }
0x141: {  	v51 =	vld [tilespmem:s28+$0xDA40];
	[tilespmem:s28+$0x13640] =	vst v43  }
0x142: {  	v53 =	vld [tilespmem:s28+$0xD340];
	[tilespmem:s28+$0x11040] =	vst v45  }
0x143: {  	v55 =	vld [tilespmem:s28+$0xDB40];
	[tilespmem:s28+$0x12D50] =	vst v35  }
0x144: {  	[tilespmem:s28+$0x13740] =	vst v47;
	v35 =	vld.idx.msk [tilespmem:v60+s4+$0x0], $0xffff  }
0x145: {  	v57 =	vld [tilespmem:s28+$0xD440];
	[tilespmem:s28+$0x11140] =	vst v49;
	v62 =	vadd.s32 v25, v32  }
0x146: {  	v59 =	vld [tilespmem:s28+$0xDC40];
	[tilespmem:s28+$0x13840] =	vst v51  }
0x147: {  	[tilespmem:s28+$0x11240] =	vst v53  }
0x148: {  	[tilespmem:s28+$0x13940] =	vst v55;
	v61 =	vld [tilespmem:s28+$0xD540]  }
0x149: {  	v63 =	vld [tilespmem:s28+$0xDD40];
	[tilespmem:s28+$0x10750] =	vst v35  }
0x14a: {  	[tilespmem:s28+$0x11340] =	vst v57;
	v35 =	vld.idx.msk [tilespmem:v62+s4+$0x0], $0xffff  }
0x14b: {  	[tilespmem:s28+$0x13A40] =	vst v59;
	v40 =	vadd.s32 v26, v33  }
0x14c: {  	[tilespmem:s28+$0x13440] =	vst v34  }
0x14d: {  	[tilespmem:s28+$0x11440] =	vst v61  }
0x14e: {  	[tilespmem:s28+$0x13B40] =	vst v63  }
0x14f: {  	[tilespmem:s28+$0x12E50] =	vst v35  }
0x150: {  	v40 =	vld.idx.msk [tilespmem:v40+s4+$0x0], $0xffff  }
0x151: {  	v41 =	vld [tilespmem:s28+$0xCE60];
	_ =	sdelay $0x4  }
0x152: {  	v42 =	vld [tilespmem:s28+$0xCE70];
	v34 =	vtrunc.f32 v41  }
0x153: {  	v36 =	vld [tilespmem:s28+$0xD660];
	v34 =	vcvt.f32.s32 v34;
	_ =	sdelay $0x1  }
0x154: {  	v43 =	vld [tilespmem:s28+$0xD670];
	vm4 =	vgt.s32 v34, $0x0  }
0x155: {  	v34 =	vnsel vm4, $0x0, v34  }
0x156: {  	v35 =	vtrunc.f32 v42;
	v34 =	vmin.u32 v34, $0x18F  }
0x157: {  	v44 =	vtrunc.f32 v36;
	v35 =	vcvt.f32.s32 v35;
	v36 =	vmul.u32 $0x84, v34  }
0x158: {  	v46 =	vcvt.f32.s32 v44  }
0x159: {  	v37 =	vtrunc.f32 v43;
	vm5 =	vgt.s32 v35, $0x0;
	v47 =	vadd.s32 v0, v36  }
0x15a: {  	v37 =	vcvt.f32.s32 v37;
	vm6 =	vgt.s32 v46, $0x0;
	v35 =	vnsel vm5, $0x0, v35  }
0x15b: {  	v45 =	vmin.u32 v35, $0x18F;
	v35 =	vnsel vm6, $0x0, v46  }
0x15c: {  	vm7 =	vgt.s32 v37, $0x0;
	v35 =	vmin.u32 v35, $0x18F  }
0x15d: {  	v48 =	vnsel vm7, $0x0, v37;
	v37 =	vmul.u32 $0x84, v35  }
0x15e: {  	v34 =	vld.idx.msk [tilespmem:v47+s4+$0x0], $0xffff  }
0x15f: {  	v50 =	vadd.s32 v0, v37;
	_ =	sdelay $0x2  }
0x160: {  	v38 =	vmul.u32 $0x84, v45  }
0x161: {  	[tilespmem:s28+$0xEE60] =	vst v34  }
0x162: {  	v41 =	vadd.s32 v0, v38;
	v34 =	vld.idx.msk [tilespmem:v50+s4+$0x0], $0xffff  }
0x163: {  	v51 =	vadd.s32 v1, v36;
	_ =	sdelay $0x1  }
0x164: {  	v49 =	vmin.u32 v48, $0x18F  }
0x165: {  	v39 =	vmul.u32 $0x84, v49  }
0x166: {  	v41 =	vld.idx.msk [tilespmem:v41+s4+$0x0], $0xffff;
	[tilespmem:s28+$0x11560] =	vst v34  }
0x167: {  	v42 =	vadd.s32 v0, v39;
	v34 =	vld.idx.msk [tilespmem:v51+s4+$0x0], $0xffff  }
0x168: {  	v53 =	vadd.s32 v1, v37;
	_ =	sdelay $0x2  }
0x169: {  	[tilespmem:s28+$0xEE70] =	vst v41  }
0x16a: {  	v41 =	vld.idx.msk [tilespmem:v42+s4+$0x0], $0xffff;
	[tilespmem:s28+$0xEF60] =	vst v34  }
0x16b: {  	v52 =	vadd.s32 v1, v38;
	v34 =	vld.idx.msk [tilespmem:v53+s4+$0x0], $0xffff  }
0x16c: {  	v55 =	vadd.s32 v2, v36;
	_ =	sdelay $0x2  }
0x16d: {  	[tilespmem:s28+$0x11570] =	vst v41  }
0x16e: {  	v41 =	vld.idx.msk [tilespmem:v52+s4+$0x0], $0xffff;
	[tilespmem:s28+$0x11660] =	vst v34  }
0x16f: {  	v54 =	vadd.s32 v1, v39;
	v34 =	vld.idx.msk [tilespmem:v55+s4+$0x0], $0xffff  }
0x170: {  	v57 =	vadd.s32 v2, v37;
	_ =	sdelay $0x2  }
0x171: {  	[tilespmem:s28+$0xEF70] =	vst v41  }
0x172: {  	v41 =	vld.idx.msk [tilespmem:v54+s4+$0x0], $0xffff;
	[tilespmem:s28+$0xF060] =	vst v34  }
0x173: {  	v56 =	vadd.s32 v2, v38;
	v34 =	vld.idx.msk [tilespmem:v57+s4+$0x0], $0xffff  }
0x174: {  	v59 =	vadd.s32 v3, v36;
	_ =	sdelay $0x2  }
0x175: {  	[tilespmem:s28+$0x11670] =	vst v41  }
0x176: {  	v41 =	vld.idx.msk [tilespmem:v56+s4+$0x0], $0xffff;
	[tilespmem:s28+$0x11760] =	vst v34  }
0x177: {  	v58 =	vadd.s32 v2, v39;
	v34 =	vld.idx.msk [tilespmem:v59+s4+$0x0], $0xffff  }
0x178: {  	v61 =	vadd.s32 v3, v37;
	_ =	sdelay $0x2  }
0x179: {  	[tilespmem:s28+$0xF070] =	vst v41  }
0x17a: {  	v41 =	vld.idx.msk [tilespmem:v58+s4+$0x0], $0xffff;
	[tilespmem:s28+$0xF160] =	vst v34  }
0x17b: {  	v60 =	vadd.s32 v3, v38;
	v34 =	vld.idx.msk [tilespmem:v61+s4+$0x0], $0xffff  }
0x17c: {  	v63 =	vadd.s32 v4, v36;
	_ =	sdelay $0x2  }
0x17d: {  	[tilespmem:s28+$0x11770] =	vst v41  }
0x17e: {  	v41 =	vld.idx.msk [tilespmem:v60+s4+$0x0], $0xffff;
	[tilespmem:s28+$0x11860] =	vst v34  }
0x17f: {  	v62 =	vadd.s32 v3, v39;
	v34 =	vld.idx.msk [tilespmem:v63+s4+$0x0], $0xffff  }
0x180: {  	v46 =	vadd.s32 v4, v37;
	_ =	sdelay $0x2  }
0x181: {  	[tilespmem:s28+$0xF170] =	vst v41  }
0x182: {  	v41 =	vld.idx.msk [tilespmem:v62+s4+$0x0], $0xffff;
	[tilespmem:s28+$0xF260] =	vst v34  }
0x183: {  	v45 =	vadd.s32 v4, v38;
	v34 =	vld.idx.msk [tilespmem:v46+s4+$0x0], $0xffff  }
0x184: {  	v48 =	vadd.s32 v5, v36;
	_ =	sdelay $0x2  }
0x185: {  	[tilespmem:s28+$0x11870] =	vst v41  }
0x186: {  	v41 =	vld.idx.msk [tilespmem:v45+s4+$0x0], $0xffff;
	[tilespmem:s28+$0x11960] =	vst v34  }
0x187: {  	v47 =	vadd.s32 v4, v39;
	v34 =	vld.idx.msk [tilespmem:v48+s4+$0x0], $0xffff  }
0x188: {  	v43 =	vld [tilespmem:s28+$0xCE80];
	v50 =	vadd.s32 v5, v37;
	_ =	sdelay $0x2  }
0x189: {  	[tilespmem:s28+$0xF270] =	vst v41  }
0x18a: {  	v41 =	vld.idx.msk [tilespmem:v47+s4+$0x0], $0xffff;
	[tilespmem:s28+$0xF360] =	vst v34  }
0x18b: {  	v49 =	vadd.s32 v5, v38;
	v53 =	vtrunc.f32 v43;
	v34 =	vld.idx.msk [tilespmem:v50+s4+$0x0], $0xffff  }
0x18c: {  	v44 =	vld [tilespmem:s28+$0xD680];
	v52 =	vadd.s32 v6, v36;
	v42 =	vcvt.f32.s32 v53;
	_ =	sdelay $0x1  }
0x18d: {  	vm8 =	vgt.s32 v42, $0x0  }
0x18e: {  	v55 =	vnsel vm8, $0x0, v42;
	[tilespmem:s28+$0x11970] =	vst v41  }
0x18f: {  	v41 =	vld.idx.msk [tilespmem:v49+s4+$0x0], $0xffff;
	[tilespmem:s28+$0x11A60] =	vst v34;
	v34 =	vmin.u32 v55, $0x18F  }
0x190: {  	v58 =	vtrunc.f32 v44;
	v35 =	vld.idx.msk [tilespmem:v52+s4+$0x0], $0xffff;
	v34 =	vmul.u32 $0x84, v34  }
0x191: {  	v51 =	vadd.s32 v5, v39;
	v43 =	vcvt.f32.s32 v58  }
0x192: {  	v45 =	vadd.s32 v0, v34  }
0x193: {  	vm9 =	vgt.s32 v43, $0x0  }
0x194: {  	v60 =	vnsel vm9, $0x0, v43;
	[tilespmem:s28+$0xF370] =	vst v41  }
0x195: {  	[tilespmem:s28+$0xF460] =	vst v35;
	v35 =	vmin.u32 v60, $0x18F  }
0x196: {  	v41 =	vld.idx.msk [tilespmem:v51+s4+$0x0], $0xffff;
	v35 =	vmul.u32 $0x84, v35  }
0x197: {  	v56 =	vadd.s32 v6, v37;
	v45 =	vld.idx.msk [tilespmem:v45+s4+$0x0], $0xffff  }
0x198: {  	v46 =	vadd.s32 v0, v35;
	_ =	sdelay $0x2  }
0x199: {  	[tilespmem:s28+$0x11A70] =	vst v41  }
0x19a: {  	v54 =	vadd.s32 v6, v38;
	v41 =	vld.idx.msk [tilespmem:v56+s4+$0x0], $0xffff;
	[tilespmem:s28+$0xEE80] =	vst v45  }
0x19b: {  	v61 =	vadd.s32 v7, v36;
	v45 =	vld.idx.msk [tilespmem:v46+s4+$0x0], $0xffff  }
0x19c: {  	v50 =	vadd.s32 v1, v34;
	_ =	sdelay $0x2  }
0x19d: {  	v57 =	vld.idx.msk [tilespmem:v54+s4+$0x0], $0xffff;
	[tilespmem:s28+$0x11B60] =	vst v41  }
0x19e: {  	v59 =	vadd.s32 v6, v39;
	v41 =	vld.idx.msk [tilespmem:v61+s4+$0x0], $0xffff;
	[tilespmem:s28+$0x11580] =	vst v45  }
0x19f: {  	v48 =	vadd.s32 v7, v37;
	v45 =	vld.idx.msk [tilespmem:v50+s4+$0x0], $0xffff  }
0x1a0: {  	v53 =	vadd.s32 v1, v35;
	_ =	sdelay $0x1  }
0x1a1: {  	[tilespmem:s28+$0xF470] =	vst v57  }
0x1a2: {  	v62 =	vld.idx.msk [tilespmem:v59+s4+$0x0], $0xffff;
	[tilespmem:s28+$0xF560] =	vst v41  }
0x1a3: {  	v63 =	vadd.s32 v7, v38;
	v41 =	vld.idx.msk [tilespmem:v48+s4+$0x0], $0xffff;
	[tilespmem:s28+$0xEF80] =	vst v45  }
0x1a4: {  	v51 =	vadd.s32 v8, v36;
	v45 =	vld.idx.msk [tilespmem:v53+s4+$0x0], $0xffff  }
0x1a5: {  	v56 =	vadd.s32 v2, v34;
	_ =	sdelay $0x1  }
0x1a6: {  	[tilespmem:s28+$0x11B70] =	vst v62  }
0x1a7: {  	v43 =	vld.idx.msk [tilespmem:v63+s4+$0x0], $0xffff;
	[tilespmem:s28+$0x11C60] =	vst v41  }
0x1a8: {  	v49 =	vadd.s32 v7, v39;
	v41 =	vld.idx.msk [tilespmem:v51+s4+$0x0], $0xffff;
	[tilespmem:s28+$0x11680] =	vst v45  }
0x1a9: {  	v54 =	vadd.s32 v8, v37;
	v45 =	vld.idx.msk [tilespmem:v56+s4+$0x0], $0xffff  }
0x1aa: {  	v59 =	vadd.s32 v2, v35;
	_ =	sdelay $0x1  }
0x1ab: {  	[tilespmem:s28+$0xF570] =	vst v43  }
0x1ac: {  	v43 =	vld.idx.msk [tilespmem:v49+s4+$0x0], $0xffff;
	[tilespmem:s28+$0xF660] =	vst v41  }
0x1ad: {  	v52 =	vadd.s32 v8, v38;
	v41 =	vld.idx.msk [tilespmem:v54+s4+$0x0], $0xffff;
	[tilespmem:s28+$0xF080] =	vst v45  }
0x1ae: {  	v57 =	vadd.s32 v9, v36;
	v45 =	vld.idx.msk [tilespmem:v59+s4+$0x0], $0xffff  }
0x1af: {  	v62 =	vadd.s32 v3, v34;
	_ =	sdelay $0x1  }
0x1b0: {  	[tilespmem:s28+$0x11C70] =	vst v43  }
0x1b1: {  	v43 =	vld.idx.msk [tilespmem:v52+s4+$0x0], $0xffff;
	[tilespmem:s28+$0x11D60] =	vst v41  }
0x1b2: {  	v55 =	vadd.s32 v8, v39;
	v41 =	vld.idx.msk [tilespmem:v57+s4+$0x0], $0xffff;
	[tilespmem:s28+$0x11780] =	vst v45  }
0x1b3: {  	v60 =	vadd.s32 v9, v37;
	v45 =	vld.idx.msk [tilespmem:v62+s4+$0x0], $0xffff  }
0x1b4: {  	v49 =	vadd.s32 v3, v35;
	_ =	sdelay $0x1  }
0x1b5: {  	[tilespmem:s28+$0xF670] =	vst v43  }
0x1b6: {  	v43 =	vld.idx.msk [tilespmem:v55+s4+$0x0], $0xffff;
	[tilespmem:s28+$0xF760] =	vst v41  }
0x1b7: {  	v58 =	vadd.s32 v9, v38;
	v41 =	vld.idx.msk [tilespmem:v60+s4+$0x0], $0xffff;
	[tilespmem:s28+$0xF180] =	vst v45  }
0x1b8: {  	v63 =	vadd.s32 v10, v36;
	v45 =	vld.idx.msk [tilespmem:v49+s4+$0x0], $0xffff  }
0x1b9: {  	v52 =	vadd.s32 v4, v34;
	_ =	sdelay $0x1  }
0x1ba: {  	[tilespmem:s28+$0x11D70] =	vst v43  }
0x1bb: {  	v43 =	vld.idx.msk [tilespmem:v58+s4+$0x0], $0xffff;
	[tilespmem:s28+$0x11E60] =	vst v41  }
0x1bc: {  	v61 =	vadd.s32 v9, v39;
	v41 =	vld.idx.msk [tilespmem:v63+s4+$0x0], $0xffff;
	[tilespmem:s28+$0x11880] =	vst v45  }
0x1bd: {  	v50 =	vadd.s32 v10, v37;
	v45 =	vld.idx.msk [tilespmem:v52+s4+$0x0], $0xffff  }
0x1be: {  	v55 =	vadd.s32 v4, v35;
	_ =	sdelay $0x1  }
0x1bf: {  	[tilespmem:s28+$0xF770] =	vst v43  }
0x1c0: {  	v43 =	vld.idx.msk [tilespmem:v61+s4+$0x0], $0xffff;
	[tilespmem:s28+$0xF860] =	vst v41  }
0x1c1: {  	v48 =	vadd.s32 v10, v38;
	v41 =	vld.idx.msk [tilespmem:v50+s4+$0x0], $0xffff;
	[tilespmem:s28+$0xF280] =	vst v45  }
0x1c2: {  	v53 =	vadd.s32 v11, v36;
	v45 =	vld.idx.msk [tilespmem:v55+s4+$0x0], $0xffff  }
0x1c3: {  	v58 =	vadd.s32 v5, v34;
	_ =	sdelay $0x1  }
0x1c4: {  	[tilespmem:s28+$0x11E70] =	vst v43  }
0x1c5: {  	v43 =	vld.idx.msk [tilespmem:v48+s4+$0x0], $0xffff;
	[tilespmem:s28+$0x11F60] =	vst v41  }
0x1c6: {  	v51 =	vadd.s32 v10, v39;
	v41 =	vld.idx.msk [tilespmem:v53+s4+$0x0], $0xffff;
	[tilespmem:s28+$0x11980] =	vst v45  }
0x1c7: {  	v56 =	vadd.s32 v11, v37;
	v45 =	vld.idx.msk [tilespmem:v58+s4+$0x0], $0xffff  }
0x1c8: {  	v61 =	vadd.s32 v5, v35;
	_ =	sdelay $0x1  }
0x1c9: {  	[tilespmem:s28+$0xF870] =	vst v43  }
0x1ca: {  	v43 =	vld.idx.msk [tilespmem:v51+s4+$0x0], $0xffff;
	[tilespmem:s28+$0xF960] =	vst v41  }
0x1cb: {  	v54 =	vadd.s32 v11, v38;
	v41 =	vld.idx.msk [tilespmem:v56+s4+$0x0], $0xffff;
	[tilespmem:s28+$0xF380] =	vst v45  }
0x1cc: {  	v59 =	vadd.s32 v12, v36;
	v45 =	vld.idx.msk [tilespmem:v61+s4+$0x0], $0xffff  }
0x1cd: {  	v48 =	vadd.s32 v6, v34;
	_ =	sdelay $0x1  }
0x1ce: {  	[tilespmem:s28+$0x11F70] =	vst v43  }
0x1cf: {  	v43 =	vld.idx.msk [tilespmem:v54+s4+$0x0], $0xffff;
	[tilespmem:s28+$0x12060] =	vst v41  }
0x1d0: {  	v57 =	vadd.s32 v11, v39;
	v41 =	vld.idx.msk [tilespmem:v59+s4+$0x0], $0xffff;
	[tilespmem:s28+$0x11A80] =	vst v45  }
0x1d1: {  	v62 =	vadd.s32 v12, v37;
	v45 =	vld.idx.msk [tilespmem:v48+s4+$0x0], $0xffff  }
0x1d2: {  	v51 =	vadd.s32 v6, v35;
	_ =	sdelay $0x1  }
0x1d3: {  	[tilespmem:s28+$0xF970] =	vst v43  }
0x1d4: {  	v43 =	vld.idx.msk [tilespmem:v57+s4+$0x0], $0xffff;
	[tilespmem:s28+$0xFA60] =	vst v41  }
0x1d5: {  	v60 =	vadd.s32 v12, v38;
	v41 =	vld.idx.msk [tilespmem:v62+s4+$0x0], $0xffff;
	[tilespmem:s28+$0xF480] =	vst v45  }
0x1d6: {  	v49 =	vadd.s32 v13, v36;
	v45 =	vld.idx.msk [tilespmem:v51+s4+$0x0], $0xffff  }
0x1d7: {  	v54 =	vadd.s32 v7, v34;
	_ =	sdelay $0x1  }
0x1d8: {  	[tilespmem:s28+$0x12070] =	vst v43  }
0x1d9: {  	v43 =	vld.idx.msk [tilespmem:v60+s4+$0x0], $0xffff;
	[tilespmem:s28+$0x12160] =	vst v41  }
0x1da: {  	v63 =	vadd.s32 v12, v39;
	v41 =	vld.idx.msk [tilespmem:v49+s4+$0x0], $0xffff;
	[tilespmem:s28+$0x11B80] =	vst v45  }
0x1db: {  	v52 =	vadd.s32 v13, v37;
	v45 =	vld.idx.msk [tilespmem:v54+s4+$0x0], $0xffff  }
0x1dc: {  	v57 =	vadd.s32 v7, v35;
	_ =	sdelay $0x1  }
0x1dd: {  	[tilespmem:s28+$0xFA70] =	vst v43  }
0x1de: {  	v43 =	vld.idx.msk [tilespmem:v63+s4+$0x0], $0xffff;
	[tilespmem:s28+$0xFB60] =	vst v41  }
0x1df: {  	v50 =	vadd.s32 v13, v38;
	v41 =	vld.idx.msk [tilespmem:v52+s4+$0x0], $0xffff;
	[tilespmem:s28+$0xF580] =	vst v45  }
0x1e0: {  	v55 =	vadd.s32 v14, v36;
	v45 =	vld.idx.msk [tilespmem:v57+s4+$0x0], $0xffff  }
0x1e1: {  	v60 =	vadd.s32 v8, v34;
	_ =	sdelay $0x1  }
0x1e2: {  	[tilespmem:s28+$0x12170] =	vst v43  }
0x1e3: {  	v43 =	vld.idx.msk [tilespmem:v50+s4+$0x0], $0xffff;
	[tilespmem:s28+$0x12260] =	vst v41  }
0x1e4: {  	v53 =	vadd.s32 v13, v39;
	v41 =	vld.idx.msk [tilespmem:v55+s4+$0x0], $0xffff;
	[tilespmem:s28+$0x11C80] =	vst v45  }
0x1e5: {  	v58 =	vadd.s32 v14, v37;
	v45 =	vld.idx.msk [tilespmem:v60+s4+$0x0], $0xffff  }
0x1e6: {  	v63 =	vadd.s32 v8, v35;
	_ =	sdelay $0x1  }
0x1e7: {  	[tilespmem:s28+$0xFB70] =	vst v43  }
0x1e8: {  	v43 =	vld.idx.msk [tilespmem:v53+s4+$0x0], $0xffff;
	[tilespmem:s28+$0xFC60] =	vst v41  }
0x1e9: {  	v56 =	vadd.s32 v14, v38;
	v41 =	vld.idx.msk [tilespmem:v58+s4+$0x0], $0xffff;
	[tilespmem:s28+$0xF680] =	vst v45  }
0x1ea: {  	v61 =	vadd.s32 v15, v36;
	v45 =	vld.idx.msk [tilespmem:v63+s4+$0x0], $0xffff  }
0x1eb: {  	v50 =	vadd.s32 v9, v34;
	_ =	sdelay $0x1  }
0x1ec: {  	[tilespmem:s28+$0x12270] =	vst v43  }
0x1ed: {  	v43 =	vld.idx.msk [tilespmem:v56+s4+$0x0], $0xffff;
	[tilespmem:s28+$0x12360] =	vst v41  }
0x1ee: {  	v59 =	vadd.s32 v14, v39;
	v41 =	vld.idx.msk [tilespmem:v61+s4+$0x0], $0xffff;
	[tilespmem:s28+$0x11D80] =	vst v45  }
0x1ef: {  	v48 =	vadd.s32 v15, v37;
	v45 =	vld.idx.msk [tilespmem:v50+s4+$0x0], $0xffff  }
0x1f0: {  	v53 =	vadd.s32 v9, v35;
	_ =	sdelay $0x1  }
0x1f1: {  	[tilespmem:s28+$0xFC70] =	vst v43  }
0x1f2: {  	v43 =	vld.idx.msk [tilespmem:v59+s4+$0x0], $0xffff;
	[tilespmem:s28+$0xFD60] =	vst v41  }
0x1f3: {  	v62 =	vadd.s32 v15, v38;
	v41 =	vld.idx.msk [tilespmem:v48+s4+$0x0], $0xffff;
	[tilespmem:s28+$0xF780] =	vst v45  }
0x1f4: {  	v51 =	vadd.s32 v16, v36;
	v45 =	vld.idx.msk [tilespmem:v53+s4+$0x0], $0xffff  }
0x1f5: {  	v56 =	vadd.s32 v10, v34;
	_ =	sdelay $0x1  }
0x1f6: {  	[tilespmem:s28+$0x12370] =	vst v43  }
0x1f7: {  	v43 =	vld.idx.msk [tilespmem:v62+s4+$0x0], $0xffff;
	[tilespmem:s28+$0x12460] =	vst v41  }
0x1f8: {  	v49 =	vadd.s32 v15, v39;
	v41 =	vld.idx.msk [tilespmem:v51+s4+$0x0], $0xffff;
	[tilespmem:s28+$0x11E80] =	vst v45  }
0x1f9: {  	v54 =	vadd.s32 v16, v37;
	v45 =	vld.idx.msk [tilespmem:v56+s4+$0x0], $0xffff  }
0x1fa: {  	v59 =	vadd.s32 v10, v35;
	_ =	sdelay $0x1  }
0x1fb: {  	[tilespmem:s28+$0xFD70] =	vst v43  }
0x1fc: {  	v43 =	vld.idx.msk [tilespmem:v49+s4+$0x0], $0xffff;
	[tilespmem:s28+$0xFE60] =	vst v41  }
0x1fd: {  	v52 =	vadd.s32 v16, v38;
	v41 =	vld.idx.msk [tilespmem:v54+s4+$0x0], $0xffff;
	[tilespmem:s28+$0xF880] =	vst v45  }
0x1fe: {  	v57 =	vadd.s32 v17, v36;
	v45 =	vld.idx.msk [tilespmem:v59+s4+$0x0], $0xffff  }
0x1ff: {  	v62 =	vadd.s32 v11, v34;
	_ =	sdelay $0x1  }
0x200: {  	[tilespmem:s28+$0x12470] =	vst v43  }
0x201: {  	v43 =	vld.idx.msk [tilespmem:v52+s4+$0x0], $0xffff;
	[tilespmem:s28+$0x12560] =	vst v41  }
0x202: {  	v55 =	vadd.s32 v16, v39;
	v41 =	vld.idx.msk [tilespmem:v57+s4+$0x0], $0xffff;
	[tilespmem:s28+$0x11F80] =	vst v45  }
0x203: {  	v60 =	vadd.s32 v17, v37;
	v45 =	vld.idx.msk [tilespmem:v62+s4+$0x0], $0xffff  }
0x204: {  	v49 =	vadd.s32 v11, v35;
	_ =	sdelay $0x1  }
0x205: {  	[tilespmem:s28+$0xFE70] =	vst v43  }
0x206: {  	v43 =	vld.idx.msk [tilespmem:v55+s4+$0x0], $0xffff;
	[tilespmem:s28+$0xFF60] =	vst v41  }
0x207: {  	v58 =	vadd.s32 v17, v38;
	v41 =	vld.idx.msk [tilespmem:v60+s4+$0x0], $0xffff;
	[tilespmem:s28+$0xF980] =	vst v45  }
0x208: {  	v63 =	vadd.s32 v18, v36;
	v45 =	vld.idx.msk [tilespmem:v49+s4+$0x0], $0xffff  }
0x209: {  	v52 =	vadd.s32 v12, v34;
	_ =	sdelay $0x1  }
0x20a: {  	[tilespmem:s28+$0x12570] =	vst v43  }
0x20b: {  	v43 =	vld.idx.msk [tilespmem:v58+s4+$0x0], $0xffff;
	[tilespmem:s28+$0x12660] =	vst v41  }
0x20c: {  	v61 =	vadd.s32 v17, v39;
	v41 =	vld.idx.msk [tilespmem:v63+s4+$0x0], $0xffff;
	[tilespmem:s28+$0x12080] =	vst v45  }
0x20d: {  	v50 =	vadd.s32 v18, v37;
	v45 =	vld.idx.msk [tilespmem:v52+s4+$0x0], $0xffff  }
0x20e: {  	v55 =	vadd.s32 v12, v35;
	_ =	sdelay $0x1  }
0x20f: {  	[tilespmem:s28+$0xFF70] =	vst v43  }
0x210: {  	v43 =	vld.idx.msk [tilespmem:v61+s4+$0x0], $0xffff;
	[tilespmem:s28+$0x10060] =	vst v41  }
0x211: {  	v48 =	vadd.s32 v18, v38;
	v41 =	vld.idx.msk [tilespmem:v50+s4+$0x0], $0xffff;
	[tilespmem:s28+$0xFA80] =	vst v45  }
0x212: {  	v53 =	vadd.s32 v19, v36;
	v45 =	vld.idx.msk [tilespmem:v55+s4+$0x0], $0xffff  }
0x213: {  	v58 =	vadd.s32 v13, v34;
	_ =	sdelay $0x1  }
0x214: {  	[tilespmem:s28+$0x12670] =	vst v43  }
0x215: {  	v43 =	vld.idx.msk [tilespmem:v48+s4+$0x0], $0xffff;
	[tilespmem:s28+$0x12760] =	vst v41  }
0x216: {  	v51 =	vadd.s32 v18, v39;
	v41 =	vld.idx.msk [tilespmem:v53+s4+$0x0], $0xffff;
	[tilespmem:s28+$0x12180] =	vst v45  }
0x217: {  	v56 =	vadd.s32 v19, v37;
	v45 =	vld.idx.msk [tilespmem:v58+s4+$0x0], $0xffff  }
0x218: {  	v61 =	vadd.s32 v13, v35;
	_ =	sdelay $0x1  }
0x219: {  	[tilespmem:s28+$0x10070] =	vst v43  }
0x21a: {  	v43 =	vld.idx.msk [tilespmem:v51+s4+$0x0], $0xffff;
	[tilespmem:s28+$0x10160] =	vst v41  }
0x21b: {  	v54 =	vadd.s32 v19, v38;
	v41 =	vld.idx.msk [tilespmem:v56+s4+$0x0], $0xffff;
	[tilespmem:s28+$0xFB80] =	vst v45  }
0x21c: {  	v59 =	vadd.s32 v20, v36;
	v45 =	vld.idx.msk [tilespmem:v61+s4+$0x0], $0xffff  }
0x21d: {  	v48 =	vadd.s32 v14, v34;
	_ =	sdelay $0x1  }
0x21e: {  	[tilespmem:s28+$0x12770] =	vst v43  }
0x21f: {  	v43 =	vld.idx.msk [tilespmem:v54+s4+$0x0], $0xffff;
	[tilespmem:s28+$0x12860] =	vst v41  }
0x220: {  	v57 =	vadd.s32 v19, v39;
	v41 =	vld.idx.msk [tilespmem:v59+s4+$0x0], $0xffff;
	[tilespmem:s28+$0x12280] =	vst v45  }
0x221: {  	v62 =	vadd.s32 v20, v37;
	v45 =	vld.idx.msk [tilespmem:v48+s4+$0x0], $0xffff  }
0x222: {  	v51 =	vadd.s32 v14, v35;
	_ =	sdelay $0x1  }
0x223: {  	[tilespmem:s28+$0x10170] =	vst v43  }
0x224: {  	v43 =	vld.idx.msk [tilespmem:v57+s4+$0x0], $0xffff;
	[tilespmem:s28+$0x10260] =	vst v41  }
0x225: {  	v60 =	vadd.s32 v20, v38;
	v41 =	vld.idx.msk [tilespmem:v62+s4+$0x0], $0xffff;
	[tilespmem:s28+$0xFC80] =	vst v45  }
0x226: {  	v49 =	vadd.s32 v21, v36;
	v45 =	vld.idx.msk [tilespmem:v51+s4+$0x0], $0xffff  }
0x227: {  	v54 =	vadd.s32 v15, v34;
	_ =	sdelay $0x1  }
0x228: {  	[tilespmem:s28+$0x12870] =	vst v43  }
0x229: {  	v43 =	vld.idx.msk [tilespmem:v60+s4+$0x0], $0xffff;
	[tilespmem:s28+$0x12960] =	vst v41  }
0x22a: {  	v63 =	vadd.s32 v20, v39;
	v41 =	vld.idx.msk [tilespmem:v49+s4+$0x0], $0xffff;
	[tilespmem:s28+$0x12380] =	vst v45  }
0x22b: {  	v52 =	vadd.s32 v21, v37;
	v45 =	vld.idx.msk [tilespmem:v54+s4+$0x0], $0xffff  }
0x22c: {  	v57 =	vadd.s32 v15, v35;
	_ =	sdelay $0x1  }
0x22d: {  	[tilespmem:s28+$0x10270] =	vst v43  }
0x22e: {  	v43 =	vld.idx.msk [tilespmem:v63+s4+$0x0], $0xffff;
	[tilespmem:s28+$0x10360] =	vst v41  }
0x22f: {  	v50 =	vadd.s32 v21, v38;
	v41 =	vld.idx.msk [tilespmem:v52+s4+$0x0], $0xffff;
	[tilespmem:s28+$0xFD80] =	vst v45  }
0x230: {  	v55 =	vadd.s32 v22, v36;
	v45 =	vld.idx.msk [tilespmem:v57+s4+$0x0], $0xffff  }
0x231: {  	v60 =	vadd.s32 v16, v34;
	_ =	sdelay $0x1  }
0x232: {  	[tilespmem:s28+$0x12970] =	vst v43  }
0x233: {  	v43 =	vld.idx.msk [tilespmem:v50+s4+$0x0], $0xffff;
	[tilespmem:s28+$0x12A60] =	vst v41  }
0x234: {  	v53 =	vadd.s32 v21, v39;
	v41 =	vld.idx.msk [tilespmem:v55+s4+$0x0], $0xffff;
	[tilespmem:s28+$0x12480] =	vst v45  }
0x235: {  	v58 =	vadd.s32 v22, v37;
	v45 =	vld.idx.msk [tilespmem:v60+s4+$0x0], $0xffff  }
0x236: {  	v63 =	vadd.s32 v16, v35;
	_ =	sdelay $0x1  }
0x237: {  	[tilespmem:s28+$0x10370] =	vst v43  }
0x238: {  	v43 =	vld.idx.msk [tilespmem:v53+s4+$0x0], $0xffff;
	[tilespmem:s28+$0x10460] =	vst v41  }
0x239: {  	v56 =	vadd.s32 v22, v38;
	v41 =	vld.idx.msk [tilespmem:v58+s4+$0x0], $0xffff;
	[tilespmem:s28+$0xFE80] =	vst v45  }
0x23a: {  	v61 =	vadd.s32 v23, v36;
	v45 =	vld.idx.msk [tilespmem:v63+s4+$0x0], $0xffff  }
0x23b: {  	v50 =	vadd.s32 v17, v34;
	_ =	sdelay $0x1  }
0x23c: {  	[tilespmem:s28+$0x12A70] =	vst v43  }
0x23d: {  	v43 =	vld.idx.msk [tilespmem:v56+s4+$0x0], $0xffff;
	[tilespmem:s28+$0x12B60] =	vst v41  }
0x23e: {  	v59 =	vadd.s32 v22, v39;
	v41 =	vld.idx.msk [tilespmem:v61+s4+$0x0], $0xffff;
	[tilespmem:s28+$0x12580] =	vst v45  }
0x23f: {  	v48 =	vadd.s32 v23, v37;
	v45 =	vld.idx.msk [tilespmem:v50+s4+$0x0], $0xffff  }
0x240: {  	v53 =	vadd.s32 v17, v35;
	_ =	sdelay $0x1  }
0x241: {  	[tilespmem:s28+$0x10470] =	vst v43  }
0x242: {  	v43 =	vld.idx.msk [tilespmem:v59+s4+$0x0], $0xffff;
	[tilespmem:s28+$0x10560] =	vst v41  }
0x243: {  	v62 =	vadd.s32 v23, v38;
	v41 =	vld.idx.msk [tilespmem:v48+s4+$0x0], $0xffff;
	[tilespmem:s28+$0xFF80] =	vst v45  }
0x244: {  	v51 =	vadd.s32 v24, v36;
	v45 =	vld.idx.msk [tilespmem:v53+s4+$0x0], $0xffff  }
0x245: {  	v56 =	vadd.s32 v18, v34;
	_ =	sdelay $0x1  }
0x246: {  	[tilespmem:s28+$0x12B70] =	vst v43  }
0x247: {  	v43 =	vld.idx.msk [tilespmem:v62+s4+$0x0], $0xffff;
	[tilespmem:s28+$0x12C60] =	vst v41  }
0x248: {  	v49 =	vadd.s32 v23, v39;
	v41 =	vld.idx.msk [tilespmem:v51+s4+$0x0], $0xffff;
	[tilespmem:s28+$0x12680] =	vst v45  }
0x249: {  	v54 =	vadd.s32 v24, v37;
	v45 =	vld.idx.msk [tilespmem:v56+s4+$0x0], $0xffff  }
0x24a: {  	v59 =	vadd.s32 v18, v35;
	_ =	sdelay $0x1  }
0x24b: {  	[tilespmem:s28+$0x10570] =	vst v43  }
0x24c: {  	v43 =	vld.idx.msk [tilespmem:v49+s4+$0x0], $0xffff;
	[tilespmem:s28+$0x10660] =	vst v41  }
0x24d: {  	v52 =	vadd.s32 v24, v38;
	v41 =	vld.idx.msk [tilespmem:v54+s4+$0x0], $0xffff;
	[tilespmem:s28+$0x10080] =	vst v45  }
0x24e: {  	v57 =	vadd.s32 v25, v36;
	v45 =	vld.idx.msk [tilespmem:v59+s4+$0x0], $0xffff  }
0x24f: {  	v62 =	vadd.s32 v19, v34;
	_ =	sdelay $0x1  }
0x250: {  	[tilespmem:s28+$0x12C70] =	vst v43  }
0x251: {  	v43 =	vld.idx.msk [tilespmem:v52+s4+$0x0], $0xffff;
	[tilespmem:s28+$0x12D60] =	vst v41  }
0x252: {  	v55 =	vadd.s32 v24, v39;
	v41 =	vld.idx.msk [tilespmem:v57+s4+$0x0], $0xffff;
	[tilespmem:s28+$0x12780] =	vst v45  }
0x253: {  	v60 =	vadd.s32 v25, v37;
	v45 =	vld.idx.msk [tilespmem:v62+s4+$0x0], $0xffff  }
0x254: {  	v49 =	vadd.s32 v19, v35;
	_ =	sdelay $0x1  }
0x255: {  	[tilespmem:s28+$0x10670] =	vst v43  }
0x256: {  	v43 =	vld.idx.msk [tilespmem:v55+s4+$0x0], $0xffff;
	[tilespmem:s28+$0x10760] =	vst v41  }
0x257: {  	v58 =	vadd.s32 v25, v38;
	v41 =	vld.idx.msk [tilespmem:v60+s4+$0x0], $0xffff;
	[tilespmem:s28+$0x10180] =	vst v45  }
0x258: {  	v63 =	vadd.s32 v26, v36;
	v46 =	vld.idx.msk [tilespmem:v49+s4+$0x0], $0xffff  }
0x259: {  	v47 =	vadd.s32 v20, v34;
	_ =	sdelay $0x1  }
0x25a: {  	[tilespmem:s28+$0x12D70] =	vst v43  }
0x25b: {  	v43 =	vld.idx.msk [tilespmem:v58+s4+$0x0], $0xffff;
	[tilespmem:s28+$0x12E60] =	vst v41  }
0x25c: {  	v61 =	vadd.s32 v25, v39;
	v42 =	vld.idx.msk [tilespmem:v63+s4+$0x0], $0xffff;
	[tilespmem:s28+$0x12880] =	vst v46  }
0x25d: {  	v51 =	vadd.s32 v26, v37;
	v46 =	vld.idx.msk [tilespmem:v47+s4+$0x0], $0xffff  }
0x25e: {  	v56 =	vadd.s32 v20, v35;
	_ =	sdelay $0x1  }
0x25f: {  	[tilespmem:s28+$0x10770] =	vst v43  }
0x260: {  	v43 =	vld.idx.msk [tilespmem:v61+s4+$0x0], $0xffff;
	[tilespmem:s28+$0x10860] =	vst v42  }
0x261: {  	v48 =	vadd.s32 v26, v38;
	v42 =	vld.idx.msk [tilespmem:v51+s4+$0x0], $0xffff;
	[tilespmem:s28+$0x10280] =	vst v46  }
0x262: {  	v54 =	vadd.s32 v27, v36;
	v46 =	vld.idx.msk [tilespmem:v56+s4+$0x0], $0xffff  }
0x263: {  	v60 =	vadd.s32 v21, v34;
	_ =	sdelay $0x1  }
0x264: {  	[tilespmem:s28+$0x12E70] =	vst v43  }
0x265: {  	v50 =	vadd.s32 v26, v32;
	v44 =	vld.idx.msk [tilespmem:v48+s4+$0x0], $0xffff;
	[tilespmem:s28+$0x12F60] =	vst v42  }
0x266: {  	v52 =	vadd.s32 v26, v39;
	v42 =	vld.idx.msk [tilespmem:v54+s4+$0x0], $0xffff;
	[tilespmem:s28+$0x12980] =	vst v46  }
0x267: {  	v58 =	vadd.s32 v27, v37;
	v46 =	vld.idx.msk [tilespmem:v60+s4+$0x0], $0xffff  }
0x268: {  	v48 =	vadd.s32 v21, v35  }
0x269: {  	[tilespmem:s28+$0x10850] =	vst v40  }
0x26a: {  	v40 =	vld.idx.msk [tilespmem:v50+s4+$0x0], $0xffff;
	[tilespmem:s28+$0x10870] =	vst v44  }
0x26b: {  	v53 =	vadd.s32 v27, v33;
	v44 =	vld.idx.msk [tilespmem:v52+s4+$0x0], $0xffff;
	[tilespmem:s28+$0x10960] =	vst v42  }
0x26c: {  	v55 =	vadd.s32 v27, v38;
	v42 =	vld.idx.msk [tilespmem:v58+s4+$0x0], $0xffff;
	[tilespmem:s28+$0x10380] =	vst v46  }
0x26d: {  	v62 =	vadd.s32 v28, v36;
	v46 =	vld.idx.msk [tilespmem:v48+s4+$0x0], $0xffff  }
0x26e: {  	v52 =	vadd.s32 v22, v34  }
0x26f: {  	[tilespmem:s28+$0x12F50] =	vst v40  }
0x270: {  	v40 =	vld.idx.msk [tilespmem:v53+s4+$0x0], $0xffff;
	[tilespmem:s28+$0x12F70] =	vst v44  }
0x271: {  	v57 =	vadd.s32 v27, v32;
	v44 =	vld.idx.msk [tilespmem:v55+s4+$0x0], $0xffff;
	[tilespmem:s28+$0x13060] =	vst v42  }
0x272: {  	v59 =	vadd.s32 v27, v39;
	v42 =	vld.idx.msk [tilespmem:v62+s4+$0x0], $0xffff;
	[tilespmem:s28+$0x12A80] =	vst v46  }
0x273: {  	v50 =	vadd.s32 v28, v37;
	v46 =	vld.idx.msk [tilespmem:v52+s4+$0x0], $0xffff  }
0x274: {  	v56 =	vadd.s32 v22, v35  }
0x275: {  	[tilespmem:s28+$0x10950] =	vst v40  }
0x276: {  	v40 =	vld.idx.msk [tilespmem:v57+s4+$0x0], $0xffff;
	[tilespmem:s28+$0x10970] =	vst v44  }
0x277: {  	v61 =	vadd.s32 v28, v33;
	v44 =	vld.idx.msk [tilespmem:v59+s4+$0x0], $0xffff;
	[tilespmem:s28+$0x10A60] =	vst v42  }
0x278: {  	v63 =	vadd.s32 v28, v38;
	v42 =	vld.idx.msk [tilespmem:v50+s4+$0x0], $0xffff;
	[tilespmem:s28+$0x10480] =	vst v46  }
0x279: {  	v54 =	vadd.s32 v29, v36;
	v46 =	vld.idx.msk [tilespmem:v56+s4+$0x0], $0xffff  }
0x27a: {  	v60 =	vadd.s32 v23, v34  }
0x27b: {  	[tilespmem:s28+$0x13050] =	vst v40  }
0x27c: {  	v40 =	vld.idx.msk [tilespmem:v61+s4+$0x0], $0xffff;
	[tilespmem:s28+$0x13070] =	vst v44  }
0x27d: {  	v49 =	vadd.s32 v28, v32;
	v44 =	vld.idx.msk [tilespmem:v63+s4+$0x0], $0xffff;
	[tilespmem:s28+$0x13160] =	vst v42  }
0x27e: {  	v51 =	vadd.s32 v28, v39;
	v42 =	vld.idx.msk [tilespmem:v54+s4+$0x0], $0xffff;
	[tilespmem:s28+$0x12B80] =	vst v46  }
0x27f: {  	v58 =	vadd.s32 v29, v37;
	v46 =	vld.idx.msk [tilespmem:v60+s4+$0x0], $0xffff  }
0x280: {  	v48 =	vadd.s32 v23, v35  }
0x281: {  	[tilespmem:s28+$0x10A50] =	vst v40  }
0x282: {  	v40 =	vld.idx.msk [tilespmem:v49+s4+$0x0], $0xffff;
	[tilespmem:s28+$0x10A70] =	vst v44  }
0x283: {  	v53 =	vadd.s32 v29, v33;
	v44 =	vld.idx.msk [tilespmem:v51+s4+$0x0], $0xffff;
	[tilespmem:s28+$0x10B60] =	vst v42  }
0x284: {  	v55 =	vadd.s32 v29, v38;
	v42 =	vld.idx.msk [tilespmem:v58+s4+$0x0], $0xffff;
	[tilespmem:s28+$0x10580] =	vst v46  }
0x285: {  	v62 =	vadd.s32 v30, v36;
	v46 =	vld.idx.msk [tilespmem:v48+s4+$0x0], $0xffff  }
0x286: {  	v52 =	vadd.s32 v24, v34  }
0x287: {  	[tilespmem:s28+$0x13150] =	vst v40  }
0x288: {  	v40 =	vld.idx.msk [tilespmem:v53+s4+$0x0], $0xffff;
	[tilespmem:s28+$0x13170] =	vst v44  }
0x289: {  	v44 =	vld.idx.msk [tilespmem:v55+s4+$0x0], $0xffff;
	[tilespmem:s28+$0x13260] =	vst v42  }
0x28a: {  	v57 =	vadd.s32 v29, v32;
	v42 =	vld.idx.msk [tilespmem:v62+s4+$0x0], $0xffff;
	[tilespmem:s28+$0x12C80] =	vst v46  }
0x28b: {  	v50 =	vadd.s32 v30, v37;
	v55 =	vld.idx.msk [tilespmem:v52+s4+$0x0], $0xffff  }
0x28c: {  	v56 =	vadd.s32 v24, v35;
	_ =	sdelay $0x1  }
0x28d: {  	[tilespmem:s28+$0x10B50] =	vst v40  }
0x28e: {  	v40 =	vld.idx.msk [tilespmem:v57+s4+$0x0], $0xffff;
	[tilespmem:s28+$0x10C60] =	vst v42  }
0x28f: {  	v61 =	vadd.s32 v30, v33;
	v53 =	vld.idx.msk [tilespmem:v50+s4+$0x0], $0xffff;
	[tilespmem:s28+$0x10680] =	vst v55  }
0x290: {  	v36 =	vadd.s32 v31, v36;
	v57 =	vld.idx.msk [tilespmem:v56+s4+$0x0], $0xffff  }
0x291: {  	v58 =	vadd.s32 v25, v34;
	_ =	sdelay $0x1  }
0x292: {  	[tilespmem:s28+$0x13250] =	vst v40  }
0x293: {  	v40 =	vld.idx.msk [tilespmem:v61+s4+$0x0], $0xffff;
	[tilespmem:s28+$0x13360] =	vst v53  }
0x294: {  	v59 =	vadd.s32 v29, v39;
	v36 =	vld.idx.msk [tilespmem:v36+s4+$0x0], $0xffff;
	[tilespmem:s28+$0x12D80] =	vst v57  }
0x295: {  	v37 =	vadd.s32 v31, v37;
	v61 =	vld.idx.msk [tilespmem:v58+s4+$0x0], $0xffff  }
0x296: {  	v62 =	vadd.s32 v25, v35;
	_ =	sdelay $0x1  }
0x297: {  	[tilespmem:s28+$0x10B70] =	vst v44  }
0x298: {  	v44 =	vld.idx.msk [tilespmem:v59+s4+$0x0], $0xffff;
	[tilespmem:s28+$0x10D60] =	vst v36  }
0x299: {  	v59 =	vld.idx.msk [tilespmem:v37+s4+$0x0], $0xffff;
	[tilespmem:s28+$0x10780] =	vst v61  }
0x29a: {  	v37 =	vld.idx.msk [tilespmem:v62+s4+$0x0], $0xffff  }
0x29b: {  	v42 =	vadd.s32 v26, v34  }
0x29c: {  	v49 =	vadd.s32 v30, v32  }
0x29d: {  	v63 =	vadd.s32 v30, v38;
	_ =	sdelay $0x1  }
0x29e: {  	[tilespmem:s28+$0x12E80] =	vst v37  }
0x29f: {  	[tilespmem:s28+$0x10C50] =	vst v40;
	v37 =	vld.idx.msk [tilespmem:v42+s4+$0x0], $0xffff  }
0x2a0: {  	v40 =	vld.idx.msk [tilespmem:v49+s4+$0x0], $0xffff;
	[tilespmem:s28+$0x13270] =	vst v44;
	v46 =	vadd.s32 v26, v35  }
0x2a1: {  	v33 =	vadd.s32 v31, v33;
	v44 =	vld.idx.msk [tilespmem:v63+s4+$0x0], $0xffff  }
0x2a2: {  	v51 =	vadd.s32 v30, v39;
	_ =	sdelay $0x1  }
0x2a3: {  	[tilespmem:s28+$0x10880] =	vst v37  }
0x2a4: {  	[tilespmem:s28+$0x13350] =	vst v40;
	v37 =	vld.idx.msk [tilespmem:v46+s4+$0x0], $0xffff  }
0x2a5: {  	v33 =	vld.idx.msk [tilespmem:v33+s4+$0x0], $0xffff;
	[tilespmem:s28+$0x10C70] =	vst v44;
	v50 =	vadd.s32 v27, v34  }
0x2a6: {  	v32 =	vadd.s32 v31, v32;
	v54 =	vld.idx.msk [tilespmem:v51+s4+$0x0], $0xffff  }
0x2a7: {  	v41 =	vld [tilespmem:s28+$0xCF70]  }
0x2a8: {  	v43 =	vld [tilespmem:s28+$0xD750]  }
0x2a9: {  	v47 =	vld [tilespmem:s28+$0xD050];
	[tilespmem:s28+$0x12F80] =	vst v37  }
0x2aa: {  	[tilespmem:s28+$0x10D50] =	vst v33;
	v37 =	vld.idx.msk [tilespmem:v50+s4+$0x0], $0xffff  }
0x2ab: {  	v32 =	vld.idx.msk [tilespmem:v32+s4+$0x0], $0xffff;
	[tilespmem:s28+$0x13370] =	vst v54;
	v54 =	vadd.s32 v27, v35  }
0x2ac: {  	v63 =	vld [tilespmem:s28+$0xCF50]  }
0x2ad: {  	[tilespmem:s28+$0x13550] =	vst v43;
	v51 =	vld [tilespmem:s28+$0xD850]  }
0x2ae: {  	v38 =	vadd.s32 v31, v38;
	[tilespmem:s28+$0x10F50] =	vst v47;
	v43 =	vld [tilespmem:s28+$0xDA50]  }
0x2af: {  	v47 =	vld [tilespmem:s28+$0xD350];
	[tilespmem:s28+$0x10980] =	vst v37  }
0x2b0: {  	[tilespmem:s28+$0x13450] =	vst v32;
	v37 =	vld.idx.msk [tilespmem:v54+s4+$0x0], $0xffff  }
0x2b1: {  	[tilespmem:s28+$0x10E50] =	vst v63;
	v63 =	vld [tilespmem:s28+$0xD250];
	v58 =	vadd.s32 v28, v34  }
0x2b2: {  	[tilespmem:s28+$0x13650] =	vst v51;
	v51 =	vld [tilespmem:s28+$0xDB50]  }
0x2b3: {  	[tilespmem:s28+$0x13850] =	vst v43;
	v38 =	vld.idx.msk [tilespmem:v38+s4+$0x0], $0xffff  }
0x2b4: {  	[tilespmem:s28+$0x11250] =	vst v47;
	v55 =	vld [tilespmem:s28+$0xD150]  }
0x2b5: {  	v40 =	vld [tilespmem:s28+$0xCF60];
	[tilespmem:s28+$0x13080] =	vst v37  }
0x2b6: {  	v39 =	vadd.s32 v31, v39;
	[tilespmem:s28+$0x11150] =	vst v63;
	v37 =	vld.idx.msk [tilespmem:v58+s4+$0x0], $0xffff  }
0x2b7: {  	v45 =	vld [tilespmem:s28+$0xD770];
	[tilespmem:s28+$0x13950] =	vst v51;
	v62 =	vadd.s32 v28, v35  }
0x2b8: {  	v44 =	vld [tilespmem:s28+$0xD760];
	[tilespmem:s28+$0x10D70] =	vst v38  }
0x2b9: {  	v49 =	vld [tilespmem:s28+$0xD070];
	[tilespmem:s28+$0x11050] =	vst v55  }
0x2ba: {  	v48 =	vld [tilespmem:s28+$0xD060];
	[tilespmem:s28+$0x10E60] =	vst v40  }
0x2bb: {  	v60 =	vld.idx.msk [tilespmem:v39+s4+$0x0], $0xffff;
	[tilespmem:s28+$0x10A80] =	vst v37  }
0x2bc: {  	[tilespmem:s28+$0x10E70] =	vst v41;
	v37 =	vld.idx.msk [tilespmem:v62+s4+$0x0], $0xffff  }
0x2bd: {  	v52 =	vld [tilespmem:s28+$0xD860];
	[tilespmem:s28+$0x13560] =	vst v44;
	v42 =	vadd.s32 v29, v34  }
0x2be: {  	v53 =	vld [tilespmem:s28+$0xD870];
	[tilespmem:s28+$0x13570] =	vst v45  }
0x2bf: {  	v56 =	vld [tilespmem:s28+$0xD160];
	[tilespmem:s28+$0x10F60] =	vst v48  }
0x2c0: {  	v63 =	vld [tilespmem:s28+$0xD570];
	[tilespmem:s28+$0x10F70] =	vst v49  }
0x2c1: {  	v55 =	vld [tilespmem:s28+$0xD450];
	[tilespmem:s28+$0x13180] =	vst v37  }
0x2c2: {  	[tilespmem:s28+$0x13660] =	vst v52;
	v37 =	vld.idx.msk [tilespmem:v42+s4+$0x0], $0xffff  }
0x2c3: {  	[tilespmem:s28+$0x13670] =	vst v53;
	v46 =	vadd.s32 v29, v35  }
0x2c4: {  	[tilespmem:s28+$0x11060] =	vst v56  }
0x2c5: {  	v57 =	vld [tilespmem:s28+$0xD170];
	[tilespmem:s28+$0x11470] =	vst v63  }
0x2c6: {  	v40 =	vld [tilespmem:s28+$0xD260];
	[tilespmem:s28+$0x11350] =	vst v55  }
0x2c7: {  	v41 =	vld [tilespmem:s28+$0xD270];
	[tilespmem:s28+$0x10B80] =	vst v37  }
0x2c8: {  	[tilespmem:s28+$0x13460] =	vst v59;
	v37 =	vld.idx.msk [tilespmem:v46+s4+$0x0], $0xffff  }
0x2c9: {  	v44 =	vld [tilespmem:s28+$0xDA60];
	[tilespmem:s28+$0x13470] =	vst v60;
	v50 =	vadd.s32 v30, v34  }
0x2ca: {  	v45 =	vld [tilespmem:s28+$0xDA70];
	[tilespmem:s28+$0x11070] =	vst v57  }
0x2cb: {  	v48 =	vld [tilespmem:s28+$0xD360];
	[tilespmem:s28+$0x11160] =	vst v40  }
0x2cc: {  	v49 =	vld [tilespmem:s28+$0xD370];
	[tilespmem:s28+$0x11170] =	vst v41  }
0x2cd: {  	v52 =	vld [tilespmem:s28+$0xDB60];
	[tilespmem:s28+$0x13280] =	vst v37  }
0x2ce: {  	[tilespmem:s28+$0x13860] =	vst v44;
	v37 =	vld.idx.msk [tilespmem:v50+s4+$0x0], $0xffff  }
0x2cf: {  	v53 =	vld [tilespmem:s28+$0xDB70];
	[tilespmem:s28+$0x13870] =	vst v45;
	v54 =	vadd.s32 v30, v35  }
0x2d0: {  	v56 =	vld [tilespmem:s28+$0xD460];
	[tilespmem:s28+$0x11260] =	vst v48  }
0x2d1: {  	v59 =	vld [tilespmem:s28+$0xD950];
	[tilespmem:s28+$0x11270] =	vst v49  }
0x2d2: {  	v60 =	vld [tilespmem:s28+$0xD960];
	[tilespmem:s28+$0x13960] =	vst v52  }
0x2d3: {  	v57 =	vld [tilespmem:s28+$0xD470];
	[tilespmem:s28+$0x10C80] =	vst v37  }
0x2d4: {  	[tilespmem:s28+$0x13970] =	vst v53;
	v37 =	vld.idx.msk [tilespmem:v54+s4+$0x0], $0xffff  }
0x2d5: {  	[tilespmem:s28+$0x11360] =	vst v56;
	v40 =	vld [tilespmem:s28+$0xDD50];
	v34 =	vadd.s32 v31, v34  }
0x2d6: {  	v61 =	vld [tilespmem:s28+$0xD970];
	[tilespmem:s28+$0x13750] =	vst v59  }
0x2d7: {  	v41 =	vld [tilespmem:s28+$0xDD60];
	[tilespmem:s28+$0x13760] =	vst v60  }
0x2d8: {  	v59 =	vld [tilespmem:s28+$0xDC60];
	[tilespmem:s28+$0x11370] =	vst v57  }
0x2d9: {  	v60 =	vld [tilespmem:s28+$0xDC70];
	[tilespmem:s28+$0x13380] =	vst v37  }
0x2da: {  	[tilespmem:s28+$0x13B50] =	vst v40;
	v34 =	vld.idx.msk [tilespmem:v34+s4+$0x0], $0xffff  }
0x2db: {  	[tilespmem:s28+$0x13770] =	vst v61;
	v61 =	vld [tilespmem:s28+$0xD550];
	v35 =	vadd.s32 v31, v35  }
0x2dc: {  	[tilespmem:s28+$0x13B60] =	vst v41;
	v58 =	vld [tilespmem:s28+$0xDC50]  }
0x2dd: {  	[tilespmem:s28+$0x13A60] =	vst v59;
	v62 =	vld [tilespmem:s28+$0xD560]  }
0x2de: {  	[tilespmem:s28+$0x13A70] =	vst v60;
	v42 =	vld [tilespmem:s28+$0xDD70]  }
0x2df: {  	v43 =	vld [tilespmem:s28+$0xCF80];
	[tilespmem:s28+$0x10D80] =	vst v34  }
0x2e0: {  	[tilespmem:s28+$0x11450] =	vst v61;
	v34 =	vld.idx.msk [tilespmem:v35+s4+$0x0], $0xffff  }
0x2e1: {  	[tilespmem:s28+$0x13A50] =	vst v58  }
0x2e2: {  	[tilespmem:s28+$0x11460] =	vst v62  }
0x2e3: {  	[tilespmem:s28+$0x13B70] =	vst v42  }
0x2e4: {  	[tilespmem:s28+$0x10E80] =	vst v43  }
0x2e5: {  	[tilespmem:s28+$0x13480] =	vst v34  }
0x2e6: {  	v32 =	vld [tilespmem:s28+$0xD780]  }
0x2e7: {  	v44 =	vld [tilespmem:s28+$0xCE90]  }
0x2e8: {  	v45 =	vld [tilespmem:s28+$0xCEA0]  }
0x2e9: {  	v46 =	vld [tilespmem:s28+$0xCEB0]  }
0x2ea: {  	v47 =	vld [tilespmem:s28+$0xD690]  }
0x2eb: {  	v48 =	vld [tilespmem:s28+$0xD6A0]  }
0x2ec: {  	v33 =	vtrunc.f32 v44  }
0x2ed: {  	v49 =	vld [tilespmem:s28+$0xD6B0];
	v34 =	vtrunc.f32 v45;
	v33 =	vcvt.f32.s32 v33  }
0x2ee: {  	v34 =	vcvt.f32.s32 v34  }
0x2ef: {  	v35 =	vtrunc.f32 v46;
	v36 =	vtrunc.f32 v47;
	vm10 =	vgt.s32 v33, $0x0  }
0x2f0: {  	v37 =	vtrunc.f32 v48;
	vm11 =	vgt.s32 v34, $0x0;
	v33 =	vnsel vm10, $0x0, v33  }
0x2f1: {  	v35 =	vcvt.f32.s32 v35;
	v34 =	vnsel vm11, $0x0, v34;
	v33 =	vmin.u32 v33, $0x18F  }
0x2f2: {  	v38 =	vtrunc.f32 v49;
	v34 =	vmin.u32 v34, $0x18F;
	v33 =	vmul.u32 $0x84, v33  }
0x2f3: {  	v36 =	vcvt.f32.s32 v36;
	vm12 =	vgt.s32 v35, $0x0;
	v34 =	vmul.u32 $0x84, v34  }
0x2f4: {  	v37 =	vcvt.f32.s32 v37;
	v35 =	vnsel vm12, $0x0, v35;
	v50 =	vadd.s32 v0, v33  }
0x2f5: {  	vm13 =	vgt.s32 v36, $0x0;
	v35 =	vmin.u32 v35, $0x18F;
	v51 =	vadd.s32 v0, v34  }
0x2f6: {  	vm14 =	vgt.s32 v37, $0x0;
	v36 =	vnsel vm13, $0x0, v36;
	v35 =	vmul.u32 $0x84, v35  }
0x2f7: {  	v38 =	vcvt.f32.s32 v38;
	v37 =	vnsel vm14, $0x0, v37;
	v36 =	vmin.u32 v36, $0x18F  }
0x2f8: {  	v37 =	vmin.u32 v37, $0x18F;
	v36 =	vmul.u32 $0x84, v36;
	v52 =	vadd.s32 v0, v35  }
0x2f9: {  	vm15 =	vgt.s32 v38, $0x0;
	v37 =	vmul.u32 $0x84, v37;
	v39 =	vld.idx.msk [tilespmem:v50+s4+$0x0], $0xffff  }
0x2fa: {  	v38 =	vnsel vm15, $0x0, v38;
	v53 =	vadd.s32 v0, v36;
	v40 =	vld.idx.msk [tilespmem:v51+s4+$0x0], $0xffff  }
0x2fb: {  	v38 =	vmin.u32 v38, $0x18F;
	v54 =	vadd.s32 v0, v37  }
0x2fc: {  	v38 =	vmul.u32 $0x84, v38  }
0x2fd: {  	v41 =	vld.idx.msk [tilespmem:v52+s4+$0x0], $0xffff  }
0x2fe: {  	v55 =	vadd.s32 v0, v38;
	[tilespmem:s28+$0xEE90] =	vst v39  }
0x2ff: {  	[tilespmem:s28+$0xEEA0] =	vst v40;
	v39 =	vld.idx.msk [tilespmem:v53+s4+$0x0], $0xffff  }
0x300: {  	v56 =	vadd.s32 v1, v33;
	v57 =	vld.idx.msk [tilespmem:v54+s4+$0x0], $0xffff  }
0x301: {  	v58 =	vadd.s32 v1, v34  }
0x302: {  	[tilespmem:s28+$0xEEB0] =	vst v41  }
0x303: {  	v59 =	vld.idx.msk [tilespmem:v55+s4+$0x0], $0xffff  }
0x304: {  	v60 =	vadd.s32 v1, v35;
	[tilespmem:s28+$0x11590] =	vst v39  }
0x305: {  	[tilespmem:s28+$0x115A0] =	vst v57;
	v39 =	vld.idx.msk [tilespmem:v56+s4+$0x0], $0xffff  }
0x306: {  	v61 =	vadd.s32 v1, v36;
	v41 =	vld.idx.msk [tilespmem:v58+s4+$0x0], $0xffff  }
0x307: {  	v62 =	vadd.s32 v1, v37  }
0x308: {  	[tilespmem:s28+$0x115B0] =	vst v59  }
0x309: {  	v43 =	vld.idx.msk [tilespmem:v60+s4+$0x0], $0xffff  }
0x30a: {  	v63 =	vadd.s32 v1, v38;
	[tilespmem:s28+$0xEF90] =	vst v39  }
0x30b: {  	[tilespmem:s28+$0xEFA0] =	vst v41;
	v39 =	vld.idx.msk [tilespmem:v61+s4+$0x0], $0xffff  }
0x30c: {  	v48 =	vadd.s32 v2, v33;
	v41 =	vld.idx.msk [tilespmem:v62+s4+$0x0], $0xffff  }
0x30d: {  	v49 =	vadd.s32 v2, v34  }
0x30e: {  	[tilespmem:s28+$0xEFB0] =	vst v43  }
0x30f: {  	v43 =	vld.idx.msk [tilespmem:v63+s4+$0x0], $0xffff  }
0x310: {  	v50 =	vadd.s32 v2, v35;
	[tilespmem:s28+$0x11690] =	vst v39  }
0x311: {  	[tilespmem:s28+$0x116A0] =	vst v41;
	v39 =	vld.idx.msk [tilespmem:v48+s4+$0x0], $0xffff  }
0x312: {  	v51 =	vadd.s32 v2, v36;
	v41 =	vld.idx.msk [tilespmem:v49+s4+$0x0], $0xffff  }
0x313: {  	v52 =	vadd.s32 v2, v37  }
0x314: {  	[tilespmem:s28+$0x116B0] =	vst v43  }
0x315: {  	v43 =	vld.idx.msk [tilespmem:v50+s4+$0x0], $0xffff  }
0x316: {  	v53 =	vadd.s32 v2, v38;
	[tilespmem:s28+$0xF090] =	vst v39  }
0x317: {  	[tilespmem:s28+$0xF0A0] =	vst v41;
	v39 =	vld.idx.msk [tilespmem:v51+s4+$0x0], $0xffff  }
0x318: {  	v54 =	vadd.s32 v3, v33;
	v41 =	vld.idx.msk [tilespmem:v52+s4+$0x0], $0xffff  }
0x319: {  	v55 =	vadd.s32 v3, v34  }
0x31a: {  	[tilespmem:s28+$0xF0B0] =	vst v43  }
0x31b: {  	v43 =	vld.idx.msk [tilespmem:v53+s4+$0x0], $0xffff  }
0x31c: {  	v56 =	vadd.s32 v3, v35;
	[tilespmem:s28+$0x11790] =	vst v39  }
0x31d: {  	[tilespmem:s28+$0x117A0] =	vst v41;
	v39 =	vld.idx.msk [tilespmem:v54+s4+$0x0], $0xffff  }
0x31e: {  	v57 =	vadd.s32 v3, v36;
	v41 =	vld.idx.msk [tilespmem:v55+s4+$0x0], $0xffff  }
0x31f: {  	v58 =	vadd.s32 v3, v37  }
0x320: {  	[tilespmem:s28+$0x117B0] =	vst v43  }
0x321: {  	v43 =	vld.idx.msk [tilespmem:v56+s4+$0x0], $0xffff  }
0x322: {  	v59 =	vadd.s32 v3, v38;
	[tilespmem:s28+$0xF190] =	vst v39  }
0x323: {  	[tilespmem:s28+$0xF1A0] =	vst v41;
	v39 =	vld.idx.msk [tilespmem:v57+s4+$0x0], $0xffff  }
0x324: {  	v60 =	vadd.s32 v4, v33;
	v41 =	vld.idx.msk [tilespmem:v58+s4+$0x0], $0xffff  }
0x325: {  	v61 =	vadd.s32 v4, v34  }
0x326: {  	[tilespmem:s28+$0xF1B0] =	vst v43  }
0x327: {  	v43 =	vld.idx.msk [tilespmem:v59+s4+$0x0], $0xffff  }
0x328: {  	v62 =	vadd.s32 v4, v35;
	[tilespmem:s28+$0x11890] =	vst v39  }
0x329: {  	[tilespmem:s28+$0x118A0] =	vst v41;
	v39 =	vld.idx.msk [tilespmem:v60+s4+$0x0], $0xffff  }
0x32a: {  	v63 =	vadd.s32 v4, v36;
	v41 =	vld.idx.msk [tilespmem:v61+s4+$0x0], $0xffff  }
0x32b: {  	v48 =	vadd.s32 v4, v37  }
0x32c: {  	[tilespmem:s28+$0x118B0] =	vst v43  }
0x32d: {  	v43 =	vld.idx.msk [tilespmem:v62+s4+$0x0], $0xffff  }
0x32e: {  	v49 =	vadd.s32 v4, v38;
	[tilespmem:s28+$0xF290] =	vst v39  }
0x32f: {  	[tilespmem:s28+$0xF2A0] =	vst v41;
	v39 =	vld.idx.msk [tilespmem:v63+s4+$0x0], $0xffff  }
0x330: {  	v50 =	vadd.s32 v5, v33;
	v41 =	vld.idx.msk [tilespmem:v48+s4+$0x0], $0xffff  }
0x331: {  	v51 =	vadd.s32 v5, v34  }
0x332: {  	[tilespmem:s28+$0xF2B0] =	vst v43  }
0x333: {  	v43 =	vld.idx.msk [tilespmem:v49+s4+$0x0], $0xffff  }
0x334: {  	v52 =	vadd.s32 v5, v35;
	[tilespmem:s28+$0x11990] =	vst v39  }
0x335: {  	[tilespmem:s28+$0x119A0] =	vst v41;
	v39 =	vld.idx.msk [tilespmem:v50+s4+$0x0], $0xffff  }
0x336: {  	v53 =	vadd.s32 v5, v36;
	v41 =	vld.idx.msk [tilespmem:v51+s4+$0x0], $0xffff  }
0x337: {  	v54 =	vadd.s32 v5, v37  }
0x338: {  	[tilespmem:s28+$0x119B0] =	vst v43  }
0x339: {  	v43 =	vld.idx.msk [tilespmem:v52+s4+$0x0], $0xffff  }
0x33a: {  	v55 =	vadd.s32 v5, v38;
	[tilespmem:s28+$0xF390] =	vst v39  }
0x33b: {  	[tilespmem:s28+$0xF3A0] =	vst v41;
	v39 =	vld.idx.msk [tilespmem:v53+s4+$0x0], $0xffff  }
0x33c: {  	v56 =	vadd.s32 v6, v33;
	v41 =	vld.idx.msk [tilespmem:v54+s4+$0x0], $0xffff  }
0x33d: {  	v57 =	vadd.s32 v6, v34  }
0x33e: {  	[tilespmem:s28+$0xF3B0] =	vst v43  }
0x33f: {  	v43 =	vld.idx.msk [tilespmem:v55+s4+$0x0], $0xffff  }
0x340: {  	v58 =	vadd.s32 v6, v35;
	[tilespmem:s28+$0x11A90] =	vst v39  }
0x341: {  	[tilespmem:s28+$0x11AA0] =	vst v41;
	v39 =	vld.idx.msk [tilespmem:v56+s4+$0x0], $0xffff  }
0x342: {  	v59 =	vadd.s32 v6, v36;
	v41 =	vld.idx.msk [tilespmem:v57+s4+$0x0], $0xffff  }
0x343: {  	v60 =	vadd.s32 v6, v37  }
0x344: {  	[tilespmem:s28+$0x11AB0] =	vst v43  }
0x345: {  	v43 =	vld.idx.msk [tilespmem:v58+s4+$0x0], $0xffff  }
0x346: {  	v61 =	vadd.s32 v6, v38;
	[tilespmem:s28+$0xF490] =	vst v39  }
0x347: {  	[tilespmem:s28+$0xF4A0] =	vst v41;
	v39 =	vld.idx.msk [tilespmem:v59+s4+$0x0], $0xffff  }
0x348: {  	v62 =	vadd.s32 v7, v33;
	v41 =	vld.idx.msk [tilespmem:v60+s4+$0x0], $0xffff  }
0x349: {  	v63 =	vadd.s32 v7, v34  }
0x34a: {  	[tilespmem:s28+$0xF4B0] =	vst v43  }
0x34b: {  	v43 =	vld.idx.msk [tilespmem:v61+s4+$0x0], $0xffff  }
0x34c: {  	v48 =	vadd.s32 v7, v35;
	[tilespmem:s28+$0x11B90] =	vst v39  }
0x34d: {  	[tilespmem:s28+$0x11BA0] =	vst v41;
	v39 =	vld.idx.msk [tilespmem:v62+s4+$0x0], $0xffff  }
0x34e: {  	v49 =	vadd.s32 v7, v36;
	v41 =	vld.idx.msk [tilespmem:v63+s4+$0x0], $0xffff  }
0x34f: {  	v50 =	vadd.s32 v7, v37  }
0x350: {  	[tilespmem:s28+$0x11BB0] =	vst v43  }
0x351: {  	v43 =	vld.idx.msk [tilespmem:v48+s4+$0x0], $0xffff  }
0x352: {  	v51 =	vadd.s32 v7, v38;
	[tilespmem:s28+$0xF590] =	vst v39  }
0x353: {  	[tilespmem:s28+$0xF5A0] =	vst v41;
	v39 =	vld.idx.msk [tilespmem:v49+s4+$0x0], $0xffff  }
0x354: {  	v52 =	vadd.s32 v8, v33;
	v41 =	vld.idx.msk [tilespmem:v50+s4+$0x0], $0xffff  }
0x355: {  	v53 =	vadd.s32 v8, v34  }
0x356: {  	[tilespmem:s28+$0xF5B0] =	vst v43  }
0x357: {  	v43 =	vld.idx.msk [tilespmem:v51+s4+$0x0], $0xffff  }
0x358: {  	v54 =	vadd.s32 v8, v35;
	[tilespmem:s28+$0x11C90] =	vst v39  }
0x359: {  	[tilespmem:s28+$0x11CA0] =	vst v41;
	v39 =	vld.idx.msk [tilespmem:v52+s4+$0x0], $0xffff  }
0x35a: {  	v55 =	vadd.s32 v8, v36;
	v41 =	vld.idx.msk [tilespmem:v53+s4+$0x0], $0xffff  }
0x35b: {  	v56 =	vadd.s32 v8, v37  }
0x35c: {  	[tilespmem:s28+$0x11CB0] =	vst v43  }
0x35d: {  	v43 =	vld.idx.msk [tilespmem:v54+s4+$0x0], $0xffff  }
0x35e: {  	v57 =	vadd.s32 v8, v38;
	[tilespmem:s28+$0xF690] =	vst v39  }
0x35f: {  	[tilespmem:s28+$0xF6A0] =	vst v41;
	v39 =	vld.idx.msk [tilespmem:v55+s4+$0x0], $0xffff  }
0x360: {  	v58 =	vadd.s32 v9, v33;
	v41 =	vld.idx.msk [tilespmem:v56+s4+$0x0], $0xffff  }
0x361: {  	v59 =	vadd.s32 v9, v34  }
0x362: {  	[tilespmem:s28+$0xF6B0] =	vst v43  }
0x363: {  	v43 =	vld.idx.msk [tilespmem:v57+s4+$0x0], $0xffff  }
0x364: {  	v60 =	vadd.s32 v9, v35;
	[tilespmem:s28+$0x11D90] =	vst v39  }
0x365: {  	[tilespmem:s28+$0x11DA0] =	vst v41;
	v39 =	vld.idx.msk [tilespmem:v58+s4+$0x0], $0xffff  }
0x366: {  	v61 =	vadd.s32 v9, v36;
	v41 =	vld.idx.msk [tilespmem:v59+s4+$0x0], $0xffff  }
0x367: {  	v62 =	vadd.s32 v9, v37  }
0x368: {  	[tilespmem:s28+$0x11DB0] =	vst v43  }
0x369: {  	v43 =	vld.idx.msk [tilespmem:v60+s4+$0x0], $0xffff  }
0x36a: {  	v63 =	vadd.s32 v9, v38;
	[tilespmem:s28+$0xF790] =	vst v39  }
0x36b: {  	[tilespmem:s28+$0xF7A0] =	vst v41;
	v39 =	vld.idx.msk [tilespmem:v61+s4+$0x0], $0xffff  }
0x36c: {  	v48 =	vadd.s32 v10, v33;
	v41 =	vld.idx.msk [tilespmem:v62+s4+$0x0], $0xffff  }
0x36d: {  	v49 =	vadd.s32 v10, v34  }
0x36e: {  	[tilespmem:s28+$0xF7B0] =	vst v43  }
0x36f: {  	v43 =	vld.idx.msk [tilespmem:v63+s4+$0x0], $0xffff  }
0x370: {  	v50 =	vadd.s32 v10, v35;
	[tilespmem:s28+$0x11E90] =	vst v39  }
0x371: {  	[tilespmem:s28+$0x11EA0] =	vst v41;
	v39 =	vld.idx.msk [tilespmem:v48+s4+$0x0], $0xffff  }
0x372: {  	v51 =	vadd.s32 v10, v36;
	v41 =	vld.idx.msk [tilespmem:v49+s4+$0x0], $0xffff  }
0x373: {  	v52 =	vadd.s32 v10, v37  }
0x374: {  	[tilespmem:s28+$0x11EB0] =	vst v43  }
0x375: {  	v43 =	vld.idx.msk [tilespmem:v50+s4+$0x0], $0xffff  }
0x376: {  	v53 =	vadd.s32 v10, v38;
	[tilespmem:s28+$0xF890] =	vst v39  }
0x377: {  	[tilespmem:s28+$0xF8A0] =	vst v41;
	v39 =	vld.idx.msk [tilespmem:v51+s4+$0x0], $0xffff  }
0x378: {  	v54 =	vadd.s32 v11, v33;
	v41 =	vld.idx.msk [tilespmem:v52+s4+$0x0], $0xffff  }
0x379: {  	v55 =	vadd.s32 v11, v34  }
0x37a: {  	[tilespmem:s28+$0xF8B0] =	vst v43  }
0x37b: {  	v43 =	vld.idx.msk [tilespmem:v53+s4+$0x0], $0xffff  }
0x37c: {  	v56 =	vadd.s32 v11, v35;
	[tilespmem:s28+$0x11F90] =	vst v39  }
0x37d: {  	[tilespmem:s28+$0x11FA0] =	vst v41;
	v39 =	vld.idx.msk [tilespmem:v54+s4+$0x0], $0xffff  }
0x37e: {  	v57 =	vadd.s32 v11, v36;
	v41 =	vld.idx.msk [tilespmem:v55+s4+$0x0], $0xffff  }
0x37f: {  	v58 =	vadd.s32 v11, v37  }
0x380: {  	[tilespmem:s28+$0x11FB0] =	vst v43  }
0x381: {  	v43 =	vld.idx.msk [tilespmem:v56+s4+$0x0], $0xffff  }
0x382: {  	v59 =	vadd.s32 v11, v38;
	[tilespmem:s28+$0xF990] =	vst v39  }
0x383: {  	[tilespmem:s28+$0xF9A0] =	vst v41;
	v39 =	vld.idx.msk [tilespmem:v57+s4+$0x0], $0xffff  }
0x384: {  	v60 =	vadd.s32 v12, v33;
	v41 =	vld.idx.msk [tilespmem:v58+s4+$0x0], $0xffff  }
0x385: {  	v61 =	vadd.s32 v12, v34  }
0x386: {  	[tilespmem:s28+$0xF9B0] =	vst v43  }
0x387: {  	v43 =	vld.idx.msk [tilespmem:v59+s4+$0x0], $0xffff  }
0x388: {  	v62 =	vadd.s32 v12, v35;
	[tilespmem:s28+$0x12090] =	vst v39  }
0x389: {  	[tilespmem:s28+$0x120A0] =	vst v41;
	v39 =	vld.idx.msk [tilespmem:v60+s4+$0x0], $0xffff  }
0x38a: {  	v63 =	vadd.s32 v12, v36;
	v41 =	vld.idx.msk [tilespmem:v61+s4+$0x0], $0xffff  }
0x38b: {  	v48 =	vadd.s32 v12, v37  }
0x38c: {  	[tilespmem:s28+$0x120B0] =	vst v43  }
0x38d: {  	v43 =	vld.idx.msk [tilespmem:v62+s4+$0x0], $0xffff  }
0x38e: {  	v49 =	vadd.s32 v12, v38;
	[tilespmem:s28+$0xFA90] =	vst v39  }
0x38f: {  	[tilespmem:s28+$0xFAA0] =	vst v41;
	v39 =	vld.idx.msk [tilespmem:v63+s4+$0x0], $0xffff  }
0x390: {  	v50 =	vadd.s32 v13, v33;
	v41 =	vld.idx.msk [tilespmem:v48+s4+$0x0], $0xffff  }
0x391: {  	v51 =	vadd.s32 v13, v34  }
0x392: {  	[tilespmem:s28+$0xFAB0] =	vst v43  }
0x393: {  	v43 =	vld.idx.msk [tilespmem:v49+s4+$0x0], $0xffff  }
0x394: {  	v52 =	vadd.s32 v13, v35;
	[tilespmem:s28+$0x12190] =	vst v39  }
0x395: {  	[tilespmem:s28+$0x121A0] =	vst v41;
	v39 =	vld.idx.msk [tilespmem:v50+s4+$0x0], $0xffff  }
0x396: {  	v53 =	vadd.s32 v13, v36;
	v41 =	vld.idx.msk [tilespmem:v51+s4+$0x0], $0xffff  }
0x397: {  	v54 =	vadd.s32 v13, v37  }
0x398: {  	[tilespmem:s28+$0x121B0] =	vst v43  }
0x399: {  	v43 =	vld.idx.msk [tilespmem:v52+s4+$0x0], $0xffff  }
0x39a: {  	v55 =	vadd.s32 v13, v38;
	[tilespmem:s28+$0xFB90] =	vst v39  }
0x39b: {  	[tilespmem:s28+$0xFBA0] =	vst v41;
	v39 =	vld.idx.msk [tilespmem:v53+s4+$0x0], $0xffff  }
0x39c: {  	v56 =	vadd.s32 v14, v33;
	v41 =	vld.idx.msk [tilespmem:v54+s4+$0x0], $0xffff  }
0x39d: {  	v57 =	vadd.s32 v14, v34  }
0x39e: {  	[tilespmem:s28+$0xFBB0] =	vst v43  }
0x39f: {  	v43 =	vld.idx.msk [tilespmem:v55+s4+$0x0], $0xffff  }
0x3a0: {  	v58 =	vadd.s32 v14, v35;
	[tilespmem:s28+$0x12290] =	vst v39  }
0x3a1: {  	[tilespmem:s28+$0x122A0] =	vst v41;
	v39 =	vld.idx.msk [tilespmem:v56+s4+$0x0], $0xffff  }
0x3a2: {  	v59 =	vadd.s32 v14, v36;
	v41 =	vld.idx.msk [tilespmem:v57+s4+$0x0], $0xffff  }
0x3a3: {  	v60 =	vadd.s32 v14, v37  }
0x3a4: {  	[tilespmem:s28+$0x122B0] =	vst v43  }
0x3a5: {  	v43 =	vld.idx.msk [tilespmem:v58+s4+$0x0], $0xffff  }
0x3a6: {  	v61 =	vadd.s32 v14, v38;
	[tilespmem:s28+$0xFC90] =	vst v39  }
0x3a7: {  	[tilespmem:s28+$0xFCA0] =	vst v41;
	v39 =	vld.idx.msk [tilespmem:v59+s4+$0x0], $0xffff  }
0x3a8: {  	v62 =	vadd.s32 v15, v33;
	v41 =	vld.idx.msk [tilespmem:v60+s4+$0x0], $0xffff  }
0x3a9: {  	v63 =	vadd.s32 v15, v34  }
0x3aa: {  	[tilespmem:s28+$0xFCB0] =	vst v43  }
0x3ab: {  	v43 =	vld.idx.msk [tilespmem:v61+s4+$0x0], $0xffff  }
0x3ac: {  	v48 =	vadd.s32 v15, v35;
	[tilespmem:s28+$0x12390] =	vst v39  }
0x3ad: {  	[tilespmem:s28+$0x123A0] =	vst v41;
	v39 =	vld.idx.msk [tilespmem:v62+s4+$0x0], $0xffff  }
0x3ae: {  	v49 =	vadd.s32 v15, v36;
	v41 =	vld.idx.msk [tilespmem:v63+s4+$0x0], $0xffff  }
0x3af: {  	v50 =	vadd.s32 v15, v37  }
0x3b0: {  	[tilespmem:s28+$0x123B0] =	vst v43  }
0x3b1: {  	v43 =	vld.idx.msk [tilespmem:v48+s4+$0x0], $0xffff  }
0x3b2: {  	v51 =	vadd.s32 v15, v38;
	[tilespmem:s28+$0xFD90] =	vst v39  }
0x3b3: {  	[tilespmem:s28+$0xFDA0] =	vst v41;
	v39 =	vld.idx.msk [tilespmem:v49+s4+$0x0], $0xffff  }
0x3b4: {  	v52 =	vadd.s32 v16, v33;
	v41 =	vld.idx.msk [tilespmem:v50+s4+$0x0], $0xffff  }
0x3b5: {  	v53 =	vadd.s32 v16, v34  }
0x3b6: {  	[tilespmem:s28+$0xFDB0] =	vst v43  }
0x3b7: {  	v43 =	vld.idx.msk [tilespmem:v51+s4+$0x0], $0xffff  }
0x3b8: {  	v54 =	vadd.s32 v16, v35;
	[tilespmem:s28+$0x12490] =	vst v39  }
0x3b9: {  	[tilespmem:s28+$0x124A0] =	vst v41;
	v39 =	vld.idx.msk [tilespmem:v52+s4+$0x0], $0xffff  }
0x3ba: {  	v55 =	vadd.s32 v16, v36;
	v41 =	vld.idx.msk [tilespmem:v53+s4+$0x0], $0xffff  }
0x3bb: {  	v56 =	vadd.s32 v16, v37  }
0x3bc: {  	[tilespmem:s28+$0x124B0] =	vst v43  }
0x3bd: {  	v43 =	vld.idx.msk [tilespmem:v54+s4+$0x0], $0xffff  }
0x3be: {  	v57 =	vadd.s32 v16, v38;
	[tilespmem:s28+$0xFE90] =	vst v39  }
0x3bf: {  	[tilespmem:s28+$0xFEA0] =	vst v41;
	v39 =	vld.idx.msk [tilespmem:v55+s4+$0x0], $0xffff  }
0x3c0: {  	v58 =	vadd.s32 v17, v33;
	v41 =	vld.idx.msk [tilespmem:v56+s4+$0x0], $0xffff  }
0x3c1: {  	v59 =	vadd.s32 v17, v34  }
0x3c2: {  	[tilespmem:s28+$0xFEB0] =	vst v43  }
0x3c3: {  	v43 =	vld.idx.msk [tilespmem:v57+s4+$0x0], $0xffff  }
0x3c4: {  	v60 =	vadd.s32 v17, v35;
	[tilespmem:s28+$0x12590] =	vst v39  }
0x3c5: {  	[tilespmem:s28+$0x125A0] =	vst v41;
	v39 =	vld.idx.msk [tilespmem:v58+s4+$0x0], $0xffff  }
0x3c6: {  	v61 =	vadd.s32 v17, v36;
	v41 =	vld.idx.msk [tilespmem:v59+s4+$0x0], $0xffff  }
0x3c7: {  	v62 =	vadd.s32 v17, v37  }
0x3c8: {  	[tilespmem:s28+$0x125B0] =	vst v43  }
0x3c9: {  	v43 =	vld.idx.msk [tilespmem:v60+s4+$0x0], $0xffff  }
0x3ca: {  	v63 =	vadd.s32 v17, v38;
	[tilespmem:s28+$0xFF90] =	vst v39  }
0x3cb: {  	[tilespmem:s28+$0xFFA0] =	vst v41;
	v39 =	vld.idx.msk [tilespmem:v61+s4+$0x0], $0xffff  }
0x3cc: {  	v48 =	vadd.s32 v18, v33;
	v41 =	vld.idx.msk [tilespmem:v62+s4+$0x0], $0xffff  }
0x3cd: {  	v49 =	vadd.s32 v18, v34  }
0x3ce: {  	[tilespmem:s28+$0xFFB0] =	vst v43  }
0x3cf: {  	v43 =	vld.idx.msk [tilespmem:v63+s4+$0x0], $0xffff  }
0x3d0: {  	v50 =	vadd.s32 v18, v35;
	[tilespmem:s28+$0x12690] =	vst v39  }
0x3d1: {  	[tilespmem:s28+$0x126A0] =	vst v41;
	v39 =	vld.idx.msk [tilespmem:v48+s4+$0x0], $0xffff  }
0x3d2: {  	v51 =	vadd.s32 v18, v36;
	v41 =	vld.idx.msk [tilespmem:v49+s4+$0x0], $0xffff  }
0x3d3: {  	v52 =	vadd.s32 v18, v37  }
0x3d4: {  	[tilespmem:s28+$0x126B0] =	vst v43  }
0x3d5: {  	v43 =	vld.idx.msk [tilespmem:v50+s4+$0x0], $0xffff  }
0x3d6: {  	v53 =	vadd.s32 v18, v38;
	[tilespmem:s28+$0x10090] =	vst v39  }
0x3d7: {  	[tilespmem:s28+$0x100A0] =	vst v41;
	v39 =	vld.idx.msk [tilespmem:v51+s4+$0x0], $0xffff  }
0x3d8: {  	v54 =	vadd.s32 v19, v33;
	v41 =	vld.idx.msk [tilespmem:v52+s4+$0x0], $0xffff  }
0x3d9: {  	v55 =	vadd.s32 v19, v34  }
0x3da: {  	[tilespmem:s28+$0x100B0] =	vst v43  }
0x3db: {  	v43 =	vld.idx.msk [tilespmem:v53+s4+$0x0], $0xffff  }
0x3dc: {  	v56 =	vadd.s32 v19, v35;
	[tilespmem:s28+$0x12790] =	vst v39  }
0x3dd: {  	[tilespmem:s28+$0x127A0] =	vst v41;
	v39 =	vld.idx.msk [tilespmem:v54+s4+$0x0], $0xffff  }
0x3de: {  	v57 =	vadd.s32 v19, v36;
	v41 =	vld.idx.msk [tilespmem:v55+s4+$0x0], $0xffff  }
0x3df: {  	v58 =	vadd.s32 v19, v37  }
0x3e0: {  	[tilespmem:s28+$0x127B0] =	vst v43  }
0x3e1: {  	v43 =	vld.idx.msk [tilespmem:v56+s4+$0x0], $0xffff  }
0x3e2: {  	v59 =	vadd.s32 v19, v38;
	[tilespmem:s28+$0x10190] =	vst v39  }
0x3e3: {  	[tilespmem:s28+$0x101A0] =	vst v41;
	v39 =	vld.idx.msk [tilespmem:v57+s4+$0x0], $0xffff  }
0x3e4: {  	v60 =	vadd.s32 v20, v33;
	v41 =	vld.idx.msk [tilespmem:v58+s4+$0x0], $0xffff  }
0x3e5: {  	v61 =	vadd.s32 v20, v34  }
0x3e6: {  	[tilespmem:s28+$0x101B0] =	vst v43  }
0x3e7: {  	v43 =	vld.idx.msk [tilespmem:v59+s4+$0x0], $0xffff  }
0x3e8: {  	v62 =	vadd.s32 v20, v35;
	[tilespmem:s28+$0x12890] =	vst v39  }
0x3e9: {  	[tilespmem:s28+$0x128A0] =	vst v41;
	v39 =	vld.idx.msk [tilespmem:v60+s4+$0x0], $0xffff  }
0x3ea: {  	v63 =	vadd.s32 v20, v36;
	v41 =	vld.idx.msk [tilespmem:v61+s4+$0x0], $0xffff  }
0x3eb: {  	v48 =	vadd.s32 v20, v37  }
0x3ec: {  	[tilespmem:s28+$0x128B0] =	vst v43  }
0x3ed: {  	v43 =	vld.idx.msk [tilespmem:v62+s4+$0x0], $0xffff  }
0x3ee: {  	v49 =	vadd.s32 v20, v38;
	[tilespmem:s28+$0x10290] =	vst v39  }
0x3ef: {  	[tilespmem:s28+$0x102A0] =	vst v41;
	v39 =	vld.idx.msk [tilespmem:v63+s4+$0x0], $0xffff  }
0x3f0: {  	v50 =	vadd.s32 v21, v33;
	v41 =	vld.idx.msk [tilespmem:v48+s4+$0x0], $0xffff  }
0x3f1: {  	v51 =	vadd.s32 v21, v34  }
0x3f2: {  	[tilespmem:s28+$0x102B0] =	vst v43  }
0x3f3: {  	v43 =	vld.idx.msk [tilespmem:v49+s4+$0x0], $0xffff  }
0x3f4: {  	v52 =	vadd.s32 v21, v35;
	[tilespmem:s28+$0x12990] =	vst v39  }
0x3f5: {  	[tilespmem:s28+$0x129A0] =	vst v41;
	v39 =	vld.idx.msk [tilespmem:v50+s4+$0x0], $0xffff  }
0x3f6: {  	v53 =	vadd.s32 v21, v36;
	v41 =	vld.idx.msk [tilespmem:v51+s4+$0x0], $0xffff  }
0x3f7: {  	v54 =	vadd.s32 v21, v37  }
0x3f8: {  	[tilespmem:s28+$0x129B0] =	vst v43  }
0x3f9: {  	v43 =	vld.idx.msk [tilespmem:v52+s4+$0x0], $0xffff  }
0x3fa: {  	v55 =	vadd.s32 v21, v38;
	[tilespmem:s28+$0x10390] =	vst v39  }
0x3fb: {  	[tilespmem:s28+$0x103A0] =	vst v41;
	v39 =	vld.idx.msk [tilespmem:v53+s4+$0x0], $0xffff  }
0x3fc: {  	v56 =	vadd.s32 v22, v33;
	v41 =	vld.idx.msk [tilespmem:v54+s4+$0x0], $0xffff  }
0x3fd: {  	v57 =	vadd.s32 v22, v34  }
0x3fe: {  	[tilespmem:s28+$0x103B0] =	vst v43  }
0x3ff: {  	v43 =	vld.idx.msk [tilespmem:v55+s4+$0x0], $0xffff  }
0x400: {  	v58 =	vadd.s32 v22, v35;
	[tilespmem:s28+$0x12A90] =	vst v39  }
0x401: {  	[tilespmem:s28+$0x12AA0] =	vst v41;
	v39 =	vld.idx.msk [tilespmem:v56+s4+$0x0], $0xffff  }
0x402: {  	v59 =	vadd.s32 v22, v36;
	v41 =	vld.idx.msk [tilespmem:v57+s4+$0x0], $0xffff  }
0x403: {  	v60 =	vadd.s32 v22, v37  }
0x404: {  	[tilespmem:s28+$0x12AB0] =	vst v43  }
0x405: {  	v43 =	vld.idx.msk [tilespmem:v58+s4+$0x0], $0xffff  }
0x406: {  	v61 =	vadd.s32 v22, v38;
	[tilespmem:s28+$0x10490] =	vst v39  }
0x407: {  	[tilespmem:s28+$0x104A0] =	vst v41;
	v39 =	vld.idx.msk [tilespmem:v59+s4+$0x0], $0xffff  }
0x408: {  	v62 =	vadd.s32 v23, v33;
	v41 =	vld.idx.msk [tilespmem:v60+s4+$0x0], $0xffff  }
0x409: {  	v63 =	vadd.s32 v23, v34  }
0x40a: {  	[tilespmem:s28+$0x104B0] =	vst v43  }
0x40b: {  	v43 =	vld.idx.msk [tilespmem:v61+s4+$0x0], $0xffff  }
0x40c: {  	v48 =	vadd.s32 v23, v35;
	[tilespmem:s28+$0x12B90] =	vst v39  }
0x40d: {  	[tilespmem:s28+$0x12BA0] =	vst v41;
	v39 =	vld.idx.msk [tilespmem:v62+s4+$0x0], $0xffff  }
0x40e: {  	v49 =	vadd.s32 v23, v36;
	v41 =	vld.idx.msk [tilespmem:v63+s4+$0x0], $0xffff  }
0x40f: {  	v50 =	vadd.s32 v23, v37  }
0x410: {  	[tilespmem:s28+$0x12BB0] =	vst v43  }
0x411: {  	v43 =	vld.idx.msk [tilespmem:v48+s4+$0x0], $0xffff  }
0x412: {  	v51 =	vadd.s32 v23, v38;
	[tilespmem:s28+$0x10590] =	vst v39  }
0x413: {  	[tilespmem:s28+$0x105A0] =	vst v41;
	v39 =	vld.idx.msk [tilespmem:v49+s4+$0x0], $0xffff  }
0x414: {  	v52 =	vadd.s32 v24, v33;
	v41 =	vld.idx.msk [tilespmem:v50+s4+$0x0], $0xffff  }
0x415: {  	v53 =	vadd.s32 v24, v34  }
0x416: {  	[tilespmem:s28+$0x105B0] =	vst v43  }
0x417: {  	v43 =	vld.idx.msk [tilespmem:v51+s4+$0x0], $0xffff  }
0x418: {  	v54 =	vadd.s32 v24, v35;
	[tilespmem:s28+$0x12C90] =	vst v39  }
0x419: {  	[tilespmem:s28+$0x12CA0] =	vst v41;
	v39 =	vld.idx.msk [tilespmem:v52+s4+$0x0], $0xffff  }
0x41a: {  	v55 =	vadd.s32 v24, v36;
	v41 =	vld.idx.msk [tilespmem:v53+s4+$0x0], $0xffff  }
0x41b: {  	v56 =	vadd.s32 v24, v37  }
0x41c: {  	[tilespmem:s28+$0x12CB0] =	vst v43  }
0x41d: {  	v43 =	vld.idx.msk [tilespmem:v54+s4+$0x0], $0xffff  }
0x41e: {  	v57 =	vadd.s32 v24, v38;
	[tilespmem:s28+$0x10690] =	vst v39  }
0x41f: {  	[tilespmem:s28+$0x106A0] =	vst v41;
	v39 =	vld.idx.msk [tilespmem:v55+s4+$0x0], $0xffff  }
0x420: {  	v58 =	vadd.s32 v25, v33;
	v41 =	vld.idx.msk [tilespmem:v56+s4+$0x0], $0xffff  }
0x421: {  	v59 =	vadd.s32 v25, v34  }
0x422: {  	[tilespmem:s28+$0x106B0] =	vst v43  }
0x423: {  	v43 =	vld.idx.msk [tilespmem:v57+s4+$0x0], $0xffff  }
0x424: {  	v60 =	vadd.s32 v25, v35;
	[tilespmem:s28+$0x12D90] =	vst v39  }
0x425: {  	[tilespmem:s28+$0x12DA0] =	vst v41;
	v39 =	vld.idx.msk [tilespmem:v58+s4+$0x0], $0xffff  }
0x426: {  	v61 =	vadd.s32 v25, v36;
	v41 =	vld.idx.msk [tilespmem:v59+s4+$0x0], $0xffff  }
0x427: {  	v62 =	vadd.s32 v25, v37  }
0x428: {  	[tilespmem:s28+$0x12DB0] =	vst v43  }
0x429: {  	v43 =	vld.idx.msk [tilespmem:v60+s4+$0x0], $0xffff  }
0x42a: {  	v63 =	vadd.s32 v25, v38;
	[tilespmem:s28+$0x10790] =	vst v39  }
0x42b: {  	[tilespmem:s28+$0x107A0] =	vst v41;
	v39 =	vld.idx.msk [tilespmem:v61+s4+$0x0], $0xffff  }
0x42c: {  	v48 =	vadd.s32 v26, v33;
	v41 =	vld.idx.msk [tilespmem:v62+s4+$0x0], $0xffff  }
0x42d: {  	v49 =	vadd.s32 v26, v34  }
0x42e: {  	[tilespmem:s28+$0x107B0] =	vst v43  }
0x42f: {  	v43 =	vld.idx.msk [tilespmem:v63+s4+$0x0], $0xffff  }
0x430: {  	v50 =	vadd.s32 v26, v35;
	[tilespmem:s28+$0x12E90] =	vst v39  }
0x431: {  	[tilespmem:s28+$0x12EA0] =	vst v41;
	v39 =	vld.idx.msk [tilespmem:v48+s4+$0x0], $0xffff  }
0x432: {  	v51 =	vadd.s32 v26, v36;
	v41 =	vld.idx.msk [tilespmem:v49+s4+$0x0], $0xffff  }
0x433: {  	v52 =	vadd.s32 v26, v37  }
0x434: {  	[tilespmem:s28+$0x12EB0] =	vst v43  }
0x435: {  	v43 =	vld.idx.msk [tilespmem:v50+s4+$0x0], $0xffff  }
0x436: {  	v53 =	vadd.s32 v26, v38;
	[tilespmem:s28+$0x10890] =	vst v39  }
0x437: {  	[tilespmem:s28+$0x108A0] =	vst v41;
	v39 =	vld.idx.msk [tilespmem:v51+s4+$0x0], $0xffff  }
0x438: {  	v54 =	vadd.s32 v27, v33;
	v41 =	vld.idx.msk [tilespmem:v52+s4+$0x0], $0xffff  }
0x439: {  	v55 =	vadd.s32 v27, v34  }
0x43a: {  	[tilespmem:s28+$0x108B0] =	vst v43  }
0x43b: {  	v43 =	vld.idx.msk [tilespmem:v53+s4+$0x0], $0xffff  }
0x43c: {  	v56 =	vadd.s32 v27, v35;
	[tilespmem:s28+$0x12F90] =	vst v39  }
0x43d: {  	[tilespmem:s28+$0x12FA0] =	vst v41;
	v39 =	vld.idx.msk [tilespmem:v54+s4+$0x0], $0xffff  }
0x43e: {  	v57 =	vadd.s32 v27, v36;
	v41 =	vld.idx.msk [tilespmem:v55+s4+$0x0], $0xffff  }
0x43f: {  	v58 =	vadd.s32 v27, v37  }
0x440: {  	[tilespmem:s28+$0x12FB0] =	vst v43  }
0x441: {  	v43 =	vld.idx.msk [tilespmem:v56+s4+$0x0], $0xffff  }
0x442: {  	v59 =	vadd.s32 v27, v38;
	[tilespmem:s28+$0x10990] =	vst v39  }
0x443: {  	[tilespmem:s28+$0x109A0] =	vst v41;
	v39 =	vld.idx.msk [tilespmem:v57+s4+$0x0], $0xffff  }
0x444: {  	v60 =	vadd.s32 v28, v33;
	v41 =	vld.idx.msk [tilespmem:v58+s4+$0x0], $0xffff  }
0x445: {  	v61 =	vadd.s32 v28, v34  }
0x446: {  	[tilespmem:s28+$0x109B0] =	vst v43  }
0x447: {  	v43 =	vld.idx.msk [tilespmem:v59+s4+$0x0], $0xffff  }
0x448: {  	v62 =	vadd.s32 v28, v35;
	[tilespmem:s28+$0x13090] =	vst v39  }
0x449: {  	[tilespmem:s28+$0x130A0] =	vst v41;
	v39 =	vld.idx.msk [tilespmem:v60+s4+$0x0], $0xffff  }
0x44a: {  	v63 =	vadd.s32 v28, v36;
	v41 =	vld.idx.msk [tilespmem:v61+s4+$0x0], $0xffff  }
0x44b: {  	v48 =	vadd.s32 v28, v37  }
0x44c: {  	[tilespmem:s28+$0x130B0] =	vst v43  }
0x44d: {  	v43 =	vld.idx.msk [tilespmem:v62+s4+$0x0], $0xffff  }
0x44e: {  	v49 =	vadd.s32 v28, v38;
	[tilespmem:s28+$0x10A90] =	vst v39  }
0x44f: {  	[tilespmem:s28+$0x10AA0] =	vst v41;
	v39 =	vld.idx.msk [tilespmem:v63+s4+$0x0], $0xffff  }
0x450: {  	v50 =	vadd.s32 v29, v33;
	v41 =	vld.idx.msk [tilespmem:v48+s4+$0x0], $0xffff  }
0x451: {  	v51 =	vadd.s32 v29, v34  }
0x452: {  	[tilespmem:s28+$0x10AB0] =	vst v43  }
0x453: {  	v43 =	vld.idx.msk [tilespmem:v49+s4+$0x0], $0xffff  }
0x454: {  	v44 =	vld [tilespmem:s28+$0xD080];
	v52 =	vadd.s32 v29, v35;
	[tilespmem:s28+$0x13190] =	vst v39  }
0x455: {  	[tilespmem:s28+$0x131A0] =	vst v41;
	v39 =	vld.idx.msk [tilespmem:v50+s4+$0x0], $0xffff  }
0x456: {  	v53 =	vadd.s32 v29, v36;
	v41 =	vld.idx.msk [tilespmem:v51+s4+$0x0], $0xffff  }
0x457: {  	v54 =	vadd.s32 v29, v37  }
0x458: {  	[tilespmem:s28+$0x131B0] =	vst v43  }
0x459: {  	[tilespmem:s28+$0x10F80] =	vst v44;
	v43 =	vld.idx.msk [tilespmem:v52+s4+$0x0], $0xffff  }
0x45a: {  	v44 =	vld [tilespmem:s28+$0xDB80];
	v55 =	vadd.s32 v29, v38;
	[tilespmem:s28+$0x10B90] =	vst v39  }
0x45b: {  	[tilespmem:s28+$0x10BA0] =	vst v41;
	v39 =	vld.idx.msk [tilespmem:v53+s4+$0x0], $0xffff  }
0x45c: {  	v56 =	vadd.s32 v30, v33;
	v41 =	vld.idx.msk [tilespmem:v54+s4+$0x0], $0xffff  }
0x45d: {  	v40 =	vld [tilespmem:s28+$0xCFB0];
	v57 =	vadd.s32 v30, v34  }
0x45e: {  	v48 =	vld [tilespmem:s28+$0xD880];
	[tilespmem:s28+$0x10BB0] =	vst v43  }
0x45f: {  	v43 =	vld.idx.msk [tilespmem:v55+s4+$0x0], $0xffff  }
0x460: {  	v42 =	vld [tilespmem:s28+$0xD7A0];
	v58 =	vadd.s32 v30, v35;
	[tilespmem:s28+$0x13290] =	vst v39  }
0x461: {  	[tilespmem:s28+$0x132A0] =	vst v41;
	v39 =	vld.idx.msk [tilespmem:v56+s4+$0x0], $0xffff  }
0x462: {  	v59 =	vadd.s32 v30, v36;
	v41 =	vld.idx.msk [tilespmem:v57+s4+$0x0], $0xffff  }
0x463: {  	v60 =	vadd.s32 v30, v37;
	[tilespmem:s28+$0x13680] =	vst v48;
	v48 =	vld [tilespmem:s28+$0xD480]  }
0x464: {  	v52 =	vld [tilespmem:s28+$0xD180];
	[tilespmem:s28+$0x132B0] =	vst v43  }
0x465: {  	[tilespmem:s28+$0x13580] =	vst v32;
	v43 =	vld.idx.msk [tilespmem:v58+s4+$0x0], $0xffff  }
0x466: {  	v61 =	vadd.s32 v30, v38;
	v56 =	vld [tilespmem:s28+$0xD980];
	[tilespmem:s28+$0x10C90] =	vst v39  }
0x467: {  	[tilespmem:s28+$0x10CA0] =	vst v41;
	v39 =	vld.idx.msk [tilespmem:v59+s4+$0x0], $0xffff  }
0x468: {  	[tilespmem:s28+$0x13980] =	vst v44;
	v62 =	vld.idx.msk [tilespmem:v60+s4+$0x0], $0xffff  }
0x469: {  	[tilespmem:s28+$0x11380] =	vst v48;
	v60 =	vld [tilespmem:s28+$0xD280]  }
0x46a: {  	v45 =	vld [tilespmem:s28+$0xD090];
	v33 =	vadd.s32 v31, v33;
	[tilespmem:s28+$0x10CB0] =	vst v43  }
0x46b: {  	v34 =	vadd.s32 v31, v34;
	[tilespmem:s28+$0x11080] =	vst v52;
	v63 =	vld.idx.msk [tilespmem:v61+s4+$0x0], $0xffff  }
0x46c: {  	v35 =	vadd.s32 v31, v35;
	v52 =	vld [tilespmem:s28+$0xDC80];
	[tilespmem:s28+$0x13780] =	vst v56  }
0x46d: {  	v56 =	vld [tilespmem:s28+$0xD580];
	[tilespmem:s28+$0x13390] =	vst v39  }
0x46e: {  	[tilespmem:s28+$0x11180] =	vst v60;
	v60 =	vld [tilespmem:s28+$0xDD80]  }
0x46f: {  	[tilespmem:s28+$0x133A0] =	vst v62;
	v33 =	vld.idx.msk [tilespmem:v33+s4+$0x0], $0xffff  }
0x470: {  	[tilespmem:s28+$0x133B0] =	vst v63;
	v34 =	vld.idx.msk [tilespmem:v34+s4+$0x0], $0xffff  }
0x471: {  	[tilespmem:s28+$0x13A80] =	vst v52;
	v35 =	vld.idx.msk [tilespmem:v35+s4+$0x0], $0xffff  }
0x472: {  	v37 =	vadd.s32 v31, v37;
	[tilespmem:s28+$0x11480] =	vst v56;
	v39 =	vld [tilespmem:s28+$0xCFA0]  }
0x473: {  	v46 =	vld [tilespmem:s28+$0xD0A0];
	v38 =	vadd.s32 v31, v38;
	[tilespmem:s28+$0x13B80] =	vst v60  }
0x474: {  	v36 =	vadd.s32 v31, v36;
	v41 =	vld [tilespmem:s28+$0xD790];
	[tilespmem:s28+$0x10D90] =	vst v33  }
0x475: {  	v47 =	vld [tilespmem:s28+$0xD0B0];
	[tilespmem:s28+$0x10DA0] =	vst v34  }
0x476: {  	v43 =	vld [tilespmem:s28+$0xD7B0];
	[tilespmem:s28+$0x10DB0] =	vst v35  }
0x477: {  	v34 =	vld.idx.msk [tilespmem:v37+s4+$0x0], $0xffff;
	[tilespmem:s28+$0x10EA0] =	vst v39  }
0x478: {  	v35 =	vld.idx.msk [tilespmem:v38+s4+$0x0], $0xffff;
	[tilespmem:s28+$0x10EB0] =	vst v40  }
0x479: {  	v33 =	vld.idx.msk [tilespmem:v36+s4+$0x0], $0xffff;
	[tilespmem:s28+$0x13590] =	vst v41  }
0x47a: {  	v49 =	vld [tilespmem:s28+$0xD890];
	[tilespmem:s28+$0x135A0] =	vst v42  }
0x47b: {  	v50 =	vld [tilespmem:s28+$0xD8A0];
	[tilespmem:s28+$0x135B0] =	vst v43  }
0x47c: {  	v51 =	vld [tilespmem:s28+$0xD8B0];
	[tilespmem:s28+$0x10F90] =	vst v45  }
0x47d: {  	v53 =	vld [tilespmem:s28+$0xD190];
	[tilespmem:s28+$0x10FA0] =	vst v46  }
0x47e: {  	v54 =	vld [tilespmem:s28+$0xD1A0];
	[tilespmem:s28+$0x10FB0] =	vst v47  }
0x47f: {  	v55 =	vld [tilespmem:s28+$0xD1B0];
	[tilespmem:s28+$0x13690] =	vst v49  }
0x480: {  	v57 =	vld [tilespmem:s28+$0xD990];
	[tilespmem:s28+$0x136A0] =	vst v50  }
0x481: {  	v58 =	vld [tilespmem:s28+$0xD9A0];
	[tilespmem:s28+$0x136B0] =	vst v51  }
0x482: {  	v59 =	vld [tilespmem:s28+$0xD9B0];
	[tilespmem:s28+$0x11090] =	vst v53  }
0x483: {  	v61 =	vld [tilespmem:s28+$0xD290];
	[tilespmem:s28+$0x110A0] =	vst v54  }
0x484: {  	v62 =	vld [tilespmem:s28+$0xD2A0];
	[tilespmem:s28+$0x110B0] =	vst v55  }
0x485: {  	v63 =	vld [tilespmem:s28+$0xD2B0];
	[tilespmem:s28+$0x13790] =	vst v57  }
0x486: {  	[tilespmem:s28+$0x137A0] =	vst v58  }
0x487: {  	[tilespmem:s28+$0x137B0] =	vst v59  }
0x488: {  	[tilespmem:s28+$0x11190] =	vst v61  }
0x489: {  	v38 =	vld [tilespmem:s28+$0xCF90];
	[tilespmem:s28+$0x111A0] =	vst v62  }
0x48a: {  	v36 =	vld [tilespmem:s28+$0xDA80];
	[tilespmem:s28+$0x111B0] =	vst v63  }
0x48b: {  	v37 =	vld [tilespmem:s28+$0xDA90];
	[tilespmem:s28+$0x13490] =	vst v33  }
0x48c: {  	v39 =	vld [tilespmem:s28+$0xDAB0];
	[tilespmem:s28+$0x134A0] =	vst v34  }
0x48d: {  	v40 =	vld [tilespmem:s28+$0xD380];
	[tilespmem:s28+$0x134B0] =	vst v35  }
0x48e: {  	v41 =	vld [tilespmem:s28+$0xD390];
	[tilespmem:s28+$0x10E90] =	vst v38  }
0x48f: {  	v42 =	vld [tilespmem:s28+$0xD3A0];
	[tilespmem:s28+$0x13880] =	vst v36  }
0x490: {  	v43 =	vld [tilespmem:s28+$0xD3B0];
	[tilespmem:s28+$0x13890] =	vst v37  }
0x491: {  	v45 =	vld [tilespmem:s28+$0xDB90];
	[tilespmem:s28+$0x138B0] =	vst v39  }
0x492: {  	v46 =	vld [tilespmem:s28+$0xDBA0];
	[tilespmem:s28+$0x11280] =	vst v40  }
0x493: {  	v47 =	vld [tilespmem:s28+$0xDBB0];
	[tilespmem:s28+$0x11290] =	vst v41  }
0x494: {  	v49 =	vld [tilespmem:s28+$0xD490];
	[tilespmem:s28+$0x112A0] =	vst v42  }
0x495: {  	v50 =	vld [tilespmem:s28+$0xD4A0];
	[tilespmem:s28+$0x112B0] =	vst v43  }
0x496: {  	v51 =	vld [tilespmem:s28+$0xD4B0];
	[tilespmem:s28+$0x13990] =	vst v45  }
0x497: {  	v53 =	vld [tilespmem:s28+$0xDC90];
	[tilespmem:s28+$0x139A0] =	vst v46  }
0x498: {  	v54 =	vld [tilespmem:s28+$0xDCA0];
	[tilespmem:s28+$0x139B0] =	vst v47  }
0x499: {  	v55 =	vld [tilespmem:s28+$0xDCB0];
	[tilespmem:s28+$0x11390] =	vst v49  }
0x49a: {  	v57 =	vld [tilespmem:s28+$0xD590];
	[tilespmem:s28+$0x113A0] =	vst v50  }
0x49b: {  	v58 =	vld [tilespmem:s28+$0xD5A0];
	[tilespmem:s28+$0x113B0] =	vst v51  }
0x49c: {  	v59 =	vld [tilespmem:s28+$0xD5B0];
	[tilespmem:s28+$0x13A90] =	vst v53  }
0x49d: {  	v61 =	vld [tilespmem:s28+$0xDD90];
	[tilespmem:s28+$0x13AA0] =	vst v54  }
0x49e: {  	v62 =	vld [tilespmem:s28+$0xDDA0];
	[tilespmem:s28+$0x13AB0] =	vst v55  }
0x49f: {  	v63 =	vld [tilespmem:s28+$0xDDB0];
	[tilespmem:s28+$0x11490] =	vst v57  }
0x4a0: {  	p2 =	por p1, p1;
	v38 =	vld [tilespmem:s28+$0xDAA0];
	[tilespmem:s28+$0x114A0] =	vst v58  }
.Ltmp2:
0x4a1: {  	[tilespmem:s28+$0x114B0] =	vst v59;
	(pc) =	sbr.rel @p2 .LBB2_3-.Ltmp2, $4  }
0x4a2: {  	[tilespmem:s28+$0x13B90] =	vst v61  }
0x4a3: {  	[tilespmem:s28+$0x13BA0] =	vst v62  }
0x4a4: {  	[tilespmem:s28+$0x13BB0] =	vst v63  }
0x4a5: {  	p1 =	por $0x0, $0x0;
	[tilespmem:s28+$0x138A0] =	vst v38;
	s28 =	simm.s32 $0x80  }
0x4a6: {  	p1 =	sne.s32 s26, $0xC7  }
.Ltmp3:
0x4a7: {  	s28 =	sshll.u32 s26, $0xE;
	(pc) =	sbr.rel @p1 .LBB2_6-.Ltmp3, $4  }
0x4a8: {  	s29 =	sor.u32 s5, s28  }
0x4a9: {  	s29 =	sshrl.u32 s29, $0x3  }
0x4aa: {  	s29 =	sadd.s32 s6, s29  }
0x4ab: {  	[hbm4b:s29+s14] =	stream.strided.scatter [tilespmem:s20], [sflag:$0x3], $0x4E00, s19, s14, $0x38;
	[tilespmem:$0x18A40] =	vst v63  }
.Ltmp4:
0x4ac: {  	(pc) =	sbr.rel .LBB2_7-.Ltmp4, $4  }
0x4ad: {  	_ = 	snop  }
0x4ae: {  	_ =	swait.ge [sflag:s21], $0x1000  }
0x4af: {  	[sflag:s21] =	ssyncset.done $0x0  }
0x4b0: {  	[sflag:s21] =	ssyncadd.s32 $0xFFFFF000  }
.LBB2_6:
0x4b1: {  	s29 =	sshll.u32 s26, $0x12  }
0x4b2: {  	s29 =	sadd.s32 s9, s29  }
0x4b3: {  	s29 =	sshrl.u32 s29, $0x3  }
.Ltmp5:
0x4b4: {  	s29 =	sadd.s32 s1, s29;
	(pc) =	sbr.rel @p0 .LBB2_8-.Ltmp5, $4  }
0x4b5: {  	[tilespmem:s16], [sflag:$0x1] =	stream.strided.gather [hbm4b:s29+s14], $0x1000, s15, s14, $0x38;
	[tilespmem:$0x18A40] =	vst v63  }
0x4b6: {  	_ =	swait.ge [sflag:s21], $0x1000  }
0x4b7: {  	[sflag:s21] =	ssyncset.done $0x0  }
0x4b8: {  	[sflag:s21] =	ssyncadd.s32 $0xFFFFF000  }
.LBB2_7:
0x4b9: {  	_ =	swait.ge [sflag:s22], $0x4E00  }
0x4ba: {  	[sflag:s22] =	ssyncset.done $0x0  }
0x4bb: {  	[sflag:s22] =	ssyncadd.s32 $0xFFFFB200  }
.LBB2_8:
0x4bc: {  	s29 =	simm.s32 $0x0;
	p0 =	por $0x1, $0x1  }
.LBB2_9:
0x4bd: {  	v32 =	vld [tilespmem:s29+$0xDE40];
	_ =	sdelay $0x4  }
0x4be: {  	v32 =	vtrunc.f32 v32  }
0x4bf: {  	v33 =	vld [tilespmem:s29+$0xE640];
	v32 =	vcvt.f32.s32 v32;
	_ =	sdelay $0x1  }
0x4c0: {  	vm0 =	vgt.s32 v32, $0x0  }
0x4c1: {  	v32 =	vnsel vm0, $0x0, v32  }
0x4c2: {  	v32 =	vmin.u32 v32, $0x18F  }
0x4c3: {  	v33 =	vtrunc.f32 v33;
	v34 =	vmul.u32 $0x84, v32  }
0x4c4: {  	v47 =	vcvt.f32.s32 v33  }
0x4c5: {  	v48 =	vadd.s32 v0, v34  }
0x4c6: {  	vm13 =	vgt.s32 v47, $0x0  }
0x4c7: {  	v32 =	vnsel vm13, $0x0, v47  }
0x4c8: {  	v32 =	vmin.u32 v32, $0x18F  }
0x4c9: {  	v35 =	vmul.u32 $0x84, v32  }
0x4ca: {  	v49 =	vld.idx.msk [tilespmem:v48+s4+$0x0], $0xffff  }
0x4cb: {  	v50 =	vadd.s32 v0, v35;
	_ =	sdelay $0x3  }
0x4cc: {  	[tilespmem:s29+$0x13C40] =	vst v49  }
0x4cd: {  	v32 =	vld.idx.msk [tilespmem:v50+s4+$0x0], $0xffff  }
0x4ce: {  	v51 =	vadd.s32 v1, v34;
	_ =	sdelay $0x3  }
0x4cf: {  	[tilespmem:s29+$0x16340] =	vst v32  }
0x4d0: {  	v32 =	vld.idx.msk [tilespmem:v51+s4+$0x0], $0xffff  }
0x4d1: {  	v52 =	vadd.s32 v1, v35;
	_ =	sdelay $0x3  }
0x4d2: {  	[tilespmem:s29+$0x13D40] =	vst v32  }
0x4d3: {  	v32 =	vld.idx.msk [tilespmem:v52+s4+$0x0], $0xffff  }
0x4d4: {  	v53 =	vadd.s32 v2, v34;
	_ =	sdelay $0x3  }
0x4d5: {  	[tilespmem:s29+$0x16440] =	vst v32  }
0x4d6: {  	v32 =	vld.idx.msk [tilespmem:v53+s4+$0x0], $0xffff  }
0x4d7: {  	v54 =	vadd.s32 v2, v35;
	_ =	sdelay $0x3  }
0x4d8: {  	[tilespmem:s29+$0x13E40] =	vst v32  }
0x4d9: {  	v32 =	vld.idx.msk [tilespmem:v54+s4+$0x0], $0xffff  }
0x4da: {  	v55 =	vadd.s32 v3, v34;
	_ =	sdelay $0x3  }
0x4db: {  	[tilespmem:s29+$0x16540] =	vst v32  }
0x4dc: {  	v32 =	vld.idx.msk [tilespmem:v55+s4+$0x0], $0xffff  }
0x4dd: {  	v56 =	vadd.s32 v3, v35;
	_ =	sdelay $0x3  }
0x4de: {  	[tilespmem:s29+$0x13F40] =	vst v32  }
0x4df: {  	v32 =	vld.idx.msk [tilespmem:v56+s4+$0x0], $0xffff  }
0x4e0: {  	v57 =	vadd.s32 v4, v34;
	_ =	sdelay $0x3  }
0x4e1: {  	[tilespmem:s29+$0x16640] =	vst v32  }
0x4e2: {  	v32 =	vld.idx.msk [tilespmem:v57+s4+$0x0], $0xffff  }
0x4e3: {  	v58 =	vadd.s32 v4, v35;
	_ =	sdelay $0x3  }
0x4e4: {  	[tilespmem:s29+$0x14040] =	vst v32  }
0x4e5: {  	v32 =	vld.idx.msk [tilespmem:v58+s4+$0x0], $0xffff  }
0x4e6: {  	v59 =	vadd.s32 v5, v34;
	_ =	sdelay $0x3  }
0x4e7: {  	[tilespmem:s29+$0x16740] =	vst v32  }
0x4e8: {  	v32 =	vld.idx.msk [tilespmem:v59+s4+$0x0], $0xffff  }
0x4e9: {  	v60 =	vadd.s32 v5, v35;
	_ =	sdelay $0x3  }
0x4ea: {  	[tilespmem:s29+$0x14140] =	vst v32  }
0x4eb: {  	v32 =	vld.idx.msk [tilespmem:v60+s4+$0x0], $0xffff  }
0x4ec: {  	v61 =	vadd.s32 v6, v34;
	_ =	sdelay $0x3  }
0x4ed: {  	[tilespmem:s29+$0x16840] =	vst v32  }
0x4ee: {  	v32 =	vld.idx.msk [tilespmem:v61+s4+$0x0], $0xffff  }
0x4ef: {  	v62 =	vadd.s32 v6, v35;
	_ =	sdelay $0x3  }
0x4f0: {  	[tilespmem:s29+$0x14240] =	vst v32  }
0x4f1: {  	v32 =	vld.idx.msk [tilespmem:v62+s4+$0x0], $0xffff  }
0x4f2: {  	v63 =	vadd.s32 v7, v34;
	_ =	sdelay $0x3  }
0x4f3: {  	[tilespmem:s29+$0x16940] =	vst v32  }
0x4f4: {  	v32 =	vld.idx.msk [tilespmem:v63+s4+$0x0], $0xffff  }
0x4f5: {  	v36 =	vadd.s32 v7, v35;
	_ =	sdelay $0x3  }
0x4f6: {  	[tilespmem:s29+$0x14340] =	vst v32  }
0x4f7: {  	v32 =	vld.idx.msk [tilespmem:v36+s4+$0x0], $0xffff  }
0x4f8: {  	v37 =	vadd.s32 v8, v34;
	_ =	sdelay $0x3  }
0x4f9: {  	[tilespmem:s29+$0x16A40] =	vst v32  }
0x4fa: {  	v32 =	vld.idx.msk [tilespmem:v37+s4+$0x0], $0xffff  }
0x4fb: {  	v38 =	vadd.s32 v8, v35;
	_ =	sdelay $0x3  }
0x4fc: {  	[tilespmem:s29+$0x14440] =	vst v32  }
0x4fd: {  	v32 =	vld.idx.msk [tilespmem:v38+s4+$0x0], $0xffff  }
0x4fe: {  	v39 =	vadd.s32 v9, v34;
	_ =	sdelay $0x3  }
0x4ff: {  	[tilespmem:s29+$0x16B40] =	vst v32  }
0x500: {  	v32 =	vld.idx.msk [tilespmem:v39+s4+$0x0], $0xffff  }
0x501: {  	v40 =	vadd.s32 v9, v35;
	_ =	sdelay $0x3  }
0x502: {  	[tilespmem:s29+$0x14540] =	vst v32  }
0x503: {  	v32 =	vld.idx.msk [tilespmem:v40+s4+$0x0], $0xffff  }
0x504: {  	v41 =	vadd.s32 v10, v34;
	_ =	sdelay $0x3  }
0x505: {  	[tilespmem:s29+$0x16C40] =	vst v32  }
0x506: {  	v32 =	vld.idx.msk [tilespmem:v41+s4+$0x0], $0xffff  }
0x507: {  	v42 =	vadd.s32 v10, v35;
	_ =	sdelay $0x3  }
0x508: {  	[tilespmem:s29+$0x14640] =	vst v32  }
0x509: {  	v32 =	vld.idx.msk [tilespmem:v42+s4+$0x0], $0xffff  }
0x50a: {  	v43 =	vadd.s32 v11, v34;
	_ =	sdelay $0x3  }
0x50b: {  	[tilespmem:s29+$0x16D40] =	vst v32  }
0x50c: {  	v32 =	vld.idx.msk [tilespmem:v43+s4+$0x0], $0xffff  }
0x50d: {  	v44 =	vadd.s32 v11, v35;
	v36 =	vld [tilespmem:s29+$0xDE50];
	_ =	sdelay $0x3  }
0x50e: {  	[tilespmem:s29+$0x14740] =	vst v32  }
0x50f: {  	v46 =	vtrunc.f32 v36;
	v32 =	vld.idx.msk [tilespmem:v44+s4+$0x0], $0xffff  }
0x510: {  	v45 =	vadd.s32 v12, v34;
	v33 =	vcvt.f32.s32 v46;
	v37 =	vld [tilespmem:s29+$0xE650];
	_ =	sdelay $0x1  }
0x511: {  	vm14 =	vgt.s32 v33, $0x0  }
0x512: {  	v33 =	vnsel vm14, $0x0, v33  }
0x513: {  	v48 =	vmin.u32 v33, $0x18F;
	[tilespmem:s29+$0x16E40] =	vst v32  }
0x514: {  	v37 =	vtrunc.f32 v37;
	v33 =	vmul.u32 $0x84, v48;
	v32 =	vld.idx.msk [tilespmem:v45+s4+$0x0], $0xffff  }
0x515: {  	v47 =	vadd.s32 v12, v35;
	v37 =	vcvt.f32.s32 v37  }
0x516: {  	v38 =	vadd.s32 v0, v33  }
0x517: {  	vm15 =	vgt.s32 v37, $0x0  }
0x518: {  	v37 =	vnsel vm15, $0x0, v37  }
0x519: {  	v50 =	vmin.u32 v37, $0x18F;
	[tilespmem:s29+$0x14840] =	vst v32  }
0x51a: {  	v32 =	vmul.u32 $0x84, v50;
	v36 =	vld.idx.msk [tilespmem:v47+s4+$0x0], $0xffff  }
0x51b: {  	v49 =	vadd.s32 v13, v34;
	v38 =	vld.idx.msk [tilespmem:v38+s4+$0x0], $0xffff  }
0x51c: {  	v39 =	vadd.s32 v0, v32;
	_ =	sdelay $0x2  }
0x51d: {  	[tilespmem:s29+$0x16F40] =	vst v36  }
0x51e: {  	[tilespmem:s29+$0x13C50] =	vst v38;
	v51 =	vld.idx.msk [tilespmem:v49+s4+$0x0], $0xffff  }
0x51f: {  	v52 =	vadd.s32 v13, v35;
	v38 =	vld.idx.msk [tilespmem:v39+s4+$0x0], $0xffff  }
0x520: {  	v54 =	vadd.s32 v1, v33;
	_ =	sdelay $0x2  }
0x521: {  	[tilespmem:s29+$0x14940] =	vst v51  }
0x522: {  	[tilespmem:s29+$0x16350] =	vst v38;
	v36 =	vld.idx.msk [tilespmem:v52+s4+$0x0], $0xffff  }
0x523: {  	v53 =	vadd.s32 v14, v34;
	v38 =	vld.idx.msk [tilespmem:v54+s4+$0x0], $0xffff  }
0x524: {  	v56 =	vadd.s32 v1, v32;
	_ =	sdelay $0x2  }
0x525: {  	[tilespmem:s29+$0x17040] =	vst v36  }
0x526: {  	[tilespmem:s29+$0x13D50] =	vst v38;
	v36 =	vld.idx.msk [tilespmem:v53+s4+$0x0], $0xffff  }
0x527: {  	v55 =	vadd.s32 v14, v35;
	v38 =	vld.idx.msk [tilespmem:v56+s4+$0x0], $0xffff  }
0x528: {  	v58 =	vadd.s32 v2, v33;
	_ =	sdelay $0x2  }
0x529: {  	[tilespmem:s29+$0x14A40] =	vst v36  }
0x52a: {  	[tilespmem:s29+$0x16450] =	vst v38;
	v36 =	vld.idx.msk [tilespmem:v55+s4+$0x0], $0xffff  }
0x52b: {  	v57 =	vadd.s32 v15, v34;
	v38 =	vld.idx.msk [tilespmem:v58+s4+$0x0], $0xffff  }
0x52c: {  	v60 =	vadd.s32 v2, v32;
	_ =	sdelay $0x2  }
0x52d: {  	[tilespmem:s29+$0x17140] =	vst v36  }
0x52e: {  	[tilespmem:s29+$0x13E50] =	vst v38;
	v36 =	vld.idx.msk [tilespmem:v57+s4+$0x0], $0xffff  }
0x52f: {  	v59 =	vadd.s32 v15, v35;
	v38 =	vld.idx.msk [tilespmem:v60+s4+$0x0], $0xffff  }
0x530: {  	v62 =	vadd.s32 v3, v33;
	_ =	sdelay $0x2  }
0x531: {  	[tilespmem:s29+$0x14B40] =	vst v36  }
0x532: {  	[tilespmem:s29+$0x16550] =	vst v38;
	v36 =	vld.idx.msk [tilespmem:v59+s4+$0x0], $0xffff  }
0x533: {  	v61 =	vadd.s32 v16, v34;
	v38 =	vld.idx.msk [tilespmem:v62+s4+$0x0], $0xffff  }
0x534: {  	v42 =	vadd.s32 v3, v32;
	_ =	sdelay $0x2  }
0x535: {  	[tilespmem:s29+$0x17240] =	vst v36  }
0x536: {  	[tilespmem:s29+$0x13F50] =	vst v38;
	v36 =	vld.idx.msk [tilespmem:v61+s4+$0x0], $0xffff  }
0x537: {  	v63 =	vadd.s32 v16, v35;
	v38 =	vld.idx.msk [tilespmem:v42+s4+$0x0], $0xffff  }
0x538: {  	v44 =	vadd.s32 v4, v33;
	_ =	sdelay $0x2  }
0x539: {  	[tilespmem:s29+$0x14C40] =	vst v36  }
0x53a: {  	[tilespmem:s29+$0x16650] =	vst v38;
	v36 =	vld.idx.msk [tilespmem:v63+s4+$0x0], $0xffff  }
0x53b: {  	v43 =	vadd.s32 v17, v34;
	v38 =	vld.idx.msk [tilespmem:v44+s4+$0x0], $0xffff  }
0x53c: {  	v46 =	vadd.s32 v4, v32;
	_ =	sdelay $0x2  }
0x53d: {  	[tilespmem:s29+$0x17340] =	vst v36  }
0x53e: {  	[tilespmem:s29+$0x14050] =	vst v38;
	v36 =	vld.idx.msk [tilespmem:v43+s4+$0x0], $0xffff  }
0x53f: {  	v45 =	vadd.s32 v17, v35;
	v38 =	vld.idx.msk [tilespmem:v46+s4+$0x0], $0xffff  }
0x540: {  	v48 =	vadd.s32 v5, v33;
	_ =	sdelay $0x2  }
0x541: {  	[tilespmem:s29+$0x14D40] =	vst v36  }
0x542: {  	[tilespmem:s29+$0x16750] =	vst v38;
	v36 =	vld.idx.msk [tilespmem:v45+s4+$0x0], $0xffff  }
0x543: {  	v47 =	vadd.s32 v18, v34;
	v38 =	vld.idx.msk [tilespmem:v48+s4+$0x0], $0xffff  }
0x544: {  	v50 =	vadd.s32 v5, v32;
	_ =	sdelay $0x2  }
0x545: {  	[tilespmem:s29+$0x17440] =	vst v36  }
0x546: {  	[tilespmem:s29+$0x14150] =	vst v38;
	v36 =	vld.idx.msk [tilespmem:v47+s4+$0x0], $0xffff  }
0x547: {  	v49 =	vadd.s32 v18, v35;
	v38 =	vld.idx.msk [tilespmem:v50+s4+$0x0], $0xffff  }
0x548: {  	v52 =	vadd.s32 v6, v33;
	_ =	sdelay $0x2  }
0x549: {  	[tilespmem:s29+$0x14E40] =	vst v36  }
0x54a: {  	[tilespmem:s29+$0x16850] =	vst v38;
	v36 =	vld.idx.msk [tilespmem:v49+s4+$0x0], $0xffff  }
0x54b: {  	v51 =	vadd.s32 v19, v34;
	v38 =	vld.idx.msk [tilespmem:v52+s4+$0x0], $0xffff  }
0x54c: {  	v54 =	vadd.s32 v6, v32;
	_ =	sdelay $0x2  }
0x54d: {  	[tilespmem:s29+$0x17540] =	vst v36  }
0x54e: {  	[tilespmem:s29+$0x14250] =	vst v38;
	v36 =	vld.idx.msk [tilespmem:v51+s4+$0x0], $0xffff  }
0x54f: {  	v53 =	vadd.s32 v19, v35;
	v38 =	vld.idx.msk [tilespmem:v54+s4+$0x0], $0xffff  }
0x550: {  	v56 =	vadd.s32 v7, v33;
	_ =	sdelay $0x2  }
0x551: {  	[tilespmem:s29+$0x14F40] =	vst v36  }
0x552: {  	[tilespmem:s29+$0x16950] =	vst v38;
	v36 =	vld.idx.msk [tilespmem:v53+s4+$0x0], $0xffff  }
0x553: {  	v55 =	vadd.s32 v20, v34;
	v38 =	vld.idx.msk [tilespmem:v56+s4+$0x0], $0xffff  }
0x554: {  	v58 =	vadd.s32 v7, v32;
	_ =	sdelay $0x2  }
0x555: {  	[tilespmem:s29+$0x17640] =	vst v36  }
0x556: {  	[tilespmem:s29+$0x14350] =	vst v38;
	v36 =	vld.idx.msk [tilespmem:v55+s4+$0x0], $0xffff  }
0x557: {  	v57 =	vadd.s32 v20, v35;
	v38 =	vld.idx.msk [tilespmem:v58+s4+$0x0], $0xffff  }
0x558: {  	v60 =	vadd.s32 v8, v33;
	_ =	sdelay $0x2  }
0x559: {  	[tilespmem:s29+$0x15040] =	vst v36  }
0x55a: {  	[tilespmem:s29+$0x16A50] =	vst v38;
	v36 =	vld.idx.msk [tilespmem:v57+s4+$0x0], $0xffff  }
0x55b: {  	v59 =	vadd.s32 v21, v34;
	v38 =	vld.idx.msk [tilespmem:v60+s4+$0x0], $0xffff  }
0x55c: {  	v62 =	vadd.s32 v8, v32;
	_ =	sdelay $0x2  }
0x55d: {  	[tilespmem:s29+$0x17740] =	vst v36  }
0x55e: {  	[tilespmem:s29+$0x14450] =	vst v38;
	v36 =	vld.idx.msk [tilespmem:v59+s4+$0x0], $0xffff  }
0x55f: {  	v61 =	vadd.s32 v21, v35;
	v38 =	vld.idx.msk [tilespmem:v62+s4+$0x0], $0xffff  }
0x560: {  	v42 =	vadd.s32 v9, v33;
	_ =	sdelay $0x2  }
0x561: {  	[tilespmem:s29+$0x15140] =	vst v36  }
0x562: {  	[tilespmem:s29+$0x16B50] =	vst v38;
	v36 =	vld.idx.msk [tilespmem:v61+s4+$0x0], $0xffff  }
0x563: {  	v63 =	vadd.s32 v22, v34;
	v38 =	vld.idx.msk [tilespmem:v42+s4+$0x0], $0xffff  }
0x564: {  	v44 =	vadd.s32 v9, v32;
	_ =	sdelay $0x2  }
0x565: {  	[tilespmem:s29+$0x17840] =	vst v36  }
0x566: {  	[tilespmem:s29+$0x14550] =	vst v38;
	v36 =	vld.idx.msk [tilespmem:v63+s4+$0x0], $0xffff  }
0x567: {  	v43 =	vadd.s32 v22, v35;
	v38 =	vld.idx.msk [tilespmem:v44+s4+$0x0], $0xffff  }
0x568: {  	v46 =	vadd.s32 v10, v33;
	_ =	sdelay $0x2  }
0x569: {  	[tilespmem:s29+$0x15240] =	vst v36  }
0x56a: {  	[tilespmem:s29+$0x16C50] =	vst v38;
	v36 =	vld.idx.msk [tilespmem:v43+s4+$0x0], $0xffff  }
0x56b: {  	v45 =	vadd.s32 v23, v34;
	v38 =	vld.idx.msk [tilespmem:v46+s4+$0x0], $0xffff  }
0x56c: {  	v48 =	vadd.s32 v10, v32;
	_ =	sdelay $0x2  }
0x56d: {  	[tilespmem:s29+$0x17940] =	vst v36  }
0x56e: {  	[tilespmem:s29+$0x14650] =	vst v38;
	v36 =	vld.idx.msk [tilespmem:v45+s4+$0x0], $0xffff  }
0x56f: {  	v47 =	vadd.s32 v23, v35;
	v38 =	vld.idx.msk [tilespmem:v48+s4+$0x0], $0xffff  }
0x570: {  	v50 =	vadd.s32 v11, v33;
	_ =	sdelay $0x2  }
0x571: {  	[tilespmem:s29+$0x15340] =	vst v36  }
0x572: {  	[tilespmem:s29+$0x16D50] =	vst v38;
	v36 =	vld.idx.msk [tilespmem:v47+s4+$0x0], $0xffff  }
0x573: {  	v49 =	vadd.s32 v24, v34;
	v38 =	vld.idx.msk [tilespmem:v50+s4+$0x0], $0xffff  }
0x574: {  	v52 =	vadd.s32 v11, v32;
	_ =	sdelay $0x2  }
0x575: {  	[tilespmem:s29+$0x17A40] =	vst v36  }
0x576: {  	[tilespmem:s29+$0x14750] =	vst v38;
	v36 =	vld.idx.msk [tilespmem:v49+s4+$0x0], $0xffff  }
0x577: {  	v51 =	vadd.s32 v24, v35;
	v38 =	vld.idx.msk [tilespmem:v52+s4+$0x0], $0xffff  }
0x578: {  	v54 =	vadd.s32 v12, v33;
	_ =	sdelay $0x2  }
0x579: {  	[tilespmem:s29+$0x15440] =	vst v36  }
0x57a: {  	[tilespmem:s29+$0x16E50] =	vst v38;
	v36 =	vld.idx.msk [tilespmem:v51+s4+$0x0], $0xffff  }
0x57b: {  	v53 =	vadd.s32 v25, v34;
	v38 =	vld.idx.msk [tilespmem:v54+s4+$0x0], $0xffff  }
0x57c: {  	v56 =	vadd.s32 v12, v32;
	_ =	sdelay $0x2  }
0x57d: {  	[tilespmem:s29+$0x17B40] =	vst v36  }
0x57e: {  	[tilespmem:s29+$0x14850] =	vst v38;
	v36 =	vld.idx.msk [tilespmem:v53+s4+$0x0], $0xffff  }
0x57f: {  	v55 =	vadd.s32 v25, v35;
	v38 =	vld.idx.msk [tilespmem:v56+s4+$0x0], $0xffff  }
0x580: {  	v58 =	vadd.s32 v13, v33;
	_ =	sdelay $0x2  }
0x581: {  	[tilespmem:s29+$0x15540] =	vst v36  }
0x582: {  	[tilespmem:s29+$0x16F50] =	vst v38;
	v36 =	vld.idx.msk [tilespmem:v55+s4+$0x0], $0xffff  }
0x583: {  	v57 =	vadd.s32 v26, v34;
	v38 =	vld.idx.msk [tilespmem:v58+s4+$0x0], $0xffff  }
0x584: {  	v60 =	vadd.s32 v13, v32;
	_ =	sdelay $0x2  }
0x585: {  	[tilespmem:s29+$0x17C40] =	vst v36  }
0x586: {  	[tilespmem:s29+$0x14950] =	vst v38;
	v36 =	vld.idx.msk [tilespmem:v57+s4+$0x0], $0xffff  }
0x587: {  	v59 =	vadd.s32 v26, v35;
	v38 =	vld.idx.msk [tilespmem:v60+s4+$0x0], $0xffff  }
0x588: {  	v62 =	vadd.s32 v14, v33;
	_ =	sdelay $0x2  }
0x589: {  	[tilespmem:s29+$0x15640] =	vst v36  }
0x58a: {  	[tilespmem:s29+$0x17050] =	vst v38;
	v36 =	vld.idx.msk [tilespmem:v59+s4+$0x0], $0xffff  }
0x58b: {  	v61 =	vadd.s32 v27, v34;
	v38 =	vld.idx.msk [tilespmem:v62+s4+$0x0], $0xffff  }
0x58c: {  	v42 =	vadd.s32 v14, v32;
	_ =	sdelay $0x2  }
0x58d: {  	[tilespmem:s29+$0x17D40] =	vst v36  }
0x58e: {  	[tilespmem:s29+$0x14A50] =	vst v38;
	v36 =	vld.idx.msk [tilespmem:v61+s4+$0x0], $0xffff  }
0x58f: {  	v63 =	vadd.s32 v27, v35;
	v38 =	vld.idx.msk [tilespmem:v42+s4+$0x0], $0xffff  }
0x590: {  	v44 =	vadd.s32 v15, v33;
	_ =	sdelay $0x2  }
0x591: {  	[tilespmem:s29+$0x15740] =	vst v36  }
0x592: {  	[tilespmem:s29+$0x17150] =	vst v38;
	v36 =	vld.idx.msk [tilespmem:v63+s4+$0x0], $0xffff  }
0x593: {  	v43 =	vadd.s32 v28, v34;
	v38 =	vld.idx.msk [tilespmem:v44+s4+$0x0], $0xffff  }
0x594: {  	v46 =	vadd.s32 v15, v32;
	_ =	sdelay $0x2  }
0x595: {  	[tilespmem:s29+$0x17E40] =	vst v36  }
0x596: {  	[tilespmem:s29+$0x14B50] =	vst v38;
	v36 =	vld.idx.msk [tilespmem:v43+s4+$0x0], $0xffff  }
0x597: {  	v45 =	vadd.s32 v28, v35;
	v38 =	vld.idx.msk [tilespmem:v46+s4+$0x0], $0xffff  }
0x598: {  	v48 =	vadd.s32 v16, v33;
	_ =	sdelay $0x2  }
0x599: {  	[tilespmem:s29+$0x15840] =	vst v36  }
0x59a: {  	[tilespmem:s29+$0x17250] =	vst v38;
	v36 =	vld.idx.msk [tilespmem:v45+s4+$0x0], $0xffff  }
0x59b: {  	v47 =	vadd.s32 v29, v34;
	v38 =	vld.idx.msk [tilespmem:v48+s4+$0x0], $0xffff  }
0x59c: {  	v50 =	vadd.s32 v16, v32;
	_ =	sdelay $0x2  }
0x59d: {  	[tilespmem:s29+$0x17F40] =	vst v36  }
0x59e: {  	[tilespmem:s29+$0x14C50] =	vst v38;
	v36 =	vld.idx.msk [tilespmem:v47+s4+$0x0], $0xffff  }
0x59f: {  	v49 =	vadd.s32 v29, v35;
	v38 =	vld.idx.msk [tilespmem:v50+s4+$0x0], $0xffff  }
0x5a0: {  	v52 =	vadd.s32 v17, v33;
	_ =	sdelay $0x2  }
0x5a1: {  	[tilespmem:s29+$0x15940] =	vst v36  }
0x5a2: {  	[tilespmem:s29+$0x17350] =	vst v38;
	v36 =	vld.idx.msk [tilespmem:v49+s4+$0x0], $0xffff  }
0x5a3: {  	v51 =	vadd.s32 v30, v34;
	v38 =	vld.idx.msk [tilespmem:v52+s4+$0x0], $0xffff  }
0x5a4: {  	v54 =	vadd.s32 v17, v32;
	_ =	sdelay $0x2  }
0x5a5: {  	[tilespmem:s29+$0x18040] =	vst v36  }
0x5a6: {  	[tilespmem:s29+$0x14D50] =	vst v38;
	v36 =	vld.idx.msk [tilespmem:v51+s4+$0x0], $0xffff  }
0x5a7: {  	v53 =	vadd.s32 v30, v35;
	v55 =	vld.idx.msk [tilespmem:v54+s4+$0x0], $0xffff  }
0x5a8: {  	v56 =	vadd.s32 v18, v33;
	_ =	sdelay $0x2  }
0x5a9: {  	[tilespmem:s29+$0x15A40] =	vst v36  }
0x5aa: {  	[tilespmem:s29+$0x17450] =	vst v55;
	v36 =	vld.idx.msk [tilespmem:v53+s4+$0x0], $0xffff  }
0x5ab: {  	v34 =	vadd.s32 v31, v34;
	v57 =	vld.idx.msk [tilespmem:v56+s4+$0x0], $0xffff  }
0x5ac: {  	v58 =	vadd.s32 v18, v32;
	_ =	sdelay $0x2  }
0x5ad: {  	[tilespmem:s29+$0x18140] =	vst v36  }
0x5ae: {  	[tilespmem:s29+$0x14E50] =	vst v57;
	v34 =	vld.idx.msk [tilespmem:v34+s4+$0x0], $0xffff  }
0x5af: {  	v35 =	vadd.s32 v31, v35;
	v59 =	vld.idx.msk [tilespmem:v58+s4+$0x0], $0xffff  }
0x5b0: {  	v60 =	vadd.s32 v19, v33;
	_ =	sdelay $0x2  }
0x5b1: {  	[tilespmem:s29+$0x15B40] =	vst v34  }
0x5b2: {  	[tilespmem:s29+$0x17550] =	vst v59;
	v34 =	vld.idx.msk [tilespmem:v35+s4+$0x0], $0xffff  }
0x5b3: {  	v35 =	vld.idx.msk [tilespmem:v60+s4+$0x0], $0xffff  }
0x5b4: {  	v62 =	vadd.s32 v19, v32;
	_ =	sdelay $0x3  }
0x5b5: {  	[tilespmem:s29+$0x14F50] =	vst v35  }
0x5b6: {  	v35 =	vld.idx.msk [tilespmem:v62+s4+$0x0], $0xffff  }
0x5b7: {  	v40 =	vadd.s32 v20, v33;
	_ =	sdelay $0x3  }
0x5b8: {  	[tilespmem:s29+$0x17650] =	vst v35  }
0x5b9: {  	v35 =	vld.idx.msk [tilespmem:v40+s4+$0x0], $0xffff  }
0x5ba: {  	v42 =	vadd.s32 v20, v32;
	_ =	sdelay $0x3  }
0x5bb: {  	[tilespmem:s29+$0x15050] =	vst v35  }
0x5bc: {  	v35 =	vld.idx.msk [tilespmem:v42+s4+$0x0], $0xffff  }
0x5bd: {  	v44 =	vadd.s32 v21, v33;
	_ =	sdelay $0x3  }
0x5be: {  	[tilespmem:s29+$0x17750] =	vst v35  }
0x5bf: {  	v35 =	vld.idx.msk [tilespmem:v44+s4+$0x0], $0xffff  }
0x5c0: {  	v46 =	vadd.s32 v21, v32;
	_ =	sdelay $0x3  }
0x5c1: {  	[tilespmem:s29+$0x15150] =	vst v35  }
0x5c2: {  	v35 =	vld.idx.msk [tilespmem:v46+s4+$0x0], $0xffff  }
0x5c3: {  	v48 =	vadd.s32 v22, v33;
	_ =	sdelay $0x3  }
0x5c4: {  	[tilespmem:s29+$0x17850] =	vst v35  }
0x5c5: {  	v35 =	vld.idx.msk [tilespmem:v48+s4+$0x0], $0xffff  }
0x5c6: {  	v50 =	vadd.s32 v22, v32;
	_ =	sdelay $0x3  }
0x5c7: {  	[tilespmem:s29+$0x15250] =	vst v35  }
0x5c8: {  	v35 =	vld.idx.msk [tilespmem:v50+s4+$0x0], $0xffff  }
0x5c9: {  	v52 =	vadd.s32 v23, v33;
	_ =	sdelay $0x3  }
0x5ca: {  	[tilespmem:s29+$0x17950] =	vst v35  }
0x5cb: {  	v35 =	vld.idx.msk [tilespmem:v52+s4+$0x0], $0xffff  }
0x5cc: {  	v54 =	vadd.s32 v23, v32;
	_ =	sdelay $0x3  }
0x5cd: {  	[tilespmem:s29+$0x15350] =	vst v35  }
0x5ce: {  	v35 =	vld.idx.msk [tilespmem:v54+s4+$0x0], $0xffff  }
0x5cf: {  	v56 =	vadd.s32 v24, v33;
	_ =	sdelay $0x3  }
0x5d0: {  	[tilespmem:s29+$0x17A50] =	vst v35  }
0x5d1: {  	v35 =	vld.idx.msk [tilespmem:v56+s4+$0x0], $0xffff  }
0x5d2: {  	v61 =	vld [tilespmem:s29+$0xDF40];
	v58 =	vadd.s32 v24, v32  }
0x5d3: {  	v63 =	vld [tilespmem:s29+$0xE740]  }
0x5d4: {  	v41 =	vld [tilespmem:s29+$0xE040]  }
0x5d5: {  	v43 =	vld [tilespmem:s29+$0xE840]  }
0x5d6: {  	v45 =	vld [tilespmem:s29+$0xE140];
	[tilespmem:s29+$0x15450] =	vst v35  }
0x5d7: {  	[tilespmem:s29+$0x15C40] =	vst v61;
	v35 =	vld.idx.msk [tilespmem:v58+s4+$0x0], $0xffff  }
0x5d8: {  	v47 =	vld [tilespmem:s29+$0xE940];
	[tilespmem:s29+$0x18340] =	vst v63;
	v60 =	vadd.s32 v25, v33  }
0x5d9: {  	v49 =	vld [tilespmem:s29+$0xE240];
	[tilespmem:s29+$0x15D40] =	vst v41  }
0x5da: {  	v51 =	vld [tilespmem:s29+$0xEA40];
	[tilespmem:s29+$0x18440] =	vst v43  }
0x5db: {  	v53 =	vld [tilespmem:s29+$0xE340];
	[tilespmem:s29+$0x15E40] =	vst v45  }
0x5dc: {  	v55 =	vld [tilespmem:s29+$0xEB40];
	[tilespmem:s29+$0x17B50] =	vst v35  }
0x5dd: {  	[tilespmem:s29+$0x18540] =	vst v47;
	v35 =	vld.idx.msk [tilespmem:v60+s4+$0x0], $0xffff  }
0x5de: {  	v57 =	vld [tilespmem:s29+$0xE440];
	[tilespmem:s29+$0x15F40] =	vst v49;
	v62 =	vadd.s32 v25, v32  }
0x5df: {  	v59 =	vld [tilespmem:s29+$0xEC40];
	[tilespmem:s29+$0x18640] =	vst v51  }
0x5e0: {  	[tilespmem:s29+$0x16040] =	vst v53  }
0x5e1: {  	[tilespmem:s29+$0x18740] =	vst v55;
	v61 =	vld [tilespmem:s29+$0xE540]  }
0x5e2: {  	v63 =	vld [tilespmem:s29+$0xED40];
	[tilespmem:s29+$0x15550] =	vst v35  }
0x5e3: {  	[tilespmem:s29+$0x16140] =	vst v57;
	v35 =	vld.idx.msk [tilespmem:v62+s4+$0x0], $0xffff  }
0x5e4: {  	[tilespmem:s29+$0x18840] =	vst v59;
	v40 =	vadd.s32 v26, v33  }
0x5e5: {  	[tilespmem:s29+$0x18240] =	vst v34  }
0x5e6: {  	[tilespmem:s29+$0x16240] =	vst v61  }
0x5e7: {  	[tilespmem:s29+$0x18940] =	vst v63  }
0x5e8: {  	[tilespmem:s29+$0x17C50] =	vst v35  }
0x5e9: {  	v40 =	vld.idx.msk [tilespmem:v40+s4+$0x0], $0xffff  }
0x5ea: {  	v41 =	vld [tilespmem:s29+$0xDE60];
	_ =	sdelay $0x4  }
0x5eb: {  	v42 =	vld [tilespmem:s29+$0xDE70];
	v34 =	vtrunc.f32 v41  }
0x5ec: {  	v36 =	vld [tilespmem:s29+$0xE660];
	v34 =	vcvt.f32.s32 v34;
	_ =	sdelay $0x1  }
0x5ed: {  	v43 =	vld [tilespmem:s29+$0xE670];
	vm4 =	vgt.s32 v34, $0x0  }
0x5ee: {  	v34 =	vnsel vm4, $0x0, v34  }
0x5ef: {  	v35 =	vtrunc.f32 v42;
	v34 =	vmin.u32 v34, $0x18F  }
0x5f0: {  	v44 =	vtrunc.f32 v36;
	v35 =	vcvt.f32.s32 v35;
	v36 =	vmul.u32 $0x84, v34  }
0x5f1: {  	v46 =	vcvt.f32.s32 v44  }
0x5f2: {  	v37 =	vtrunc.f32 v43;
	vm5 =	vgt.s32 v35, $0x0;
	v47 =	vadd.s32 v0, v36  }
0x5f3: {  	v37 =	vcvt.f32.s32 v37;
	vm6 =	vgt.s32 v46, $0x0;
	v35 =	vnsel vm5, $0x0, v35  }
0x5f4: {  	v45 =	vmin.u32 v35, $0x18F;
	v35 =	vnsel vm6, $0x0, v46  }
0x5f5: {  	vm7 =	vgt.s32 v37, $0x0;
	v35 =	vmin.u32 v35, $0x18F  }
0x5f6: {  	v48 =	vnsel vm7, $0x0, v37;
	v37 =	vmul.u32 $0x84, v35  }
0x5f7: {  	v34 =	vld.idx.msk [tilespmem:v47+s4+$0x0], $0xffff  }
0x5f8: {  	v50 =	vadd.s32 v0, v37;
	_ =	sdelay $0x2  }
0x5f9: {  	v38 =	vmul.u32 $0x84, v45  }
0x5fa: {  	[tilespmem:s29+$0x13C60] =	vst v34  }
0x5fb: {  	v41 =	vadd.s32 v0, v38;
	v34 =	vld.idx.msk [tilespmem:v50+s4+$0x0], $0xffff  }
0x5fc: {  	v51 =	vadd.s32 v1, v36;
	_ =	sdelay $0x1  }
0x5fd: {  	v49 =	vmin.u32 v48, $0x18F  }
0x5fe: {  	v39 =	vmul.u32 $0x84, v49  }
0x5ff: {  	v41 =	vld.idx.msk [tilespmem:v41+s4+$0x0], $0xffff;
	[tilespmem:s29+$0x16360] =	vst v34  }
0x600: {  	v42 =	vadd.s32 v0, v39;
	v34 =	vld.idx.msk [tilespmem:v51+s4+$0x0], $0xffff  }
0x601: {  	v53 =	vadd.s32 v1, v37;
	_ =	sdelay $0x2  }
0x602: {  	[tilespmem:s29+$0x13C70] =	vst v41  }
0x603: {  	v41 =	vld.idx.msk [tilespmem:v42+s4+$0x0], $0xffff;
	[tilespmem:s29+$0x13D60] =	vst v34  }
0x604: {  	v52 =	vadd.s32 v1, v38;
	v34 =	vld.idx.msk [tilespmem:v53+s4+$0x0], $0xffff  }
0x605: {  	v55 =	vadd.s32 v2, v36;
	_ =	sdelay $0x2  }
0x606: {  	[tilespmem:s29+$0x16370] =	vst v41  }
0x607: {  	v41 =	vld.idx.msk [tilespmem:v52+s4+$0x0], $0xffff;
	[tilespmem:s29+$0x16460] =	vst v34  }
0x608: {  	v54 =	vadd.s32 v1, v39;
	v34 =	vld.idx.msk [tilespmem:v55+s4+$0x0], $0xffff  }
0x609: {  	v57 =	vadd.s32 v2, v37;
	_ =	sdelay $0x2  }
0x60a: {  	[tilespmem:s29+$0x13D70] =	vst v41  }
0x60b: {  	v41 =	vld.idx.msk [tilespmem:v54+s4+$0x0], $0xffff;
	[tilespmem:s29+$0x13E60] =	vst v34  }
0x60c: {  	v56 =	vadd.s32 v2, v38;
	v34 =	vld.idx.msk [tilespmem:v57+s4+$0x0], $0xffff  }
0x60d: {  	v59 =	vadd.s32 v3, v36;
	_ =	sdelay $0x2  }
0x60e: {  	[tilespmem:s29+$0x16470] =	vst v41  }
0x60f: {  	v41 =	vld.idx.msk [tilespmem:v56+s4+$0x0], $0xffff;
	[tilespmem:s29+$0x16560] =	vst v34  }
0x610: {  	v58 =	vadd.s32 v2, v39;
	v34 =	vld.idx.msk [tilespmem:v59+s4+$0x0], $0xffff  }
0x611: {  	v61 =	vadd.s32 v3, v37;
	_ =	sdelay $0x2  }
0x612: {  	[tilespmem:s29+$0x13E70] =	vst v41  }
0x613: {  	v41 =	vld.idx.msk [tilespmem:v58+s4+$0x0], $0xffff;
	[tilespmem:s29+$0x13F60] =	vst v34  }
0x614: {  	v60 =	vadd.s32 v3, v38;
	v34 =	vld.idx.msk [tilespmem:v61+s4+$0x0], $0xffff  }
0x615: {  	v63 =	vadd.s32 v4, v36;
	_ =	sdelay $0x2  }
0x616: {  	[tilespmem:s29+$0x16570] =	vst v41  }
0x617: {  	v41 =	vld.idx.msk [tilespmem:v60+s4+$0x0], $0xffff;
	[tilespmem:s29+$0x16660] =	vst v34  }
0x618: {  	v62 =	vadd.s32 v3, v39;
	v34 =	vld.idx.msk [tilespmem:v63+s4+$0x0], $0xffff  }
0x619: {  	v46 =	vadd.s32 v4, v37;
	_ =	sdelay $0x2  }
0x61a: {  	[tilespmem:s29+$0x13F70] =	vst v41  }
0x61b: {  	v41 =	vld.idx.msk [tilespmem:v62+s4+$0x0], $0xffff;
	[tilespmem:s29+$0x14060] =	vst v34  }
0x61c: {  	v45 =	vadd.s32 v4, v38;
	v34 =	vld.idx.msk [tilespmem:v46+s4+$0x0], $0xffff  }
0x61d: {  	v48 =	vadd.s32 v5, v36;
	_ =	sdelay $0x2  }
0x61e: {  	[tilespmem:s29+$0x16670] =	vst v41  }
0x61f: {  	v41 =	vld.idx.msk [tilespmem:v45+s4+$0x0], $0xffff;
	[tilespmem:s29+$0x16760] =	vst v34  }
0x620: {  	v47 =	vadd.s32 v4, v39;
	v34 =	vld.idx.msk [tilespmem:v48+s4+$0x0], $0xffff  }
0x621: {  	v43 =	vld [tilespmem:s29+$0xDE80];
	v50 =	vadd.s32 v5, v37;
	_ =	sdelay $0x2  }
0x622: {  	[tilespmem:s29+$0x14070] =	vst v41  }
0x623: {  	v41 =	vld.idx.msk [tilespmem:v47+s4+$0x0], $0xffff;
	[tilespmem:s29+$0x14160] =	vst v34  }
0x624: {  	v49 =	vadd.s32 v5, v38;
	v53 =	vtrunc.f32 v43;
	v34 =	vld.idx.msk [tilespmem:v50+s4+$0x0], $0xffff  }
0x625: {  	v44 =	vld [tilespmem:s29+$0xE680];
	v52 =	vadd.s32 v6, v36;
	v42 =	vcvt.f32.s32 v53;
	_ =	sdelay $0x1  }
0x626: {  	vm8 =	vgt.s32 v42, $0x0  }
0x627: {  	v55 =	vnsel vm8, $0x0, v42;
	[tilespmem:s29+$0x16770] =	vst v41  }
0x628: {  	v41 =	vld.idx.msk [tilespmem:v49+s4+$0x0], $0xffff;
	[tilespmem:s29+$0x16860] =	vst v34;
	v34 =	vmin.u32 v55, $0x18F  }
0x629: {  	v58 =	vtrunc.f32 v44;
	v35 =	vld.idx.msk [tilespmem:v52+s4+$0x0], $0xffff;
	v34 =	vmul.u32 $0x84, v34  }
0x62a: {  	v51 =	vadd.s32 v5, v39;
	v43 =	vcvt.f32.s32 v58  }
0x62b: {  	v45 =	vadd.s32 v0, v34  }
0x62c: {  	vm9 =	vgt.s32 v43, $0x0  }
0x62d: {  	v60 =	vnsel vm9, $0x0, v43;
	[tilespmem:s29+$0x14170] =	vst v41  }
0x62e: {  	[tilespmem:s29+$0x14260] =	vst v35;
	v35 =	vmin.u32 v60, $0x18F  }
0x62f: {  	v41 =	vld.idx.msk [tilespmem:v51+s4+$0x0], $0xffff;
	v35 =	vmul.u32 $0x84, v35  }
0x630: {  	v56 =	vadd.s32 v6, v37;
	v45 =	vld.idx.msk [tilespmem:v45+s4+$0x0], $0xffff  }
0x631: {  	v46 =	vadd.s32 v0, v35;
	_ =	sdelay $0x2  }
0x632: {  	[tilespmem:s29+$0x16870] =	vst v41  }
0x633: {  	v54 =	vadd.s32 v6, v38;
	v41 =	vld.idx.msk [tilespmem:v56+s4+$0x0], $0xffff;
	[tilespmem:s29+$0x13C80] =	vst v45  }
0x634: {  	v61 =	vadd.s32 v7, v36;
	v45 =	vld.idx.msk [tilespmem:v46+s4+$0x0], $0xffff  }
0x635: {  	v50 =	vadd.s32 v1, v34;
	_ =	sdelay $0x2  }
0x636: {  	v57 =	vld.idx.msk [tilespmem:v54+s4+$0x0], $0xffff;
	[tilespmem:s29+$0x16960] =	vst v41  }
0x637: {  	v59 =	vadd.s32 v6, v39;
	v41 =	vld.idx.msk [tilespmem:v61+s4+$0x0], $0xffff;
	[tilespmem:s29+$0x16380] =	vst v45  }
0x638: {  	v48 =	vadd.s32 v7, v37;
	v45 =	vld.idx.msk [tilespmem:v50+s4+$0x0], $0xffff  }
0x639: {  	v53 =	vadd.s32 v1, v35;
	_ =	sdelay $0x1  }
0x63a: {  	[tilespmem:s29+$0x14270] =	vst v57  }
0x63b: {  	v62 =	vld.idx.msk [tilespmem:v59+s4+$0x0], $0xffff;
	[tilespmem:s29+$0x14360] =	vst v41  }
0x63c: {  	v63 =	vadd.s32 v7, v38;
	v41 =	vld.idx.msk [tilespmem:v48+s4+$0x0], $0xffff;
	[tilespmem:s29+$0x13D80] =	vst v45  }
0x63d: {  	v51 =	vadd.s32 v8, v36;
	v45 =	vld.idx.msk [tilespmem:v53+s4+$0x0], $0xffff  }
0x63e: {  	v56 =	vadd.s32 v2, v34;
	_ =	sdelay $0x1  }
0x63f: {  	[tilespmem:s29+$0x16970] =	vst v62  }
0x640: {  	v43 =	vld.idx.msk [tilespmem:v63+s4+$0x0], $0xffff;
	[tilespmem:s29+$0x16A60] =	vst v41  }
0x641: {  	v49 =	vadd.s32 v7, v39;
	v41 =	vld.idx.msk [tilespmem:v51+s4+$0x0], $0xffff;
	[tilespmem:s29+$0x16480] =	vst v45  }
0x642: {  	v54 =	vadd.s32 v8, v37;
	v45 =	vld.idx.msk [tilespmem:v56+s4+$0x0], $0xffff  }
0x643: {  	v59 =	vadd.s32 v2, v35;
	_ =	sdelay $0x1  }
0x644: {  	[tilespmem:s29+$0x14370] =	vst v43  }
0x645: {  	v43 =	vld.idx.msk [tilespmem:v49+s4+$0x0], $0xffff;
	[tilespmem:s29+$0x14460] =	vst v41  }
0x646: {  	v52 =	vadd.s32 v8, v38;
	v41 =	vld.idx.msk [tilespmem:v54+s4+$0x0], $0xffff;
	[tilespmem:s29+$0x13E80] =	vst v45  }
0x647: {  	v57 =	vadd.s32 v9, v36;
	v45 =	vld.idx.msk [tilespmem:v59+s4+$0x0], $0xffff  }
0x648: {  	v62 =	vadd.s32 v3, v34;
	_ =	sdelay $0x1  }
0x649: {  	[tilespmem:s29+$0x16A70] =	vst v43  }
0x64a: {  	v43 =	vld.idx.msk [tilespmem:v52+s4+$0x0], $0xffff;
	[tilespmem:s29+$0x16B60] =	vst v41  }
0x64b: {  	v55 =	vadd.s32 v8, v39;
	v41 =	vld.idx.msk [tilespmem:v57+s4+$0x0], $0xffff;
	[tilespmem:s29+$0x16580] =	vst v45  }
0x64c: {  	v60 =	vadd.s32 v9, v37;
	v45 =	vld.idx.msk [tilespmem:v62+s4+$0x0], $0xffff  }
0x64d: {  	v49 =	vadd.s32 v3, v35;
	_ =	sdelay $0x1  }
0x64e: {  	[tilespmem:s29+$0x14470] =	vst v43  }
0x64f: {  	v43 =	vld.idx.msk [tilespmem:v55+s4+$0x0], $0xffff;
	[tilespmem:s29+$0x14560] =	vst v41  }
0x650: {  	v58 =	vadd.s32 v9, v38;
	v41 =	vld.idx.msk [tilespmem:v60+s4+$0x0], $0xffff;
	[tilespmem:s29+$0x13F80] =	vst v45  }
0x651: {  	v63 =	vadd.s32 v10, v36;
	v45 =	vld.idx.msk [tilespmem:v49+s4+$0x0], $0xffff  }
0x652: {  	v52 =	vadd.s32 v4, v34;
	_ =	sdelay $0x1  }
0x653: {  	[tilespmem:s29+$0x16B70] =	vst v43  }
0x654: {  	v43 =	vld.idx.msk [tilespmem:v58+s4+$0x0], $0xffff;
	[tilespmem:s29+$0x16C60] =	vst v41  }
0x655: {  	v61 =	vadd.s32 v9, v39;
	v41 =	vld.idx.msk [tilespmem:v63+s4+$0x0], $0xffff;
	[tilespmem:s29+$0x16680] =	vst v45  }
0x656: {  	v50 =	vadd.s32 v10, v37;
	v45 =	vld.idx.msk [tilespmem:v52+s4+$0x0], $0xffff  }
0x657: {  	v55 =	vadd.s32 v4, v35;
	_ =	sdelay $0x1  }
0x658: {  	[tilespmem:s29+$0x14570] =	vst v43  }
0x659: {  	v43 =	vld.idx.msk [tilespmem:v61+s4+$0x0], $0xffff;
	[tilespmem:s29+$0x14660] =	vst v41  }
0x65a: {  	v48 =	vadd.s32 v10, v38;
	v41 =	vld.idx.msk [tilespmem:v50+s4+$0x0], $0xffff;
	[tilespmem:s29+$0x14080] =	vst v45  }
0x65b: {  	v53 =	vadd.s32 v11, v36;
	v45 =	vld.idx.msk [tilespmem:v55+s4+$0x0], $0xffff  }
0x65c: {  	v58 =	vadd.s32 v5, v34;
	_ =	sdelay $0x1  }
0x65d: {  	[tilespmem:s29+$0x16C70] =	vst v43  }
0x65e: {  	v43 =	vld.idx.msk [tilespmem:v48+s4+$0x0], $0xffff;
	[tilespmem:s29+$0x16D60] =	vst v41  }
0x65f: {  	v51 =	vadd.s32 v10, v39;
	v41 =	vld.idx.msk [tilespmem:v53+s4+$0x0], $0xffff;
	[tilespmem:s29+$0x16780] =	vst v45  }
0x660: {  	v56 =	vadd.s32 v11, v37;
	v45 =	vld.idx.msk [tilespmem:v58+s4+$0x0], $0xffff  }
0x661: {  	v61 =	vadd.s32 v5, v35;
	_ =	sdelay $0x1  }
0x662: {  	[tilespmem:s29+$0x14670] =	vst v43  }
0x663: {  	v43 =	vld.idx.msk [tilespmem:v51+s4+$0x0], $0xffff;
	[tilespmem:s29+$0x14760] =	vst v41  }
0x664: {  	v54 =	vadd.s32 v11, v38;
	v41 =	vld.idx.msk [tilespmem:v56+s4+$0x0], $0xffff;
	[tilespmem:s29+$0x14180] =	vst v45  }
0x665: {  	v59 =	vadd.s32 v12, v36;
	v45 =	vld.idx.msk [tilespmem:v61+s4+$0x0], $0xffff  }
0x666: {  	v48 =	vadd.s32 v6, v34;
	_ =	sdelay $0x1  }
0x667: {  	[tilespmem:s29+$0x16D70] =	vst v43  }
0x668: {  	v43 =	vld.idx.msk [tilespmem:v54+s4+$0x0], $0xffff;
	[tilespmem:s29+$0x16E60] =	vst v41  }
0x669: {  	v57 =	vadd.s32 v11, v39;
	v41 =	vld.idx.msk [tilespmem:v59+s4+$0x0], $0xffff;
	[tilespmem:s29+$0x16880] =	vst v45  }
0x66a: {  	v62 =	vadd.s32 v12, v37;
	v45 =	vld.idx.msk [tilespmem:v48+s4+$0x0], $0xffff  }
0x66b: {  	v51 =	vadd.s32 v6, v35;
	_ =	sdelay $0x1  }
0x66c: {  	[tilespmem:s29+$0x14770] =	vst v43  }
0x66d: {  	v43 =	vld.idx.msk [tilespmem:v57+s4+$0x0], $0xffff;
	[tilespmem:s29+$0x14860] =	vst v41  }
0x66e: {  	v60 =	vadd.s32 v12, v38;
	v41 =	vld.idx.msk [tilespmem:v62+s4+$0x0], $0xffff;
	[tilespmem:s29+$0x14280] =	vst v45  }
0x66f: {  	v49 =	vadd.s32 v13, v36;
	v45 =	vld.idx.msk [tilespmem:v51+s4+$0x0], $0xffff  }
0x670: {  	v54 =	vadd.s32 v7, v34;
	_ =	sdelay $0x1  }
0x671: {  	[tilespmem:s29+$0x16E70] =	vst v43  }
0x672: {  	v43 =	vld.idx.msk [tilespmem:v60+s4+$0x0], $0xffff;
	[tilespmem:s29+$0x16F60] =	vst v41  }
0x673: {  	v63 =	vadd.s32 v12, v39;
	v41 =	vld.idx.msk [tilespmem:v49+s4+$0x0], $0xffff;
	[tilespmem:s29+$0x16980] =	vst v45  }
0x674: {  	v52 =	vadd.s32 v13, v37;
	v45 =	vld.idx.msk [tilespmem:v54+s4+$0x0], $0xffff  }
0x675: {  	v57 =	vadd.s32 v7, v35;
	_ =	sdelay $0x1  }
0x676: {  	[tilespmem:s29+$0x14870] =	vst v43  }
0x677: {  	v43 =	vld.idx.msk [tilespmem:v63+s4+$0x0], $0xffff;
	[tilespmem:s29+$0x14960] =	vst v41  }
0x678: {  	v50 =	vadd.s32 v13, v38;
	v41 =	vld.idx.msk [tilespmem:v52+s4+$0x0], $0xffff;
	[tilespmem:s29+$0x14380] =	vst v45  }
0x679: {  	v55 =	vadd.s32 v14, v36;
	v45 =	vld.idx.msk [tilespmem:v57+s4+$0x0], $0xffff  }
0x67a: {  	v60 =	vadd.s32 v8, v34;
	_ =	sdelay $0x1  }
0x67b: {  	[tilespmem:s29+$0x16F70] =	vst v43  }
0x67c: {  	v43 =	vld.idx.msk [tilespmem:v50+s4+$0x0], $0xffff;
	[tilespmem:s29+$0x17060] =	vst v41  }
0x67d: {  	v53 =	vadd.s32 v13, v39;
	v41 =	vld.idx.msk [tilespmem:v55+s4+$0x0], $0xffff;
	[tilespmem:s29+$0x16A80] =	vst v45  }
0x67e: {  	v58 =	vadd.s32 v14, v37;
	v45 =	vld.idx.msk [tilespmem:v60+s4+$0x0], $0xffff  }
0x67f: {  	v63 =	vadd.s32 v8, v35;
	_ =	sdelay $0x1  }
0x680: {  	[tilespmem:s29+$0x14970] =	vst v43  }
0x681: {  	v43 =	vld.idx.msk [tilespmem:v53+s4+$0x0], $0xffff;
	[tilespmem:s29+$0x14A60] =	vst v41  }
0x682: {  	v56 =	vadd.s32 v14, v38;
	v41 =	vld.idx.msk [tilespmem:v58+s4+$0x0], $0xffff;
	[tilespmem:s29+$0x14480] =	vst v45  }
0x683: {  	v61 =	vadd.s32 v15, v36;
	v45 =	vld.idx.msk [tilespmem:v63+s4+$0x0], $0xffff  }
0x684: {  	v50 =	vadd.s32 v9, v34;
	_ =	sdelay $0x1  }
0x685: {  	[tilespmem:s29+$0x17070] =	vst v43  }
0x686: {  	v43 =	vld.idx.msk [tilespmem:v56+s4+$0x0], $0xffff;
	[tilespmem:s29+$0x17160] =	vst v41  }
0x687: {  	v59 =	vadd.s32 v14, v39;
	v41 =	vld.idx.msk [tilespmem:v61+s4+$0x0], $0xffff;
	[tilespmem:s29+$0x16B80] =	vst v45  }
0x688: {  	v48 =	vadd.s32 v15, v37;
	v45 =	vld.idx.msk [tilespmem:v50+s4+$0x0], $0xffff  }
0x689: {  	v53 =	vadd.s32 v9, v35;
	_ =	sdelay $0x1  }
0x68a: {  	[tilespmem:s29+$0x14A70] =	vst v43  }
0x68b: {  	v43 =	vld.idx.msk [tilespmem:v59+s4+$0x0], $0xffff;
	[tilespmem:s29+$0x14B60] =	vst v41  }
0x68c: {  	v62 =	vadd.s32 v15, v38;
	v41 =	vld.idx.msk [tilespmem:v48+s4+$0x0], $0xffff;
	[tilespmem:s29+$0x14580] =	vst v45  }
0x68d: {  	v51 =	vadd.s32 v16, v36;
	v45 =	vld.idx.msk [tilespmem:v53+s4+$0x0], $0xffff  }
0x68e: {  	v56 =	vadd.s32 v10, v34;
	_ =	sdelay $0x1  }
0x68f: {  	[tilespmem:s29+$0x17170] =	vst v43  }
0x690: {  	v43 =	vld.idx.msk [tilespmem:v62+s4+$0x0], $0xffff;
	[tilespmem:s29+$0x17260] =	vst v41  }
0x691: {  	v49 =	vadd.s32 v15, v39;
	v41 =	vld.idx.msk [tilespmem:v51+s4+$0x0], $0xffff;
	[tilespmem:s29+$0x16C80] =	vst v45  }
0x692: {  	v54 =	vadd.s32 v16, v37;
	v45 =	vld.idx.msk [tilespmem:v56+s4+$0x0], $0xffff  }
0x693: {  	v59 =	vadd.s32 v10, v35;
	_ =	sdelay $0x1  }
0x694: {  	[tilespmem:s29+$0x14B70] =	vst v43  }
0x695: {  	v43 =	vld.idx.msk [tilespmem:v49+s4+$0x0], $0xffff;
	[tilespmem:s29+$0x14C60] =	vst v41  }
0x696: {  	v52 =	vadd.s32 v16, v38;
	v41 =	vld.idx.msk [tilespmem:v54+s4+$0x0], $0xffff;
	[tilespmem:s29+$0x14680] =	vst v45  }
0x697: {  	v57 =	vadd.s32 v17, v36;
	v45 =	vld.idx.msk [tilespmem:v59+s4+$0x0], $0xffff  }
0x698: {  	v62 =	vadd.s32 v11, v34;
	_ =	sdelay $0x1  }
0x699: {  	[tilespmem:s29+$0x17270] =	vst v43  }
0x69a: {  	v43 =	vld.idx.msk [tilespmem:v52+s4+$0x0], $0xffff;
	[tilespmem:s29+$0x17360] =	vst v41  }
0x69b: {  	v55 =	vadd.s32 v16, v39;
	v41 =	vld.idx.msk [tilespmem:v57+s4+$0x0], $0xffff;
	[tilespmem:s29+$0x16D80] =	vst v45  }
0x69c: {  	v60 =	vadd.s32 v17, v37;
	v45 =	vld.idx.msk [tilespmem:v62+s4+$0x0], $0xffff  }
0x69d: {  	v49 =	vadd.s32 v11, v35;
	_ =	sdelay $0x1  }
0x69e: {  	[tilespmem:s29+$0x14C70] =	vst v43  }
0x69f: {  	v43 =	vld.idx.msk [tilespmem:v55+s4+$0x0], $0xffff;
	[tilespmem:s29+$0x14D60] =	vst v41  }
0x6a0: {  	v58 =	vadd.s32 v17, v38;
	v41 =	vld.idx.msk [tilespmem:v60+s4+$0x0], $0xffff;
	[tilespmem:s29+$0x14780] =	vst v45  }
0x6a1: {  	v63 =	vadd.s32 v18, v36;
	v45 =	vld.idx.msk [tilespmem:v49+s4+$0x0], $0xffff  }
0x6a2: {  	v52 =	vadd.s32 v12, v34;
	_ =	sdelay $0x1  }
0x6a3: {  	[tilespmem:s29+$0x17370] =	vst v43  }
0x6a4: {  	v43 =	vld.idx.msk [tilespmem:v58+s4+$0x0], $0xffff;
	[tilespmem:s29+$0x17460] =	vst v41  }
0x6a5: {  	v61 =	vadd.s32 v17, v39;
	v41 =	vld.idx.msk [tilespmem:v63+s4+$0x0], $0xffff;
	[tilespmem:s29+$0x16E80] =	vst v45  }
0x6a6: {  	v50 =	vadd.s32 v18, v37;
	v45 =	vld.idx.msk [tilespmem:v52+s4+$0x0], $0xffff  }
0x6a7: {  	v55 =	vadd.s32 v12, v35;
	_ =	sdelay $0x1  }
0x6a8: {  	[tilespmem:s29+$0x14D70] =	vst v43  }
0x6a9: {  	v43 =	vld.idx.msk [tilespmem:v61+s4+$0x0], $0xffff;
	[tilespmem:s29+$0x14E60] =	vst v41  }
0x6aa: {  	v48 =	vadd.s32 v18, v38;
	v41 =	vld.idx.msk [tilespmem:v50+s4+$0x0], $0xffff;
	[tilespmem:s29+$0x14880] =	vst v45  }
0x6ab: {  	v53 =	vadd.s32 v19, v36;
	v45 =	vld.idx.msk [tilespmem:v55+s4+$0x0], $0xffff  }
0x6ac: {  	v58 =	vadd.s32 v13, v34;
	_ =	sdelay $0x1  }
0x6ad: {  	[tilespmem:s29+$0x17470] =	vst v43  }
0x6ae: {  	v43 =	vld.idx.msk [tilespmem:v48+s4+$0x0], $0xffff;
	[tilespmem:s29+$0x17560] =	vst v41  }
0x6af: {  	v51 =	vadd.s32 v18, v39;
	v41 =	vld.idx.msk [tilespmem:v53+s4+$0x0], $0xffff;
	[tilespmem:s29+$0x16F80] =	vst v45  }
0x6b0: {  	v56 =	vadd.s32 v19, v37;
	v45 =	vld.idx.msk [tilespmem:v58+s4+$0x0], $0xffff  }
0x6b1: {  	v61 =	vadd.s32 v13, v35;
	_ =	sdelay $0x1  }
0x6b2: {  	[tilespmem:s29+$0x14E70] =	vst v43  }
0x6b3: {  	v43 =	vld.idx.msk [tilespmem:v51+s4+$0x0], $0xffff;
	[tilespmem:s29+$0x14F60] =	vst v41  }
0x6b4: {  	v54 =	vadd.s32 v19, v38;
	v41 =	vld.idx.msk [tilespmem:v56+s4+$0x0], $0xffff;
	[tilespmem:s29+$0x14980] =	vst v45  }
0x6b5: {  	v59 =	vadd.s32 v20, v36;
	v45 =	vld.idx.msk [tilespmem:v61+s4+$0x0], $0xffff  }
0x6b6: {  	v48 =	vadd.s32 v14, v34;
	_ =	sdelay $0x1  }
0x6b7: {  	[tilespmem:s29+$0x17570] =	vst v43  }
0x6b8: {  	v43 =	vld.idx.msk [tilespmem:v54+s4+$0x0], $0xffff;
	[tilespmem:s29+$0x17660] =	vst v41  }
0x6b9: {  	v57 =	vadd.s32 v19, v39;
	v41 =	vld.idx.msk [tilespmem:v59+s4+$0x0], $0xffff;
	[tilespmem:s29+$0x17080] =	vst v45  }
0x6ba: {  	v62 =	vadd.s32 v20, v37;
	v45 =	vld.idx.msk [tilespmem:v48+s4+$0x0], $0xffff  }
0x6bb: {  	v51 =	vadd.s32 v14, v35;
	_ =	sdelay $0x1  }
0x6bc: {  	[tilespmem:s29+$0x14F70] =	vst v43  }
0x6bd: {  	v43 =	vld.idx.msk [tilespmem:v57+s4+$0x0], $0xffff;
	[tilespmem:s29+$0x15060] =	vst v41  }
0x6be: {  	v60 =	vadd.s32 v20, v38;
	v41 =	vld.idx.msk [tilespmem:v62+s4+$0x0], $0xffff;
	[tilespmem:s29+$0x14A80] =	vst v45  }
0x6bf: {  	v49 =	vadd.s32 v21, v36;
	v45 =	vld.idx.msk [tilespmem:v51+s4+$0x0], $0xffff  }
0x6c0: {  	v54 =	vadd.s32 v15, v34;
	_ =	sdelay $0x1  }
0x6c1: {  	[tilespmem:s29+$0x17670] =	vst v43  }
0x6c2: {  	v43 =	vld.idx.msk [tilespmem:v60+s4+$0x0], $0xffff;
	[tilespmem:s29+$0x17760] =	vst v41  }
0x6c3: {  	v63 =	vadd.s32 v20, v39;
	v41 =	vld.idx.msk [tilespmem:v49+s4+$0x0], $0xffff;
	[tilespmem:s29+$0x17180] =	vst v45  }
0x6c4: {  	v52 =	vadd.s32 v21, v37;
	v45 =	vld.idx.msk [tilespmem:v54+s4+$0x0], $0xffff  }
0x6c5: {  	v57 =	vadd.s32 v15, v35;
	_ =	sdelay $0x1  }
0x6c6: {  	[tilespmem:s29+$0x15070] =	vst v43  }
0x6c7: {  	v43 =	vld.idx.msk [tilespmem:v63+s4+$0x0], $0xffff;
	[tilespmem:s29+$0x15160] =	vst v41  }
0x6c8: {  	v50 =	vadd.s32 v21, v38;
	v41 =	vld.idx.msk [tilespmem:v52+s4+$0x0], $0xffff;
	[tilespmem:s29+$0x14B80] =	vst v45  }
0x6c9: {  	v55 =	vadd.s32 v22, v36;
	v45 =	vld.idx.msk [tilespmem:v57+s4+$0x0], $0xffff  }
0x6ca: {  	v60 =	vadd.s32 v16, v34;
	_ =	sdelay $0x1  }
0x6cb: {  	[tilespmem:s29+$0x17770] =	vst v43  }
0x6cc: {  	v43 =	vld.idx.msk [tilespmem:v50+s4+$0x0], $0xffff;
	[tilespmem:s29+$0x17860] =	vst v41  }
0x6cd: {  	v53 =	vadd.s32 v21, v39;
	v41 =	vld.idx.msk [tilespmem:v55+s4+$0x0], $0xffff;
	[tilespmem:s29+$0x17280] =	vst v45  }
0x6ce: {  	v58 =	vadd.s32 v22, v37;
	v45 =	vld.idx.msk [tilespmem:v60+s4+$0x0], $0xffff  }
0x6cf: {  	v63 =	vadd.s32 v16, v35;
	_ =	sdelay $0x1  }
0x6d0: {  	[tilespmem:s29+$0x15170] =	vst v43  }
0x6d1: {  	v43 =	vld.idx.msk [tilespmem:v53+s4+$0x0], $0xffff;
	[tilespmem:s29+$0x15260] =	vst v41  }
0x6d2: {  	v56 =	vadd.s32 v22, v38;
	v41 =	vld.idx.msk [tilespmem:v58+s4+$0x0], $0xffff;
	[tilespmem:s29+$0x14C80] =	vst v45  }
0x6d3: {  	v61 =	vadd.s32 v23, v36;
	v45 =	vld.idx.msk [tilespmem:v63+s4+$0x0], $0xffff  }
0x6d4: {  	v50 =	vadd.s32 v17, v34;
	_ =	sdelay $0x1  }
0x6d5: {  	[tilespmem:s29+$0x17870] =	vst v43  }
0x6d6: {  	v43 =	vld.idx.msk [tilespmem:v56+s4+$0x0], $0xffff;
	[tilespmem:s29+$0x17960] =	vst v41  }
0x6d7: {  	v59 =	vadd.s32 v22, v39;
	v41 =	vld.idx.msk [tilespmem:v61+s4+$0x0], $0xffff;
	[tilespmem:s29+$0x17380] =	vst v45  }
0x6d8: {  	v48 =	vadd.s32 v23, v37;
	v45 =	vld.idx.msk [tilespmem:v50+s4+$0x0], $0xffff  }
0x6d9: {  	v53 =	vadd.s32 v17, v35;
	_ =	sdelay $0x1  }
0x6da: {  	[tilespmem:s29+$0x15270] =	vst v43  }
0x6db: {  	v43 =	vld.idx.msk [tilespmem:v59+s4+$0x0], $0xffff;
	[tilespmem:s29+$0x15360] =	vst v41  }
0x6dc: {  	v62 =	vadd.s32 v23, v38;
	v41 =	vld.idx.msk [tilespmem:v48+s4+$0x0], $0xffff;
	[tilespmem:s29+$0x14D80] =	vst v45  }
0x6dd: {  	v51 =	vadd.s32 v24, v36;
	v45 =	vld.idx.msk [tilespmem:v53+s4+$0x0], $0xffff  }
0x6de: {  	v56 =	vadd.s32 v18, v34;
	_ =	sdelay $0x1  }
0x6df: {  	[tilespmem:s29+$0x17970] =	vst v43  }
0x6e0: {  	v43 =	vld.idx.msk [tilespmem:v62+s4+$0x0], $0xffff;
	[tilespmem:s29+$0x17A60] =	vst v41  }
0x6e1: {  	v49 =	vadd.s32 v23, v39;
	v41 =	vld.idx.msk [tilespmem:v51+s4+$0x0], $0xffff;
	[tilespmem:s29+$0x17480] =	vst v45  }
0x6e2: {  	v54 =	vadd.s32 v24, v37;
	v45 =	vld.idx.msk [tilespmem:v56+s4+$0x0], $0xffff  }
0x6e3: {  	v59 =	vadd.s32 v18, v35;
	_ =	sdelay $0x1  }
0x6e4: {  	[tilespmem:s29+$0x15370] =	vst v43  }
0x6e5: {  	v43 =	vld.idx.msk [tilespmem:v49+s4+$0x0], $0xffff;
	[tilespmem:s29+$0x15460] =	vst v41  }
0x6e6: {  	v52 =	vadd.s32 v24, v38;
	v41 =	vld.idx.msk [tilespmem:v54+s4+$0x0], $0xffff;
	[tilespmem:s29+$0x14E80] =	vst v45  }
0x6e7: {  	v57 =	vadd.s32 v25, v36;
	v45 =	vld.idx.msk [tilespmem:v59+s4+$0x0], $0xffff  }
0x6e8: {  	v62 =	vadd.s32 v19, v34;
	_ =	sdelay $0x1  }
0x6e9: {  	[tilespmem:s29+$0x17A70] =	vst v43  }
0x6ea: {  	v43 =	vld.idx.msk [tilespmem:v52+s4+$0x0], $0xffff;
	[tilespmem:s29+$0x17B60] =	vst v41  }
0x6eb: {  	v55 =	vadd.s32 v24, v39;
	v41 =	vld.idx.msk [tilespmem:v57+s4+$0x0], $0xffff;
	[tilespmem:s29+$0x17580] =	vst v45  }
0x6ec: {  	v60 =	vadd.s32 v25, v37;
	v45 =	vld.idx.msk [tilespmem:v62+s4+$0x0], $0xffff  }
0x6ed: {  	v49 =	vadd.s32 v19, v35;
	_ =	sdelay $0x1  }
0x6ee: {  	[tilespmem:s29+$0x15470] =	vst v43  }
0x6ef: {  	v43 =	vld.idx.msk [tilespmem:v55+s4+$0x0], $0xffff;
	[tilespmem:s29+$0x15560] =	vst v41  }
0x6f0: {  	v58 =	vadd.s32 v25, v38;
	v41 =	vld.idx.msk [tilespmem:v60+s4+$0x0], $0xffff;
	[tilespmem:s29+$0x14F80] =	vst v45  }
0x6f1: {  	v63 =	vadd.s32 v26, v36;
	v46 =	vld.idx.msk [tilespmem:v49+s4+$0x0], $0xffff  }
0x6f2: {  	v47 =	vadd.s32 v20, v34;
	_ =	sdelay $0x1  }
0x6f3: {  	[tilespmem:s29+$0x17B70] =	vst v43  }
0x6f4: {  	v43 =	vld.idx.msk [tilespmem:v58+s4+$0x0], $0xffff;
	[tilespmem:s29+$0x17C60] =	vst v41  }
0x6f5: {  	v61 =	vadd.s32 v25, v39;
	v42 =	vld.idx.msk [tilespmem:v63+s4+$0x0], $0xffff;
	[tilespmem:s29+$0x17680] =	vst v46  }
0x6f6: {  	v51 =	vadd.s32 v26, v37;
	v46 =	vld.idx.msk [tilespmem:v47+s4+$0x0], $0xffff  }
0x6f7: {  	v56 =	vadd.s32 v20, v35;
	_ =	sdelay $0x1  }
0x6f8: {  	[tilespmem:s29+$0x15570] =	vst v43  }
0x6f9: {  	v43 =	vld.idx.msk [tilespmem:v61+s4+$0x0], $0xffff;
	[tilespmem:s29+$0x15660] =	vst v42  }
0x6fa: {  	v48 =	vadd.s32 v26, v38;
	v42 =	vld.idx.msk [tilespmem:v51+s4+$0x0], $0xffff;
	[tilespmem:s29+$0x15080] =	vst v46  }
0x6fb: {  	v54 =	vadd.s32 v27, v36;
	v46 =	vld.idx.msk [tilespmem:v56+s4+$0x0], $0xffff  }
0x6fc: {  	v60 =	vadd.s32 v21, v34;
	_ =	sdelay $0x1  }
0x6fd: {  	[tilespmem:s29+$0x17C70] =	vst v43  }
0x6fe: {  	v50 =	vadd.s32 v26, v32;
	v44 =	vld.idx.msk [tilespmem:v48+s4+$0x0], $0xffff;
	[tilespmem:s29+$0x17D60] =	vst v42  }
0x6ff: {  	v52 =	vadd.s32 v26, v39;
	v42 =	vld.idx.msk [tilespmem:v54+s4+$0x0], $0xffff;
	[tilespmem:s29+$0x17780] =	vst v46  }
0x700: {  	v58 =	vadd.s32 v27, v37;
	v46 =	vld.idx.msk [tilespmem:v60+s4+$0x0], $0xffff  }
0x701: {  	v48 =	vadd.s32 v21, v35  }
0x702: {  	[tilespmem:s29+$0x15650] =	vst v40  }
0x703: {  	v40 =	vld.idx.msk [tilespmem:v50+s4+$0x0], $0xffff;
	[tilespmem:s29+$0x15670] =	vst v44  }
0x704: {  	v53 =	vadd.s32 v27, v33;
	v44 =	vld.idx.msk [tilespmem:v52+s4+$0x0], $0xffff;
	[tilespmem:s29+$0x15760] =	vst v42  }
0x705: {  	v55 =	vadd.s32 v27, v38;
	v42 =	vld.idx.msk [tilespmem:v58+s4+$0x0], $0xffff;
	[tilespmem:s29+$0x15180] =	vst v46  }
0x706: {  	v62 =	vadd.s32 v28, v36;
	v46 =	vld.idx.msk [tilespmem:v48+s4+$0x0], $0xffff  }
0x707: {  	v52 =	vadd.s32 v22, v34  }
0x708: {  	[tilespmem:s29+$0x17D50] =	vst v40  }
0x709: {  	v40 =	vld.idx.msk [tilespmem:v53+s4+$0x0], $0xffff;
	[tilespmem:s29+$0x17D70] =	vst v44  }
0x70a: {  	v57 =	vadd.s32 v27, v32;
	v44 =	vld.idx.msk [tilespmem:v55+s4+$0x0], $0xffff;
	[tilespmem:s29+$0x17E60] =	vst v42  }
0x70b: {  	v59 =	vadd.s32 v27, v39;
	v42 =	vld.idx.msk [tilespmem:v62+s4+$0x0], $0xffff;
	[tilespmem:s29+$0x17880] =	vst v46  }
0x70c: {  	v50 =	vadd.s32 v28, v37;
	v46 =	vld.idx.msk [tilespmem:v52+s4+$0x0], $0xffff  }
0x70d: {  	v56 =	vadd.s32 v22, v35  }
0x70e: {  	[tilespmem:s29+$0x15750] =	vst v40  }
0x70f: {  	v40 =	vld.idx.msk [tilespmem:v57+s4+$0x0], $0xffff;
	[tilespmem:s29+$0x15770] =	vst v44  }
0x710: {  	v61 =	vadd.s32 v28, v33;
	v44 =	vld.idx.msk [tilespmem:v59+s4+$0x0], $0xffff;
	[tilespmem:s29+$0x15860] =	vst v42  }
0x711: {  	v63 =	vadd.s32 v28, v38;
	v42 =	vld.idx.msk [tilespmem:v50+s4+$0x0], $0xffff;
	[tilespmem:s29+$0x15280] =	vst v46  }
0x712: {  	v54 =	vadd.s32 v29, v36;
	v46 =	vld.idx.msk [tilespmem:v56+s4+$0x0], $0xffff  }
0x713: {  	v60 =	vadd.s32 v23, v34  }
0x714: {  	[tilespmem:s29+$0x17E50] =	vst v40  }
0x715: {  	v40 =	vld.idx.msk [tilespmem:v61+s4+$0x0], $0xffff;
	[tilespmem:s29+$0x17E70] =	vst v44  }
0x716: {  	v49 =	vadd.s32 v28, v32;
	v44 =	vld.idx.msk [tilespmem:v63+s4+$0x0], $0xffff;
	[tilespmem:s29+$0x17F60] =	vst v42  }
0x717: {  	v51 =	vadd.s32 v28, v39;
	v42 =	vld.idx.msk [tilespmem:v54+s4+$0x0], $0xffff;
	[tilespmem:s29+$0x17980] =	vst v46  }
0x718: {  	v58 =	vadd.s32 v29, v37;
	v46 =	vld.idx.msk [tilespmem:v60+s4+$0x0], $0xffff  }
0x719: {  	v48 =	vadd.s32 v23, v35  }
0x71a: {  	[tilespmem:s29+$0x15850] =	vst v40  }
0x71b: {  	v40 =	vld.idx.msk [tilespmem:v49+s4+$0x0], $0xffff;
	[tilespmem:s29+$0x15870] =	vst v44  }
0x71c: {  	v53 =	vadd.s32 v29, v33;
	v44 =	vld.idx.msk [tilespmem:v51+s4+$0x0], $0xffff;
	[tilespmem:s29+$0x15960] =	vst v42  }
0x71d: {  	v55 =	vadd.s32 v29, v38;
	v42 =	vld.idx.msk [tilespmem:v58+s4+$0x0], $0xffff;
	[tilespmem:s29+$0x15380] =	vst v46  }
0x71e: {  	v62 =	vadd.s32 v30, v36;
	v46 =	vld.idx.msk [tilespmem:v48+s4+$0x0], $0xffff  }
0x71f: {  	v52 =	vadd.s32 v24, v34  }
0x720: {  	[tilespmem:s29+$0x17F50] =	vst v40  }
0x721: {  	v40 =	vld.idx.msk [tilespmem:v53+s4+$0x0], $0xffff;
	[tilespmem:s29+$0x17F70] =	vst v44  }
0x722: {  	v44 =	vld.idx.msk [tilespmem:v55+s4+$0x0], $0xffff;
	[tilespmem:s29+$0x18060] =	vst v42  }
0x723: {  	v57 =	vadd.s32 v29, v32;
	v42 =	vld.idx.msk [tilespmem:v62+s4+$0x0], $0xffff;
	[tilespmem:s29+$0x17A80] =	vst v46  }
0x724: {  	v50 =	vadd.s32 v30, v37;
	v55 =	vld.idx.msk [tilespmem:v52+s4+$0x0], $0xffff  }
0x725: {  	v56 =	vadd.s32 v24, v35;
	_ =	sdelay $0x1  }
0x726: {  	[tilespmem:s29+$0x15950] =	vst v40  }
0x727: {  	v40 =	vld.idx.msk [tilespmem:v57+s4+$0x0], $0xffff;
	[tilespmem:s29+$0x15A60] =	vst v42  }
0x728: {  	v61 =	vadd.s32 v30, v33;
	v53 =	vld.idx.msk [tilespmem:v50+s4+$0x0], $0xffff;
	[tilespmem:s29+$0x15480] =	vst v55  }
0x729: {  	v36 =	vadd.s32 v31, v36;
	v57 =	vld.idx.msk [tilespmem:v56+s4+$0x0], $0xffff  }
0x72a: {  	v58 =	vadd.s32 v25, v34;
	_ =	sdelay $0x1  }
0x72b: {  	[tilespmem:s29+$0x18050] =	vst v40  }
0x72c: {  	v40 =	vld.idx.msk [tilespmem:v61+s4+$0x0], $0xffff;
	[tilespmem:s29+$0x18160] =	vst v53  }
0x72d: {  	v59 =	vadd.s32 v29, v39;
	v36 =	vld.idx.msk [tilespmem:v36+s4+$0x0], $0xffff;
	[tilespmem:s29+$0x17B80] =	vst v57  }
0x72e: {  	v37 =	vadd.s32 v31, v37;
	v61 =	vld.idx.msk [tilespmem:v58+s4+$0x0], $0xffff  }
0x72f: {  	v62 =	vadd.s32 v25, v35;
	_ =	sdelay $0x1  }
0x730: {  	[tilespmem:s29+$0x15970] =	vst v44  }
0x731: {  	v44 =	vld.idx.msk [tilespmem:v59+s4+$0x0], $0xffff;
	[tilespmem:s29+$0x15B60] =	vst v36  }
0x732: {  	v59 =	vld.idx.msk [tilespmem:v37+s4+$0x0], $0xffff;
	[tilespmem:s29+$0x15580] =	vst v61  }
0x733: {  	v37 =	vld.idx.msk [tilespmem:v62+s4+$0x0], $0xffff  }
0x734: {  	v42 =	vadd.s32 v26, v34  }
0x735: {  	v49 =	vadd.s32 v30, v32  }
0x736: {  	v63 =	vadd.s32 v30, v38;
	_ =	sdelay $0x1  }
0x737: {  	[tilespmem:s29+$0x17C80] =	vst v37  }
0x738: {  	[tilespmem:s29+$0x15A50] =	vst v40;
	v37 =	vld.idx.msk [tilespmem:v42+s4+$0x0], $0xffff  }
0x739: {  	v40 =	vld.idx.msk [tilespmem:v49+s4+$0x0], $0xffff;
	[tilespmem:s29+$0x18070] =	vst v44;
	v46 =	vadd.s32 v26, v35  }
0x73a: {  	v33 =	vadd.s32 v31, v33;
	v44 =	vld.idx.msk [tilespmem:v63+s4+$0x0], $0xffff  }
0x73b: {  	v51 =	vadd.s32 v30, v39;
	_ =	sdelay $0x1  }
0x73c: {  	[tilespmem:s29+$0x15680] =	vst v37  }
0x73d: {  	[tilespmem:s29+$0x18150] =	vst v40;
	v37 =	vld.idx.msk [tilespmem:v46+s4+$0x0], $0xffff  }
0x73e: {  	v33 =	vld.idx.msk [tilespmem:v33+s4+$0x0], $0xffff;
	[tilespmem:s29+$0x15A70] =	vst v44;
	v50 =	vadd.s32 v27, v34  }
0x73f: {  	v32 =	vadd.s32 v31, v32;
	v54 =	vld.idx.msk [tilespmem:v51+s4+$0x0], $0xffff  }
0x740: {  	v41 =	vld [tilespmem:s29+$0xDF70]  }
0x741: {  	v43 =	vld [tilespmem:s29+$0xE750]  }
0x742: {  	v47 =	vld [tilespmem:s29+$0xE050];
	[tilespmem:s29+$0x17D80] =	vst v37  }
0x743: {  	[tilespmem:s29+$0x15B50] =	vst v33;
	v37 =	vld.idx.msk [tilespmem:v50+s4+$0x0], $0xffff  }
0x744: {  	v32 =	vld.idx.msk [tilespmem:v32+s4+$0x0], $0xffff;
	[tilespmem:s29+$0x18170] =	vst v54;
	v54 =	vadd.s32 v27, v35  }
0x745: {  	v63 =	vld [tilespmem:s29+$0xDF50]  }
0x746: {  	[tilespmem:s29+$0x18350] =	vst v43;
	v51 =	vld [tilespmem:s29+$0xE850]  }
0x747: {  	v38 =	vadd.s32 v31, v38;
	[tilespmem:s29+$0x15D50] =	vst v47;
	v43 =	vld [tilespmem:s29+$0xEA50]  }
0x748: {  	v47 =	vld [tilespmem:s29+$0xE350];
	[tilespmem:s29+$0x15780] =	vst v37  }
0x749: {  	[tilespmem:s29+$0x18250] =	vst v32;
	v37 =	vld.idx.msk [tilespmem:v54+s4+$0x0], $0xffff  }
0x74a: {  	[tilespmem:s29+$0x15C50] =	vst v63;
	v63 =	vld [tilespmem:s29+$0xE250];
	v58 =	vadd.s32 v28, v34  }
0x74b: {  	[tilespmem:s29+$0x18450] =	vst v51;
	v51 =	vld [tilespmem:s29+$0xEB50]  }
0x74c: {  	[tilespmem:s29+$0x18650] =	vst v43;
	v38 =	vld.idx.msk [tilespmem:v38+s4+$0x0], $0xffff  }
0x74d: {  	[tilespmem:s29+$0x16050] =	vst v47;
	v55 =	vld [tilespmem:s29+$0xE150]  }
0x74e: {  	v40 =	vld [tilespmem:s29+$0xDF60];
	[tilespmem:s29+$0x17E80] =	vst v37  }
0x74f: {  	v39 =	vadd.s32 v31, v39;
	[tilespmem:s29+$0x15F50] =	vst v63;
	v37 =	vld.idx.msk [tilespmem:v58+s4+$0x0], $0xffff  }
0x750: {  	v45 =	vld [tilespmem:s29+$0xE770];
	[tilespmem:s29+$0x18750] =	vst v51;
	v62 =	vadd.s32 v28, v35  }
0x751: {  	v44 =	vld [tilespmem:s29+$0xE760];
	[tilespmem:s29+$0x15B70] =	vst v38  }
0x752: {  	v49 =	vld [tilespmem:s29+$0xE070];
	[tilespmem:s29+$0x15E50] =	vst v55  }
0x753: {  	v48 =	vld [tilespmem:s29+$0xE060];
	[tilespmem:s29+$0x15C60] =	vst v40  }
0x754: {  	v60 =	vld.idx.msk [tilespmem:v39+s4+$0x0], $0xffff;
	[tilespmem:s29+$0x15880] =	vst v37  }
0x755: {  	[tilespmem:s29+$0x15C70] =	vst v41;
	v37 =	vld.idx.msk [tilespmem:v62+s4+$0x0], $0xffff  }
0x756: {  	v52 =	vld [tilespmem:s29+$0xE860];
	[tilespmem:s29+$0x18360] =	vst v44;
	v42 =	vadd.s32 v29, v34  }
0x757: {  	v53 =	vld [tilespmem:s29+$0xE870];
	[tilespmem:s29+$0x18370] =	vst v45  }
0x758: {  	v56 =	vld [tilespmem:s29+$0xE160];
	[tilespmem:s29+$0x15D60] =	vst v48  }
0x759: {  	v63 =	vld [tilespmem:s29+$0xE570];
	[tilespmem:s29+$0x15D70] =	vst v49  }
0x75a: {  	v55 =	vld [tilespmem:s29+$0xE450];
	[tilespmem:s29+$0x17F80] =	vst v37  }
0x75b: {  	[tilespmem:s29+$0x18460] =	vst v52;
	v37 =	vld.idx.msk [tilespmem:v42+s4+$0x0], $0xffff  }
0x75c: {  	[tilespmem:s29+$0x18470] =	vst v53;
	v46 =	vadd.s32 v29, v35  }
0x75d: {  	[tilespmem:s29+$0x15E60] =	vst v56  }
0x75e: {  	v57 =	vld [tilespmem:s29+$0xE170];
	[tilespmem:s29+$0x16270] =	vst v63  }
0x75f: {  	v40 =	vld [tilespmem:s29+$0xE260];
	[tilespmem:s29+$0x16150] =	vst v55  }
0x760: {  	v41 =	vld [tilespmem:s29+$0xE270];
	[tilespmem:s29+$0x15980] =	vst v37  }
0x761: {  	[tilespmem:s29+$0x18260] =	vst v59;
	v37 =	vld.idx.msk [tilespmem:v46+s4+$0x0], $0xffff  }
0x762: {  	v44 =	vld [tilespmem:s29+$0xEA60];
	[tilespmem:s29+$0x18270] =	vst v60;
	v50 =	vadd.s32 v30, v34  }
0x763: {  	v45 =	vld [tilespmem:s29+$0xEA70];
	[tilespmem:s29+$0x15E70] =	vst v57  }
0x764: {  	v48 =	vld [tilespmem:s29+$0xE360];
	[tilespmem:s29+$0x15F60] =	vst v40  }
0x765: {  	v49 =	vld [tilespmem:s29+$0xE370];
	[tilespmem:s29+$0x15F70] =	vst v41  }
0x766: {  	v52 =	vld [tilespmem:s29+$0xEB60];
	[tilespmem:s29+$0x18080] =	vst v37  }
0x767: {  	[tilespmem:s29+$0x18660] =	vst v44;
	v37 =	vld.idx.msk [tilespmem:v50+s4+$0x0], $0xffff  }
0x768: {  	v53 =	vld [tilespmem:s29+$0xEB70];
	[tilespmem:s29+$0x18670] =	vst v45;
	v54 =	vadd.s32 v30, v35  }
0x769: {  	v56 =	vld [tilespmem:s29+$0xE460];
	[tilespmem:s29+$0x16060] =	vst v48  }
0x76a: {  	v59 =	vld [tilespmem:s29+$0xE950];
	[tilespmem:s29+$0x16070] =	vst v49  }
0x76b: {  	v60 =	vld [tilespmem:s29+$0xE960];
	[tilespmem:s29+$0x18760] =	vst v52  }
0x76c: {  	v57 =	vld [tilespmem:s29+$0xE470];
	[tilespmem:s29+$0x15A80] =	vst v37  }
0x76d: {  	[tilespmem:s29+$0x18770] =	vst v53;
	v37 =	vld.idx.msk [tilespmem:v54+s4+$0x0], $0xffff  }
0x76e: {  	[tilespmem:s29+$0x16160] =	vst v56;
	v40 =	vld [tilespmem:s29+$0xED50];
	v34 =	vadd.s32 v31, v34  }
0x76f: {  	v61 =	vld [tilespmem:s29+$0xE970];
	[tilespmem:s29+$0x18550] =	vst v59  }
0x770: {  	v41 =	vld [tilespmem:s29+$0xED60];
	[tilespmem:s29+$0x18560] =	vst v60  }
0x771: {  	v59 =	vld [tilespmem:s29+$0xEC60];
	[tilespmem:s29+$0x16170] =	vst v57  }
0x772: {  	v60 =	vld [tilespmem:s29+$0xEC70];
	[tilespmem:s29+$0x18180] =	vst v37  }
0x773: {  	[tilespmem:s29+$0x18950] =	vst v40;
	v34 =	vld.idx.msk [tilespmem:v34+s4+$0x0], $0xffff  }
0x774: {  	[tilespmem:s29+$0x18570] =	vst v61;
	v61 =	vld [tilespmem:s29+$0xE550];
	v35 =	vadd.s32 v31, v35  }
0x775: {  	[tilespmem:s29+$0x18960] =	vst v41;
	v58 =	vld [tilespmem:s29+$0xEC50]  }
0x776: {  	[tilespmem:s29+$0x18860] =	vst v59;
	v62 =	vld [tilespmem:s29+$0xE560]  }
0x777: {  	[tilespmem:s29+$0x18870] =	vst v60;
	v42 =	vld [tilespmem:s29+$0xED70]  }
0x778: {  	v43 =	vld [tilespmem:s29+$0xDF80];
	[tilespmem:s29+$0x15B80] =	vst v34  }
0x779: {  	[tilespmem:s29+$0x16250] =	vst v61;
	v34 =	vld.idx.msk [tilespmem:v35+s4+$0x0], $0xffff  }
0x77a: {  	[tilespmem:s29+$0x18850] =	vst v58  }
0x77b: {  	[tilespmem:s29+$0x16260] =	vst v62  }
0x77c: {  	[tilespmem:s29+$0x18970] =	vst v42  }
0x77d: {  	[tilespmem:s29+$0x15C80] =	vst v43  }
0x77e: {  	[tilespmem:s29+$0x18280] =	vst v34  }
0x77f: {  	v32 =	vld [tilespmem:s29+$0xE780]  }
0x780: {  	v44 =	vld [tilespmem:s29+$0xDE90]  }
0x781: {  	v45 =	vld [tilespmem:s29+$0xDEA0]  }
0x782: {  	v46 =	vld [tilespmem:s29+$0xDEB0]  }
0x783: {  	v47 =	vld [tilespmem:s29+$0xE690]  }
0x784: {  	v48 =	vld [tilespmem:s29+$0xE6A0]  }
0x785: {  	v33 =	vtrunc.f32 v44  }
0x786: {  	v49 =	vld [tilespmem:s29+$0xE6B0];
	v34 =	vtrunc.f32 v45;
	v33 =	vcvt.f32.s32 v33  }
0x787: {  	v34 =	vcvt.f32.s32 v34  }
0x788: {  	v35 =	vtrunc.f32 v46;
	v36 =	vtrunc.f32 v47;
	vm10 =	vgt.s32 v33, $0x0  }
0x789: {  	v37 =	vtrunc.f32 v48;
	vm11 =	vgt.s32 v34, $0x0;
	v33 =	vnsel vm10, $0x0, v33  }
0x78a: {  	v35 =	vcvt.f32.s32 v35;
	v34 =	vnsel vm11, $0x0, v34;
	v33 =	vmin.u32 v33, $0x18F  }
0x78b: {  	v38 =	vtrunc.f32 v49;
	v34 =	vmin.u32 v34, $0x18F;
	v33 =	vmul.u32 $0x84, v33  }
0x78c: {  	v36 =	vcvt.f32.s32 v36;
	vm12 =	vgt.s32 v35, $0x0;
	v34 =	vmul.u32 $0x84, v34  }
0x78d: {  	v37 =	vcvt.f32.s32 v37;
	v35 =	vnsel vm12, $0x0, v35;
	v50 =	vadd.s32 v0, v33  }
0x78e: {  	vm13 =	vgt.s32 v36, $0x0;
	v35 =	vmin.u32 v35, $0x18F;
	v51 =	vadd.s32 v0, v34  }
0x78f: {  	vm14 =	vgt.s32 v37, $0x0;
	v36 =	vnsel vm13, $0x0, v36;
	v35 =	vmul.u32 $0x84, v35  }
0x790: {  	v38 =	vcvt.f32.s32 v38;
	v37 =	vnsel vm14, $0x0, v37;
	v36 =	vmin.u32 v36, $0x18F  }
0x791: {  	v37 =	vmin.u32 v37, $0x18F;
	v36 =	vmul.u32 $0x84, v36;
	v52 =	vadd.s32 v0, v35  }
0x792: {  	vm15 =	vgt.s32 v38, $0x0;
	v37 =	vmul.u32 $0x84, v37;
	v39 =	vld.idx.msk [tilespmem:v50+s4+$0x0], $0xffff  }
0x793: {  	v38 =	vnsel vm15, $0x0, v38;
	v53 =	vadd.s32 v0, v36;
	v40 =	vld.idx.msk [tilespmem:v51+s4+$0x0], $0xffff  }
0x794: {  	v38 =	vmin.u32 v38, $0x18F;
	v54 =	vadd.s32 v0, v37  }
0x795: {  	v38 =	vmul.u32 $0x84, v38  }
0x796: {  	v41 =	vld.idx.msk [tilespmem:v52+s4+$0x0], $0xffff  }
0x797: {  	v55 =	vadd.s32 v0, v38;
	[tilespmem:s29+$0x13C90] =	vst v39  }
0x798: {  	[tilespmem:s29+$0x13CA0] =	vst v40;
	v39 =	vld.idx.msk [tilespmem:v53+s4+$0x0], $0xffff  }
0x799: {  	v56 =	vadd.s32 v1, v33;
	v57 =	vld.idx.msk [tilespmem:v54+s4+$0x0], $0xffff  }
0x79a: {  	v58 =	vadd.s32 v1, v34  }
0x79b: {  	[tilespmem:s29+$0x13CB0] =	vst v41  }
0x79c: {  	v59 =	vld.idx.msk [tilespmem:v55+s4+$0x0], $0xffff  }
0x79d: {  	v60 =	vadd.s32 v1, v35;
	[tilespmem:s29+$0x16390] =	vst v39  }
0x79e: {  	[tilespmem:s29+$0x163A0] =	vst v57;
	v39 =	vld.idx.msk [tilespmem:v56+s4+$0x0], $0xffff  }
0x79f: {  	v61 =	vadd.s32 v1, v36;
	v41 =	vld.idx.msk [tilespmem:v58+s4+$0x0], $0xffff  }
0x7a0: {  	v62 =	vadd.s32 v1, v37  }
0x7a1: {  	[tilespmem:s29+$0x163B0] =	vst v59  }
0x7a2: {  	v43 =	vld.idx.msk [tilespmem:v60+s4+$0x0], $0xffff  }
0x7a3: {  	v63 =	vadd.s32 v1, v38;
	[tilespmem:s29+$0x13D90] =	vst v39  }
0x7a4: {  	[tilespmem:s29+$0x13DA0] =	vst v41;
	v39 =	vld.idx.msk [tilespmem:v61+s4+$0x0], $0xffff  }
0x7a5: {  	v48 =	vadd.s32 v2, v33;
	v41 =	vld.idx.msk [tilespmem:v62+s4+$0x0], $0xffff  }
0x7a6: {  	v49 =	vadd.s32 v2, v34  }
0x7a7: {  	[tilespmem:s29+$0x13DB0] =	vst v43  }
0x7a8: {  	v43 =	vld.idx.msk [tilespmem:v63+s4+$0x0], $0xffff  }
0x7a9: {  	v50 =	vadd.s32 v2, v35;
	[tilespmem:s29+$0x16490] =	vst v39  }
0x7aa: {  	[tilespmem:s29+$0x164A0] =	vst v41;
	v39 =	vld.idx.msk [tilespmem:v48+s4+$0x0], $0xffff  }
0x7ab: {  	v51 =	vadd.s32 v2, v36;
	v41 =	vld.idx.msk [tilespmem:v49+s4+$0x0], $0xffff  }
0x7ac: {  	v52 =	vadd.s32 v2, v37  }
0x7ad: {  	[tilespmem:s29+$0x164B0] =	vst v43  }
0x7ae: {  	v43 =	vld.idx.msk [tilespmem:v50+s4+$0x0], $0xffff  }
0x7af: {  	v53 =	vadd.s32 v2, v38;
	[tilespmem:s29+$0x13E90] =	vst v39  }
0x7b0: {  	[tilespmem:s29+$0x13EA0] =	vst v41;
	v39 =	vld.idx.msk [tilespmem:v51+s4+$0x0], $0xffff  }
0x7b1: {  	v54 =	vadd.s32 v3, v33;
	v41 =	vld.idx.msk [tilespmem:v52+s4+$0x0], $0xffff  }
0x7b2: {  	v55 =	vadd.s32 v3, v34  }
0x7b3: {  	[tilespmem:s29+$0x13EB0] =	vst v43  }
0x7b4: {  	v43 =	vld.idx.msk [tilespmem:v53+s4+$0x0], $0xffff  }
0x7b5: {  	v56 =	vadd.s32 v3, v35;
	[tilespmem:s29+$0x16590] =	vst v39  }
0x7b6: {  	[tilespmem:s29+$0x165A0] =	vst v41;
	v39 =	vld.idx.msk [tilespmem:v54+s4+$0x0], $0xffff  }
0x7b7: {  	v57 =	vadd.s32 v3, v36;
	v41 =	vld.idx.msk [tilespmem:v55+s4+$0x0], $0xffff  }
0x7b8: {  	v58 =	vadd.s32 v3, v37  }
0x7b9: {  	[tilespmem:s29+$0x165B0] =	vst v43  }
0x7ba: {  	v43 =	vld.idx.msk [tilespmem:v56+s4+$0x0], $0xffff  }
0x7bb: {  	v59 =	vadd.s32 v3, v38;
	[tilespmem:s29+$0x13F90] =	vst v39  }
0x7bc: {  	[tilespmem:s29+$0x13FA0] =	vst v41;
	v39 =	vld.idx.msk [tilespmem:v57+s4+$0x0], $0xffff  }
0x7bd: {  	v60 =	vadd.s32 v4, v33;
	v41 =	vld.idx.msk [tilespmem:v58+s4+$0x0], $0xffff  }
0x7be: {  	v61 =	vadd.s32 v4, v34  }
0x7bf: {  	[tilespmem:s29+$0x13FB0] =	vst v43  }
0x7c0: {  	v43 =	vld.idx.msk [tilespmem:v59+s4+$0x0], $0xffff  }
0x7c1: {  	v62 =	vadd.s32 v4, v35;
	[tilespmem:s29+$0x16690] =	vst v39  }
0x7c2: {  	[tilespmem:s29+$0x166A0] =	vst v41;
	v39 =	vld.idx.msk [tilespmem:v60+s4+$0x0], $0xffff  }
0x7c3: {  	v63 =	vadd.s32 v4, v36;
	v41 =	vld.idx.msk [tilespmem:v61+s4+$0x0], $0xffff  }
0x7c4: {  	v48 =	vadd.s32 v4, v37  }
0x7c5: {  	[tilespmem:s29+$0x166B0] =	vst v43  }
0x7c6: {  	v43 =	vld.idx.msk [tilespmem:v62+s4+$0x0], $0xffff  }
0x7c7: {  	v49 =	vadd.s32 v4, v38;
	[tilespmem:s29+$0x14090] =	vst v39  }
0x7c8: {  	[tilespmem:s29+$0x140A0] =	vst v41;
	v39 =	vld.idx.msk [tilespmem:v63+s4+$0x0], $0xffff  }
0x7c9: {  	v50 =	vadd.s32 v5, v33;
	v41 =	vld.idx.msk [tilespmem:v48+s4+$0x0], $0xffff  }
0x7ca: {  	v51 =	vadd.s32 v5, v34  }
0x7cb: {  	[tilespmem:s29+$0x140B0] =	vst v43  }
0x7cc: {  	v43 =	vld.idx.msk [tilespmem:v49+s4+$0x0], $0xffff  }
0x7cd: {  	v52 =	vadd.s32 v5, v35;
	[tilespmem:s29+$0x16790] =	vst v39  }
0x7ce: {  	[tilespmem:s29+$0x167A0] =	vst v41;
	v39 =	vld.idx.msk [tilespmem:v50+s4+$0x0], $0xffff  }
0x7cf: {  	v53 =	vadd.s32 v5, v36;
	v41 =	vld.idx.msk [tilespmem:v51+s4+$0x0], $0xffff  }
0x7d0: {  	v54 =	vadd.s32 v5, v37  }
0x7d1: {  	[tilespmem:s29+$0x167B0] =	vst v43  }
0x7d2: {  	v43 =	vld.idx.msk [tilespmem:v52+s4+$0x0], $0xffff  }
0x7d3: {  	v55 =	vadd.s32 v5, v38;
	[tilespmem:s29+$0x14190] =	vst v39  }
0x7d4: {  	[tilespmem:s29+$0x141A0] =	vst v41;
	v39 =	vld.idx.msk [tilespmem:v53+s4+$0x0], $0xffff  }
0x7d5: {  	v56 =	vadd.s32 v6, v33;
	v41 =	vld.idx.msk [tilespmem:v54+s4+$0x0], $0xffff  }
0x7d6: {  	v57 =	vadd.s32 v6, v34  }
0x7d7: {  	[tilespmem:s29+$0x141B0] =	vst v43  }
0x7d8: {  	v43 =	vld.idx.msk [tilespmem:v55+s4+$0x0], $0xffff  }
0x7d9: {  	v58 =	vadd.s32 v6, v35;
	[tilespmem:s29+$0x16890] =	vst v39  }
0x7da: {  	[tilespmem:s29+$0x168A0] =	vst v41;
	v39 =	vld.idx.msk [tilespmem:v56+s4+$0x0], $0xffff  }
0x7db: {  	v59 =	vadd.s32 v6, v36;
	v41 =	vld.idx.msk [tilespmem:v57+s4+$0x0], $0xffff  }
0x7dc: {  	v60 =	vadd.s32 v6, v37  }
0x7dd: {  	[tilespmem:s29+$0x168B0] =	vst v43  }
0x7de: {  	v43 =	vld.idx.msk [tilespmem:v58+s4+$0x0], $0xffff  }
0x7df: {  	v61 =	vadd.s32 v6, v38;
	[tilespmem:s29+$0x14290] =	vst v39  }
0x7e0: {  	[tilespmem:s29+$0x142A0] =	vst v41;
	v39 =	vld.idx.msk [tilespmem:v59+s4+$0x0], $0xffff  }
0x7e1: {  	v62 =	vadd.s32 v7, v33;
	v41 =	vld.idx.msk [tilespmem:v60+s4+$0x0], $0xffff  }
0x7e2: {  	v63 =	vadd.s32 v7, v34  }
0x7e3: {  	[tilespmem:s29+$0x142B0] =	vst v43  }
0x7e4: {  	v43 =	vld.idx.msk [tilespmem:v61+s4+$0x0], $0xffff  }
0x7e5: {  	v48 =	vadd.s32 v7, v35;
	[tilespmem:s29+$0x16990] =	vst v39  }
0x7e6: {  	[tilespmem:s29+$0x169A0] =	vst v41;
	v39 =	vld.idx.msk [tilespmem:v62+s4+$0x0], $0xffff  }
0x7e7: {  	v49 =	vadd.s32 v7, v36;
	v41 =	vld.idx.msk [tilespmem:v63+s4+$0x0], $0xffff  }
0x7e8: {  	v50 =	vadd.s32 v7, v37  }
0x7e9: {  	[tilespmem:s29+$0x169B0] =	vst v43  }
0x7ea: {  	v43 =	vld.idx.msk [tilespmem:v48+s4+$0x0], $0xffff  }
0x7eb: {  	v51 =	vadd.s32 v7, v38;
	[tilespmem:s29+$0x14390] =	vst v39  }
0x7ec: {  	[tilespmem:s29+$0x143A0] =	vst v41;
	v39 =	vld.idx.msk [tilespmem:v49+s4+$0x0], $0xffff  }
0x7ed: {  	v52 =	vadd.s32 v8, v33;
	v41 =	vld.idx.msk [tilespmem:v50+s4+$0x0], $0xffff  }
0x7ee: {  	v53 =	vadd.s32 v8, v34  }
0x7ef: {  	[tilespmem:s29+$0x143B0] =	vst v43  }
0x7f0: {  	v43 =	vld.idx.msk [tilespmem:v51+s4+$0x0], $0xffff  }
0x7f1: {  	v54 =	vadd.s32 v8, v35;
	[tilespmem:s29+$0x16A90] =	vst v39  }
0x7f2: {  	[tilespmem:s29+$0x16AA0] =	vst v41;
	v39 =	vld.idx.msk [tilespmem:v52+s4+$0x0], $0xffff  }
0x7f3: {  	v55 =	vadd.s32 v8, v36;
	v41 =	vld.idx.msk [tilespmem:v53+s4+$0x0], $0xffff  }
0x7f4: {  	v56 =	vadd.s32 v8, v37  }
0x7f5: {  	[tilespmem:s29+$0x16AB0] =	vst v43  }
0x7f6: {  	v43 =	vld.idx.msk [tilespmem:v54+s4+$0x0], $0xffff  }
0x7f7: {  	v57 =	vadd.s32 v8, v38;
	[tilespmem:s29+$0x14490] =	vst v39  }
0x7f8: {  	[tilespmem:s29+$0x144A0] =	vst v41;
	v39 =	vld.idx.msk [tilespmem:v55+s4+$0x0], $0xffff  }
0x7f9: {  	v58 =	vadd.s32 v9, v33;
	v41 =	vld.idx.msk [tilespmem:v56+s4+$0x0], $0xffff  }
0x7fa: {  	v59 =	vadd.s32 v9, v34  }
0x7fb: {  	[tilespmem:s29+$0x144B0] =	vst v43  }
0x7fc: {  	v43 =	vld.idx.msk [tilespmem:v57+s4+$0x0], $0xffff  }
0x7fd: {  	v60 =	vadd.s32 v9, v35;
	[tilespmem:s29+$0x16B90] =	vst v39  }
0x7fe: {  	[tilespmem:s29+$0x16BA0] =	vst v41;
	v39 =	vld.idx.msk [tilespmem:v58+s4+$0x0], $0xffff  }
0x7ff: {  	v61 =	vadd.s32 v9, v36;
	v41 =	vld.idx.msk [tilespmem:v59+s4+$0x0], $0xffff  }
0x800: {  	v62 =	vadd.s32 v9, v37  }
0x801: {  	[tilespmem:s29+$0x16BB0] =	vst v43  }
0x802: {  	v43 =	vld.idx.msk [tilespmem:v60+s4+$0x0], $0xffff  }
0x803: {  	v63 =	vadd.s32 v9, v38;
	[tilespmem:s29+$0x14590] =	vst v39  }
0x804: {  	[tilespmem:s29+$0x145A0] =	vst v41;
	v39 =	vld.idx.msk [tilespmem:v61+s4+$0x0], $0xffff  }
0x805: {  	v48 =	vadd.s32 v10, v33;
	v41 =	vld.idx.msk [tilespmem:v62+s4+$0x0], $0xffff  }
0x806: {  	v49 =	vadd.s32 v10, v34  }
0x807: {  	[tilespmem:s29+$0x145B0] =	vst v43  }
0x808: {  	v43 =	vld.idx.msk [tilespmem:v63+s4+$0x0], $0xffff  }
0x809: {  	v50 =	vadd.s32 v10, v35;
	[tilespmem:s29+$0x16C90] =	vst v39  }
0x80a: {  	[tilespmem:s29+$0x16CA0] =	vst v41;
	v39 =	vld.idx.msk [tilespmem:v48+s4+$0x0], $0xffff  }
0x80b: {  	v51 =	vadd.s32 v10, v36;
	v41 =	vld.idx.msk [tilespmem:v49+s4+$0x0], $0xffff  }
0x80c: {  	v52 =	vadd.s32 v10, v37  }
0x80d: {  	[tilespmem:s29+$0x16CB0] =	vst v43  }
0x80e: {  	v43 =	vld.idx.msk [tilespmem:v50+s4+$0x0], $0xffff  }
0x80f: {  	v53 =	vadd.s32 v10, v38;
	[tilespmem:s29+$0x14690] =	vst v39  }
0x810: {  	[tilespmem:s29+$0x146A0] =	vst v41;
	v39 =	vld.idx.msk [tilespmem:v51+s4+$0x0], $0xffff  }
0x811: {  	v54 =	vadd.s32 v11, v33;
	v41 =	vld.idx.msk [tilespmem:v52+s4+$0x0], $0xffff  }
0x812: {  	v55 =	vadd.s32 v11, v34  }
0x813: {  	[tilespmem:s29+$0x146B0] =	vst v43  }
0x814: {  	v43 =	vld.idx.msk [tilespmem:v53+s4+$0x0], $0xffff  }
0x815: {  	v56 =	vadd.s32 v11, v35;
	[tilespmem:s29+$0x16D90] =	vst v39  }
0x816: {  	[tilespmem:s29+$0x16DA0] =	vst v41;
	v39 =	vld.idx.msk [tilespmem:v54+s4+$0x0], $0xffff  }
0x817: {  	v57 =	vadd.s32 v11, v36;
	v41 =	vld.idx.msk [tilespmem:v55+s4+$0x0], $0xffff  }
0x818: {  	v58 =	vadd.s32 v11, v37  }
0x819: {  	[tilespmem:s29+$0x16DB0] =	vst v43  }
0x81a: {  	v43 =	vld.idx.msk [tilespmem:v56+s4+$0x0], $0xffff  }
0x81b: {  	v59 =	vadd.s32 v11, v38;
	[tilespmem:s29+$0x14790] =	vst v39  }
0x81c: {  	[tilespmem:s29+$0x147A0] =	vst v41;
	v39 =	vld.idx.msk [tilespmem:v57+s4+$0x0], $0xffff  }
0x81d: {  	v60 =	vadd.s32 v12, v33;
	v41 =	vld.idx.msk [tilespmem:v58+s4+$0x0], $0xffff  }
0x81e: {  	v61 =	vadd.s32 v12, v34  }
0x81f: {  	[tilespmem:s29+$0x147B0] =	vst v43  }
0x820: {  	v43 =	vld.idx.msk [tilespmem:v59+s4+$0x0], $0xffff  }
0x821: {  	v62 =	vadd.s32 v12, v35;
	[tilespmem:s29+$0x16E90] =	vst v39  }
0x822: {  	[tilespmem:s29+$0x16EA0] =	vst v41;
	v39 =	vld.idx.msk [tilespmem:v60+s4+$0x0], $0xffff  }
0x823: {  	v63 =	vadd.s32 v12, v36;
	v41 =	vld.idx.msk [tilespmem:v61+s4+$0x0], $0xffff  }
0x824: {  	v48 =	vadd.s32 v12, v37  }
0x825: {  	[tilespmem:s29+$0x16EB0] =	vst v43  }
0x826: {  	v43 =	vld.idx.msk [tilespmem:v62+s4+$0x0], $0xffff  }
0x827: {  	v49 =	vadd.s32 v12, v38;
	[tilespmem:s29+$0x14890] =	vst v39  }
0x828: {  	[tilespmem:s29+$0x148A0] =	vst v41;
	v39 =	vld.idx.msk [tilespmem:v63+s4+$0x0], $0xffff  }
0x829: {  	v50 =	vadd.s32 v13, v33;
	v41 =	vld.idx.msk [tilespmem:v48+s4+$0x0], $0xffff  }
0x82a: {  	v51 =	vadd.s32 v13, v34  }
0x82b: {  	[tilespmem:s29+$0x148B0] =	vst v43  }
0x82c: {  	v43 =	vld.idx.msk [tilespmem:v49+s4+$0x0], $0xffff  }
0x82d: {  	v52 =	vadd.s32 v13, v35;
	[tilespmem:s29+$0x16F90] =	vst v39  }
0x82e: {  	[tilespmem:s29+$0x16FA0] =	vst v41;
	v39 =	vld.idx.msk [tilespmem:v50+s4+$0x0], $0xffff  }
0x82f: {  	v53 =	vadd.s32 v13, v36;
	v41 =	vld.idx.msk [tilespmem:v51+s4+$0x0], $0xffff  }
0x830: {  	v54 =	vadd.s32 v13, v37  }
0x831: {  	[tilespmem:s29+$0x16FB0] =	vst v43  }
0x832: {  	v43 =	vld.idx.msk [tilespmem:v52+s4+$0x0], $0xffff  }
0x833: {  	v55 =	vadd.s32 v13, v38;
	[tilespmem:s29+$0x14990] =	vst v39  }
0x834: {  	[tilespmem:s29+$0x149A0] =	vst v41;
	v39 =	vld.idx.msk [tilespmem:v53+s4+$0x0], $0xffff  }
0x835: {  	v56 =	vadd.s32 v14, v33;
	v41 =	vld.idx.msk [tilespmem:v54+s4+$0x0], $0xffff  }
0x836: {  	v57 =	vadd.s32 v14, v34  }
0x837: {  	[tilespmem:s29+$0x149B0] =	vst v43  }
0x838: {  	v43 =	vld.idx.msk [tilespmem:v55+s4+$0x0], $0xffff  }
0x839: {  	v58 =	vadd.s32 v14, v35;
	[tilespmem:s29+$0x17090] =	vst v39  }
0x83a: {  	[tilespmem:s29+$0x170A0] =	vst v41;
	v39 =	vld.idx.msk [tilespmem:v56+s4+$0x0], $0xffff  }
0x83b: {  	v59 =	vadd.s32 v14, v36;
	v41 =	vld.idx.msk [tilespmem:v57+s4+$0x0], $0xffff  }
0x83c: {  	v60 =	vadd.s32 v14, v37  }
0x83d: {  	[tilespmem:s29+$0x170B0] =	vst v43  }
0x83e: {  	v43 =	vld.idx.msk [tilespmem:v58+s4+$0x0], $0xffff  }
0x83f: {  	v61 =	vadd.s32 v14, v38;
	[tilespmem:s29+$0x14A90] =	vst v39  }
0x840: {  	[tilespmem:s29+$0x14AA0] =	vst v41;
	v39 =	vld.idx.msk [tilespmem:v59+s4+$0x0], $0xffff  }
0x841: {  	v62 =	vadd.s32 v15, v33;
	v41 =	vld.idx.msk [tilespmem:v60+s4+$0x0], $0xffff  }
0x842: {  	v63 =	vadd.s32 v15, v34  }
0x843: {  	[tilespmem:s29+$0x14AB0] =	vst v43  }
0x844: {  	v43 =	vld.idx.msk [tilespmem:v61+s4+$0x0], $0xffff  }
0x845: {  	v48 =	vadd.s32 v15, v35;
	[tilespmem:s29+$0x17190] =	vst v39  }
0x846: {  	[tilespmem:s29+$0x171A0] =	vst v41;
	v39 =	vld.idx.msk [tilespmem:v62+s4+$0x0], $0xffff  }
0x847: {  	v49 =	vadd.s32 v15, v36;
	v41 =	vld.idx.msk [tilespmem:v63+s4+$0x0], $0xffff  }
0x848: {  	v50 =	vadd.s32 v15, v37  }
0x849: {  	[tilespmem:s29+$0x171B0] =	vst v43  }
0x84a: {  	v43 =	vld.idx.msk [tilespmem:v48+s4+$0x0], $0xffff  }
0x84b: {  	v51 =	vadd.s32 v15, v38;
	[tilespmem:s29+$0x14B90] =	vst v39  }
0x84c: {  	[tilespmem:s29+$0x14BA0] =	vst v41;
	v39 =	vld.idx.msk [tilespmem:v49+s4+$0x0], $0xffff  }
0x84d: {  	v52 =	vadd.s32 v16, v33;
	v41 =	vld.idx.msk [tilespmem:v50+s4+$0x0], $0xffff  }
0x84e: {  	v53 =	vadd.s32 v16, v34  }
0x84f: {  	[tilespmem:s29+$0x14BB0] =	vst v43  }
0x850: {  	v43 =	vld.idx.msk [tilespmem:v51+s4+$0x0], $0xffff  }
0x851: {  	v54 =	vadd.s32 v16, v35;
	[tilespmem:s29+$0x17290] =	vst v39  }
0x852: {  	[tilespmem:s29+$0x172A0] =	vst v41;
	v39 =	vld.idx.msk [tilespmem:v52+s4+$0x0], $0xffff  }
0x853: {  	v55 =	vadd.s32 v16, v36;
	v41 =	vld.idx.msk [tilespmem:v53+s4+$0x0], $0xffff  }
0x854: {  	v56 =	vadd.s32 v16, v37  }
0x855: {  	[tilespmem:s29+$0x172B0] =	vst v43  }
0x856: {  	v43 =	vld.idx.msk [tilespmem:v54+s4+$0x0], $0xffff  }
0x857: {  	v57 =	vadd.s32 v16, v38;
	[tilespmem:s29+$0x14C90] =	vst v39  }
0x858: {  	[tilespmem:s29+$0x14CA0] =	vst v41;
	v39 =	vld.idx.msk [tilespmem:v55+s4+$0x0], $0xffff  }
0x859: {  	v58 =	vadd.s32 v17, v33;
	v41 =	vld.idx.msk [tilespmem:v56+s4+$0x0], $0xffff  }
0x85a: {  	v59 =	vadd.s32 v17, v34  }
0x85b: {  	[tilespmem:s29+$0x14CB0] =	vst v43  }
0x85c: {  	v43 =	vld.idx.msk [tilespmem:v57+s4+$0x0], $0xffff  }
0x85d: {  	v60 =	vadd.s32 v17, v35;
	[tilespmem:s29+$0x17390] =	vst v39  }
0x85e: {  	[tilespmem:s29+$0x173A0] =	vst v41;
	v39 =	vld.idx.msk [tilespmem:v58+s4+$0x0], $0xffff  }
0x85f: {  	v61 =	vadd.s32 v17, v36;
	v41 =	vld.idx.msk [tilespmem:v59+s4+$0x0], $0xffff  }
0x860: {  	v62 =	vadd.s32 v17, v37  }
0x861: {  	[tilespmem:s29+$0x173B0] =	vst v43  }
0x862: {  	v43 =	vld.idx.msk [tilespmem:v60+s4+$0x0], $0xffff  }
0x863: {  	v63 =	vadd.s32 v17, v38;
	[tilespmem:s29+$0x14D90] =	vst v39  }
0x864: {  	[tilespmem:s29+$0x14DA0] =	vst v41;
	v39 =	vld.idx.msk [tilespmem:v61+s4+$0x0], $0xffff  }
0x865: {  	v48 =	vadd.s32 v18, v33;
	v41 =	vld.idx.msk [tilespmem:v62+s4+$0x0], $0xffff  }
0x866: {  	v49 =	vadd.s32 v18, v34  }
0x867: {  	[tilespmem:s29+$0x14DB0] =	vst v43  }
0x868: {  	v43 =	vld.idx.msk [tilespmem:v63+s4+$0x0], $0xffff  }
0x869: {  	v50 =	vadd.s32 v18, v35;
	[tilespmem:s29+$0x17490] =	vst v39  }
0x86a: {  	[tilespmem:s29+$0x174A0] =	vst v41;
	v39 =	vld.idx.msk [tilespmem:v48+s4+$0x0], $0xffff  }
0x86b: {  	v51 =	vadd.s32 v18, v36;
	v41 =	vld.idx.msk [tilespmem:v49+s4+$0x0], $0xffff  }
0x86c: {  	v52 =	vadd.s32 v18, v37  }
0x86d: {  	[tilespmem:s29+$0x174B0] =	vst v43  }
0x86e: {  	v43 =	vld.idx.msk [tilespmem:v50+s4+$0x0], $0xffff  }
0x86f: {  	v53 =	vadd.s32 v18, v38;
	[tilespmem:s29+$0x14E90] =	vst v39  }
0x870: {  	[tilespmem:s29+$0x14EA0] =	vst v41;
	v39 =	vld.idx.msk [tilespmem:v51+s4+$0x0], $0xffff  }
0x871: {  	v54 =	vadd.s32 v19, v33;
	v41 =	vld.idx.msk [tilespmem:v52+s4+$0x0], $0xffff  }
0x872: {  	v55 =	vadd.s32 v19, v34  }
0x873: {  	[tilespmem:s29+$0x14EB0] =	vst v43  }
0x874: {  	v43 =	vld.idx.msk [tilespmem:v53+s4+$0x0], $0xffff  }
0x875: {  	v56 =	vadd.s32 v19, v35;
	[tilespmem:s29+$0x17590] =	vst v39  }
0x876: {  	[tilespmem:s29+$0x175A0] =	vst v41;
	v39 =	vld.idx.msk [tilespmem:v54+s4+$0x0], $0xffff  }
0x877: {  	v57 =	vadd.s32 v19, v36;
	v41 =	vld.idx.msk [tilespmem:v55+s4+$0x0], $0xffff  }
0x878: {  	v58 =	vadd.s32 v19, v37  }
0x879: {  	[tilespmem:s29+$0x175B0] =	vst v43  }
0x87a: {  	v43 =	vld.idx.msk [tilespmem:v56+s4+$0x0], $0xffff  }
0x87b: {  	v59 =	vadd.s32 v19, v38;
	[tilespmem:s29+$0x14F90] =	vst v39  }
0x87c: {  	[tilespmem:s29+$0x14FA0] =	vst v41;
	v39 =	vld.idx.msk [tilespmem:v57+s4+$0x0], $0xffff  }
0x87d: {  	v60 =	vadd.s32 v20, v33;
	v41 =	vld.idx.msk [tilespmem:v58+s4+$0x0], $0xffff  }
0x87e: {  	v61 =	vadd.s32 v20, v34  }
0x87f: {  	[tilespmem:s29+$0x14FB0] =	vst v43  }
0x880: {  	v43 =	vld.idx.msk [tilespmem:v59+s4+$0x0], $0xffff  }
0x881: {  	v62 =	vadd.s32 v20, v35;
	[tilespmem:s29+$0x17690] =	vst v39  }
0x882: {  	[tilespmem:s29+$0x176A0] =	vst v41;
	v39 =	vld.idx.msk [tilespmem:v60+s4+$0x0], $0xffff  }
0x883: {  	v63 =	vadd.s32 v20, v36;
	v41 =	vld.idx.msk [tilespmem:v61+s4+$0x0], $0xffff  }
0x884: {  	v48 =	vadd.s32 v20, v37  }
0x885: {  	[tilespmem:s29+$0x176B0] =	vst v43  }
0x886: {  	v43 =	vld.idx.msk [tilespmem:v62+s4+$0x0], $0xffff  }
0x887: {  	v49 =	vadd.s32 v20, v38;
	[tilespmem:s29+$0x15090] =	vst v39  }
0x888: {  	[tilespmem:s29+$0x150A0] =	vst v41;
	v39 =	vld.idx.msk [tilespmem:v63+s4+$0x0], $0xffff  }
0x889: {  	v50 =	vadd.s32 v21, v33;
	v41 =	vld.idx.msk [tilespmem:v48+s4+$0x0], $0xffff  }
0x88a: {  	v51 =	vadd.s32 v21, v34  }
0x88b: {  	[tilespmem:s29+$0x150B0] =	vst v43  }
0x88c: {  	v43 =	vld.idx.msk [tilespmem:v49+s4+$0x0], $0xffff  }
0x88d: {  	v52 =	vadd.s32 v21, v35;
	[tilespmem:s29+$0x17790] =	vst v39  }
0x88e: {  	[tilespmem:s29+$0x177A0] =	vst v41;
	v39 =	vld.idx.msk [tilespmem:v50+s4+$0x0], $0xffff  }
0x88f: {  	v53 =	vadd.s32 v21, v36;
	v41 =	vld.idx.msk [tilespmem:v51+s4+$0x0], $0xffff  }
0x890: {  	v54 =	vadd.s32 v21, v37  }
0x891: {  	[tilespmem:s29+$0x177B0] =	vst v43  }
0x892: {  	v43 =	vld.idx.msk [tilespmem:v52+s4+$0x0], $0xffff  }
0x893: {  	v55 =	vadd.s32 v21, v38;
	[tilespmem:s29+$0x15190] =	vst v39  }
0x894: {  	[tilespmem:s29+$0x151A0] =	vst v41;
	v39 =	vld.idx.msk [tilespmem:v53+s4+$0x0], $0xffff  }
0x895: {  	v56 =	vadd.s32 v22, v33;
	v41 =	vld.idx.msk [tilespmem:v54+s4+$0x0], $0xffff  }
0x896: {  	v57 =	vadd.s32 v22, v34  }
0x897: {  	[tilespmem:s29+$0x151B0] =	vst v43  }
0x898: {  	v43 =	vld.idx.msk [tilespmem:v55+s4+$0x0], $0xffff  }
0x899: {  	v58 =	vadd.s32 v22, v35;
	[tilespmem:s29+$0x17890] =	vst v39  }
0x89a: {  	[tilespmem:s29+$0x178A0] =	vst v41;
	v39 =	vld.idx.msk [tilespmem:v56+s4+$0x0], $0xffff  }
0x89b: {  	v59 =	vadd.s32 v22, v36;
	v41 =	vld.idx.msk [tilespmem:v57+s4+$0x0], $0xffff  }
0x89c: {  	v60 =	vadd.s32 v22, v37  }
0x89d: {  	[tilespmem:s29+$0x178B0] =	vst v43  }
0x89e: {  	v43 =	vld.idx.msk [tilespmem:v58+s4+$0x0], $0xffff  }
0x89f: {  	v61 =	vadd.s32 v22, v38;
	[tilespmem:s29+$0x15290] =	vst v39  }
0x8a0: {  	[tilespmem:s29+$0x152A0] =	vst v41;
	v39 =	vld.idx.msk [tilespmem:v59+s4+$0x0], $0xffff  }
0x8a1: {  	v62 =	vadd.s32 v23, v33;
	v41 =	vld.idx.msk [tilespmem:v60+s4+$0x0], $0xffff  }
0x8a2: {  	v63 =	vadd.s32 v23, v34  }
0x8a3: {  	[tilespmem:s29+$0x152B0] =	vst v43  }
0x8a4: {  	v43 =	vld.idx.msk [tilespmem:v61+s4+$0x0], $0xffff  }
0x8a5: {  	v48 =	vadd.s32 v23, v35;
	[tilespmem:s29+$0x17990] =	vst v39  }
0x8a6: {  	[tilespmem:s29+$0x179A0] =	vst v41;
	v39 =	vld.idx.msk [tilespmem:v62+s4+$0x0], $0xffff  }
0x8a7: {  	v49 =	vadd.s32 v23, v36;
	v41 =	vld.idx.msk [tilespmem:v63+s4+$0x0], $0xffff  }
0x8a8: {  	v50 =	vadd.s32 v23, v37  }
0x8a9: {  	[tilespmem:s29+$0x179B0] =	vst v43  }
0x8aa: {  	v43 =	vld.idx.msk [tilespmem:v48+s4+$0x0], $0xffff  }
0x8ab: {  	v51 =	vadd.s32 v23, v38;
	[tilespmem:s29+$0x15390] =	vst v39  }
0x8ac: {  	[tilespmem:s29+$0x153A0] =	vst v41;
	v39 =	vld.idx.msk [tilespmem:v49+s4+$0x0], $0xffff  }
0x8ad: {  	v52 =	vadd.s32 v24, v33;
	v41 =	vld.idx.msk [tilespmem:v50+s4+$0x0], $0xffff  }
0x8ae: {  	v53 =	vadd.s32 v24, v34  }
0x8af: {  	[tilespmem:s29+$0x153B0] =	vst v43  }
0x8b0: {  	v43 =	vld.idx.msk [tilespmem:v51+s4+$0x0], $0xffff  }
0x8b1: {  	v54 =	vadd.s32 v24, v35;
	[tilespmem:s29+$0x17A90] =	vst v39  }
0x8b2: {  	[tilespmem:s29+$0x17AA0] =	vst v41;
	v39 =	vld.idx.msk [tilespmem:v52+s4+$0x0], $0xffff  }
0x8b3: {  	v55 =	vadd.s32 v24, v36;
	v41 =	vld.idx.msk [tilespmem:v53+s4+$0x0], $0xffff  }
0x8b4: {  	v56 =	vadd.s32 v24, v37  }
0x8b5: {  	[tilespmem:s29+$0x17AB0] =	vst v43  }
0x8b6: {  	v43 =	vld.idx.msk [tilespmem:v54+s4+$0x0], $0xffff  }
0x8b7: {  	v57 =	vadd.s32 v24, v38;
	[tilespmem:s29+$0x15490] =	vst v39  }
0x8b8: {  	[tilespmem:s29+$0x154A0] =	vst v41;
	v39 =	vld.idx.msk [tilespmem:v55+s4+$0x0], $0xffff  }
0x8b9: {  	v58 =	vadd.s32 v25, v33;
	v41 =	vld.idx.msk [tilespmem:v56+s4+$0x0], $0xffff  }
0x8ba: {  	v59 =	vadd.s32 v25, v34  }
0x8bb: {  	[tilespmem:s29+$0x154B0] =	vst v43  }
0x8bc: {  	v43 =	vld.idx.msk [tilespmem:v57+s4+$0x0], $0xffff  }
0x8bd: {  	v60 =	vadd.s32 v25, v35;
	[tilespmem:s29+$0x17B90] =	vst v39  }
0x8be: {  	[tilespmem:s29+$0x17BA0] =	vst v41;
	v39 =	vld.idx.msk [tilespmem:v58+s4+$0x0], $0xffff  }
0x8bf: {  	v61 =	vadd.s32 v25, v36;
	v41 =	vld.idx.msk [tilespmem:v59+s4+$0x0], $0xffff  }
0x8c0: {  	v62 =	vadd.s32 v25, v37  }
0x8c1: {  	[tilespmem:s29+$0x17BB0] =	vst v43  }
0x8c2: {  	v43 =	vld.idx.msk [tilespmem:v60+s4+$0x0], $0xffff  }
0x8c3: {  	v63 =	vadd.s32 v25, v38;
	[tilespmem:s29+$0x15590] =	vst v39  }
0x8c4: {  	[tilespmem:s29+$0x155A0] =	vst v41;
	v39 =	vld.idx.msk [tilespmem:v61+s4+$0x0], $0xffff  }
0x8c5: {  	v48 =	vadd.s32 v26, v33;
	v41 =	vld.idx.msk [tilespmem:v62+s4+$0x0], $0xffff  }
0x8c6: {  	v49 =	vadd.s32 v26, v34  }
0x8c7: {  	[tilespmem:s29+$0x155B0] =	vst v43  }
0x8c8: {  	v43 =	vld.idx.msk [tilespmem:v63+s4+$0x0], $0xffff  }
0x8c9: {  	v50 =	vadd.s32 v26, v35;
	[tilespmem:s29+$0x17C90] =	vst v39  }
0x8ca: {  	[tilespmem:s29+$0x17CA0] =	vst v41;
	v39 =	vld.idx.msk [tilespmem:v48+s4+$0x0], $0xffff  }
0x8cb: {  	v51 =	vadd.s32 v26, v36;
	v41 =	vld.idx.msk [tilespmem:v49+s4+$0x0], $0xffff  }
0x8cc: {  	v52 =	vadd.s32 v26, v37  }
0x8cd: {  	[tilespmem:s29+$0x17CB0] =	vst v43  }
0x8ce: {  	v43 =	vld.idx.msk [tilespmem:v50+s4+$0x0], $0xffff  }
0x8cf: {  	v53 =	vadd.s32 v26, v38;
	[tilespmem:s29+$0x15690] =	vst v39  }
0x8d0: {  	[tilespmem:s29+$0x156A0] =	vst v41;
	v39 =	vld.idx.msk [tilespmem:v51+s4+$0x0], $0xffff  }
0x8d1: {  	v54 =	vadd.s32 v27, v33;
	v41 =	vld.idx.msk [tilespmem:v52+s4+$0x0], $0xffff  }
0x8d2: {  	v55 =	vadd.s32 v27, v34  }
0x8d3: {  	[tilespmem:s29+$0x156B0] =	vst v43  }
0x8d4: {  	v43 =	vld.idx.msk [tilespmem:v53+s4+$0x0], $0xffff  }
0x8d5: {  	v56 =	vadd.s32 v27, v35;
	[tilespmem:s29+$0x17D90] =	vst v39  }
0x8d6: {  	[tilespmem:s29+$0x17DA0] =	vst v41;
	v39 =	vld.idx.msk [tilespmem:v54+s4+$0x0], $0xffff  }
0x8d7: {  	v57 =	vadd.s32 v27, v36;
	v41 =	vld.idx.msk [tilespmem:v55+s4+$0x0], $0xffff  }
0x8d8: {  	v58 =	vadd.s32 v27, v37  }
0x8d9: {  	[tilespmem:s29+$0x17DB0] =	vst v43  }
0x8da: {  	v43 =	vld.idx.msk [tilespmem:v56+s4+$0x0], $0xffff  }
0x8db: {  	v59 =	vadd.s32 v27, v38;
	[tilespmem:s29+$0x15790] =	vst v39  }
0x8dc: {  	[tilespmem:s29+$0x157A0] =	vst v41;
	v39 =	vld.idx.msk [tilespmem:v57+s4+$0x0], $0xffff  }
0x8dd: {  	v60 =	vadd.s32 v28, v33;
	v41 =	vld.idx.msk [tilespmem:v58+s4+$0x0], $0xffff  }
0x8de: {  	v61 =	vadd.s32 v28, v34  }
0x8df: {  	[tilespmem:s29+$0x157B0] =	vst v43  }
0x8e0: {  	v43 =	vld.idx.msk [tilespmem:v59+s4+$0x0], $0xffff  }
0x8e1: {  	v62 =	vadd.s32 v28, v35;
	[tilespmem:s29+$0x17E90] =	vst v39  }
0x8e2: {  	[tilespmem:s29+$0x17EA0] =	vst v41;
	v39 =	vld.idx.msk [tilespmem:v60+s4+$0x0], $0xffff  }
0x8e3: {  	v63 =	vadd.s32 v28, v36;
	v41 =	vld.idx.msk [tilespmem:v61+s4+$0x0], $0xffff  }
0x8e4: {  	v48 =	vadd.s32 v28, v37  }
0x8e5: {  	[tilespmem:s29+$0x17EB0] =	vst v43  }
0x8e6: {  	v43 =	vld.idx.msk [tilespmem:v62+s4+$0x0], $0xffff  }
0x8e7: {  	v49 =	vadd.s32 v28, v38;
	[tilespmem:s29+$0x15890] =	vst v39  }
0x8e8: {  	[tilespmem:s29+$0x158A0] =	vst v41;
	v39 =	vld.idx.msk [tilespmem:v63+s4+$0x0], $0xffff  }
0x8e9: {  	v50 =	vadd.s32 v29, v33;
	v41 =	vld.idx.msk [tilespmem:v48+s4+$0x0], $0xffff  }
0x8ea: {  	v51 =	vadd.s32 v29, v34  }
0x8eb: {  	[tilespmem:s29+$0x158B0] =	vst v43  }
0x8ec: {  	v43 =	vld.idx.msk [tilespmem:v49+s4+$0x0], $0xffff  }
0x8ed: {  	v44 =	vld [tilespmem:s29+$0xE080];
	v52 =	vadd.s32 v29, v35;
	[tilespmem:s29+$0x17F90] =	vst v39  }
0x8ee: {  	[tilespmem:s29+$0x17FA0] =	vst v41;
	v39 =	vld.idx.msk [tilespmem:v50+s4+$0x0], $0xffff  }
0x8ef: {  	v53 =	vadd.s32 v29, v36;
	v41 =	vld.idx.msk [tilespmem:v51+s4+$0x0], $0xffff  }
0x8f0: {  	v54 =	vadd.s32 v29, v37  }
0x8f1: {  	[tilespmem:s29+$0x17FB0] =	vst v43  }
0x8f2: {  	[tilespmem:s29+$0x15D80] =	vst v44;
	v43 =	vld.idx.msk [tilespmem:v52+s4+$0x0], $0xffff  }
0x8f3: {  	v44 =	vld [tilespmem:s29+$0xEB80];
	v55 =	vadd.s32 v29, v38;
	[tilespmem:s29+$0x15990] =	vst v39  }
0x8f4: {  	[tilespmem:s29+$0x159A0] =	vst v41;
	v39 =	vld.idx.msk [tilespmem:v53+s4+$0x0], $0xffff  }
0x8f5: {  	v56 =	vadd.s32 v30, v33;
	v41 =	vld.idx.msk [tilespmem:v54+s4+$0x0], $0xffff  }
0x8f6: {  	v40 =	vld [tilespmem:s29+$0xDFB0];
	v57 =	vadd.s32 v30, v34  }
0x8f7: {  	v48 =	vld [tilespmem:s29+$0xE880];
	[tilespmem:s29+$0x159B0] =	vst v43  }
0x8f8: {  	v43 =	vld.idx.msk [tilespmem:v55+s4+$0x0], $0xffff  }
0x8f9: {  	v42 =	vld [tilespmem:s29+$0xE7A0];
	v58 =	vadd.s32 v30, v35;
	[tilespmem:s29+$0x18090] =	vst v39  }
0x8fa: {  	[tilespmem:s29+$0x180A0] =	vst v41;
	v39 =	vld.idx.msk [tilespmem:v56+s4+$0x0], $0xffff  }
0x8fb: {  	v59 =	vadd.s32 v30, v36;
	v41 =	vld.idx.msk [tilespmem:v57+s4+$0x0], $0xffff  }
0x8fc: {  	v60 =	vadd.s32 v30, v37;
	[tilespmem:s29+$0x18480] =	vst v48;
	v48 =	vld [tilespmem:s29+$0xE480]  }
0x8fd: {  	v52 =	vld [tilespmem:s29+$0xE180];
	[tilespmem:s29+$0x180B0] =	vst v43  }
0x8fe: {  	[tilespmem:s29+$0x18380] =	vst v32;
	v43 =	vld.idx.msk [tilespmem:v58+s4+$0x0], $0xffff  }
0x8ff: {  	v61 =	vadd.s32 v30, v38;
	v56 =	vld [tilespmem:s29+$0xE980];
	[tilespmem:s29+$0x15A90] =	vst v39  }
0x900: {  	[tilespmem:s29+$0x15AA0] =	vst v41;
	v39 =	vld.idx.msk [tilespmem:v59+s4+$0x0], $0xffff  }
0x901: {  	[tilespmem:s29+$0x18780] =	vst v44;
	v62 =	vld.idx.msk [tilespmem:v60+s4+$0x0], $0xffff  }
0x902: {  	[tilespmem:s29+$0x16180] =	vst v48;
	v60 =	vld [tilespmem:s29+$0xE280]  }
0x903: {  	v45 =	vld [tilespmem:s29+$0xE090];
	v33 =	vadd.s32 v31, v33;
	[tilespmem:s29+$0x15AB0] =	vst v43  }
0x904: {  	v34 =	vadd.s32 v31, v34;
	[tilespmem:s29+$0x15E80] =	vst v52;
	v63 =	vld.idx.msk [tilespmem:v61+s4+$0x0], $0xffff  }
0x905: {  	v35 =	vadd.s32 v31, v35;
	v52 =	vld [tilespmem:s29+$0xEC80];
	[tilespmem:s29+$0x18580] =	vst v56  }
0x906: {  	v56 =	vld [tilespmem:s29+$0xE580];
	[tilespmem:s29+$0x18190] =	vst v39  }
0x907: {  	[tilespmem:s29+$0x15F80] =	vst v60;
	v60 =	vld [tilespmem:s29+$0xED80]  }
0x908: {  	[tilespmem:s29+$0x181A0] =	vst v62;
	v33 =	vld.idx.msk [tilespmem:v33+s4+$0x0], $0xffff  }
0x909: {  	[tilespmem:s29+$0x181B0] =	vst v63;
	v34 =	vld.idx.msk [tilespmem:v34+s4+$0x0], $0xffff  }
0x90a: {  	[tilespmem:s29+$0x18880] =	vst v52;
	v35 =	vld.idx.msk [tilespmem:v35+s4+$0x0], $0xffff  }
0x90b: {  	v37 =	vadd.s32 v31, v37;
	[tilespmem:s29+$0x16280] =	vst v56;
	v39 =	vld [tilespmem:s29+$0xDFA0]  }
0x90c: {  	v46 =	vld [tilespmem:s29+$0xE0A0];
	v38 =	vadd.s32 v31, v38;
	[tilespmem:s29+$0x18980] =	vst v60  }
0x90d: {  	v36 =	vadd.s32 v31, v36;
	v41 =	vld [tilespmem:s29+$0xE790];
	[tilespmem:s29+$0x15B90] =	vst v33  }
0x90e: {  	v47 =	vld [tilespmem:s29+$0xE0B0];
	[tilespmem:s29+$0x15BA0] =	vst v34  }
0x90f: {  	v43 =	vld [tilespmem:s29+$0xE7B0];
	[tilespmem:s29+$0x15BB0] =	vst v35  }
0x910: {  	v34 =	vld.idx.msk [tilespmem:v37+s4+$0x0], $0xffff;
	[tilespmem:s29+$0x15CA0] =	vst v39  }
0x911: {  	v35 =	vld.idx.msk [tilespmem:v38+s4+$0x0], $0xffff;
	[tilespmem:s29+$0x15CB0] =	vst v40  }
0x912: {  	v33 =	vld.idx.msk [tilespmem:v36+s4+$0x0], $0xffff;
	[tilespmem:s29+$0x18390] =	vst v41  }
0x913: {  	v49 =	vld [tilespmem:s29+$0xE890];
	[tilespmem:s29+$0x183A0] =	vst v42  }
0x914: {  	v50 =	vld [tilespmem:s29+$0xE8A0];
	[tilespmem:s29+$0x183B0] =	vst v43  }
0x915: {  	v51 =	vld [tilespmem:s29+$0xE8B0];
	[tilespmem:s29+$0x15D90] =	vst v45  }
0x916: {  	v53 =	vld [tilespmem:s29+$0xE190];
	[tilespmem:s29+$0x15DA0] =	vst v46  }
0x917: {  	v54 =	vld [tilespmem:s29+$0xE1A0];
	[tilespmem:s29+$0x15DB0] =	vst v47  }
0x918: {  	v55 =	vld [tilespmem:s29+$0xE1B0];
	[tilespmem:s29+$0x18490] =	vst v49  }
0x919: {  	v57 =	vld [tilespmem:s29+$0xE990];
	[tilespmem:s29+$0x184A0] =	vst v50  }
0x91a: {  	v58 =	vld [tilespmem:s29+$0xE9A0];
	[tilespmem:s29+$0x184B0] =	vst v51  }
0x91b: {  	v59 =	vld [tilespmem:s29+$0xE9B0];
	[tilespmem:s29+$0x15E90] =	vst v53  }
0x91c: {  	v61 =	vld [tilespmem:s29+$0xE290];
	[tilespmem:s29+$0x15EA0] =	vst v54  }
0x91d: {  	v62 =	vld [tilespmem:s29+$0xE2A0];
	[tilespmem:s29+$0x15EB0] =	vst v55  }
0x91e: {  	v63 =	vld [tilespmem:s29+$0xE2B0];
	[tilespmem:s29+$0x18590] =	vst v57  }
0x91f: {  	[tilespmem:s29+$0x185A0] =	vst v58  }
0x920: {  	[tilespmem:s29+$0x185B0] =	vst v59  }
0x921: {  	[tilespmem:s29+$0x15F90] =	vst v61  }
0x922: {  	v38 =	vld [tilespmem:s29+$0xDF90];
	[tilespmem:s29+$0x15FA0] =	vst v62  }
0x923: {  	v36 =	vld [tilespmem:s29+$0xEA80];
	[tilespmem:s29+$0x15FB0] =	vst v63  }
0x924: {  	v37 =	vld [tilespmem:s29+$0xEA90];
	[tilespmem:s29+$0x18290] =	vst v33  }
0x925: {  	v39 =	vld [tilespmem:s29+$0xEAB0];
	[tilespmem:s29+$0x182A0] =	vst v34  }
0x926: {  	v40 =	vld [tilespmem:s29+$0xE380];
	[tilespmem:s29+$0x182B0] =	vst v35  }
0x927: {  	v41 =	vld [tilespmem:s29+$0xE390];
	[tilespmem:s29+$0x15C90] =	vst v38  }
0x928: {  	v42 =	vld [tilespmem:s29+$0xE3A0];
	[tilespmem:s29+$0x18680] =	vst v36  }
0x929: {  	v43 =	vld [tilespmem:s29+$0xE3B0];
	[tilespmem:s29+$0x18690] =	vst v37  }
0x92a: {  	v45 =	vld [tilespmem:s29+$0xEB90];
	[tilespmem:s29+$0x186B0] =	vst v39  }
0x92b: {  	v46 =	vld [tilespmem:s29+$0xEBA0];
	[tilespmem:s29+$0x16080] =	vst v40  }
0x92c: {  	v47 =	vld [tilespmem:s29+$0xEBB0];
	[tilespmem:s29+$0x16090] =	vst v41  }
0x92d: {  	v49 =	vld [tilespmem:s29+$0xE490];
	[tilespmem:s29+$0x160A0] =	vst v42  }
0x92e: {  	v50 =	vld [tilespmem:s29+$0xE4A0];
	[tilespmem:s29+$0x160B0] =	vst v43  }
0x92f: {  	v51 =	vld [tilespmem:s29+$0xE4B0];
	[tilespmem:s29+$0x18790] =	vst v45  }
0x930: {  	v53 =	vld [tilespmem:s29+$0xEC90];
	[tilespmem:s29+$0x187A0] =	vst v46  }
0x931: {  	v54 =	vld [tilespmem:s29+$0xECA0];
	[tilespmem:s29+$0x187B0] =	vst v47  }
0x932: {  	v55 =	vld [tilespmem:s29+$0xECB0];
	[tilespmem:s29+$0x16190] =	vst v49  }
0x933: {  	v57 =	vld [tilespmem:s29+$0xE590];
	[tilespmem:s29+$0x161A0] =	vst v50  }
0x934: {  	v58 =	vld [tilespmem:s29+$0xE5A0];
	[tilespmem:s29+$0x161B0] =	vst v51  }
0x935: {  	v59 =	vld [tilespmem:s29+$0xE5B0];
	[tilespmem:s29+$0x18890] =	vst v53  }
0x936: {  	v61 =	vld [tilespmem:s29+$0xED90];
	[tilespmem:s29+$0x188A0] =	vst v54  }
0x937: {  	v62 =	vld [tilespmem:s29+$0xEDA0];
	[tilespmem:s29+$0x188B0] =	vst v55  }
0x938: {  	v63 =	vld [tilespmem:s29+$0xEDB0];
	[tilespmem:s29+$0x16290] =	vst v57  }
0x939: {  	p1 =	por p0, p0;
	v38 =	vld [tilespmem:s29+$0xEAA0];
	[tilespmem:s29+$0x162A0] =	vst v58  }
.Ltmp6:
0x93a: {  	[tilespmem:s29+$0x162B0] =	vst v59;
	(pc) =	sbr.rel @p1 .LBB2_9-.Ltmp6, $4  }
0x93b: {  	[tilespmem:s29+$0x18990] =	vst v61  }
0x93c: {  	[tilespmem:s29+$0x189A0] =	vst v62  }
0x93d: {  	[tilespmem:s29+$0x189B0] =	vst v63  }
0x93e: {  	p0 =	por $0x0, $0x0;
	[tilespmem:s29+$0x186A0] =	vst v38;
	s29 =	simm.s32 $0x80  }
0x93f: {  	p0 =	seq.s32 s26, $0xC7  }
.Ltmp7:
0x940: {  	_ = 	snop;
	(pc) =	sbr.rel @p0 .LBB2_12-.Ltmp7, $4  }
0x941: {  	s28 =	sor.u32 s10, s28  }
0x942: {  	s28 =	sshrl.u32 s28, $0x3  }
0x943: {  	s28 =	sadd.s32 s6, s28  }
0x944: {  	[hbm4b:s28+s14] =	stream.strided.scatter [tilespmem:s23], [sflag:$0x4], $0x4E00, s19, s14, $0x38;
	[tilespmem:$0x18A40] =	vst v63  }
.Ltmp8:
0x945: {  	s28 =	sshll.u32 s26, $0x12;
	(pc) =	sbr.rel .LBB2_2-.Ltmp8, $4  }
0x946: {  	s28 =	sadd.s32 s11, s28  }
0x947: {  	s28 =	sshrl.u32 s28, $0x3  }
0x948: {  	s26 =	sadd.s32 $0x1, s26;
	s28 =	sadd.s32 s1, s28  }
0x949: {  	[tilespmem:s17], [sflag:$0x2] =	stream.strided.gather [hbm4b:s28+s14], $0x1000, s15, s14, $0x38;
	[tilespmem:$0x18A40] =	vst v63  }
.LBB2_13:
0x94a: {  	_ =	sfence.sel $0x180000  }
0x94b: {  	[bflag:$0x0] =	sbarrier.arrive $0xFFFF  }
0x94c: {  	p0 =	sne.s32 s3, $0x0;
	_ =	strace $0x9000004A  }
0x94d: {  	s0 =	sadd.s32 @!p0 $0x100000, s0;
	[bflag:$0x2] =	sbarrier.arrive $0xFFFF  }
0x94e: {  	[sflag:s0] =	ssyncadd.tile.s32 @!p0 $0x1;
	_ =	shalt  }
.Lfunc_end2:
_tile_overlayer_lowered:
.L_overlay_start_2:
0x94f: {  	(tag) =	ssettag $0x2  }
0x950: {  	s0 =	rddreg [dreg:$0x0];
	s2 =	stileid.u32  }
0x951: {  	s1 =	rddreg [dreg:$0x1];
	p0 =	sne.s32 s2, $0x0  }
0x952: {  	s3 =	rddreg [dreg:$0x2];
	[bflag:$0x3] =	sbarrier.arrive $0xFFFF;
	s2 =	simm.s32 @!p0 $0x1C05  }
0x953: {  	[timem:s3], [sflag:s2] =	dma.local @!p0 [hbm:s0], s1  }
0x954: {  	s0 =	simm.s32 @!p0 $0x5  }
0x955: {  	_ =	swait.ge @!p0 [sflag:s0], s1  }
0x956: {  	s1 =	ssub.s32 @!p0 $0x0, s1;
	[sflag:s0] =	ssyncset.done @!p0 $0x0  }
0x957: {  	[sflag:s0] =	ssyncadd.s32 @!p0 s1  }
0x958: {  	[bflag:$0x3] =	sbarrier.arrive $0xFFFF  }
0x959: {  	_ =	shalt  }

// kernel: sparse-core-data-format-call.cloned.1.call-start
scs
called_computation_lowered:
.L_overlay_start_0:
0x0: {  	s2 =	sld [smem:$0x3FD9]  }
0x1: {  	s3 =	sld [smem:$0x3FFE];
	_ =	sdelay $0x1  }
0x2: {  	s1 =	srdreg.scid  }
0x3: {  	s0 =	sand.u32 $0x1, s1  }
0x4: {  	s19 =	sshll.u32 s0, $0xA;
	s2 =	sadd.s32 s3, s2  }
0x5: {  	s2 =	sadd.s32 s2, s19  }
0x6: {  	[smem:$0x3FC6] =	sst s2  }
0x7: {  	_ = 	snop  }
0x8: {  	s2 =	sld [smem:$0x3FC9]  }
0x9: {  	s20 =	sld [smem:$0x3FD0];
	(tm) =	ssettm $0x1  }
0xa: {  	s4 =	sld [smem:$0x3FFB];
	_ =	sdelay $0x3  }
0xb: {  	_ =	strace s4  }
0xc: {  	s4 =	sld [smem:$0x3FFC];
	_ =	sdelay $0x3  }
0xd: {  	_ =	strace s4  }
0xe: {  	s4 =	sld [smem:$0x3FFD];
	_ =	sdelay $0x3  }
0xf: {  	_ =	strace s4  }
0x10: {  	_ =	strace $0x8FFFFFFF  }
0x11: {  	s21 =	sld [smem:$0x3FDB];
	_ =	sdelay $0x1  }
0x12: {  	s5 =	simm.s32 $_scs_section_size  }
0x13: {  	s6 =	simm.s32 $_size__tile_overlayer_lowered;
	s7 =	simm.s32 $_tile_overlayer_lowered  }
0x14: {  	s24 =	simm.s32 $0x1BFF;
	s23 =	sshll.u32 s7, $0x1;
	s4 =	sadd.s32 s5, s21  }
0x15: {  	s8 =	simm.s32 $0x0;
	s22 =	sshll.u32 s6, $0x1;
	s6 =	sadd.s32 s23, s4  }
0x16: {  	[timem:s8], [sflag:s24] =	dma.local [hbm:s6], s22  }
0x17: {  	_ =	swait.ge [sflag:s24], s22  }
0x18: {  	s5 =	ssub.s32 $0x0, s22;
	[sflag:s24] =	ssyncset.done $0x0  }
0x19: {  	[sflag:s24] =	ssyncadd.s32 s5;
	_ =	sdelay $0x1  }
0x1a: {  	s25 =	simm.s32 $0x1B8B  }
0x1b: {  	_ =	swait.ge [sflag:s25], $0x1  }
0x1c: {  	[sflag:s25] =	ssyncset.done $0x0  }
0x1d: {  	s26 =	simm.s32 $0x1B8E;
	[sflag:s25] =	ssyncadd.s32 $0xFFFFFFFF  }
0x1e: {  	s27 =	simm.s32 $execute0_lowered;
	[smem:$0x3FD2] =	sst s26  }
0x1f: {  	s5 =	sshll.u32 s27, $0x1;
	_ =	strace $0x80000046;
	[dreg:$0x1] =	wrdreg $0xFFFFFFFF  }
0x20: {  	s28 =	simm.s32 $_size_execute0_lowered;
	s4 =	sadd.s32 s4, s5;
	[dreg:$0x0] =	wrdreg $0x0  }
0x21: {  	s5 =	sshll.u32 s28, $0x1;
	[dreg:$0x2] =	wrdreg s4  }
0x22: {  	[dreg:$0x3] =	wrdreg s5  }
0x23: {  	[dreg:$0x4] =	wrdreg $0xC0  }
0x24: {  	_ =	task [dreg:s8], $0x5FFFF  }
0x25: {  	[dreg:$0x1] =	wrdreg $0xFFFFFFFF  }
0x26: {  	[dreg:$0x0] =	wrdreg $0x60  }
0x27: {  	[dreg:$0x2] =	wrdreg s2  }
0x28: {  	[dreg:$0x3] =	wrdreg s20  }
0x29: {  	[dreg:$0x4] =	wrdreg $0x9  }
0x2a: {  	_ =	task.clear_ibuf [dreg:s8], $0x5FFFF;
	_ =	strace $0x90000046  }
0x2b: {  	s29 =	simm.s32 $0x9;
	_ =	strace $0x80000048  }
0x2c: {  	_ =	swait.ge [sflag:s29], $0x1  }
0x2d: {  	[sflag:s29] =	ssyncadd.s32 $0xFFFFFFFF  }
0x2e: {  	_ =	strace $0x90000048  }
0x2f: {  	_ =	sfence  }
0x30: {  	s30 =	sld [smem:$0x0];
	_ =	sdelay $0x2  }
0x31: {  	s31 =	sshll.u32 s1, $0xD;
	s1 =	sshrl.u32 s1, $0x2  }
0x32: {  	s3 =	sand.u32 $0x4000, s31;
	s1 =	sadd.s32 s1, s30  }
0x33: {  	s0 =	sor.u32 s3, s0;
	s1 =	sshll.u32 s1, $0x11  }
0x34: {  	s0 =	sor.u32 s1, s0  }
0x35: {  	s0 =	sadd.s32 $0x8F2B, s0  }
0x36: {  	[sflag:s0] =	ssyncadd.remote.s32 $0x1  }
0x37: {  	_ =	sfence.sel $0xFFFF  }
0x38: {  	[dreg:$0x0] =	wrdreg $0xFFFFFFFF;
	(pc) =	sbr.abs _section_cstart, $3  }
0x39: {  	[dreg:$0x1] =	wrdreg $0xFFFFFFFF  }
0x3a: {  	_ =	task.clear_ibuf [dreg:s8], $0x2FFFF;
	_ =	strace $0x9FFFFFFF  }
0x3b: {  	(tm) =	ssettm $0x7FFFFFFF  }
tec
execute0_lowered:
.L_overlay_start_1:
0x0: {  	(tag) =	ssettag $0x1  }
0x1: {  	s0 =	stileid.u32;
	s1 =	srdreg.scid  }
0x2: {  	s7 =	rddreg [dreg:$0x0];
	s2 =	sshll.u32 s0, $0x2;
	s1 =	sshll.u32 s1, $0x6  }
0x3: {  	s3 =	rddreg [dreg:$0x1];
	s1 =	sor.u32 s2, s1  }
0x4: {  	s5 =	simm.s32 $0x1;
	s8 =	simm.s32 $0x2;
	s2 =	sand.u32 $0x70, s1  }
0x5: {  	s14 =	simm.s32 $0x0;
	s10 =	simm.s32 $0x4000;
	s4 =	ssub.s32 $0x80, s2  }
0x6: {  	s11 =	simm.s32 $0x0;
	s15 =	simm.s32 $0x0;
	s31 =	sand.u32 $0x70, s4  }
0x7: {  	s13 =	simm.s32 $0x0;
	s1 =	rddreg [dreg:$0x2];
	p0 =	sne.s32 s31, $0x0  }
.Ltmp0:
0x8: {  	s4 =	sshrl.u32 s4, $0x7;
	s5 =	simm.s32 @!p0 $0x0;
	(pc) =	sbr.rel .LBB1_1-.Ltmp0, $4  }
0x9: {  	_ =	strace $0x80000047;
	s9 =	sshll.u32 s2, $0x7;
	s6 =	sadd.s32 s5, s4  }
0xa: {  	s7 =	sadd.s32 s7, s9;
	s5 =	simm.s32 $0x1;
	s6 =	smul.u32 $0x64, s6  }
0xb: {  	s9 =	simm.s32 $0x800;
	s4 =	sand.u32 $0x3, s0;
	[sflag:s5] =	ssyncpa.u1 $0x0  }
0xc: {  	s12 =	smov.u32 s4;
	[sflag:s8] =	ssyncpa.u1 $0x0;
	s8 =	sor.u32 $0x1, s6  }
.LBB1_7:
0xd: {  	s16 =	sadd.s32 $0x4, s12  }
0xe: {  	p1 =	sgt.s32 s16, $0x18F  }
0xf: {  	s16 =	smov.u32 @p1 s4;
	p1 =	sne.s32 s13, s8  }
.Ltmp1:
0x10: {  	p0 =	slt.u32 s13, $0x2;
	(pc) =	sbr.rel @!p1 .LBB1_8-.Ltmp1, $4  }
0x11: {  	s14 =	simm.s32 @!p0 $0x2  }
0x12: {  	s17 =	sadd.s32 $0x1, s13;
	s15 =	smov.u32 s12;
	_ =	swait.ge @!p0 [sflag:s14], $0x4000  }
0x13: {  	s11 =	sadd.s32 $0x4000, s11;
	s13 =	smov.u32 s17;
	[sflag:s14] =	ssyncset.done @!p0 $0x0  }
0x14: {  	s12 =	smov.u32 s16;
	[sflag:s14] =	ssyncadd.s32 @!p0 $0xFFFFC000;
	s14 =	smov.u32 s2  }
.LBB1_1:
0x15: {  	p0 =	sge.u32 s13, s6  }
0x16: {  	s16 =	sxor.u32 @!p0 $0xFFFFFFFF, s13  }
0x17: {  	s31 =	sadd.s32 $0xFFFFFFFF, s13;
	s17 =	sshll.u32 @!p0 s12, $0xE;
	s16 =	sshll.u32 @!p0 s16, $0xE  }
0x18: {  	s18 =	simm.s32 @!p0 $0x0;
	s17 =	sadd.s32 @!p0 s17, s7;
	s16 =	sand.u32 @!p0 $0x4000, s16  }
0x19: {  	[tilespmem:s16], [sflag:$0x1] =	stream.linear.gather @!p0 [hbm4b:s17+s18], $0x4000, $0x38;
	[tilespmem:$0x10000] =	vst v63  }
0x1a: {  	p0 =	sge.u32 s31, s6  }
.Ltmp2:
0x1b: {  	_ = 	snop;
	(pc) =	sbr.rel @p0 .LBB1_7-.Ltmp2, $1  }
0x1c: {  	_ =	sdelay $0x3  }
0x1d: {  	s17 =	sand.u32 $0x4000, s11  }
0x1e: {  	_ =	swait.ge [sflag:s5], $0x4000;
	s19 =	sshll.u32 s13, $0xE;
	s16 =	sor.u32 $0x8040, s17  }
0x1f: {  	s18 =	sor.u32 $0x40, s17;
	[sflag:s5] =	ssyncset.done $0x0;
	s31 =	sand.u32 $0x4000, s19  }
0x20: {  	s19 =	simm.s32 $0x0;
	[sflag:s5] =	ssyncadd.s32 $0xFFFFC000;
	s17 =	sor.u32 $0x8000, s31  }
.LBB1_3:
0x21: {  	v0 =	vmov s18;
	_ =	sdelay $0x3  }
0x22: {  	s21 =	simm.s32 $0x0  }
0x23: {  	v6 =	vld.idx.msk [tilespmem:v0+s21+$0x30 ss:$0x1], $0xffff  }
0x24: {  	v7 =	vld.idx.msk [tilespmem:v0+s21+$0xFFFFFFC0 ss:$0x1], $0xffff  }
0x25: {  	v5 =	vld.idx.msk [tilespmem:v0+s21+$0xFFFFFFD0 ss:$0x1], $0xffff  }
0x26: {  	v4 =	vld.idx.msk [tilespmem:v0+s21+$0xFFFFFFE0 ss:$0x1], $0xffff  }
0x27: {  	v3 =	vld.idx.msk [tilespmem:v0+s21+$0xFFFFFFF0 ss:$0x1], $0xffff  }
0x28: {  	v1 =	vld.idx.msk [tilespmem:v0+s21+$0x0 ss:$0x1], $0xffff  }
0x29: {  	v2 =	vld.idx.msk [tilespmem:v0+s21+$0x10 ss:$0x1], $0xffff;
	[tilespmem:s16+$0x30] =	vst v6  }
0x2a: {  	s20 =	simm.s32 $0x80;
	s22 =	simm.s32 $0x400;
	[tilespmem:s16+$0xFFFFFFC0] =	vst v7;
	v6 =	vld.idx.msk [tilespmem:v0+s21+$0x20 ss:$0x1], $0xffff;
	s21 =	smov.u32 s16  }
.LBB1_4:
0x2b: {  	p0 =	sne.s32 s22, $0xE00;
	v7 =	vld.idx.msk [tilespmem:v0+s20+$0x30 ss:$0x1], $0xffff;
	[tilespmem:s21+$0xFFFFFFD0] =	vst v5  }
0x2c: {  	v8 =	vld.idx.msk [tilespmem:v0+s20+$0xFFFFFFC0 ss:$0x1], $0xffff;
	[tilespmem:s21+$0xFFFFFFE0] =	vst v4  }
0x2d: {  	v5 =	vld.idx.msk [tilespmem:v0+s20+$0xFFFFFFD0 ss:$0x1], $0xffff;
	[tilespmem:s21+$0xFFFFFFF0] =	vst v3  }
.Ltmp3:
0x2e: {  	v4 =	vld.idx.msk [tilespmem:v0+s20+$0xFFFFFFE0 ss:$0x1], $0xffff;
	[tilespmem:s21+$0x0] =	vst v1;
	(pc) =	sbr.rel @p0 .LBB1_4-.Ltmp3, $4  }
0x2f: {  	v3 =	vld.idx.msk [tilespmem:v0+s20+$0xFFFFFFF0 ss:$0x1], $0xffff;
	[tilespmem:s21+$0x10] =	vst v2  }
0x30: {  	v1 =	vld.idx.msk [tilespmem:v0+s20+$0x0 ss:$0x1], $0xffff;
	[tilespmem:s21+$0x20] =	vst v6;
	s21 =	sadd.s32 $0x800, s21  }
0x31: {  	v2 =	vld.idx.msk [tilespmem:v0+s20+$0x10 ss:$0x1], $0xffff;
	[tilespmem:s21+$0x30] =	vst v7  }
0x32: {  	[tilespmem:s21+$0xFFFFFFC0] =	vst v8;
	v6 =	vld.idx.msk [tilespmem:v0+s20+$0x20 ss:$0x1], $0xffff;
	s20 =	sshra.s32 s22, $0x2;
	s22 =	sadd.s32 $0x200, s22  }
0x33: {  	_ =	sdelay $0x2  }
0x34: {  	[tilespmem:s21+$0xFFFFFFD0] =	vst v5  }
0x35: {  	v56 =	vld.idx.msk [tilespmem:v0+s20+$0x30 ss:$0x1], $0xffff;
	[tilespmem:s21+$0xFFFFFFE0] =	vst v4  }
0x36: {  	v57 =	vld.idx.msk [tilespmem:v0+s20+$0xFFFFFFC0 ss:$0x1], $0xffff;
	[tilespmem:s21+$0xFFFFFFF0] =	vst v3  }
0x37: {  	v58 =	vld.idx.msk [tilespmem:v0+s20+$0xFFFFFFD0 ss:$0x1], $0xffff;
	[tilespmem:s21+$0x0] =	vst v1  }
0x38: {  	v59 =	vld.idx.msk [tilespmem:v0+s20+$0xFFFFFFE0 ss:$0x1], $0xffff;
	[tilespmem:s21+$0x10] =	vst v2  }
0x39: {  	v60 =	vld.idx.msk [tilespmem:v0+s20+$0xFFFFFFF0 ss:$0x1], $0xffff;
	s31 =	sadd.s32 $0x800, s21;
	[tilespmem:s21+$0x20] =	vst v6  }
0x3a: {  	v61 =	vld.idx.msk [tilespmem:v0+s20+$0x0 ss:$0x1], $0xffff;
	[tilespmem:s31+$0x30] =	vst v56  }
0x3b: {  	v62 =	vld.idx.msk [tilespmem:v0+s20+$0x10 ss:$0x1], $0xffff;
	s19 =	sadd.s32 $0x1, s19;
	[tilespmem:s31+$0xFFFFFFC0] =	vst v57  }
0x3c: {  	v63 =	vld.idx.msk [tilespmem:v0+s20+$0x20 ss:$0x1], $0xffff;
	p0 =	sne.s32 s19, $0x10;
	[tilespmem:s31+$0xFFFFFFD0] =	vst v58  }
.Ltmp4:
0x3d: {  	[tilespmem:s31+$0xFFFFFFE0] =	vst v59;
	(pc) =	sbr.rel @p0 .LBB1_3-.Ltmp4, $4  }
0x3e: {  	[tilespmem:s31+$0xFFFFFFF0] =	vst v60  }
0x3f: {  	[tilespmem:s31+$0x0] =	vst v61  }
0x40: {  	[tilespmem:s31+$0x10] =	vst v62  }
0x41: {  	s16 =	sadd.s32 $0x80, s16;
	s18 =	sadd.s32 $0x400, s18;
	[tilespmem:s31+$0x20] =	vst v63  }
.Ltmp5:
0x42: {  	(pc) =	sbr.rel .LBB1_7-.Ltmp5, $4  }
0x43: {  	s15 =	sshll.u32 s15, $0xE  }
0x44: {  	s14 =	sshll.u32 s14, $0x4;
	s15 =	sadd.s32 s3, s15  }
0x45: {  	s14 =	sadd.s32 s14, s15  }
0x46: {  	[hbm4b:s14+s9] =	stream.strided.scatter [tilespmem:s17], [sflag:$0x2], $0x4000, s10, s9, $0x38;
	[tilespmem:$0x10000] =	vst v63  }
.LBB1_8:
0x47: {  	_ =	sfence.sel $0x180000  }
0x48: {  	s2 =	simm.s32 $0x1;
	[bflag:$0x0] =	sbarrier.arrive $0xFFFF  }
0x49: {  	s31 =	simm.s32 $0x2;
	[sflag:s2] =	ssyncpa.u1 $0x1  }
0x4a: {  	[sflag:s31] =	ssyncpa.u1 $0x1  }
0x4b: {  	p0 =	sne.s32 s0, $0x0;
	_ =	strace $0x90000047  }
0x4c: {  	s0 =	sadd.s32 @!p0 $0x100000, s1;
	[bflag:$0x2] =	sbarrier.arrive $0xFFFF  }
0x4d: {  	[sflag:s0] =	ssyncadd.tile.s32 @!p0 $0x1;
	_ =	shalt  }
.Lfunc_end1:
_tile_overlayer_lowered:
.L_overlay_start_2:
0x4e: {  	(tag) =	ssettag $0x2  }
0x4f: {  	s0 =	rddreg [dreg:$0x0];
	s2 =	stileid.u32  }
0x50: {  	s1 =	rddreg [dreg:$0x1];
	p0 =	sne.s32 s2, $0x0  }
0x51: {  	s3 =	rddreg [dreg:$0x2];
	[bflag:$0x3] =	sbarrier.arrive $0xFFFF;
	s2 =	simm.s32 @!p0 $0x1C01  }
0x52: {  	[timem:s3], [sflag:s2] =	dma.local @!p0 [hbm:s0], s1  }
0x53: {  	s0 =	simm.s32 @!p0 $0x1  }
0x54: {  	_ =	swait.ge @!p0 [sflag:s0], s1  }
0x55: {  	s1 =	ssub.s32 @!p0 $0x0, s1;
	[sflag:s0] =	ssyncset.done @!p0 $0x0  }
0x56: {  	[sflag:s0] =	ssyncadd.s32 @!p0 s1  }
0x57: {  	[bflag:$0x3] =	sbarrier.arrive $0xFFFF  }
0x58: {  	_ =	shalt  }

</sc_bundles>
